<compile_context>
chip_gen: v7x
topology: tpu7x:2x2x1
jax: 0.10.2.dev20260603
libtpu: 0.0.44.dev20260713+nightly
codegen_flags: <defaults>
</compile_context>

<pallas_src>
import functools

import jax
import jax.numpy as jnp
from jax import lax
from jax.experimental import pallas as pl
from jax.experimental.pallas import tpu as pltpu
from jax.experimental.pallas import tpu_sc as plsc

B = 2
ROWS = 4096
LANES = 128
P = ROWS * LANES
CHR = 512
NCH = ROWS // CHR

K = 2048
NSLOT = 8
NBC = 2 * K
KROWS = K // LANES

SC_NC = 2
SC_NS = 16
SC_L = 16
NW = SC_NC * SC_NS
N_ELEM = 4 * P
SPAN = N_ELEM // NW
SC_CH = 16384
SC_NCHUNK = SPAN // SC_CH
NB = 4 * NBC
STRIPE = NB // SC_NS

FMAX = 3.4028235e38
NSTAT = 14


def _xyz(ch):
    ri = lax.broadcasted_iota(jnp.int32, (CHR, LANES), 0) + ch * CHR
    li = lax.broadcasted_iota(jnp.int32, (CHR, LANES), 1)
    z = ri // 128
    y = ri - z * 128
    xm = li.astype(jnp.float32) * (1.0 / 127.0)
    ym = y.astype(jnp.float32) * (1.0 / 127.0)
    zm = z.astype(jnp.float32) * (1.0 / 31.0)
    return xm, ym, zm


def _p1_body(sig_ref, gt_ref, ce_ref, out_ref, acc):
    ch = pl.program_id(0)

    @pl.when(ch == 0)
    def _init():
        for j in range(64):
            acc[j] = 0.0

    xm, ym, zm = _xyz(ch)
    gt = gt_ref[0]
    ce_f = (ce_ref[0] != 0).astype(jnp.float32)
    sx = sig_ref[0, 0]
    sy = sig_ref[0, 1]
    sz = sig_ref[0, 2]
    for i in range(4):
        mf = (gt == i + 1).astype(jnp.float32)
        cm = mf * ce_f
        o = i * NSTAT
        acc[o + 0] = acc[o + 0] + jnp.sum(mf)
        acc[o + 1] = acc[o + 1] + jnp.sum(cm)
        acc[o + 2] = acc[o + 2] + jnp.sum(xm * cm)
        acc[o + 3] = acc[o + 3] + jnp.sum(ym * cm)
        acc[o + 4] = acc[o + 4] + jnp.sum(zm * cm)
        acc[o + 5] = acc[o + 5] + jnp.sum(xm * mf)
        acc[o + 6] = acc[o + 6] + jnp.sum(ym * mf)
        acc[o + 7] = acc[o + 7] + jnp.sum(zm * mf)
        acc[o + 8] = acc[o + 8] + jnp.sum(sx * mf)
        acc[o + 9] = acc[o + 9] + jnp.sum(sy * mf)
        acc[o + 10] = acc[o + 10] + jnp.sum(sz * mf)
        acc[o + 11] = acc[o + 11] + jnp.sum(sx * sx * mf)
        acc[o + 12] = acc[o + 12] + jnp.sum(sy * sy * mf)
        acc[o + 13] = acc[o + 13] + jnp.sum(sz * sz * mf)

    @pl.when(ch == NCH - 1)
    def _flush():
        for j in range(64):
            out_ref[0, j] = acc[j]


def _pass1(pred, gt, ce, b):
    return pl.pallas_call(
        _p1_body,
        grid=(NCH,),
        in_specs=[
            pl.BlockSpec((1, 3, CHR, LANES), lambda ch: (b, 1, ch, 0)),
            pl.BlockSpec((1, CHR, LANES), lambda ch: (b, ch, 0)),
            pl.BlockSpec((1, CHR, LANES), lambda ch: (b, ch, 0)),
        ],
        out_specs=pl.BlockSpec((1, 64), lambda ch: (0, 0),
                               memory_space=pltpu.SMEM),
        out_shape=jax.ShapeDtypeStruct((1, 64), jnp.float32),
        scratch_shapes=[pltpu.SMEM((64,), jnp.float32)],
    )(pred, gt, ce)


def _p2_body(emb_ref, seed_ref, gt_ref, cl_ref, stats_ref, bin_ref, sfg_ref,
             acc):
    ch = pl.program_id(0)

    @pl.when(ch == 0)
    def _init():
        for j in range(8):
            acc[j] = 0.0

    xm, ym, zm = _xyz(ch)
    ex = jnp.tanh(emb_ref[0, 0]) + xm
    ey = jnp.tanh(emb_ref[0, 1]) + ym
    ez = jnp.tanh(emb_ref[0, 2]) + zm
    seed = jax.nn.sigmoid(seed_ref[0, 0])
    gt = gt_ref[0]
    cl_f = (cl_ref[0] != 0).astype(jnp.float32)
    acc[4] = acc[4] + jnp.sum(seed * seed * (1.0 - cl_f))
    kf = jnp.float32(K)
    for i in range(4):
        o = i * NSTAT
        cnt = stats_ref[0, o + 0]
        ccnt = stats_ref[0, o + 1]
        safe = jnp.maximum(cnt, 1.0)
        one_c = ccnt == 1.0
        cx = jnp.where(one_c, stats_ref[0, o + 2], stats_ref[0, o + 5] / safe)
        cy = jnp.where(one_c, stats_ref[0, o + 3], stats_ref[0, o + 6] / safe)
        cz = jnp.where(one_c, stats_ref[0, o + 4], stats_ref[0, o + 7] / safe)
        s4x = jnp.minimum(jnp.exp(10.0 * stats_ref[0, o + 8] / safe), FMAX)
        s4y = jnp.minimum(jnp.exp(10.0 * stats_ref[0, o + 9] / safe), FMAX)
        s4z = jnp.minimum(jnp.exp(10.0 * stats_ref[0, o + 10] / safe), FMAX)
        q = ((ex - cx) * (ex - cx) * s4x + (ey - cy) * (ey - cy) * s4y
             + (ez - cz) * (ez - cz) * s4z)
        d = jnp.exp(-q)
        mi = gt == i + 1
        mf = mi.astype(jnp.float32)
        dv = seed - d
        acc[i] = acc[i] + jnp.sum(dv * dv * mf)
        binf = jnp.where(mi, kf - kf * d, kf * d)
        binn = jnp.clip(jnp.floor(binf).astype(jnp.int32), 0, K - 1)
        slotbase = (i * 2) * K
        bin_ref[i] = binn + jnp.where(mi, slotbase + K, slotbase)

    @pl.when(ch == NCH - 1)
    def _flush():
        for j in range(8):
            sfg_ref[0, j] = acc[j]


def _pass2(pred, gt, cl, stats, b):
    return pl.pallas_call(
        _p2_body,
        grid=(NCH,),
        in_specs=[
            pl.BlockSpec((1, 3, CHR, LANES), lambda ch: (b, 0, ch, 0)),
            pl.BlockSpec((1, 1, CHR, LANES), lambda ch: (b, 6, ch, 0)),
            pl.BlockSpec((1, CHR, LANES), lambda ch: (b, ch, 0)),
            pl.BlockSpec((1, CHR, LANES), lambda ch: (b, ch, 0)),
            pl.BlockSpec((1, 64), lambda ch: (0, 0),
                         memory_space=pltpu.SMEM),
        ],
        out_specs=[
            pl.BlockSpec((4, CHR, LANES), lambda ch: (0, ch, 0)),
            pl.BlockSpec((1, 8), lambda ch: (0, 0),
                         memory_space=pltpu.SMEM),
        ],
        out_shape=[
            jax.ShapeDtypeStruct((4, ROWS, LANES), jnp.int32),
            jax.ShapeDtypeStruct((1, 8), jnp.float32),
        ],
        scratch_shapes=[pltpu.SMEM((8,), jnp.float32)],
    )(pred, pred, gt, cl, stats)


def _sc_hist_body(off, idx_hbm, zeros_hbm, ones_hbm, out_hbm,
                  hist_sh, idxv0, idxv1, onesv, stagev, sem0, sem1):
    c = lax.axis_index("c")
    s = lax.axis_index("s")
    wid = s * SC_NC + c
    pltpu.sync_copy(zeros_hbm, stagev)
    pltpu.sync_copy(stagev, hist_sh.at[pl.ds(s * STRIPE, STRIPE)])
    pltpu.sync_copy(ones_hbm, onesv)
    plsc.subcore_barrier()
    base = off + wid * SPAN
    bufs = (idxv0, idxv1)
    sems = (sem0, sem1)
    cps = [None, None]
    cps[0] = pltpu.async_copy(idx_hbm.at[pl.ds(base, SC_CH)], idxv0, sem0)
    for j in range(SC_NCHUNK):
        nxt = (j + 1) % 2
        if j + 1 < SC_NCHUNK:
            cps[nxt] = pltpu.async_copy(
                idx_hbm.at[pl.ds(base + (j + 1) * SC_CH, SC_CH)],
                bufs[nxt], sems[nxt])
        cps[j % 2].wait()
        pltpu.sync_copy(onesv, hist_sh.at[bufs[j % 2]], add=True)
    plsc.subcore_barrier()
    pltpu.sync_copy(hist_sh.at[pl.ds(s * STRIPE, STRIPE)], stagev)
    pltpu.sync_copy(stagev, out_hbm.at[c, pl.ds(s * STRIPE, STRIPE)])


def _sc_histogram(idx_flat, zeros, ones, off):
    mesh = plsc.VectorSubcoreMesh(core_axis_name="c", subcore_axis_name="s")
    kern = functools.partial(
        pl.kernel,
        mesh=mesh,
        compiler_params=pltpu.CompilerParams(needs_layout_passes=False),
        out_type=jax.ShapeDtypeStruct((SC_NC, NB), jnp.float32),
        scratch_types=[
            pltpu.VMEM_SHARED((NB,), jnp.float32),
            pltpu.VMEM((SC_CH,), jnp.int32),
            pltpu.VMEM((SC_CH,), jnp.int32),
            pltpu.VMEM((SC_CH,), jnp.float32),
            pltpu.VMEM((STRIPE,), jnp.float32),
            pltpu.SemaphoreType.DMA,
            pltpu.SemaphoreType.DMA,
        ],
    )(functools.partial(_sc_hist_body, off))
    return kern(idx_flat, zeros, ones)


def _fin_body(hist0_ref, hist1_ref, stats0_ref, stats1_ref, sfg0_ref,
              sfg1_ref, out_ref):
    ki = lax.broadcasted_iota(jnp.int32, (LANES, LANES), 0)
    ci = lax.broadcasted_iota(jnp.int32, (LANES, LANES), 1)
    t_suf = (ki >= ci).astype(jnp.float32)
    kr = lax.broadcasted_iota(jnp.int32, (KROWS, KROWS), 0)
    cr = lax.broadcasted_iota(jnp.int32, (KROWS, KROWS), 1)
    a_suf = (cr > kr).astype(jnp.float32)
    wbin = jnp.float32(2.0 / K)
    total = jnp.float32(0.0)
    for b in range(B):
        hr = hist0_ref if b == 0 else hist1_ref
        hist = hr[0] + hr[1]
        sfgr = sfg0_ref if b == 0 else sfg1_ref
        str_ = stats0_ref if b == 0 else stats1_ref
        inst = jnp.float32(0.0)
        var = jnp.float32(0.0)
        seedl = sfgr[0, 4]
        obj = jnp.float32(0.0)
        for i in range(4):
            r0 = i * 2 * KROWS
            n0 = hist[r0:r0 + KROWS, :]
            n1 = hist[r0 + KROWS:r0 + 2 * KROWS, :]
            tot = n0 + n1
            wc = jnp.dot(tot, t_suf, preferred_element_type=jnp.float32)
            wg = jnp.dot(n1, t_suf, preferred_element_type=jnp.float32)
            rc = jnp.dot(a_suf, wc[:, 0:1], preferred_element_type=jnp.float32)
            rg = jnp.dot(a_suf, wg[:, 0:1], preferred_element_type=jnp.float32)
            sc_ = wc + rc
            sg = wg + rg
            o = i * NSTAT
            cnt = str_[0, o + 0]
            present = (cnt > 0.0).astype(jnp.float32)
            safe = jnp.maximum(cnt, 1.0)
            g_tot = cnt
            h = (g_tot - sg) / jnp.maximum(g_tot + sc_ - sg, 1.0)
            h_k = g_tot / jnp.maximum(g_tot, 1.0)
            hsum = jnp.sum(h) + h_k
            s_lov = 2.0 - wbin * (hsum - 0.5 * h_k)
            inst = inst + present * s_lov
            vs = jnp.float32(0.0)
            for k in range(3):
                ssum = str_[0, o + 8 + k]
                s2sum = str_[0, o + 11 + k]
                sm = ssum / safe
                vs = vs + (s2sum - 2.0 * sm * ssum + sm * sm * cnt)
            var = var + present * vs / (3.0 * safe)
            seedl = seedl + present * 10.0 * sfgr[0, i]
            obj = obj + present
        so = jnp.maximum(obj, 1.0)
        total = total + inst / so + 10.0 * var / so + seedl / jnp.float32(P)
    out_ref[0] = total * jnp.float32(1.0 / B)


def _finalize(hist0, hist1, stats0, stats1, sfg0, sfg1):
    return pl.pallas_call(
        _fin_body,
        grid=(1,),
        in_specs=[
            pl.BlockSpec((SC_NC, NB // LANES, LANES), lambda _: (0, 0, 0)),
            pl.BlockSpec((SC_NC, NB // LANES, LANES), lambda _: (0, 0, 0)),
            pl.BlockSpec((1, 64), lambda _: (0, 0), memory_space=pltpu.SMEM),
            pl.BlockSpec((1, 64), lambda _: (0, 0), memory_space=pltpu.SMEM),
            pl.BlockSpec((1, 8), lambda _: (0, 0), memory_space=pltpu.SMEM),
            pl.BlockSpec((1, 8), lambda _: (0, 0), memory_space=pltpu.SMEM),
        ],
        out_specs=pl.BlockSpec((1,), lambda _: (0,), memory_space=pltpu.SMEM),
        out_shape=jax.ShapeDtypeStruct((1,), jnp.float32),
    )(hist0, hist1, stats0, stats1, sfg0, sfg1)


def kernel(prediction, GT, CL, CE):
    pred = prediction.reshape(B, 7, ROWS, LANES)
    gt = GT.reshape(B, ROWS, LANES).astype(jnp.int32)
    cl = CL.reshape(B, ROWS, LANES).astype(jnp.int32)
    ce = CE.reshape(B, ROWS, LANES).astype(jnp.int32)

    zeros = jnp.zeros((STRIPE,), jnp.float32)
    ones = jnp.ones((SC_CH,), jnp.float32)
    stats0 = _pass1(pred, gt, ce, 0)
    binidx0, sfg0 = _pass2(pred, gt, cl, stats0, 0)
    hist0 = _sc_histogram(binidx0.reshape(N_ELEM), zeros, ones, 0)
    stats1 = _pass1(pred, gt, ce, 1)
    binidx1, sfg1 = _pass2(pred, gt, cl, stats1, 1)
    hist1 = _sc_histogram(binidx1.reshape(N_ELEM), zeros, ones, 0)
    out = _finalize(hist0.reshape(SC_NC, NB // LANES, LANES),
                    hist1.reshape(SC_NC, NB // LANES, LANES),
                    stats0, stats1, sfg0, sfg1)
    return out[0]

# --- scband reference (transcript-rebuilt; emitter-appended) ---
"""Pipeline reference for scband-spatial-emb-loss-3d-59725815218268 (READ-ONLY COPY).

The authoritative reference and input builder live on the scoring server;
editing this copy changes nothing except your own understanding.
"""

import jax, jax.numpy as jnp
import numpy as np

N_SIGMA = 3
FG_W = 10.0
W_INST, W_VAR, W_SEED = 1.0, 10.0, 1.0
GRID_Z, GRID_Y, GRID_X = 32, 128, 128


def _xyzm(D, H, W):
    xm = jnp.broadcast_to(jnp.linspace(0.0, 1.0, GRID_X).reshape(1, 1, 1, -1), (1, GRID_Z, GRID_Y, GRID_X))
    ym = jnp.broadcast_to(jnp.linspace(0.0, 1.0, GRID_Y).reshape(1, 1, -1, 1), (1, GRID_Z, GRID_Y, GRID_X))
    zm = jnp.broadcast_to(jnp.linspace(0.0, 1.0, GRID_Z).reshape(1, -1, 1, 1), (1, GRID_Z, GRID_Y, GRID_X))
    return jnp.concatenate([xm, ym, zm], 0)[:, :D, :H, :W]


def _lovasz_hinge_flat(logits, labels_f):
    signs = 2.0 * labels_f - 1.0
    errors = 1.0 - logits * signs
    perm = jnp.argsort(-errors)
    errors_sorted = errors[perm]
    gt_sorted = labels_f[perm]
    gts = gt_sorted.sum()
    intersection = gts - jnp.cumsum(gt_sorted)
    union = gts + jnp.cumsum(1.0 - gt_sorted)
    jaccard = 1.0 - intersection / union
    jaccard = jnp.concatenate([jaccard[:1], jaccard[1:] - jaccard[:-1]])
    return jnp.dot(jax.nn.relu(errors_sorted), jaccard)


def _forward(prediction, GT, CL, CE):
    B = prediction.shape[0]
    D, H, W = prediction.shape[2], prediction.shape[3], prediction.shape[4]
    P = D * H * W
    xyzm_s = _xyzm(D, H, W)
    xyzm_flat = xyzm_s.reshape(3, -1)
    total = jnp.float32(0.0)
    for b in range(B):
        spatial_emb = jnp.tanh(prediction[b, 0:3]) + xyzm_s
        sigma = prediction[b, 3:3 + N_SIGma] if False else prediction[b, 3:3 + N_SIGMA]
        sigma_flat = sigma.reshape(N_SIGMA, -1)
        seed_map = jax.nn.sigmoid(prediction[b, 3 + N_SIGMA]).reshape(-1)
        image = GT[b, 0].reshape(-1)
        label = CL[b, 0].reshape(-1).astype(bool)
        center_img = CE[b, 0].reshape(-1).astype(bool)
        var_loss = jnp.float32(0.0)
        inst_loss = jnp.float32(0.0)
        seed_loss = jnp.float32(0.0)
        obj = jnp.float32(0.0)
        bmask = (~label).astype(jnp.float32)
        seed_loss = seed_loss + jnp.sum(jnp.square(seed_map) * bmask)
        for iid in range(1, 5):
            mflat = image == iid
            mf = mflat.astype(jnp.float32)
            cnt = jnp.sum(mf)
            present = (cnt > 0).astype(jnp.float32)
            safe_cnt = jnp.maximum(cnt, 1.0)
            cmask = (mflat & center_img).astype(jnp.float32)
            ccnt = jnp.sum(cmask)
            center_c = jnp.sum(xyzm_flat * cmask, axis=1).reshape(3, 1, 1, 1)
            center_m = (jnp.sum(xyzm_flat * mf, axis=1) / safe_cnt).reshape(3, 1, 1, 1)
            center = jnp.where(ccnt == 1.0, center_c, center_m)
            s = (jnp.sum(sigma_flat * mf, axis=1) / safe_cnt).reshape(N_SIGMA, 1)
            var_term = jnp.sum(jnp.square(sigma_flat - jax.lax.stop_gradient(s)) * mf) / (N_SIGMA * safe_cnt)
            var_loss = var_loss + present * var_term
            s4 = jnp.nan_to_num(jnp.exp(s.reshape(N_SIGMA, 1, 1, 1) * 10.0))
            dist = jnp.exp(-1.0 * jnp.sum(jnp.square(spatial_emb - center) * s4, axis=0))
            logits = (dist * 2.0 - 1.0).reshape(-1)
            labels_f = mf
            inst_loss = inst_loss + present * _lovasz_hinge_flat(logits, labels_f)
            dist_flat = dist.reshape(-1)
            seed_loss = seed_loss + present * (FG_W * jnp.sum(jnp.square(seed_map - jax.lax.stop_gradient(dist_flat)) * mf))
            obj = obj + present
        safe_obj = jnp.maximum(obj, 1.0)
        inst_loss = inst_loss / safe_obj
        var_loss = var_loss / safe_obj
        seed_loss = seed_loss / float(P)
        total = total + W_INST * inst_loss + W_VAR * var_loss + W_SEED * seed_loss
    return total / float(B) + prediction.sum() * 0.0


def setup_inputs(seed: int = 0) -> dict:
    key = jax.random.key(seed)
    k1, k2, k3, k4 = jax.random.split(key, 4)
    prediction = jax.random.normal(k1, (2, 7, 32, 128, 128), dtype=jnp.float32)
    GT = jax.random.randint(k2, (2, 1, 32, 128, 128), 0, 5)
    CL = jax.random.randint(k3, (2, 1, 32, 128, 128), 0, 2)
    CE = jax.random.randint(k4, (2, 1, 32, 128, 128), 0, 2)
    return {"prediction": prediction, "GT": GT, "CL": CL, "CE": CE}


def reference(prediction, GT, CL, CE):
    return _forward(prediction, GT, CL, CE)

if __name__ == "__main__":
    import jax
    _d = setup_inputs()
    print(jax.jit(kernel)(*tuple(_d.values())))

</pallas_src>

<mosaic_0001>
#map = affine_map<(d0, d1) -> (0)>
#map1 = affine_map<(d0, d1) -> (0, 0)>
module attributes {stable_mosaic.version = 14 : i64} {
  func.func @_sc_hist_body(%arg0: i32, %arg1: i32, %arg2: memref<2097152xi32, #tpu.memory_space<hbm>>, %arg3: memref<1024xf32, #tpu.memory_space<hbm>>, %arg4: memref<16384xf32, #tpu.memory_space<hbm>>, %arg5: memref<2x16384xf32, #tpu.memory_space<hbm>>, %arg6: memref<16384xf32, #tpu.memory_space<vmem_shared>>, %arg7: memref<16384xi32, #tpu.memory_space<vmem>>, %arg8: memref<16384xi32, #tpu.memory_space<vmem>>, %arg9: memref<16384xf32, #tpu.memory_space<vmem>>, %arg10: memref<1024xf32, #tpu.memory_space<vmem>>, %arg11: memref<!tpu.dma_semaphore, #tpu.memory_space<semaphore_mem>>, %arg12: memref<!tpu.dma_semaphore, #tpu.memory_space<semaphore_mem>>) attributes {dimension_semantics = [#tpu.dimension_semantics<core_parallel>, #tpu.dimension_semantics<subcore_parallel>], iteration_bounds = array<i64: 2, 16>, scalar_prefetch = 0 : i64, scratch_operands = 7 : i64, tpu.core_type = #tpu.core_type<sc_vector_subcore>, window_params = [{transform_indices = #map}, {transform_indices = #map}, {transform_indices = #map}, {transform_indices = #map1}]} {
    %mul3A = arith.constant 2 : i32
    %mul3A_0 = arith.muli %arg1, %mul3A : i32
    %add3A = arith.addi %mul3A_0, %arg0 : i32
    "tpu.region"() ({
      %run_scoped3A = tpu.sem_alloc : memref<!tpu.dma_semaphore, #tpu.memory_space<semaphore_mem>>
      tpu.enqueue_dma source(%arg3 : memref<1024xf32, #tpu.memory_space<hbm>>) target(%arg10 : memref<1024xf32, #tpu.memory_space<vmem>>) target_semaphore(%run_scoped3A : memref<!tpu.dma_semaphore, #tpu.memory_space<semaphore_mem>>)
      tpu.wait_dma2 semaphore(%run_scoped3A : memref<!tpu.dma_semaphore, #tpu.memory_space<semaphore_mem>>) src(%arg3 : memref<1024xf32, #tpu.memory_space<hbm>>) dst(%arg10 : memref<1024xf32, #tpu.memory_space<vmem>>)
      tpu.yield
    }) : () -> ()
    %mul3A_1 = arith.constant 1024 : i32
    %mul3A_2 = arith.muli %arg1, %mul3A_1 : i32
    "tpu.region"() ({
      %run_scoped3A = tpu.sem_alloc : memref<!tpu.dma_semaphore, #tpu.memory_space<semaphore_mem>>
      %dma_start3A_32 = tpu.memref_slice %arg6[%mul3A_2] : memref<16384xf32, #tpu.memory_space<vmem_shared>> -> memref<1024xf32, #tpu.memory_space<vmem_shared>>
      %dma_start3A_33 = tpu.memref_slice %arg6[%mul3A_2] : memref<16384xf32, #tpu.memory_space<vmem_shared>> -> memref<1024xf32, #tpu.memory_space<vmem_shared>>
      tpu.enqueue_dma source(%arg10 : memref<1024xf32, #tpu.memory_space<vmem>>) target(%dma_start3A_33 : memref<1024xf32, #tpu.memory_space<vmem_shared>>) target_semaphore(%run_scoped3A : memref<!tpu.dma_semaphore, #tpu.memory_space<semaphore_mem>>)
      %dma_wait3A_34 = tpu.memref_slice %arg6[%mul3A_2] : memref<16384xf32, #tpu.memory_space<vmem_shared>> -> memref<1024xf32, #tpu.memory_space<vmem_shared>>
      %dma_wait3A_35 = tpu.memref_slice %arg6[%mul3A_2] : memref<16384xf32, #tpu.memory_space<vmem_shared>> -> memref<1024xf32, #tpu.memory_space<vmem_shared>>
      tpu.wait_dma2 semaphore(%run_scoped3A : memref<!tpu.dma_semaphore, #tpu.memory_space<semaphore_mem>>) src(%arg10 : memref<1024xf32, #tpu.memory_space<vmem>>) dst(%dma_wait3A_35 : memref<1024xf32, #tpu.memory_space<vmem_shared>>)
      tpu.yield
    }) : () -> ()
    "tpu.region"() ({
      %run_scoped3A = tpu.sem_alloc : memref<!tpu.dma_semaphore, #tpu.memory_space<semaphore_mem>>
      tpu.enqueue_dma source(%arg4 : memref<16384xf32, #tpu.memory_space<hbm>>) target(%arg9 : memref<16384xf32, #tpu.memory_space<vmem>>) target_semaphore(%run_scoped3A : memref<!tpu.dma_semaphore, #tpu.memory_space<semaphore_mem>>)
      tpu.wait_dma2 semaphore(%run_scoped3A : memref<!tpu.dma_semaphore, #tpu.memory_space<semaphore_mem>>) src(%arg4 : memref<16384xf32, #tpu.memory_space<hbm>>) dst(%arg9 : memref<16384xf32, #tpu.memory_space<vmem>>)
      tpu.yield
    }) : () -> ()
    %barrier3A = arith.constant 0 : index
    tpu.barrier barrier_id(%barrier3A)
    %mul3A_3 = arith.constant 65536 : i32
    %mul3A_4 = arith.muli %add3A, %mul3A_3 : i32
    %add3A_5 = arith.constant 0 : i32
    %add3A_6 = arith.addi %add3A_5, %mul3A_4 : i32
    %dma_start3A = tpu.memref_slice %arg2[%add3A_6] : memref<2097152xi32, #tpu.memory_space<hbm>> -> memref<16384xi32, #tpu.memory_space<hbm>>
    %dma_start3A_7 = tpu.memref_slice %arg2[%add3A_6] : memref<2097152xi32, #tpu.memory_space<hbm>> -> memref<16384xi32, #tpu.memory_space<hbm>>
    tpu.enqueue_dma source(%dma_start3A_7 : memref<16384xi32, #tpu.memory_space<hbm>>) target(%arg7 : memref<16384xi32, #tpu.memory_space<vmem>>) target_semaphore(%arg11 : memref<!tpu.dma_semaphore, #tpu.memory_space<semaphore_mem>>)
    %add3A_8 = arith.constant 16384 : i32
    %add3A_9 = arith.addi %add3A_6, %add3A_8 : i32
    %dma_start3A_10 = tpu.memref_slice %arg2[%add3A_9] : memref<2097152xi32, #tpu.memory_space<hbm>> -> memref<16384xi32, #tpu.memory_space<hbm>>
    %dma_start3A_11 = tpu.memref_slice %arg2[%add3A_9] : memref<2097152xi32, #tpu.memory_space<hbm>> -> memref<16384xi32, #tpu.memory_space<hbm>>
    tpu.enqueue_dma source(%dma_start3A_11 : memref<16384xi32, #tpu.memory_space<hbm>>) target(%arg8 : memref<16384xi32, #tpu.memory_space<vmem>>) target_semaphore(%arg12 : memref<!tpu.dma_semaphore, #tpu.memory_space<semaphore_mem>>)
    %dma_wait3A = tpu.memref_slice %arg2[%add3A_6] : memref<2097152xi32, #tpu.memory_space<hbm>> -> memref<16384xi32, #tpu.memory_space<hbm>>
    %dma_wait3A_12 = tpu.memref_slice %arg2[%add3A_6] : memref<2097152xi32, #tpu.memory_space<hbm>> -> memref<16384xi32, #tpu.memory_space<hbm>>
    tpu.wait_dma2 semaphore(%arg11 : memref<!tpu.dma_semaphore, #tpu.memory_space<semaphore_mem>>) src(%dma_wait3A_12 : memref<16384xi32, #tpu.memory_space<hbm>>) dst(%arg7 : memref<16384xi32, #tpu.memory_space<vmem>>)
    "tpu.region"() ({
      %run_scoped3A = tpu.sem_alloc : memref<!tpu.dma_semaphore, #tpu.memory_space<semaphore_mem>>
      %dma_start3A_32 = arith.constant 0 : i32
      %dma_start3A_33 = tpu.memref_slice %arg6[%dma_start3A_32] : memref<16384xf32, #tpu.memory_space<vmem_shared>> -> memref<16384xf32, #tpu.memory_space<vmem_shared>>
      tpu.enqueue_indirect_dma source(%arg9 : memref<16384xf32, #tpu.memory_space<vmem>>) target(%dma_start3A_33 : memref<16384xf32, #tpu.memory_space<vmem_shared>>) offsets(%arg7 : memref<16384xi32, #tpu.memory_space<vmem>>) semaphore(%run_scoped3A : memref<!tpu.dma_semaphore, #tpu.memory_space<semaphore_mem>>) {add = true}
      %dma_wait3A_34 = arith.constant 0 : i32
      %dma_wait3A_35 = tpu.memref_slice %arg6[%dma_wait3A_34] : memref<16384xf32, #tpu.memory_space<vmem_shared>> -> memref<16384xf32, #tpu.memory_space<vmem_shared>>
      tpu.wait_indirect_dma semaphore(%run_scoped3A : memref<!tpu.dma_semaphore, #tpu.memory_space<semaphore_mem>>) src(%arg9 : memref<16384xf32, #tpu.memory_space<vmem>>) dst(%dma_wait3A_35 : memref<16384xf32, #tpu.memory_space<vmem_shared>>)
      tpu.yield
    }) : () -> ()
    %add3A_13 = arith.constant 32768 : i32
    %add3A_14 = arith.addi %add3A_6, %add3A_13 : i32
    %dma_start3A_15 = tpu.memref_slice %arg2[%add3A_14] : memref<2097152xi32, #tpu.memory_space<hbm>> -> memref<16384xi32, #tpu.memory_space<hbm>>
    %dma_start3A_16 = tpu.memref_slice %arg2[%add3A_14] : memref<2097152xi32, #tpu.memory_space<hbm>> -> memref<16384xi32, #tpu.memory_space<hbm>>
    tpu.enqueue_dma source(%dma_start3A_16 : memref<16384xi32, #tpu.memory_space<hbm>>) target(%arg7 : memref<16384xi32, #tpu.memory_space<vmem>>) target_semaphore(%arg11 : memref<!tpu.dma_semaphore, #tpu.memory_space<semaphore_mem>>)
    %dma_wait3A_17 = tpu.memref_slice %arg2[%add3A_9] : memref<2097152xi32, #tpu.memory_space<hbm>> -> memref<16384xi32, #tpu.memory_space<hbm>>
    %dma_wait3A_18 = tpu.memref_slice %arg2[%add3A_9] : memref<2097152xi32, #tpu.memory_space<hbm>> -> memref<16384xi32, #tpu.memory_space<hbm>>
    tpu.wait_dma2 semaphore(%arg12 : memref<!tpu.dma_semaphore, #tpu.memory_space<semaphore_mem>>) src(%dma_wait3A_18 : memref<16384xi32, #tpu.memory_space<hbm>>) dst(%arg8 : memref<16384xi32, #tpu.memory_space<vmem>>)
    "tpu.region"() ({
      %run_scoped3A = tpu.sem_alloc : memref<!tpu.dma_semaphore, #tpu.memory_space<semaphore_mem>>
      %dma_start3A_32 = arith.constant 0 : i32
      %dma_start3A_33 = tpu.memref_slice %arg6[%dma_start3A_32] : memref<16384xf32, #tpu.memory_space<vmem_shared>> -> memref<16384xf32, #tpu.memory_space<vmem_shared>>
      tpu.enqueue_indirect_dma source(%arg9 : memref<16384xf32, #tpu.memory_space<vmem>>) target(%dma_start3A_33 : memref<16384xf32, #tpu.memory_space<vmem_shared>>) offsets(%arg8 : memref<16384xi32, #tpu.memory_space<vmem>>) semaphore(%run_scoped3A : memref<!tpu.dma_semaphore, #tpu.memory_space<semaphore_mem>>) {add = true}
      %dma_wait3A_34 = arith.constant 0 : i32
      %dma_wait3A_35 = tpu.memref_slice %arg6[%dma_wait3A_34] : memref<16384xf32, #tpu.memory_space<vmem_shared>> -> memref<16384xf32, #tpu.memory_space<vmem_shared>>
      tpu.wait_indirect_dma semaphore(%run_scoped3A : memref<!tpu.dma_semaphore, #tpu.memory_space<semaphore_mem>>) src(%arg9 : memref<16384xf32, #tpu.memory_space<vmem>>) dst(%dma_wait3A_35 : memref<16384xf32, #tpu.memory_space<vmem_shared>>)
      tpu.yield
    }) : () -> ()
    %add3A_19 = arith.constant 49152 : i32
    %add3A_20 = arith.addi %add3A_6, %add3A_19 : i32
    %dma_start3A_21 = tpu.memref_slice %arg2[%add3A_20] : memref<2097152xi32, #tpu.memory_space<hbm>> -> memref<16384xi32, #tpu.memory_space<hbm>>
    %dma_start3A_22 = tpu.memref_slice %arg2[%add3A_20] : memref<2097152xi32, #tpu.memory_space<hbm>> -> memref<16384xi32, #tpu.memory_space<hbm>>
    tpu.enqueue_dma source(%dma_start3A_22 : memref<16384xi32, #tpu.memory_space<hbm>>) target(%arg8 : memref<16384xi32, #tpu.memory_space<vmem>>) target_semaphore(%arg12 : memref<!tpu.dma_semaphore, #tpu.memory_space<semaphore_mem>>)
    %dma_wait3A_23 = tpu.memref_slice %arg2[%add3A_14] : memref<2097152xi32, #tpu.memory_space<hbm>> -> memref<16384xi32, #tpu.memory_space<hbm>>
    %dma_wait3A_24 = tpu.memref_slice %arg2[%add3A_14] : memref<2097152xi32, #tpu.memory_space<hbm>> -> memref<16384xi32, #tpu.memory_space<hbm>>
    tpu.wait_dma2 semaphore(%arg11 : memref<!tpu.dma_semaphore, #tpu.memory_space<semaphore_mem>>) src(%dma_wait3A_24 : memref<16384xi32, #tpu.memory_space<hbm>>) dst(%arg7 : memref<16384xi32, #tpu.memory_space<vmem>>)
    "tpu.region"() ({
      %run_scoped3A = tpu.sem_alloc : memref<!tpu.dma_semaphore, #tpu.memory_space<semaphore_mem>>
      %dma_start3A_32 = arith.constant 0 : i32
      %dma_start3A_33 = tpu.memref_slice %arg6[%dma_start3A_32] : memref<16384xf32, #tpu.memory_space<vmem_shared>> -> memref<16384xf32, #tpu.memory_space<vmem_shared>>
      tpu.enqueue_indirect_dma source(%arg9 : memref<16384xf32, #tpu.memory_space<vmem>>) target(%dma_start3A_33 : memref<16384xf32, #tpu.memory_space<vmem_shared>>) offsets(%arg7 : memref<16384xi32, #tpu.memory_space<vmem>>) semaphore(%run_scoped3A : memref<!tpu.dma_semaphore, #tpu.memory_space<semaphore_mem>>) {add = true}
      %dma_wait3A_34 = arith.constant 0 : i32
      %dma_wait3A_35 = tpu.memref_slice %arg6[%dma_wait3A_34] : memref<16384xf32, #tpu.memory_space<vmem_shared>> -> memref<16384xf32, #tpu.memory_space<vmem_shared>>
      tpu.wait_indirect_dma semaphore(%run_scoped3A : memref<!tpu.dma_semaphore, #tpu.memory_space<semaphore_mem>>) src(%arg9 : memref<16384xf32, #tpu.memory_space<vmem>>) dst(%dma_wait3A_35 : memref<16384xf32, #tpu.memory_space<vmem_shared>>)
      tpu.yield
    }) : () -> ()
    %dma_wait3A_25 = tpu.memref_slice %arg2[%add3A_20] : memref<2097152xi32, #tpu.memory_space<hbm>> -> memref<16384xi32, #tpu.memory_space<hbm>>
    %dma_wait3A_26 = tpu.memref_slice %arg2[%add3A_20] : memref<2097152xi32, #tpu.memory_space<hbm>> -> memref<16384xi32, #tpu.memory_space<hbm>>
    tpu.wait_dma2 semaphore(%arg12 : memref<!tpu.dma_semaphore, #tpu.memory_space<semaphore_mem>>) src(%dma_wait3A_26 : memref<16384xi32, #tpu.memory_space<hbm>>) dst(%arg8 : memref<16384xi32, #tpu.memory_space<vmem>>)
    "tpu.region"() ({
      %run_scoped3A = tpu.sem_alloc : memref<!tpu.dma_semaphore, #tpu.memory_space<semaphore_mem>>
      %dma_start3A_32 = arith.constant 0 : i32
      %dma_start3A_33 = tpu.memref_slice %arg6[%dma_start3A_32] : memref<16384xf32, #tpu.memory_space<vmem_shared>> -> memref<16384xf32, #tpu.memory_space<vmem_shared>>
      tpu.enqueue_indirect_dma source(%arg9 : memref<16384xf32, #tpu.memory_space<vmem>>) target(%dma_start3A_33 : memref<16384xf32, #tpu.memory_space<vmem_shared>>) offsets(%arg8 : memref<16384xi32, #tpu.memory_space<vmem>>) semaphore(%run_scoped3A : memref<!tpu.dma_semaphore, #tpu.memory_space<semaphore_mem>>) {add = true}
      %dma_wait3A_34 = arith.constant 0 : i32
      %dma_wait3A_35 = tpu.memref_slice %arg6[%dma_wait3A_34] : memref<16384xf32, #tpu.memory_space<vmem_shared>> -> memref<16384xf32, #tpu.memory_space<vmem_shared>>
      tpu.wait_indirect_dma semaphore(%run_scoped3A : memref<!tpu.dma_semaphore, #tpu.memory_space<semaphore_mem>>) src(%arg9 : memref<16384xf32, #tpu.memory_space<vmem>>) dst(%dma_wait3A_35 : memref<16384xf32, #tpu.memory_space<vmem_shared>>)
      tpu.yield
    }) : () -> ()
    %barrier3A_27 = arith.constant 0 : index
    tpu.barrier barrier_id(%barrier3A_27)
    %mul3A_28 = arith.constant 1024 : i32
    %mul3A_29 = arith.muli %arg1, %mul3A_28 : i32
    "tpu.region"() ({
      %run_scoped3A = tpu.sem_alloc : memref<!tpu.dma_semaphore, #tpu.memory_space<semaphore_mem>>
      %dma_start3A_32 = tpu.memref_slice %arg6[%mul3A_29] : memref<16384xf32, #tpu.memory_space<vmem_shared>> -> memref<1024xf32, #tpu.memory_space<vmem_shared>>
      %dma_start3A_33 = tpu.memref_slice %arg6[%mul3A_29] : memref<16384xf32, #tpu.memory_space<vmem_shared>> -> memref<1024xf32, #tpu.memory_space<vmem_shared>>
      tpu.enqueue_dma source(%dma_start3A_33 : memref<1024xf32, #tpu.memory_space<vmem_shared>>) target(%arg10 : memref<1024xf32, #tpu.memory_space<vmem>>) target_semaphore(%run_scoped3A : memref<!tpu.dma_semaphore, #tpu.memory_space<semaphore_mem>>)
      %dma_wait3A_34 = tpu.memref_slice %arg6[%mul3A_29] : memref<16384xf32, #tpu.memory_space<vmem_shared>> -> memref<1024xf32, #tpu.memory_space<vmem_shared>>
      %dma_wait3A_35 = tpu.memref_slice %arg6[%mul3A_29] : memref<16384xf32, #tpu.memory_space<vmem_shared>> -> memref<1024xf32, #tpu.memory_space<vmem_shared>>
      tpu.wait_dma2 semaphore(%run_scoped3A : memref<!tpu.dma_semaphore, #tpu.memory_space<semaphore_mem>>) src(%dma_wait3A_35 : memref<1024xf32, #tpu.memory_space<vmem_shared>>) dst(%arg10 : memref<1024xf32, #tpu.memory_space<vmem>>)
      tpu.yield
    }) : () -> ()
    %mul3A_30 = arith.constant 1024 : i32
    %mul3A_31 = arith.muli %arg1, %mul3A_30 : i32
    "tpu.region"() ({
      %run_scoped3A = tpu.sem_alloc : memref<!tpu.dma_semaphore, #tpu.memory_space<semaphore_mem>>
      %dma_start3A_32 = tpu.memref_slice %arg5[%arg0, %mul3A_31] : memref<2x16384xf32, #tpu.memory_space<hbm>> -> memref<1x1024xf32, #tpu.memory_space<hbm>>
      %dma_start3A_33 = tpu.memref_squeeze %dma_start3A_32 : memref<1x1024xf32, #tpu.memory_space<hbm>> -> memref<1024xf32, #tpu.memory_space<hbm>>
      %dma_start3A_34 = tpu.memref_slice %arg5[%arg0, %mul3A_31] : memref<2x16384xf32, #tpu.memory_space<hbm>> -> memref<1x1024xf32, #tpu.memory_space<hbm>>
      %dma_start3A_35 = tpu.memref_squeeze %dma_start3A_34 : memref<1x1024xf32, #tpu.memory_space<hbm>> -> memref<1024xf32, #tpu.memory_space<hbm>>
      tpu.enqueue_dma source(%arg10 : memref<1024xf32, #tpu.memory_space<vmem>>) target(%dma_start3A_35 : memref<1024xf32, #tpu.memory_space<hbm>>) target_semaphore(%run_scoped3A : memref<!tpu.dma_semaphore, #tpu.memory_space<semaphore_mem>>)
      %dma_wait3A_36 = tpu.memref_slice %arg5[%arg0, %mul3A_31] : memref<2x16384xf32, #tpu.memory_space<hbm>> -> memref<1x1024xf32, #tpu.memory_space<hbm>>
      %dma_wait3A_37 = tpu.memref_squeeze %dma_wait3A_36 : memref<1x1024xf32, #tpu.memory_space<hbm>> -> memref<1024xf32, #tpu.memory_space<hbm>>
      %dma_wait3A_38 = tpu.memref_slice %arg5[%arg0, %mul3A_31] : memref<2x16384xf32, #tpu.memory_space<hbm>> -> memref<1x1024xf32, #tpu.memory_space<hbm>>
      %dma_wait3A_39 = tpu.memref_squeeze %dma_wait3A_38 : memref<1x1024xf32, #tpu.memory_space<hbm>> -> memref<1024xf32, #tpu.memory_space<hbm>>
      tpu.wait_dma2 semaphore(%run_scoped3A : memref<!tpu.dma_semaphore, #tpu.memory_space<semaphore_mem>>) src(%arg10 : memref<1024xf32, #tpu.memory_space<vmem>>) dst(%dma_wait3A_39 : memref<1024xf32, #tpu.memory_space<hbm>>)
      tpu.yield
    }) : () -> ()
    return
  }
}

#map = affine_map<(d0, d1) -> (0)>
#map1 = affine_map<(d0, d1) -> (0, 0)>
module attributes {stable_mosaic.version = 14 : i64} {
  func.func @_sc_hist_body(%arg0: i32, %arg1: i32, %arg2: memref<2097152xi32, #tpu.memory_space<hbm>>, %arg3: memref<1024xf32, #tpu.memory_space<hbm>>, %arg4: memref<16384xf32, #tpu.memory_space<hbm>>, %arg5: memref<2x16384xf32, #tpu.memory_space<hbm>>, %arg6: memref<16384xf32, #tpu.memory_space<vmem_shared>>, %arg7: memref<16384xi32, #tpu.memory_space<vmem>>, %arg8: memref<16384xi32, #tpu.memory_space<vmem>>, %arg9: memref<16384xf32, #tpu.memory_space<vmem>>, %arg10: memref<1024xf32, #tpu.memory_space<vmem>>, %arg11: memref<!tpu.dma_semaphore, #tpu.memory_space<semaphore_mem>>, %arg12: memref<!tpu.dma_semaphore, #tpu.memory_space<semaphore_mem>>) attributes {dimension_semantics = [#tpu.dimension_semantics<core_parallel>, #tpu.dimension_semantics<subcore_parallel>], iteration_bounds = array<i64: 2, 16>, scalar_prefetch = 0 : i64, scratch_operands = 7 : i64, tpu.core_type = #tpu.core_type<sc_vector_subcore>, window_params = [{transform_indices = #map}, {transform_indices = #map}, {transform_indices = #map}, {transform_indices = #map1}]} {
    %mul3A = arith.constant 2 : i32
    %mul3A_0 = arith.muli %arg1, %mul3A : i32
    %add3A = arith.addi %mul3A_0, %arg0 : i32
    "tpu.region"() ({
      %run_scoped3A = tpu.sem_alloc : memref<!tpu.dma_semaphore, #tpu.memory_space<semaphore_mem>>
      tpu.enqueue_dma source(%arg3 : memref<1024xf32, #tpu.memory_space<hbm>>) target(%arg10 : memref<1024xf32, #tpu.memory_space<vmem>>) target_semaphore(%run_scoped3A : memref<!tpu.dma_semaphore, #tpu.memory_space<semaphore_mem>>)
      tpu.wait_dma2 semaphore(%run_scoped3A : memref<!tpu.dma_semaphore, #tpu.memory_space<semaphore_mem>>) src(%arg3 : memref<1024xf32, #tpu.memory_space<hbm>>) dst(%arg10 : memref<1024xf32, #tpu.memory_space<vmem>>)
      tpu.yield
    }) : () -> ()
    %mul3A_1 = arith.constant 1024 : i32
    %mul3A_2 = arith.muli %arg1, %mul3A_1 : i32
    "tpu.region"() ({
      %run_scoped3A = tpu.sem_alloc : memref<!tpu.dma_semaphore, #tpu.memory_space<semaphore_mem>>
      %dma_start3A_32 = tpu.memref_slice %arg6[%mul3A_2] : memref<16384xf32, #tpu.memory_space<vmem_shared>> -> memref<1024xf32, #tpu.memory_space<vmem_shared>>
      %dma_start3A_33 = tpu.memref_slice %arg6[%mul3A_2] : memref<16384xf32, #tpu.memory_space<vmem_shared>> -> memref<1024xf32, #tpu.memory_space<vmem_shared>>
      tpu.enqueue_dma source(%arg10 : memref<1024xf32, #tpu.memory_space<vmem>>) target(%dma_start3A_33 : memref<1024xf32, #tpu.memory_space<vmem_shared>>) target_semaphore(%run_scoped3A : memref<!tpu.dma_semaphore, #tpu.memory_space<semaphore_mem>>)
      %dma_wait3A_34 = tpu.memref_slice %arg6[%mul3A_2] : memref<16384xf32, #tpu.memory_space<vmem_shared>> -> memref<1024xf32, #tpu.memory_space<vmem_shared>>
      %dma_wait3A_35 = tpu.memref_slice %arg6[%mul3A_2] : memref<16384xf32, #tpu.memory_space<vmem_shared>> -> memref<1024xf32, #tpu.memory_space<vmem_shared>>
      tpu.wait_dma2 semaphore(%run_scoped3A : memref<!tpu.dma_semaphore, #tpu.memory_space<semaphore_mem>>) src(%arg10 : memref<1024xf32, #tpu.memory_space<vmem>>) dst(%dma_wait3A_35 : memref<1024xf32, #tpu.memory_space<vmem_shared>>)
      tpu.yield
    }) : () -> ()
    "tpu.region"() ({
      %run_scoped3A = tpu.sem_alloc : memref<!tpu.dma_semaphore, #tpu.memory_space<semaphore_mem>>
      tpu.enqueue_dma source(%arg4 : memref<16384xf32, #tpu.memory_space<hbm>>) target(%arg9 : memref<16384xf32, #tpu.memory_space<vmem>>) target_semaphore(%run_scoped3A : memref<!tpu.dma_semaphore, #tpu.memory_space<semaphore_mem>>)
      tpu.wait_dma2 semaphore(%run_scoped3A : memref<!tpu.dma_semaphore, #tpu.memory_space<semaphore_mem>>) src(%arg4 : memref<16384xf32, #tpu.memory_space<hbm>>) dst(%arg9 : memref<16384xf32, #tpu.memory_space<vmem>>)
      tpu.yield
    }) : () -> ()
    %barrier3A = arith.constant 0 : index
    tpu.barrier barrier_id(%barrier3A)
    %mul3A_3 = arith.constant 65536 : i32
    %mul3A_4 = arith.muli %add3A, %mul3A_3 : i32
    %add3A_5 = arith.constant 0 : i32
    %add3A_6 = arith.addi %add3A_5, %mul3A_4 : i32
    %dma_start3A = tpu.memref_slice %arg2[%add3A_6] : memref<2097152xi32, #tpu.memory_space<hbm>> -> memref<16384xi32, #tpu.memory_space<hbm>>
    %dma_start3A_7 = tpu.memref_slice %arg2[%add3A_6] : memref<2097152xi32, #tpu.memory_space<hbm>> -> memref<16384xi32, #tpu.memory_space<hbm>>
    tpu.enqueue_dma source(%dma_start3A_7 : memref<16384xi32, #tpu.memory_space<hbm>>) target(%arg7 : memref<16384xi32, #tpu.memory_space<vmem>>) target_semaphore(%arg11 : memref<!tpu.dma_semaphore, #tpu.memory_space<semaphore_mem>>)
    %add3A_8 = arith.constant 16384 : i32
    %add3A_9 = arith.addi %add3A_6, %add3A_8 : i32
    %dma_start3A_10 = tpu.memref_slice %arg2[%add3A_9] : memref<2097152xi32, #tpu.memory_space<hbm>> -> memref<16384xi32, #tpu.memory_space<hbm>>
    %dma_start3A_11 = tpu.memref_slice %arg2[%add3A_9] : memref<2097152xi32, #tpu.memory_space<hbm>> -> memref<16384xi32, #tpu.memory_space<hbm>>
    tpu.enqueue_dma source(%dma_start3A_11 : memref<16384xi32, #tpu.memory_space<hbm>>) target(%arg8 : memref<16384xi32, #tpu.memory_space<vmem>>) target_semaphore(%arg12 : memref<!tpu.dma_semaphore, #tpu.memory_space<semaphore_mem>>)
    %dma_wait3A = tpu.memref_slice %arg2[%add3A_6] : memref<2097152xi32, #tpu.memory_space<hbm>> -> memref<16384xi32, #tpu.memory_space<hbm>>
    %dma_wait3A_12 = tpu.memref_slice %arg2[%add3A_6] : memref<2097152xi32, #tpu.memory_space<hbm>> -> memref<16384xi32, #tpu.memory_space<hbm>>
    tpu.wait_dma2 semaphore(%arg11 : memref<!tpu.dma_semaphore, #tpu.memory_space<semaphore_mem>>) src(%dma_wait3A_12 : memref<16384xi32, #tpu.memory_space<hbm>>) dst(%arg7 : memref<16384xi32, #tpu.memory_space<vmem>>)
    "tpu.region"() ({
      %run_scoped3A = tpu.sem_alloc : memref<!tpu.dma_semaphore, #tpu.memory_space<semaphore_mem>>
      %dma_start3A_32 = arith.constant 0 : i32
      %dma_start3A_33 = tpu.memref_slice %arg6[%dma_start3A_32] : memref<16384xf32, #tpu.memory_space<vmem_shared>> -> memref<16384xf32, #tpu.memory_space<vmem_shared>>
      tpu.enqueue_indirect_dma source(%arg9 : memref<16384xf32, #tpu.memory_space<vmem>>) target(%dma_start3A_33 : memref<16384xf32, #tpu.memory_space<vmem_shared>>) offsets(%arg7 : memref<16384xi32, #tpu.memory_space<vmem>>) semaphore(%run_scoped3A : memref<!tpu.dma_semaphore, #tpu.memory_space<semaphore_mem>>) {add = true}
      %dma_wait3A_34 = arith.constant 0 : i32
      %dma_wait3A_35 = tpu.memref_slice %arg6[%dma_wait3A_34] : memref<16384xf32, #tpu.memory_space<vmem_shared>> -> memref<16384xf32, #tpu.memory_space<vmem_shared>>
      tpu.wait_indirect_dma semaphore(%run_scoped3A : memref<!tpu.dma_semaphore, #tpu.memory_space<semaphore_mem>>) src(%arg9 : memref<16384xf32, #tpu.memory_space<vmem>>) dst(%dma_wait3A_35 : memref<16384xf32, #tpu.memory_space<vmem_shared>>)
      tpu.yield
    }) : () -> ()
    %add3A_13 = arith.constant 32768 : i32
    %add3A_14 = arith.addi %add3A_6, %add3A_13 : i32
    %dma_start3A_15 = tpu.memref_slice %arg2[%add3A_14] : memref<2097152xi32, #tpu.memory_space<hbm>> -> memref<16384xi32, #tpu.memory_space<hbm>>
    %dma_start3A_16 = tpu.memref_slice %arg2[%add3A_14] : memref<2097152xi32, #tpu.memory_space<hbm>> -> memref<16384xi32, #tpu.memory_space<hbm>>
    tpu.enqueue_dma source(%dma_start3A_16 : memref<16384xi32, #tpu.memory_space<hbm>>) target(%arg7 : memref<16384xi32, #tpu.memory_space<vmem>>) target_semaphore(%arg11 : memref<!tpu.dma_semaphore, #tpu.memory_space<semaphore_mem>>)
    %dma_wait3A_17 = tpu.memref_slice %arg2[%add3A_9] : memref<2097152xi32, #tpu.memory_space<hbm>> -> memref<16384xi32, #tpu.memory_space<hbm>>
    %dma_wait3A_18 = tpu.memref_slice %arg2[%add3A_9] : memref<2097152xi32, #tpu.memory_space<hbm>> -> memref<16384xi32, #tpu.memory_space<hbm>>
    tpu.wait_dma2 semaphore(%arg12 : memref<!tpu.dma_semaphore, #tpu.memory_space<semaphore_mem>>) src(%dma_wait3A_18 : memref<16384xi32, #tpu.memory_space<hbm>>) dst(%arg8 : memref<16384xi32, #tpu.memory_space<vmem>>)
    "tpu.region"() ({
      %run_scoped3A = tpu.sem_alloc : memref<!tpu.dma_semaphore, #tpu.memory_space<semaphore_mem>>
      %dma_start3A_32 = arith.constant 0 : i32
      %dma_start3A_33 = tpu.memref_slice %arg6[%dma_start3A_32] : memref<16384xf32, #tpu.memory_space<vmem_shared>> -> memref<16384xf32, #tpu.memory_space<vmem_shared>>
      tpu.enqueue_indirect_dma source(%arg9 : memref<16384xf32, #tpu.memory_space<vmem>>) target(%dma_start3A_33 : memref<16384xf32, #tpu.memory_space<vmem_shared>>) offsets(%arg8 : memref<16384xi32, #tpu.memory_space<vmem>>) semaphore(%run_scoped3A : memref<!tpu.dma_semaphore, #tpu.memory_space<semaphore_mem>>) {add = true}
      %dma_wait3A_34 = arith.constant 0 : i32
      %dma_wait3A_35 = tpu.memref_slice %arg6[%dma_wait3A_34] : memref<16384xf32, #tpu.memory_space<vmem_shared>> -> memref<16384xf32, #tpu.memory_space<vmem_shared>>
      tpu.wait_indirect_dma semaphore(%run_scoped3A : memref<!tpu.dma_semaphore, #tpu.memory_space<semaphore_mem>>) src(%arg9 : memref<16384xf32, #tpu.memory_space<vmem>>) dst(%dma_wait3A_35 : memref<16384xf32, #tpu.memory_space<vmem_shared>>)
      tpu.yield
    }) : () -> ()
    %add3A_19 = arith.constant 49152 : i32
    %add3A_20 = arith.addi %add3A_6, %add3A_19 : i32
    %dma_start3A_21 = tpu.memref_slice %arg2[%add3A_20] : memref<2097152xi32, #tpu.memory_space<hbm>> -> memref<16384xi32, #tpu.memory_space<hbm>>
    %dma_start3A_22 = tpu.memref_slice %arg2[%add3A_20] : memref<2097152xi32, #tpu.memory_space<hbm>> -> memref<16384xi32, #tpu.memory_space<hbm>>
    tpu.enqueue_dma source(%dma_start3A_22 : memref<16384xi32, #tpu.memory_space<hbm>>) target(%arg8 : memref<16384xi32, #tpu.memory_space<vmem>>) target_semaphore(%arg12 : memref<!tpu.dma_semaphore, #tpu.memory_space<semaphore_mem>>)
    %dma_wait3A_23 = tpu.memref_slice %arg2[%add3A_14] : memref<2097152xi32, #tpu.memory_space<hbm>> -> memref<16384xi32, #tpu.memory_space<hbm>>
    %dma_wait3A_24 = tpu.memref_slice %arg2[%add3A_14] : memref<2097152xi32, #tpu.memory_space<hbm>> -> memref<16384xi32, #tpu.memory_space<hbm>>
    tpu.wait_dma2 semaphore(%arg11 : memref<!tpu.dma_semaphore, #tpu.memory_space<semaphore_mem>>) src(%dma_wait3A_24 : memref<16384xi32, #tpu.memory_space<hbm>>) dst(%arg7 : memref<16384xi32, #tpu.memory_space<vmem>>)
    "tpu.region"() ({
      %run_scoped3A = tpu.sem_alloc : memref<!tpu.dma_semaphore, #tpu.memory_space<semaphore_mem>>
      %dma_start3A_32 = arith.constant 0 : i32
      %dma_start3A_33 = tpu.memref_slice %arg6[%dma_start3A_32] : memref<16384xf32, #tpu.memory_space<vmem_shared>> -> memref<16384xf32, #tpu.memory_space<vmem_shared>>
      tpu.enqueue_indirect_dma source(%arg9 : memref<16384xf32, #tpu.memory_space<vmem>>) target(%dma_start3A_33 : memref<16384xf32, #tpu.memory_space<vmem_shared>>) offsets(%arg7 : memref<16384xi32, #tpu.memory_space<vmem>>) semaphore(%run_scoped3A : memref<!tpu.dma_semaphore, #tpu.memory_space<semaphore_mem>>) {add = true}
      %dma_wait3A_34 = arith.constant 0 : i32
      %dma_wait3A_35 = tpu.memref_slice %arg6[%dma_wait3A_34] : memref<16384xf32, #tpu.memory_space<vmem_shared>> -> memref<16384xf32, #tpu.memory_space<vmem_shared>>
      tpu.wait_indirect_dma semaphore(%run_scoped3A : memref<!tpu.dma_semaphore, #tpu.memory_space<semaphore_mem>>) src(%arg9 : memref<16384xf32, #tpu.memory_space<vmem>>) dst(%dma_wait3A_35 : memref<16384xf32, #tpu.memory_space<vmem_shared>>)
      tpu.yield
    }) : () -> ()
    %dma_wait3A_25 = tpu.memref_slice %arg2[%add3A_20] : memref<2097152xi32, #tpu.memory_space<hbm>> -> memref<16384xi32, #tpu.memory_space<hbm>>
    %dma_wait3A_26 = tpu.memref_slice %arg2[%add3A_20] : memref<2097152xi32, #tpu.memory_space<hbm>> -> memref<16384xi32, #tpu.memory_space<hbm>>
    tpu.wait_dma2 semaphore(%arg12 : memref<!tpu.dma_semaphore, #tpu.memory_space<semaphore_mem>>) src(%dma_wait3A_26 : memref<16384xi32, #tpu.memory_space<hbm>>) dst(%arg8 : memref<16384xi32, #tpu.memory_space<vmem>>)
    "tpu.region"() ({
      %run_scoped3A = tpu.sem_alloc : memref<!tpu.dma_semaphore, #tpu.memory_space<semaphore_mem>>
      %dma_start3A_32 = arith.constant 0 : i32
      %dma_start3A_33 = tpu.memref_slice %arg6[%dma_start3A_32] : memref<16384xf32, #tpu.memory_space<vmem_shared>> -> memref<16384xf32, #tpu.memory_space<vmem_shared>>
      tpu.enqueue_indirect_dma source(%arg9 : memref<16384xf32, #tpu.memory_space<vmem>>) target(%dma_start3A_33 : memref<16384xf32, #tpu.memory_space<vmem_shared>>) offsets(%arg8 : memref<16384xi32, #tpu.memory_space<vmem>>) semaphore(%run_scoped3A : memref<!tpu.dma_semaphore, #tpu.memory_space<semaphore_mem>>) {add = true}
      %dma_wait3A_34 = arith.constant 0 : i32
      %dma_wait3A_35 = tpu.memref_slice %arg6[%dma_wait3A_34] : memref<16384xf32, #tpu.memory_space<vmem_shared>> -> memref<16384xf32, #tpu.memory_space<vmem_shared>>
      tpu.wait_indirect_dma semaphore(%run_scoped3A : memref<!tpu.dma_semaphore, #tpu.memory_space<semaphore_mem>>) src(%arg9 : memref<16384xf32, #tpu.memory_space<vmem>>) dst(%dma_wait3A_35 : memref<16384xf32, #tpu.memory_space<vmem_shared>>)
      tpu.yield
    }) : () -> ()
    %barrier3A_27 = arith.constant 0 : index
    tpu.barrier barrier_id(%barrier3A_27)
    %mul3A_28 = arith.constant 1024 : i32
    %mul3A_29 = arith.muli %arg1, %mul3A_28 : i32
    "tpu.region"() ({
      %run_scoped3A = tpu.sem_alloc : memref<!tpu.dma_semaphore, #tpu.memory_space<semaphore_mem>>
      %dma_start3A_32 = tpu.memref_slice %arg6[%mul3A_29] : memref<16384xf32, #tpu.memory_space<vmem_shared>> -> memref<1024xf32, #tpu.memory_space<vmem_shared>>
      %dma_start3A_33 = tpu.memref_slice %arg6[%mul3A_29] : memref<16384xf32, #tpu.memory_space<vmem_shared>> -> memref<1024xf32, #tpu.memory_space<vmem_shared>>
      tpu.enqueue_dma source(%dma_start3A_33 : memref<1024xf32, #tpu.memory_space<vmem_shared>>) target(%arg10 : memref<1024xf32, #tpu.memory_space<vmem>>) target_semaphore(%run_scoped3A : memref<!tpu.dma_semaphore, #tpu.memory_space<semaphore_mem>>)
      %dma_wait3A_34 = tpu.memref_slice %arg6[%mul3A_29] : memref<16384xf32, #tpu.memory_space<vmem_shared>> -> memref<1024xf32, #tpu.memory_space<vmem_shared>>
      %dma_wait3A_35 = tpu.memref_slice %arg6[%mul3A_29] : memref<16384xf32, #tpu.memory_space<vmem_shared>> -> memref<1024xf32, #tpu.memory_space<vmem_shared>>
      tpu.wait_dma2 semaphore(%run_scoped3A : memref<!tpu.dma_semaphore, #tpu.memory_space<semaphore_mem>>) src(%dma_wait3A_35 : memref<1024xf32, #tpu.memory_space<vmem_shared>>) dst(%arg10 : memref<1024xf32, #tpu.memory_space<vmem>>)
      tpu.yield
    }) : () -> ()
    %mul3A_30 = arith.constant 1024 : i32
    %mul3A_31 = arith.muli %arg1, %mul3A_30 : i32
    "tpu.region"() ({
      %run_scoped3A = tpu.sem_alloc : memref<!tpu.dma_semaphore, #tpu.memory_space<semaphore_mem>>
      %dma_start3A_32 = tpu.memref_slice %arg5[%arg0, %mul3A_31] : memref<2x16384xf32, #tpu.memory_space<hbm>> -> memref<1x1024xf32, #tpu.memory_space<hbm>>
      %dma_start3A_33 = tpu.memref_squeeze %dma_start3A_32 : memref<1x1024xf32, #tpu.memory_space<hbm>> -> memref<1024xf32, #tpu.memory_space<hbm>>
      %dma_start3A_34 = tpu.memref_slice %arg5[%arg0, %mul3A_31] : memref<2x16384xf32, #tpu.memory_space<hbm>> -> memref<1x1024xf32, #tpu.memory_space<hbm>>
      %dma_start3A_35 = tpu.memref_squeeze %dma_start3A_34 : memref<1x1024xf32, #tpu.memory_space<hbm>> -> memref<1024xf32, #tpu.memory_space<hbm>>
      tpu.enqueue_dma source(%arg10 : memref<1024xf32, #tpu.memory_space<vmem>>) target(%dma_start3A_35 : memref<1024xf32, #tpu.memory_space<hbm>>) target_semaphore(%run_scoped3A : memref<!tpu.dma_semaphore, #tpu.memory_space<semaphore_mem>>)
      %dma_wait3A_36 = tpu.memref_slice %arg5[%arg0, %mul3A_31] : memref<2x16384xf32, #tpu.memory_space<hbm>> -> memref<1x1024xf32, #tpu.memory_space<hbm>>
      %dma_wait3A_37 = tpu.memref_squeeze %dma_wait3A_36 : memref<1x1024xf32, #tpu.memory_space<hbm>> -> memref<1024xf32, #tpu.memory_space<hbm>>
      %dma_wait3A_38 = tpu.memref_slice %arg5[%arg0, %mul3A_31] : memref<2x16384xf32, #tpu.memory_space<hbm>> -> memref<1x1024xf32, #tpu.memory_space<hbm>>
      %dma_wait3A_39 = tpu.memref_squeeze %dma_wait3A_38 : memref<1x1024xf32, #tpu.memory_space<hbm>> -> memref<1024xf32, #tpu.memory_space<hbm>>
      tpu.wait_dma2 semaphore(%run_scoped3A : memref<!tpu.dma_semaphore, #tpu.memory_space<semaphore_mem>>) src(%arg10 : memref<1024xf32, #tpu.memory_space<vmem>>) dst(%dma_wait3A_39 : memref<1024xf32, #tpu.memory_space<hbm>>)
      tpu.yield
    }) : () -> ()
    return
  }
}

module attributes {stable_mosaic.version = 14 : i64} {
  func.func @_p2_body(%arg0: i32, %arg1: memref<1x3x512x128xf32, #tpu.memory_space<vmem>>, %arg2: memref<1x1x512x128xf32, #tpu.memory_space<vmem>>, %arg3: memref<1x512x128xi32, #tpu.memory_space<vmem>>, %arg4: memref<1x512x128xi32, #tpu.memory_space<vmem>>, %arg5: memref<1x64xf32, #tpu.memory_space<smem>>, %arg6: memref<4x512x128xi32, #tpu.memory_space<vmem>>, %arg7: memref<1x8xf32, #tpu.memory_space<smem>>, %arg8: memref<8xf32, #tpu.memory_space<smem>>) attributes {dimension_semantics = [#tpu.dimension_semantics<arbitrary>], iteration_bounds = array<i64: 8>, scalar_prefetch = 0 : i64, scratch_operands = 1 : i64, tpu.core_type = #tpu.core_type<tc>, window_params = [{transform_indices = @transform_0, window_bounds = array<i64: 1, 3, 512, 128>}, {transform_indices = @transform_1, window_bounds = array<i64: 1, 1, 512, 128>}, {transform_indices = @transform_2, window_bounds = array<i64: 1, 512, 128>}, {transform_indices = @transform_3, window_bounds = array<i64: 1, 512, 128>}, {transform_indices = @transform_4, window_bounds = array<i64: 1, 64>}, {transform_indices = @transform_5, window_bounds = array<i64: 4, 512, 128>}, {transform_indices = @transform_6, window_bounds = array<i64: 1, 8>}]} {
    %eq3A = arith.constant 0 : i32
    %eq3A_0 = arith.cmpi eq, %arg0, %eq3A : i32
    %convert_element_type3A = arith.extui %eq3A_0 : i1 to i32
    %cond3A = arith.constant 0 : i32
    %cond3A_1 = arith.cmpi ne, %convert_element_type3A, %cond3A : i32
    scf.if %cond3A_1 {
      %swap3A_648 = arith.constant 0.000000e+00 : f32
      %swap3A_649 = arith.constant 0 : index
      %swap3A_650 = memref.load %arg8[%swap3A_649] : memref<8xf32, #tpu.memory_space<smem>>
      memref.store %swap3A_648, %arg8[%swap3A_649] : memref<8xf32, #tpu.memory_space<smem>>
      %swap3A_651 = arith.constant 0.000000e+00 : f32
      %swap3A_652 = arith.constant 1 : index
      %swap3A_653 = memref.load %arg8[%swap3A_652] : memref<8xf32, #tpu.memory_space<smem>>
      memref.store %swap3A_651, %arg8[%swap3A_652] : memref<8xf32, #tpu.memory_space<smem>>
      %swap3A_654 = arith.constant 0.000000e+00 : f32
      %swap3A_655 = arith.constant 2 : index
      %swap3A_656 = memref.load %arg8[%swap3A_655] : memref<8xf32, #tpu.memory_space<smem>>
      memref.store %swap3A_654, %arg8[%swap3A_655] : memref<8xf32, #tpu.memory_space<smem>>
      %swap3A_657 = arith.constant 0.000000e+00 : f32
      %swap3A_658 = arith.constant 3 : index
      %swap3A_659 = memref.load %arg8[%swap3A_658] : memref<8xf32, #tpu.memory_space<smem>>
      memref.store %swap3A_657, %arg8[%swap3A_658] : memref<8xf32, #tpu.memory_space<smem>>
      %swap3A_660 = arith.constant 0.000000e+00 : f32
      %swap3A_661 = arith.constant 4 : index
      %swap3A_662 = memref.load %arg8[%swap3A_661] : memref<8xf32, #tpu.memory_space<smem>>
      memref.store %swap3A_660, %arg8[%swap3A_661] : memref<8xf32, #tpu.memory_space<smem>>
      %swap3A_663 = arith.constant 0.000000e+00 : f32
      %swap3A_664 = arith.constant 5 : index
      %swap3A_665 = memref.load %arg8[%swap3A_664] : memref<8xf32, #tpu.memory_space<smem>>
      memref.store %swap3A_663, %arg8[%swap3A_664] : memref<8xf32, #tpu.memory_space<smem>>
      %swap3A_666 = arith.constant 0.000000e+00 : f32
      %swap3A_667 = arith.constant 6 : index
      %swap3A_668 = memref.load %arg8[%swap3A_667] : memref<8xf32, #tpu.memory_space<smem>>
      memref.store %swap3A_666, %arg8[%swap3A_667] : memref<8xf32, #tpu.memory_space<smem>>
      %swap3A_669 = arith.constant 0.000000e+00 : f32
      %swap3A_670 = arith.constant 7 : index
      %swap3A_671 = memref.load %arg8[%swap3A_670] : memref<8xf32, #tpu.memory_space<smem>>
      memref.store %swap3A_669, %arg8[%swap3A_670] : memref<8xf32, #tpu.memory_space<smem>>
    } else {
    }
    %iota3A = tpu.iota {dimensions = array<i32: 0>} : vector<512x128xi32>
    %mul3A = arith.constant 512 : i32
    %mul3A_2 = arith.muli %arg0, %mul3A : i32
    %add3A = vector.broadcast %mul3A_2 : i32 to vector<512x128xi32>
    %add3A_3 = arith.addi %iota3A, %add3A : vector<512x128xi32>
    %iota3A_4 = tpu.iota {dimensions = array<i32: 1>} : vector<512x128xi32>
    %jit3A = arith.constant 128 : i32
    %div3A = vector.broadcast %jit3A : i32 to vector<512x128xi32>
    %div3A_5 = arith.divsi %add3A_3, %div3A : vector<512x128xi32>
    %sign3A = arith.constant 0 : i32
    %sign3A_6 = vector.broadcast %sign3A : i32 to vector<512x128xi32>
    %sign3A_7 = arith.cmpi sgt, %add3A_3, %sign3A_6 : vector<512x128xi32>
    %sign3A_8 = arith.extui %sign3A_7 : vector<512x128xi1> to vector<512x128xi32>
    %sign3A_9 = arith.constant 0 : i32
    %sign3A_10 = vector.broadcast %sign3A_9 : i32 to vector<512x128xi32>
    %sign3A_11 = arith.cmpi slt, %add3A_3, %sign3A_10 : vector<512x128xi32>
    %sign3A_12 = arith.extui %sign3A_11 : vector<512x128xi1> to vector<512x128xi32>
    %sign3A_13 = arith.subi %sign3A_8, %sign3A_12 : vector<512x128xi32>
    %sign3A_14 = arith.constant 0 : i32
    %sign3A_15 = arith.cmpi sgt, %jit3A, %sign3A_14 : i32
    %sign3A_16 = arith.extui %sign3A_15 : i1 to i32
    %sign3A_17 = arith.constant 0 : i32
    %sign3A_18 = arith.cmpi slt, %jit3A, %sign3A_17 : i32
    %sign3A_19 = arith.extui %sign3A_18 : i1 to i32
    %sign3A_20 = arith.subi %sign3A_16, %sign3A_19 : i32
    %ne3A = vector.broadcast %sign3A_20 : i32 to vector<512x128xi32>
    %ne3A_21 = arith.cmpi ne, %sign3A_13, %ne3A : vector<512x128xi32>
    %rem3A = vector.broadcast %jit3A : i32 to vector<512x128xi32>
    %rem3A_22 = arith.remsi %add3A_3, %rem3A : vector<512x128xi32>
    %ne3A_23 = arith.constant 0 : i32
    %ne3A_24 = vector.broadcast %ne3A_23 : i32 to vector<512x128xi32>
    %ne3A_25 = arith.cmpi ne, %rem3A_22, %ne3A_24 : vector<512x128xi32>
    %and3A = arith.andi %ne3A_21, %ne3A_25 : vector<512x128xi1>
    %sub3A = arith.constant 1 : i32
    %sub3A_26 = vector.broadcast %sub3A : i32 to vector<512x128xi32>
    %sub3A_27 = arith.subi %div3A_5, %sub3A_26 : vector<512x128xi32>
    %select_n3A = arith.select %and3A, %sub3A_27, %div3A_5 : vector<512x128xi1>, vector<512x128xi32>
    %mul3A_28 = arith.constant 128 : i32
    %mul3A_29 = vector.broadcast %mul3A_28 : i32 to vector<512x128xi32>
    %mul3A_30 = arith.muli %select_n3A, %mul3A_29 : vector<512x128xi32>
    %sub3A_31 = arith.subi %add3A_3, %mul3A_30 : vector<512x128xi32>
    %convert_element_type3A_32 = arith.sitofp %iota3A_4 : vector<512x128xi32> to vector<512x128xf32>
    %mul3A_33 = arith.constant 0.00787401571 : f32
    %mul3A_34 = vector.broadcast %mul3A_33 : f32 to vector<512x128xf32>
    %mul3A_35 = arith.mulf %convert_element_type3A_32, %mul3A_34 : vector<512x128xf32>
    %convert_element_type3A_36 = arith.sitofp %sub3A_31 : vector<512x128xi32> to vector<512x128xf32>
    %mul3A_37 = arith.constant 0.00787401571 : f32
    %mul3A_38 = vector.broadcast %mul3A_37 : f32 to vector<512x128xf32>
    %mul3A_39 = arith.mulf %convert_element_type3A_36, %mul3A_38 : vector<512x128xf32>
    %convert_element_type3A_40 = arith.sitofp %select_n3A : vector<512x128xi32> to vector<512x128xf32>
    %mul3A_41 = arith.constant 0.0322580636 : f32
    %mul3A_42 = vector.broadcast %mul3A_41 : f32 to vector<512x128xf32>
    %mul3A_43 = arith.mulf %convert_element_type3A_40, %mul3A_42 : vector<512x128xf32>
    %get3A = arith.constant 0 : index
    %get3A_44 = arith.constant 0 : index
    %get3A_45 = arith.constant 0 : index
    %get3A_46 = arith.constant 0 : index
    %get3A_47 = vector.load %arg1[%get3A, %get3A_44, %get3A_45, %get3A_46] : memref<1x3x512x128xf32, #tpu.memory_space<vmem>>, vector<1x1x512x128xf32>
    %get3A_48 = vector.shape_cast %get3A_47 : vector<1x1x512x128xf32> to vector<512x128xf32>
    %tanh3A = math.tanh %get3A_48 : vector<512x128xf32>
    %add3A_49 = arith.addf %tanh3A, %mul3A_35 : vector<512x128xf32>
    %get3A_50 = arith.constant 0 : index
    %get3A_51 = arith.constant 1 : index
    %get3A_52 = arith.constant 0 : index
    %get3A_53 = arith.constant 0 : index
    %get3A_54 = vector.load %arg1[%get3A_50, %get3A_51, %get3A_52, %get3A_53] : memref<1x3x512x128xf32, #tpu.memory_space<vmem>>, vector<1x1x512x128xf32>
    %get3A_55 = vector.shape_cast %get3A_54 : vector<1x1x512x128xf32> to vector<512x128xf32>
    %tanh3A_56 = math.tanh %get3A_55 : vector<512x128xf32>
    %add3A_57 = arith.addf %tanh3A_56, %mul3A_39 : vector<512x128xf32>
    %get3A_58 = arith.constant 0 : index
    %get3A_59 = arith.constant 2 : index
    %get3A_60 = arith.constant 0 : index
    %get3A_61 = arith.constant 0 : index
    %get3A_62 = vector.load %arg1[%get3A_58, %get3A_59, %get3A_60, %get3A_61] : memref<1x3x512x128xf32, #tpu.memory_space<vmem>>, vector<1x1x512x128xf32>
    %get3A_63 = vector.shape_cast %get3A_62 : vector<1x1x512x128xf32> to vector<512x128xf32>
    %tanh3A_64 = math.tanh %get3A_63 : vector<512x128xf32>
    %add3A_65 = arith.addf %tanh3A_64, %mul3A_43 : vector<512x128xf32>
    %get3A_66 = arith.constant 0 : index
    %get3A_67 = arith.constant 0 : index
    %get3A_68 = arith.constant 0 : index
    %get3A_69 = arith.constant 0 : index
    %get3A_70 = vector.load %arg2[%get3A_66, %get3A_67, %get3A_68, %get3A_69] : memref<1x1x512x128xf32, #tpu.memory_space<vmem>>, vector<1x1x512x128xf32>
    %get3A_71 = vector.shape_cast %get3A_70 : vector<1x1x512x128xf32> to vector<512x128xf32>
    %logistic3A = arith.negf %get3A_71 : vector<512x128xf32>
    %logistic3A_72 = math.exp %logistic3A : vector<512x128xf32>
    %logistic3A_73 = arith.constant 1.000000e+00 : f32
    %logistic3A_74 = vector.broadcast %logistic3A_73 : f32 to vector<512x128xf32>
    %logistic3A_75 = arith.addf %logistic3A_74, %logistic3A_72 : vector<512x128xf32>
    %logistic3A_76 = arith.divf %logistic3A_74, %logistic3A_75 : vector<512x128xf32>
    %get3A_77 = arith.constant 0 : index
    %get3A_78 = arith.constant 0 : index
    %get3A_79 = arith.constant 0 : index
    %get3A_80 = vector.load %arg3[%get3A_77, %get3A_78, %get3A_79] : memref<1x512x128xi32, #tpu.memory_space<vmem>>, vector<1x512x128xi32>
    %get3A_81 = vector.shape_cast %get3A_80 : vector<1x512x128xi32> to vector<512x128xi32>
    %get3A_82 = arith.constant 0 : index
    %get3A_83 = arith.constant 0 : index
    %get3A_84 = arith.constant 0 : index
    %get3A_85 = vector.load %arg4[%get3A_82, %get3A_83, %get3A_84] : memref<1x512x128xi32, #tpu.memory_space<vmem>>, vector<1x512x128xi32>
    %get3A_86 = vector.shape_cast %get3A_85 : vector<1x512x128xi32> to vector<512x128xi32>
    %ne3A_87 = arith.constant 0 : i32
    %ne3A_88 = vector.broadcast %ne3A_87 : i32 to vector<512x128xi32>
    %ne3A_89 = arith.cmpi ne, %get3A_86, %ne3A_88 : vector<512x128xi32>
    %convert_element_type3A_90 = arith.extui %ne3A_89 : vector<512x128xi1> to vector<512x128xi32>
    %convert_element_type3A_91 = arith.sitofp %convert_element_type3A_90 : vector<512x128xi32> to vector<512x128xf32>
    %get3A_92 = arith.constant 4 : index
    %get3A_93 = memref.load %arg8[%get3A_92] : memref<8xf32, #tpu.memory_space<smem>>
    %mul3A_94 = arith.mulf %logistic3A_76, %logistic3A_76 : vector<512x128xf32>
    %sub3A_95 = arith.constant 1.000000e+00 : f32
    %sub3A_96 = vector.broadcast %sub3A_95 : f32 to vector<512x128xf32>
    %sub3A_97 = arith.subf %sub3A_96, %convert_element_type3A_91 : vector<512x128xf32>
    %mul3A_98 = arith.mulf %mul3A_94, %sub3A_97 : vector<512x128xf32>
    %reduce_sum3A = vector.shape_cast %mul3A_98 : vector<512x128xf32> to vector<1x512x128xf32>
    %reduce_sum3A_99 = arith.constant dense<0.000000e+00> : vector<1xf32>
    %reduce_sum3A_100 = vector.multi_reduction <add>, %reduce_sum3A, %reduce_sum3A_99 [1, 2] : vector<1x512x128xf32> to vector<1xf32>
    %reduce_sum3A_101 = vector.shape_cast %reduce_sum3A_100 : vector<1xf32> to vector<1x1x1xf32>
    %reduce_sum3A_102 = vector.extract %reduce_sum3A_101[0, 0, 0] : f32 from vector<1x1x1xf32>
    %add3A_103 = arith.addf %get3A_93, %reduce_sum3A_102 : f32
    %swap3A = arith.constant 4 : index
    %swap3A_104 = memref.load %arg8[%swap3A] : memref<8xf32, #tpu.memory_space<smem>>
    memref.store %add3A_103, %arg8[%swap3A] : memref<8xf32, #tpu.memory_space<smem>>
    %get3A_105 = arith.constant 0 : index
    %get3A_106 = arith.constant 0 : index
    %get3A_107 = memref.load %arg5[%get3A_105, %get3A_106] : memref<1x64xf32, #tpu.memory_space<smem>>
    %get3A_108 = arith.constant 0 : index
    %get3A_109 = arith.constant 1 : index
    %get3A_110 = memref.load %arg5[%get3A_108, %get3A_109] : memref<1x64xf32, #tpu.memory_space<smem>>
    %max3A = arith.constant 1.000000e+00 : f32
    %max3A_111 = arith.maximumf %get3A_107, %max3A : f32
    %eq3A_112 = arith.constant 1.000000e+00 : f32
    %eq3A_113 = arith.cmpf oeq, %get3A_110, %eq3A_112 : f32
    %get3A_114 = arith.constant 0 : index
    %get3A_115 = arith.constant 2 : index
    %get3A_116 = memref.load %arg5[%get3A_114, %get3A_115] : memref<1x64xf32, #tpu.memory_space<smem>>
    %get3A_117 = arith.constant 0 : index
    %get3A_118 = arith.constant 5 : index
    %get3A_119 = memref.load %arg5[%get3A_117, %get3A_118] : memref<1x64xf32, #tpu.memory_space<smem>>
    %div3A_120 = arith.divf %get3A_119, %max3A_111 : f32
    %select_n3A_121 = arith.select %eq3A_113, %get3A_116, %div3A_120 : f32
    %get3A_122 = arith.constant 0 : index
    %get3A_123 = arith.constant 3 : index
    %get3A_124 = memref.load %arg5[%get3A_122, %get3A_123] : memref<1x64xf32, #tpu.memory_space<smem>>
    %get3A_125 = arith.constant 0 : index
    %get3A_126 = arith.constant 6 : index
    %get3A_127 = memref.load %arg5[%get3A_125, %get3A_126] : memref<1x64xf32, #tpu.memory_space<smem>>
    %div3A_128 = arith.divf %get3A_127, %max3A_111 : f32
    %select_n3A_129 = arith.select %eq3A_113, %get3A_124, %div3A_128 : f32
    %get3A_130 = arith.constant 0 : index
    %get3A_131 = arith.constant 4 : index
    %get3A_132 = memref.load %arg5[%get3A_130, %get3A_131] : memref<1x64xf32, #tpu.memory_space<smem>>
    %get3A_133 = arith.constant 0 : index
    %get3A_134 = arith.constant 7 : index
    %get3A_135 = memref.load %arg5[%get3A_133, %get3A_134] : memref<1x64xf32, #tpu.memory_space<smem>>
    %div3A_136 = arith.divf %get3A_135, %max3A_111 : f32
    %select_n3A_137 = arith.select %eq3A_113, %get3A_132, %div3A_136 : f32
    %get3A_138 = arith.constant 0 : index
    %get3A_139 = arith.constant 8 : index
    %get3A_140 = memref.load %arg5[%get3A_138, %get3A_139] : memref<1x64xf32, #tpu.memory_space<smem>>
    %mul3A_141 = arith.constant 1.000000e+01 : f32
    %mul3A_142 = arith.mulf %mul3A_141, %get3A_140 : f32
    %div3A_143 = arith.divf %mul3A_142, %max3A_111 : f32
    %exp3A = math.exp %div3A_143 : f32
    %min3A = arith.constant 3.40282347E+38 : f32
    %min3A_144 = arith.minimumf %exp3A, %min3A : f32
    %get3A_145 = arith.constant 0 : index
    %get3A_146 = arith.constant 9 : index
    %get3A_147 = memref.load %arg5[%get3A_145, %get3A_146] : memref<1x64xf32, #tpu.memory_space<smem>>
    %mul3A_148 = arith.constant 1.000000e+01 : f32
    %mul3A_149 = arith.mulf %mul3A_148, %get3A_147 : f32
    %div3A_150 = arith.divf %mul3A_149, %max3A_111 : f32
    %exp3A_151 = math.exp %div3A_150 : f32
    %min3A_152 = arith.constant 3.40282347E+38 : f32
    %min3A_153 = arith.minimumf %exp3A_151, %min3A_152 : f32
    %get3A_154 = arith.constant 0 : index
    %get3A_155 = arith.constant 10 : index
    %get3A_156 = memref.load %arg5[%get3A_154, %get3A_155] : memref<1x64xf32, #tpu.memory_space<smem>>
    %mul3A_157 = arith.constant 1.000000e+01 : f32
    %mul3A_158 = arith.mulf %mul3A_157, %get3A_156 : f32
    %div3A_159 = arith.divf %mul3A_158, %max3A_111 : f32
    %exp3A_160 = math.exp %div3A_159 : f32
    %min3A_161 = arith.constant 3.40282347E+38 : f32
    %min3A_162 = arith.minimumf %exp3A_160, %min3A_161 : f32
    %sub3A_163 = vector.broadcast %select_n3A_121 : f32 to vector<512x128xf32>
    %sub3A_164 = arith.subf %add3A_49, %sub3A_163 : vector<512x128xf32>
    %sub3A_165 = vector.broadcast %select_n3A_121 : f32 to vector<512x128xf32>
    %sub3A_166 = arith.subf %add3A_49, %sub3A_165 : vector<512x128xf32>
    %mul3A_167 = arith.mulf %sub3A_164, %sub3A_166 : vector<512x128xf32>
    %mul3A_168 = vector.broadcast %min3A_144 : f32 to vector<512x128xf32>
    %mul3A_169 = arith.mulf %mul3A_167, %mul3A_168 : vector<512x128xf32>
    %sub3A_170 = vector.broadcast %select_n3A_129 : f32 to vector<512x128xf32>
    %sub3A_171 = arith.subf %add3A_57, %sub3A_170 : vector<512x128xf32>
    %sub3A_172 = vector.broadcast %select_n3A_129 : f32 to vector<512x128xf32>
    %sub3A_173 = arith.subf %add3A_57, %sub3A_172 : vector<512x128xf32>
    %mul3A_174 = arith.mulf %sub3A_171, %sub3A_173 : vector<512x128xf32>
    %mul3A_175 = vector.broadcast %min3A_153 : f32 to vector<512x128xf32>
    %mul3A_176 = arith.mulf %mul3A_174, %mul3A_175 : vector<512x128xf32>
    %add3A_177 = arith.addf %mul3A_169, %mul3A_176 : vector<512x128xf32>
    %sub3A_178 = vector.broadcast %select_n3A_137 : f32 to vector<512x128xf32>
    %sub3A_179 = arith.subf %add3A_65, %sub3A_178 : vector<512x128xf32>
    %sub3A_180 = vector.broadcast %select_n3A_137 : f32 to vector<512x128xf32>
    %sub3A_181 = arith.subf %add3A_65, %sub3A_180 : vector<512x128xf32>
    %mul3A_182 = arith.mulf %sub3A_179, %sub3A_181 : vector<512x128xf32>
    %mul3A_183 = vector.broadcast %min3A_162 : f32 to vector<512x128xf32>
    %mul3A_184 = arith.mulf %mul3A_182, %mul3A_183 : vector<512x128xf32>
    %add3A_185 = arith.addf %add3A_177, %mul3A_184 : vector<512x128xf32>
    %neg3A = arith.constant 0.000000e+00 : f32
    %neg3A_186 = vector.broadcast %neg3A : f32 to vector<512x128xf32>
    %neg3A_187 = arith.subf %neg3A_186, %add3A_185 : vector<512x128xf32>
    %exp3A_188 = math.exp %neg3A_187 : vector<512x128xf32>
    %eq3A_189 = arith.constant 1 : i32
    %eq3A_190 = vector.broadcast %eq3A_189 : i32 to vector<512x128xi32>
    %eq3A_191 = arith.cmpi eq, %get3A_81, %eq3A_190 : vector<512x128xi32>
    %convert_element_type3A_192 = arith.extui %eq3A_191 : vector<512x128xi1> to vector<512x128xi32>
    %convert_element_type3A_193 = arith.sitofp %convert_element_type3A_192 : vector<512x128xi32> to vector<512x128xf32>
    %sub3A_194 = arith.subf %logistic3A_76, %exp3A_188 : vector<512x128xf32>
    %get3A_195 = arith.constant 0 : index
    %get3A_196 = memref.load %arg8[%get3A_195] : memref<8xf32, #tpu.memory_space<smem>>
    %mul3A_197 = arith.mulf %sub3A_194, %sub3A_194 : vector<512x128xf32>
    %mul3A_198 = arith.mulf %mul3A_197, %convert_element_type3A_193 : vector<512x128xf32>
    %reduce_sum3A_199 = vector.shape_cast %mul3A_198 : vector<512x128xf32> to vector<1x512x128xf32>
    %reduce_sum3A_200 = arith.constant dense<0.000000e+00> : vector<1xf32>
    %reduce_sum3A_201 = vector.multi_reduction <add>, %reduce_sum3A_199, %reduce_sum3A_200 [1, 2] : vector<1x512x128xf32> to vector<1xf32>
    %reduce_sum3A_202 = vector.shape_cast %reduce_sum3A_201 : vector<1xf32> to vector<1x1x1xf32>
    %reduce_sum3A_203 = vector.extract %reduce_sum3A_202[0, 0, 0] : f32 from vector<1x1x1xf32>
    %add3A_204 = arith.addf %get3A_196, %reduce_sum3A_203 : f32
    %swap3A_205 = arith.constant 0 : index
    %swap3A_206 = memref.load %arg8[%swap3A_205] : memref<8xf32, #tpu.memory_space<smem>>
    memref.store %add3A_204, %arg8[%swap3A_205] : memref<8xf32, #tpu.memory_space<smem>>
    %mul3A_207 = arith.constant 2.048000e+03 : f32
    %mul3A_208 = vector.broadcast %mul3A_207 : f32 to vector<512x128xf32>
    %mul3A_209 = arith.mulf %mul3A_208, %exp3A_188 : vector<512x128xf32>
    %sub3A_210 = arith.constant 2.048000e+03 : f32
    %sub3A_211 = vector.broadcast %sub3A_210 : f32 to vector<512x128xf32>
    %sub3A_212 = arith.subf %sub3A_211, %mul3A_209 : vector<512x128xf32>
    %mul3A_213 = arith.constant 2.048000e+03 : f32
    %mul3A_214 = vector.broadcast %mul3A_213 : f32 to vector<512x128xf32>
    %mul3A_215 = arith.mulf %mul3A_214, %exp3A_188 : vector<512x128xf32>
    %select_n3A_216 = arith.select %eq3A_191, %sub3A_212, %mul3A_215 : vector<512x128xi1>, vector<512x128xf32>
    %floor3A = math.floor %select_n3A_216 : vector<512x128xf32>
    %convert_element_type3A_217 = arith.fptosi %floor3A : vector<512x128xf32> to vector<512x128xi32>
    %jit3A_218 = arith.constant 0 : i32
    %jit3A_219 = arith.constant 2047 : i32
    %max3A_220 = vector.broadcast %jit3A_218 : i32 to vector<512x128xi32>
    %max3A_221 = arith.maxsi %max3A_220, %convert_element_type3A_217 : vector<512x128xi32>
    %min3A_222 = vector.broadcast %jit3A_219 : i32 to vector<512x128xi32>
    %min3A_223 = arith.minsi %min3A_222, %max3A_221 : vector<512x128xi32>
    %jit3A_224 = arith.constant 2048 : i32
    %jit3A_225 = arith.constant 0 : i32
    %broadcast_in_dim3A = vector.broadcast %jit3A_224 : i32 to vector<512x128xi32>
    %broadcast_in_dim3A_226 = vector.broadcast %jit3A_225 : i32 to vector<512x128xi32>
    %select_n3A_227 = arith.select %eq3A_191, %broadcast_in_dim3A, %broadcast_in_dim3A_226 : vector<512x128xi1>, vector<512x128xi32>
    %add3A_228 = arith.addi %min3A_223, %select_n3A_227 : vector<512x128xi32>
    %swap3A_229 = arith.constant 0 : index
    %swap3A_230 = arith.constant 0 : index
    %swap3A_231 = arith.constant 0 : index
    %swap3A_232 = vector.load %arg6[%swap3A_229, %swap3A_230, %swap3A_231] : memref<4x512x128xi32, #tpu.memory_space<vmem>>, vector<1x512x128xi32>
    %swap3A_233 = vector.shape_cast %swap3A_232 : vector<1x512x128xi32> to vector<512x128xi32>
    %swap3A_234 = vector.shape_cast %add3A_228 : vector<512x128xi32> to vector<1x512x128xi32>
    tpu.vector_store %arg6[%swap3A_229, %swap3A_230, %swap3A_231], %swap3A_234 {strides = array<i32>} : memref<4x512x128xi32, #tpu.memory_space<vmem>>, vector<1x512x128xi32>,
    %get3A_235 = arith.constant 0 : index
    %get3A_236 = arith.constant 14 : index
    %get3A_237 = memref.load %arg5[%get3A_235, %get3A_236] : memref<1x64xf32, #tpu.memory_space<smem>>
    %get3A_238 = arith.constant 0 : index
    %get3A_239 = arith.constant 15 : index
    %get3A_240 = memref.load %arg5[%get3A_238, %get3A_239] : memref<1x64xf32, #tpu.memory_space<smem>>
    %max3A_241 = arith.constant 1.000000e+00 : f32
    %max3A_242 = arith.maximumf %get3A_237, %max3A_241 : f32
    %eq3A_243 = arith.constant 1.000000e+00 : f32
    %eq3A_244 = arith.cmpf oeq, %get3A_240, %eq3A_243 : f32
    %get3A_245 = arith.constant 0 : index
    %get3A_246 = arith.constant 16 : index
    %get3A_247 = memref.load %arg5[%get3A_245, %get3A_246] : memref<1x64xf32, #tpu.memory_space<smem>>
    %get3A_248 = arith.constant 0 : index
    %get3A_249 = arith.constant 19 : index
    %get3A_250 = memref.load %arg5[%get3A_248, %get3A_249] : memref<1x64xf32, #tpu.memory_space<smem>>
    %div3A_251 = arith.divf %get3A_250, %max3A_242 : f32
    %select_n3A_252 = arith.select %eq3A_244, %get3A_247, %div3A_251 : f32
    %get3A_253 = arith.constant 0 : index
    %get3A_254 = arith.constant 17 : index
    %get3A_255 = memref.load %arg5[%get3A_253, %get3A_254] : memref<1x64xf32, #tpu.memory_space<smem>>
    %get3A_256 = arith.constant 0 : index
    %get3A_257 = arith.constant 20 : index
    %get3A_258 = memref.load %arg5[%get3A_256, %get3A_257] : memref<1x64xf32, #tpu.memory_space<smem>>
    %div3A_259 = arith.divf %get3A_258, %max3A_242 : f32
    %select_n3A_260 = arith.select %eq3A_244, %get3A_255, %div3A_259 : f32
    %get3A_261 = arith.constant 0 : index
    %get3A_262 = arith.constant 18 : index
    %get3A_263 = memref.load %arg5[%get3A_261, %get3A_262] : memref<1x64xf32, #tpu.memory_space<smem>>
    %get3A_264 = arith.constant 0 : index
    %get3A_265 = arith.constant 21 : index
    %get3A_266 = memref.load %arg5[%get3A_264, %get3A_265] : memref<1x64xf32, #tpu.memory_space<smem>>
    %div3A_267 = arith.divf %get3A_266, %max3A_242 : f32
    %select_n3A_268 = arith.select %eq3A_244, %get3A_263, %div3A_267 : f32
    %get3A_269 = arith.constant 0 : index
    %get3A_270 = arith.constant 22 : index
    %get3A_271 = memref.load %arg5[%get3A_269, %get3A_270] : memref<1x64xf32, #tpu.memory_space<smem>>
    %mul3A_272 = arith.constant 1.000000e+01 : f32
    %mul3A_273 = arith.mulf %mul3A_272, %get3A_271 : f32
    %div3A_274 = arith.divf %mul3A_273, %max3A_242 : f32
    %exp3A_275 = math.exp %div3A_274 : f32
    %min3A_276 = arith.constant 3.40282347E+38 : f32
    %min3A_277 = arith.minimumf %exp3A_275, %min3A_276 : f32
    %get3A_278 = arith.constant 0 : index
    %get3A_279 = arith.constant 23 : index
    %get3A_280 = memref.load %arg5[%get3A_278, %get3A_279] : memref<1x64xf32, #tpu.memory_space<smem>>
    %mul3A_281 = arith.constant 1.000000e+01 : f32
    %mul3A_282 = arith.mulf %mul3A_281, %get3A_280 : f32
    %div3A_283 = arith.divf %mul3A_282, %max3A_242 : f32
    %exp3A_284 = math.exp %div3A_283 : f32
    %min3A_285 = arith.constant 3.40282347E+38 : f32
    %min3A_286 = arith.minimumf %exp3A_284, %min3A_285 : f32
    %get3A_287 = arith.constant 0 : index
    %get3A_288 = arith.constant 24 : index
    %get3A_289 = memref.load %arg5[%get3A_287, %get3A_288] : memref<1x64xf32, #tpu.memory_space<smem>>
    %mul3A_290 = arith.constant 1.000000e+01 : f32
    %mul3A_291 = arith.mulf %mul3A_290, %get3A_289 : f32
    %div3A_292 = arith.divf %mul3A_291, %max3A_242 : f32
    %exp3A_293 = math.exp %div3A_292 : f32
    %min3A_294 = arith.constant 3.40282347E+38 : f32
    %min3A_295 = arith.minimumf %exp3A_293, %min3A_294 : f32
    %sub3A_296 = vector.broadcast %select_n3A_252 : f32 to vector<512x128xf32>
    %sub3A_297 = arith.subf %add3A_49, %sub3A_296 : vector<512x128xf32>
    %sub3A_298 = vector.broadcast %select_n3A_252 : f32 to vector<512x128xf32>
    %sub3A_299 = arith.subf %add3A_49, %sub3A_298 : vector<512x128xf32>
    %mul3A_300 = arith.mulf %sub3A_297, %sub3A_299 : vector<512x128xf32>
    %mul3A_301 = vector.broadcast %min3A_277 : f32 to vector<512x128xf32>
    %mul3A_302 = arith.mulf %mul3A_300, %mul3A_301 : vector<512x128xf32>
    %sub3A_303 = vector.broadcast %select_n3A_260 : f32 to vector<512x128xf32>
    %sub3A_304 = arith.subf %add3A_57, %sub3A_303 : vector<512x128xf32>
    %sub3A_305 = vector.broadcast %select_n3A_260 : f32 to vector<512x128xf32>
    %sub3A_306 = arith.subf %add3A_57, %sub3A_305 : vector<512x128xf32>
    %mul3A_307 = arith.mulf %sub3A_304, %sub3A_306 : vector<512x128xf32>
    %mul3A_308 = vector.broadcast %min3A_286 : f32 to vector<512x128xf32>
    %mul3A_309 = arith.mulf %mul3A_307, %mul3A_308 : vector<512x128xf32>
    %add3A_310 = arith.addf %mul3A_302, %mul3A_309 : vector<512x128xf32>
    %sub3A_311 = vector.broadcast %select_n3A_268 : f32 to vector<512x128xf32>
    %sub3A_312 = arith.subf %add3A_65, %sub3A_311 : vector<512x128xf32>
    %sub3A_313 = vector.broadcast %select_n3A_268 : f32 to vector<512x128xf32>
    %sub3A_314 = arith.subf %add3A_65, %sub3A_313 : vector<512x128xf32>
    %mul3A_315 = arith.mulf %sub3A_312, %sub3A_314 : vector<512x128xf32>
    %mul3A_316 = vector.broadcast %min3A_295 : f32 to vector<512x128xf32>
    %mul3A_317 = arith.mulf %mul3A_315, %mul3A_316 : vector<512x128xf32>
    %add3A_318 = arith.addf %add3A_310, %mul3A_317 : vector<512x128xf32>
    %neg3A_319 = arith.constant 0.000000e+00 : f32
    %neg3A_320 = vector.broadcast %neg3A_319 : f32 to vector<512x128xf32>
    %neg3A_321 = arith.subf %neg3A_320, %add3A_318 : vector<512x128xf32>
    %exp3A_322 = math.exp %neg3A_321 : vector<512x128xf32>
    %eq3A_323 = arith.constant 2 : i32
    %eq3A_324 = vector.broadcast %eq3A_323 : i32 to vector<512x128xi32>
    %eq3A_325 = arith.cmpi eq, %get3A_81, %eq3A_324 : vector<512x128xi32>
    %convert_element_type3A_326 = arith.extui %eq3A_325 : vector<512x128xi1> to vector<512x128xi32>
    %convert_element_type3A_327 = arith.sitofp %convert_element_type3A_326 : vector<512x128xi32> to vector<512x128xf32>
    %sub3A_328 = arith.subf %logistic3A_76, %exp3A_322 : vector<512x128xf32>
    %get3A_329 = arith.constant 1 : index
    %get3A_330 = memref.load %arg8[%get3A_329] : memref<8xf32, #tpu.memory_space<smem>>
    %mul3A_331 = arith.mulf %sub3A_328, %sub3A_328 : vector<512x128xf32>
    %mul3A_332 = arith.mulf %mul3A_331, %convert_element_type3A_327 : vector<512x128xf32>
    %reduce_sum3A_333 = vector.shape_cast %mul3A_332 : vector<512x128xf32> to vector<1x512x128xf32>
    %reduce_sum3A_334 = arith.constant dense<0.000000e+00> : vector<1xf32>
    %reduce_sum3A_335 = vector.multi_reduction <add>, %reduce_sum3A_333, %reduce_sum3A_334 [1, 2] : vector<1x512x128xf32> to vector<1xf32>
    %reduce_sum3A_336 = vector.shape_cast %reduce_sum3A_335 : vector<1xf32> to vector<1x1x1xf32>
    %reduce_sum3A_337 = vector.extract %reduce_sum3A_336[0, 0, 0] : f32 from vector<1x1x1xf32>
    %add3A_338 = arith.addf %get3A_330, %reduce_sum3A_337 : f32
    %swap3A_339 = arith.constant 1 : index
    %swap3A_340 = memref.load %arg8[%swap3A_339] : memref<8xf32, #tpu.memory_space<smem>>
    memref.store %add3A_338, %arg8[%swap3A_339] : memref<8xf32, #tpu.memory_space<smem>>
    %mul3A_341 = arith.constant 2.048000e+03 : f32
    %mul3A_342 = vector.broadcast %mul3A_341 : f32 to vector<512x128xf32>
    %mul3A_343 = arith.mulf %mul3A_342, %exp3A_322 : vector<512x128xf32>
    %sub3A_344 = arith.constant 2.048000e+03 : f32
    %sub3A_345 = vector.broadcast %sub3A_344 : f32 to vector<512x128xf32>
    %sub3A_346 = arith.subf %sub3A_345, %mul3A_343 : vector<512x128xf32>
    %mul3A_347 = arith.constant 2.048000e+03 : f32
    %mul3A_348 = vector.broadcast %mul3A_347 : f32 to vector<512x128xf32>
    %mul3A_349 = arith.mulf %mul3A_348, %exp3A_322 : vector<512x128xf32>
    %select_n3A_350 = arith.select %eq3A_325, %sub3A_346, %mul3A_349 : vector<512x128xi1>, vector<512x128xf32>
    %floor3A_351 = math.floor %select_n3A_350 : vector<512x128xf32>
    %convert_element_type3A_352 = arith.fptosi %floor3A_351 : vector<512x128xf32> to vector<512x128xi32>
    %jit3A_353 = arith.constant 0 : i32
    %jit3A_354 = arith.constant 2047 : i32
    %max3A_355 = vector.broadcast %jit3A_353 : i32 to vector<512x128xi32>
    %max3A_356 = arith.maxsi %max3A_355, %convert_element_type3A_352 : vector<512x128xi32>
    %min3A_357 = vector.broadcast %jit3A_354 : i32 to vector<512x128xi32>
    %min3A_358 = arith.minsi %min3A_357, %max3A_356 : vector<512x128xi32>
    %jit3A_359 = arith.constant 6144 : i32
    %jit3A_360 = arith.constant 4096 : i32
    %broadcast_in_dim3A_361 = vector.broadcast %jit3A_359 : i32 to vector<512x128xi32>
    %broadcast_in_dim3A_362 = vector.broadcast %jit3A_360 : i32 to vector<512x128xi32>
    %select_n3A_363 = arith.select %eq3A_325, %broadcast_in_dim3A_361, %broadcast_in_dim3A_362 : vector<512x128xi1>, vector<512x128xi32>
    %add3A_364 = arith.addi %min3A_358, %select_n3A_363 : vector<512x128xi32>
    %swap3A_365 = arith.constant 1 : index
    %swap3A_366 = arith.constant 0 : index
    %swap3A_367 = arith.constant 0 : index
    %swap3A_368 = vector.load %arg6[%swap3A_365, %swap3A_366, %swap3A_367] : memref<4x512x128xi32, #tpu.memory_space<vmem>>, vector<1x512x128xi32>
    %swap3A_369 = vector.shape_cast %swap3A_368 : vector<1x512x128xi32> to vector<512x128xi32>
    %swap3A_370 = vector.shape_cast %add3A_364 : vector<512x128xi32> to vector<1x512x128xi32>
    tpu.vector_store %arg6[%swap3A_365, %swap3A_366, %swap3A_367], %swap3A_370 {strides = array<i32>} : memref<4x512x128xi32, #tpu.memory_space<vmem>>, vector<1x512x128xi32>,
    %get3A_371 = arith.constant 0 : index
    %get3A_372 = arith.constant 28 : index
    %get3A_373 = memref.load %arg5[%get3A_371, %get3A_372] : memref<1x64xf32, #tpu.memory_space<smem>>
    %get3A_374 = arith.constant 0 : index
    %get3A_375 = arith.constant 29 : index
    %get3A_376 = memref.load %arg5[%get3A_374, %get3A_375] : memref<1x64xf32, #tpu.memory_space<smem>>
    %max3A_377 = arith.constant 1.000000e+00 : f32
    %max3A_378 = arith.maximumf %get3A_373, %max3A_377 : f32
    %eq3A_379 = arith.constant 1.000000e+00 : f32
    %eq3A_380 = arith.cmpf oeq, %get3A_376, %eq3A_379 : f32
    %get3A_381 = arith.constant 0 : index
    %get3A_382 = arith.constant 30 : index
    %get3A_383 = memref.load %arg5[%get3A_381, %get3A_382] : memref<1x64xf32, #tpu.memory_space<smem>>
    %get3A_384 = arith.constant 0 : index
    %get3A_385 = arith.constant 33 : index
    %get3A_386 = memref.load %arg5[%get3A_384, %get3A_385] : memref<1x64xf32, #tpu.memory_space<smem>>
    %div3A_387 = arith.divf %get3A_386, %max3A_378 : f32
    %select_n3A_388 = arith.select %eq3A_380, %get3A_383, %div3A_387 : f32
    %get3A_389 = arith.constant 0 : index
    %get3A_390 = arith.constant 31 : index
    %get3A_391 = memref.load %arg5[%get3A_389, %get3A_390] : memref<1x64xf32, #tpu.memory_space<smem>>
    %get3A_392 = arith.constant 0 : index
    %get3A_393 = arith.constant 34 : index
    %get3A_394 = memref.load %arg5[%get3A_392, %get3A_393] : memref<1x64xf32, #tpu.memory_space<smem>>
    %div3A_395 = arith.divf %get3A_394, %max3A_378 : f32
    %select_n3A_396 = arith.select %eq3A_380, %get3A_391, %div3A_395 : f32
    %get3A_397 = arith.constant 0 : index
    %get3A_398 = arith.constant 32 : index
    %get3A_399 = memref.load %arg5[%get3A_397, %get3A_398] : memref<1x64xf32, #tpu.memory_space<smem>>
    %get3A_400 = arith.constant 0 : index
    %get3A_401 = arith.constant 35 : index
    %get3A_402 = memref.load %arg5[%get3A_400, %get3A_401] : memref<1x64xf32, #tpu.memory_space<smem>>
    %div3A_403 = arith.divf %get3A_402, %max3A_378 : f32
    %select_n3A_404 = arith.select %eq3A_380, %get3A_399, %div3A_403 : f32
    %get3A_405 = arith.constant 0 : index
    %get3A_406 = arith.constant 36 : index
    %get3A_407 = memref.load %arg5[%get3A_405, %get3A_406] : memref<1x64xf32, #tpu.memory_space<smem>>
    %mul3A_408 = arith.constant 1.000000e+01 : f32
    %mul3A_409 = arith.mulf %mul3A_408, %get3A_407 : f32
    %div3A_410 = arith.divf %mul3A_409, %max3A_378 : f32
    %exp3A_411 = math.exp %div3A_410 : f32
    %min3A_412 = arith.constant 3.40282347E+38 : f32
    %min3A_413 = arith.minimumf %exp3A_411, %min3A_412 : f32
    %get3A_414 = arith.constant 0 : index
    %get3A_415 = arith.constant 37 : index
    %get3A_416 = memref.load %arg5[%get3A_414, %get3A_415] : memref<1x64xf32, #tpu.memory_space<smem>>
    %mul3A_417 = arith.constant 1.000000e+01 : f32
    %mul3A_418 = arith.mulf %mul3A_417, %get3A_416 : f32
    %div3A_419 = arith.divf %mul3A_418, %max3A_378 : f32
    %exp3A_420 = math.exp %div3A_419 : f32
    %min3A_421 = arith.constant 3.40282347E+38 : f32
    %min3A_422 = arith.minimumf %exp3A_420, %min3A_421 : f32
    %get3A_423 = arith.constant 0 : index
    %get3A_424 = arith.constant 38 : index
    %get3A_425 = memref.load %arg5[%get3A_423, %get3A_424] : memref<1x64xf32, #tpu.memory_space<smem>>
    %mul3A_426 = arith.constant 1.000000e+01 : f32
    %mul3A_427 = arith.mulf %mul3A_426, %get3A_425 : f32
    %div3A_428 = arith.divf %mul3A_427, %max3A_378 : f32
    %exp3A_429 = math.exp %div3A_428 : f32
    %min3A_430 = arith.constant 3.40282347E+38 : f32
    %min3A_431 = arith.minimumf %exp3A_429, %min3A_430 : f32
    %sub3A_432 = vector.broadcast %select_n3A_388 : f32 to vector<512x128xf32>
    %sub3A_433 = arith.subf %add3A_49, %sub3A_432 : vector<512x128xf32>
    %sub3A_434 = vector.broadcast %select_n3A_388 : f32 to vector<512x128xf32>
    %sub3A_435 = arith.subf %add3A_49, %sub3A_434 : vector<512x128xf32>
    %mul3A_436 = arith.mulf %sub3A_433, %sub3A_435 : vector<512x128xf32>
    %mul3A_437 = vector.broadcast %min3A_413 : f32 to vector<512x128xf32>
    %mul3A_438 = arith.mulf %mul3A_436, %mul3A_437 : vector<512x128xf32>
    %sub3A_439 = vector.broadcast %select_n3A_396 : f32 to vector<512x128xf32>
    %sub3A_440 = arith.subf %add3A_57, %sub3A_439 : vector<512x128xf32>
    %sub3A_441 = vector.broadcast %select_n3A_396 : f32 to vector<512x128xf32>
    %sub3A_442 = arith.subf %add3A_57, %sub3A_441 : vector<512x128xf32>
    %mul3A_443 = arith.mulf %sub3A_440, %sub3A_442 : vector<512x128xf32>
    %mul3A_444 = vector.broadcast %min3A_422 : f32 to vector<512x128xf32>
    %mul3A_445 = arith.mulf %mul3A_443, %mul3A_444 : vector<512x128xf32>
    %add3A_446 = arith.addf %mul3A_438, %mul3A_445 : vector<512x128xf32>
    %sub3A_447 = vector.broadcast %select_n3A_404 : f32 to vector<512x128xf32>
    %sub3A_448 = arith.subf %add3A_65, %sub3A_447 : vector<512x128xf32>
    %sub3A_449 = vector.broadcast %select_n3A_404 : f32 to vector<512x128xf32>
    %sub3A_450 = arith.subf %add3A_65, %sub3A_449 : vector<512x128xf32>
    %mul3A_451 = arith.mulf %sub3A_448, %sub3A_450 : vector<512x128xf32>
    %mul3A_452 = vector.broadcast %min3A_431 : f32 to vector<512x128xf32>
    %mul3A_453 = arith.mulf %mul3A_451, %mul3A_452 : vector<512x128xf32>
    %add3A_454 = arith.addf %add3A_446, %mul3A_453 : vector<512x128xf32>
    %neg3A_455 = arith.constant 0.000000e+00 : f32
    %neg3A_456 = vector.broadcast %neg3A_455 : f32 to vector<512x128xf32>
    %neg3A_457 = arith.subf %neg3A_456, %add3A_454 : vector<512x128xf32>
    %exp3A_458 = math.exp %neg3A_457 : vector<512x128xf32>
    %eq3A_459 = arith.constant 3 : i32
    %eq3A_460 = vector.broadcast %eq3A_459 : i32 to vector<512x128xi32>
    %eq3A_461 = arith.cmpi eq, %get3A_81, %eq3A_460 : vector<512x128xi32>
    %convert_element_type3A_462 = arith.extui %eq3A_461 : vector<512x128xi1> to vector<512x128xi32>
    %convert_element_type3A_463 = arith.sitofp %convert_element_type3A_462 : vector<512x128xi32> to vector<512x128xf32>
    %sub3A_464 = arith.subf %logistic3A_76, %exp3A_458 : vector<512x128xf32>
    %get3A_465 = arith.constant 2 : index
    %get3A_466 = memref.load %arg8[%get3A_465] : memref<8xf32, #tpu.memory_space<smem>>
    %mul3A_467 = arith.mulf %sub3A_464, %sub3A_464 : vector<512x128xf32>
    %mul3A_468 = arith.mulf %mul3A_467, %convert_element_type3A_463 : vector<512x128xf32>
    %reduce_sum3A_469 = vector.shape_cast %mul3A_468 : vector<512x128xf32> to vector<1x512x128xf32>
    %reduce_sum3A_470 = arith.constant dense<0.000000e+00> : vector<1xf32>
    %reduce_sum3A_471 = vector.multi_reduction <add>, %reduce_sum3A_469, %reduce_sum3A_470 [1, 2] : vector<1x512x128xf32> to vector<1xf32>
    %reduce_sum3A_472 = vector.shape_cast %reduce_sum3A_471 : vector<1xf32> to vector<1x1x1xf32>
    %reduce_sum3A_473 = vector.extract %reduce_sum3A_472[0, 0, 0] : f32 from vector<1x1x1xf32>
    %add3A_474 = arith.addf %get3A_466, %reduce_sum3A_473 : f32
    %swap3A_475 = arith.constant 2 : index
    %swap3A_476 = memref.load %arg8[%swap3A_475] : memref<8xf32, #tpu.memory_space<smem>>
    memref.store %add3A_474, %arg8[%swap3A_475] : memref<8xf32, #tpu.memory_space<smem>>
    %mul3A_477 = arith.constant 2.048000e+03 : f32
    %mul3A_478 = vector.broadcast %mul3A_477 : f32 to vector<512x128xf32>
    %mul3A_479 = arith.mulf %mul3A_478, %exp3A_458 : vector<512x128xf32>
    %sub3A_480 = arith.constant 2.048000e+03 : f32
    %sub3A_481 = vector.broadcast %sub3A_480 : f32 to vector<512x128xf32>
    %sub3A_482 = arith.subf %sub3A_481, %mul3A_479 : vector<512x128xf32>
    %mul3A_483 = arith.constant 2.048000e+03 : f32
    %mul3A_484 = vector.broadcast %mul3A_483 : f32 to vector<512x128xf32>
    %mul3A_485 = arith.mulf %mul3A_484, %exp3A_458 : vector<512x128xf32>
    %select_n3A_486 = arith.select %eq3A_461, %sub3A_482, %mul3A_485 : vector<512x128xi1>, vector<512x128xf32>
    %floor3A_487 = math.floor %select_n3A_486 : vector<512x128xf32>
    %convert_element_type3A_488 = arith.fptosi %floor3A_487 : vector<512x128xf32> to vector<512x128xi32>
    %jit3A_489 = arith.constant 0 : i32
    %jit3A_490 = arith.constant 2047 : i32
    %max3A_491 = vector.broadcast %jit3A_489 : i32 to vector<512x128xi32>
    %max3A_492 = arith.maxsi %max3A_491, %convert_element_type3A_488 : vector<512x128xi32>
    %min3A_493 = vector.broadcast %jit3A_490 : i32 to vector<512x128xi32>
    %min3A_494 = arith.minsi %min3A_493, %max3A_492 : vector<512x128xi32>
    %jit3A_495 = arith.constant 10240 : i32
    %jit3A_496 = arith.constant 8192 : i32
    %broadcast_in_dim3A_497 = vector.broadcast %jit3A_495 : i32 to vector<512x128xi32>
    %broadcast_in_dim3A_498 = vector.broadcast %jit3A_496 : i32 to vector<512x128xi32>
    %select_n3A_499 = arith.select %eq3A_461, %broadcast_in_dim3A_497, %broadcast_in_dim3A_498 : vector<512x128xi1>, vector<512x128xi32>
    %add3A_500 = arith.addi %min3A_494, %select_n3A_499 : vector<512x128xi32>
    %swap3A_501 = arith.constant 2 : index
    %swap3A_502 = arith.constant 0 : index
    %swap3A_503 = arith.constant 0 : index
    %swap3A_504 = vector.load %arg6[%swap3A_501, %swap3A_502, %swap3A_503] : memref<4x512x128xi32, #tpu.memory_space<vmem>>, vector<1x512x128xi32>
    %swap3A_505 = vector.shape_cast %swap3A_504 : vector<1x512x128xi32> to vector<512x128xi32>
    %swap3A_506 = vector.shape_cast %add3A_500 : vector<512x128xi32> to vector<1x512x128xi32>
    tpu.vector_store %arg6[%swap3A_501, %swap3A_502, %swap3A_503], %swap3A_506 {strides = array<i32>} : memref<4x512x128xi32, #tpu.memory_space<vmem>>, vector<1x512x128xi32>,
    %get3A_507 = arith.constant 0 : index
    %get3A_508 = arith.constant 42 : index
    %get3A_509 = memref.load %arg5[%get3A_507, %get3A_508] : memref<1x64xf32, #tpu.memory_space<smem>>
    %get3A_510 = arith.constant 0 : index
    %get3A_511 = arith.constant 43 : index
    %get3A_512 = memref.load %arg5[%get3A_510, %get3A_511] : memref<1x64xf32, #tpu.memory_space<smem>>
    %max3A_513 = arith.constant 1.000000e+00 : f32
    %max3A_514 = arith.maximumf %get3A_509, %max3A_513 : f32
    %eq3A_515 = arith.constant 1.000000e+00 : f32
    %eq3A_516 = arith.cmpf oeq, %get3A_512, %eq3A_515 : f32
    %get3A_517 = arith.constant 0 : index
    %get3A_518 = arith.constant 44 : index
    %get3A_519 = memref.load %arg5[%get3A_517, %get3A_518] : memref<1x64xf32, #tpu.memory_space<smem>>
    %get3A_520 = arith.constant 0 : index
    %get3A_521 = arith.constant 47 : index
    %get3A_522 = memref.load %arg5[%get3A_520, %get3A_521] : memref<1x64xf32, #tpu.memory_space<smem>>
    %div3A_523 = arith.divf %get3A_522, %max3A_514 : f32
    %select_n3A_524 = arith.select %eq3A_516, %get3A_519, %div3A_523 : f32
    %get3A_525 = arith.constant 0 : index
    %get3A_526 = arith.constant 45 : index
    %get3A_527 = memref.load %arg5[%get3A_525, %get3A_526] : memref<1x64xf32, #tpu.memory_space<smem>>
    %get3A_528 = arith.constant 0 : index
    %get3A_529 = arith.constant 48 : index
    %get3A_530 = memref.load %arg5[%get3A_528, %get3A_529] : memref<1x64xf32, #tpu.memory_space<smem>>
    %div3A_531 = arith.divf %get3A_530, %max3A_514 : f32
    %select_n3A_532 = arith.select %eq3A_516, %get3A_527, %div3A_531 : f32
    %get3A_533 = arith.constant 0 : index
    %get3A_534 = arith.constant 46 : index
    %get3A_535 = memref.load %arg5[%get3A_533, %get3A_534] : memref<1x64xf32, #tpu.memory_space<smem>>
    %get3A_536 = arith.constant 0 : index
    %get3A_537 = arith.constant 49 : index
    %get3A_538 = memref.load %arg5[%get3A_536, %get3A_537] : memref<1x64xf32, #tpu.memory_space<smem>>
    %div3A_539 = arith.divf %get3A_538, %max3A_514 : f32
    %select_n3A_540 = arith.select %eq3A_516, %get3A_535, %div3A_539 : f32
    %get3A_541 = arith.constant 0 : index
    %get3A_542 = arith.constant 50 : index
    %get3A_543 = memref.load %arg5[%get3A_541, %get3A_542] : memref<1x64xf32, #tpu.memory_space<smem>>
    %mul3A_544 = arith.constant 1.000000e+01 : f32
    %mul3A_545 = arith.mulf %mul3A_544, %get3A_543 : f32
    %div3A_546 = arith.divf %mul3A_545, %max3A_514 : f32
    %exp3A_547 = math.exp %div3A_546 : f32
    %min3A_548 = arith.constant 3.40282347E+38 : f32
    %min3A_549 = arith.minimumf %exp3A_547, %min3A_548 : f32
    %get3A_550 = arith.constant 0 : index
    %get3A_551 = arith.constant 51 : index
    %get3A_552 = memref.load %arg5[%get3A_550, %get3A_551] : memref<1x64xf32, #tpu.memory_space<smem>>
    %mul3A_553 = arith.constant 1.000000e+01 : f32
    %mul3A_554 = arith.mulf %mul3A_553, %get3A_552 : f32
    %div3A_555 = arith.divf %mul3A_554, %max3A_514 : f32
    %exp3A_556 = math.exp %div3A_555 : f32
    %min3A_557 = arith.constant 3.40282347E+38 : f32
    %min3A_558 = arith.minimumf %exp3A_556, %min3A_557 : f32
    %get3A_559 = arith.constant 0 : index
    %get3A_560 = arith.constant 52 : index
    %get3A_561 = memref.load %arg5[%get3A_559, %get3A_560] : memref<1x64xf32, #tpu.memory_space<smem>>
    %mul3A_562 = arith.constant 1.000000e+01 : f32
    %mul3A_563 = arith.mulf %mul3A_562, %get3A_561 : f32
    %div3A_564 = arith.divf %mul3A_563, %max3A_514 : f32
    %exp3A_565 = math.exp %div3A_564 : f32
    %min3A_566 = arith.constant 3.40282347E+38 : f32
    %min3A_567 = arith.minimumf %exp3A_565, %min3A_566 : f32
    %sub3A_568 = vector.broadcast %select_n3A_524 : f32 to vector<512x128xf32>
    %sub3A_569 = arith.subf %add3A_49, %sub3A_568 : vector<512x128xf32>
    %sub3A_570 = vector.broadcast %select_n3A_524 : f32 to vector<512x128xf32>
    %sub3A_571 = arith.subf %add3A_49, %sub3A_570 : vector<512x128xf32>
    %mul3A_572 = arith.mulf %sub3A_569, %sub3A_571 : vector<512x128xf32>
    %mul3A_573 = vector.broadcast %min3A_549 : f32 to vector<512x128xf32>
    %mul3A_574 = arith.mulf %mul3A_572, %mul3A_573 : vector<512x128xf32>
    %sub3A_575 = vector.broadcast %select_n3A_532 : f32 to vector<512x128xf32>
    %sub3A_576 = arith.subf %add3A_57, %sub3A_575 : vector<512x128xf32>
    %sub3A_577 = vector.broadcast %select_n3A_532 : f32 to vector<512x128xf32>
    %sub3A_578 = arith.subf %add3A_57, %sub3A_577 : vector<512x128xf32>
    %mul3A_579 = arith.mulf %sub3A_576, %sub3A_578 : vector<512x128xf32>
    %mul3A_580 = vector.broadcast %min3A_558 : f32 to vector<512x128xf32>
    %mul3A_581 = arith.mulf %mul3A_579, %mul3A_580 : vector<512x128xf32>
    %add3A_582 = arith.addf %mul3A_574, %mul3A_581 : vector<512x128xf32>
    %sub3A_583 = vector.broadcast %select_n3A_540 : f32 to vector<512x128xf32>
    %sub3A_584 = arith.subf %add3A_65, %sub3A_583 : vector<512x128xf32>
    %sub3A_585 = vector.broadcast %select_n3A_540 : f32 to vector<512x128xf32>
    %sub3A_586 = arith.subf %add3A_65, %sub3A_585 : vector<512x128xf32>
    %mul3A_587 = arith.mulf %sub3A_584, %sub3A_586 : vector<512x128xf32>
    %mul3A_588 = vector.broadcast %min3A_567 : f32 to vector<512x128xf32>
    %mul3A_589 = arith.mulf %mul3A_587, %mul3A_588 : vector<512x128xf32>
    %add3A_590 = arith.addf %add3A_582, %mul3A_589 : vector<512x128xf32>
    %neg3A_591 = arith.constant 0.000000e+00 : f32
    %neg3A_592 = vector.broadcast %neg3A_591 : f32 to vector<512x128xf32>
    %neg3A_593 = arith.subf %neg3A_592, %add3A_590 : vector<512x128xf32>
    %exp3A_594 = math.exp %neg3A_593 : vector<512x128xf32>
    %eq3A_595 = arith.constant 4 : i32
    %eq3A_596 = vector.broadcast %eq3A_595 : i32 to vector<512x128xi32>
    %eq3A_597 = arith.cmpi eq, %get3A_81, %eq3A_596 : vector<512x128xi32>
    %convert_element_type3A_598 = arith.extui %eq3A_597 : vector<512x128xi1> to vector<512x128xi32>
    %convert_element_type3A_599 = arith.sitofp %convert_element_type3A_598 : vector<512x128xi32> to vector<512x128xf32>
    %sub3A_600 = arith.subf %logistic3A_76, %exp3A_594 : vector<512x128xf32>
    %get3A_601 = arith.constant 3 : index
    %get3A_602 = memref.load %arg8[%get3A_601] : memref<8xf32, #tpu.memory_space<smem>>
    %mul3A_603 = arith.mulf %sub3A_600, %sub3A_600 : vector<512x128xf32>
    %mul3A_604 = arith.mulf %mul3A_603, %convert_element_type3A_599 : vector<512x128xf32>
    %reduce_sum3A_605 = vector.shape_cast %mul3A_604 : vector<512x128xf32> to vector<1x512x128xf32>
    %reduce_sum3A_606 = arith.constant dense<0.000000e+00> : vector<1xf32>
    %reduce_sum3A_607 = vector.multi_reduction <add>, %reduce_sum3A_605, %reduce_sum3A_606 [1, 2] : vector<1x512x128xf32> to vector<1xf32>
    %reduce_sum3A_608 = vector.shape_cast %reduce_sum3A_607 : vector<1xf32> to vector<1x1x1xf32>
    %reduce_sum3A_609 = vector.extract %reduce_sum3A_608[0, 0, 0] : f32 from vector<1x1x1xf32>
    %add3A_610 = arith.addf %get3A_602, %reduce_sum3A_609 : f32
    %swap3A_611 = arith.constant 3 : index
    %swap3A_612 = memref.load %arg8[%swap3A_611] : memref<8xf32, #tpu.memory_space<smem>>
    memref.store %add3A_610, %arg8[%swap3A_611] : memref<8xf32, #tpu.memory_space<smem>>
    %mul3A_613 = arith.constant 2.048000e+03 : f32
    %mul3A_614 = vector.broadcast %mul3A_613 : f32 to vector<512x128xf32>
    %mul3A_615 = arith.mulf %mul3A_614, %exp3A_594 : vector<512x128xf32>
    %sub3A_616 = arith.constant 2.048000e+03 : f32
    %sub3A_617 = vector.broadcast %sub3A_616 : f32 to vector<512x128xf32>
    %sub3A_618 = arith.subf %sub3A_617, %mul3A_615 : vector<512x128xf32>
    %mul3A_619 = arith.constant 2.048000e+03 : f32
    %mul3A_620 = vector.broadcast %mul3A_619 : f32 to vector<512x128xf32>
    %mul3A_621 = arith.mulf %mul3A_620, %exp3A_594 : vector<512x128xf32>
    %select_n3A_622 = arith.select %eq3A_597, %sub3A_618, %mul3A_621 : vector<512x128xi1>, vector<512x128xf32>
    %floor3A_623 = math.floor %select_n3A_622 : vector<512x128xf32>
    %convert_element_type3A_624 = arith.fptosi %floor3A_623 : vector<512x128xf32> to vector<512x128xi32>
    %jit3A_625 = arith.constant 0 : i32
    %jit3A_626 = arith.constant 2047 : i32
    %max3A_627 = vector.broadcast %jit3A_625 : i32 to vector<512x128xi32>
    %max3A_628 = arith.maxsi %max3A_627, %convert_element_type3A_624 : vector<512x128xi32>
    %min3A_629 = vector.broadcast %jit3A_626 : i32 to vector<512x128xi32>
    %min3A_630 = arith.minsi %min3A_629, %max3A_628 : vector<512x128xi32>
    %jit3A_631 = arith.constant 14336 : i32
    %jit3A_632 = arith.constant 12288 : i32
    %broadcast_in_dim3A_633 = vector.broadcast %jit3A_631 : i32 to vector<512x128xi32>
    %broadcast_in_dim3A_634 = vector.broadcast %jit3A_632 : i32 to vector<512x128xi32>
    %select_n3A_635 = arith.select %eq3A_597, %broadcast_in_dim3A_633, %broadcast_in_dim3A_634 : vector<512x128xi1>, vector<512x128xi32>
    %add3A_636 = arith.addi %min3A_630, %select_n3A_635 : vector<512x128xi32>
    %swap3A_637 = arith.constant 3 : index
    %swap3A_638 = arith.constant 0 : index
    %swap3A_639 = arith.constant 0 : index
    %swap3A_640 = vector.load %arg6[%swap3A_637, %swap3A_638, %swap3A_639] : memref<4x512x128xi32, #tpu.memory_space<vmem>>, vector<1x512x128xi32>
    %swap3A_641 = vector.shape_cast %swap3A_640 : vector<1x512x128xi32> to vector<512x128xi32>
    %swap3A_642 = vector.shape_cast %add3A_636 : vector<512x128xi32> to vector<1x512x128xi32>
    tpu.vector_store %arg6[%swap3A_637, %swap3A_638, %swap3A_639], %swap3A_642 {strides = array<i32>} : memref<4x512x128xi32, #tpu.memory_space<vmem>>, vector<1x512x128xi32>,
    %eq3A_643 = arith.constant 7 : i32
    %eq3A_644 = arith.cmpi eq, %arg0, %eq3A_643 : i32
    %convert_element_type3A_645 = arith.extui %eq3A_644 : i1 to i32
    %cond3A_646 = arith.constant 0 : i32
    %cond3A_647 = arith.cmpi ne, %convert_element_type3A_645, %cond3A_646 : i32
    scf.if %cond3A_647 {
      %get3A_648 = arith.constant 0 : index
      %get3A_649 = memref.load %arg8[%get3A_648] : memref<8xf32, #tpu.memory_space<smem>>
      %swap3A_650 = arith.constant 0 : index
      %swap3A_651 = arith.constant 0 : index
      %swap3A_652 = memref.load %arg7[%swap3A_650, %swap3A_651] : memref<1x8xf32, #tpu.memory_space<smem>>
      memref.store %get3A_649, %arg7[%swap3A_650, %swap3A_651] : memref<1x8xf32, #tpu.memory_space<smem>>
      %get3A_653 = arith.constant 1 : index
      %get3A_654 = memref.load %arg8[%get3A_653] : memref<8xf32, #tpu.memory_space<smem>>
      %swap3A_655 = arith.constant 0 : index
      %swap3A_656 = arith.constant 1 : index
      %swap3A_657 = memref.load %arg7[%swap3A_655, %swap3A_656] : memref<1x8xf32, #tpu.memory_space<smem>>
      memref.store %get3A_654, %arg7[%swap3A_655, %swap3A_656] : memref<1x8xf32, #tpu.memory_space<smem>>
      %get3A_658 = arith.constant 2 : index
      %get3A_659 = memref.load %arg8[%get3A_658] : memref<8xf32, #tpu.memory_space<smem>>
      %swap3A_660 = arith.constant 0 : index
      %swap3A_661 = arith.constant 2 : index
      %swap3A_662 = memref.load %arg7[%swap3A_660, %swap3A_661] : memref<1x8xf32, #tpu.memory_space<smem>>
      memref.store %get3A_659, %arg7[%swap3A_660, %swap3A_661] : memref<1x8xf32, #tpu.memory_space<smem>>
      %get3A_663 = arith.constant 3 : index
      %get3A_664 = memref.load %arg8[%get3A_663] : memref<8xf32, #tpu.memory_space<smem>>
      %swap3A_665 = arith.constant 0 : index
      %swap3A_666 = arith.constant 3 : index
      %swap3A_667 = memref.load %arg7[%swap3A_665, %swap3A_666] : memref<1x8xf32, #tpu.memory_space<smem>>
      memref.store %get3A_664, %arg7[%swap3A_665, %swap3A_666] : memref<1x8xf32, #tpu.memory_space<smem>>
      %get3A_668 = arith.constant 4 : index
      %get3A_669 = memref.load %arg8[%get3A_668] : memref<8xf32, #tpu.memory_space<smem>>
      %swap3A_670 = arith.constant 0 : index
      %swap3A_671 = arith.constant 4 : index
      %swap3A_672 = memref.load %arg7[%swap3A_670, %swap3A_671] : memref<1x8xf32, #tpu.memory_space<smem>>
      memref.store %get3A_669, %arg7[%swap3A_670, %swap3A_671] : memref<1x8xf32, #tpu.memory_space<smem>>
      %get3A_673 = arith.constant 5 : index
      %get3A_674 = memref.load %arg8[%get3A_673] : memref<8xf32, #tpu.memory_space<smem>>
      %swap3A_675 = arith.constant 0 : index
      %swap3A_676 = arith.constant 5 : index
      %swap3A_677 = memref.load %arg7[%swap3A_675, %swap3A_676] : memref<1x8xf32, #tpu.memory_space<smem>>
      memref.store %get3A_674, %arg7[%swap3A_675, %swap3A_676] : memref<1x8xf32, #tpu.memory_space<smem>>
      %get3A_678 = arith.constant 6 : index
      %get3A_679 = memref.load %arg8[%get3A_678] : memref<8xf32, #tpu.memory_space<smem>>
      %swap3A_680 = arith.constant 0 : index
      %swap3A_681 = arith.constant 6 : index
      %swap3A_682 = memref.load %arg7[%swap3A_680, %swap3A_681] : memref<1x8xf32, #tpu.memory_space<smem>>
      memref.store %get3A_679, %arg7[%swap3A_680, %swap3A_681] : memref<1x8xf32, #tpu.memory_space<smem>>
      %get3A_683 = arith.constant 7 : index
      %get3A_684 = memref.load %arg8[%get3A_683] : memref<8xf32, #tpu.memory_space<smem>>
      %swap3A_685 = arith.constant 0 : index
      %swap3A_686 = arith.constant 7 : index
      %swap3A_687 = memref.load %arg7[%swap3A_685, %swap3A_686] : memref<1x8xf32, #tpu.memory_space<smem>>
      memref.store %get3A_684, %arg7[%swap3A_685, %swap3A_686] : memref<1x8xf32, #tpu.memory_space<smem>>
    } else {
    }
    return
  }
  func.func @transform_0(%arg0: i32) -> (i32, i32, i32, i32) {
    %c0_i32 = arith.constant 0 : i32
    %c0_i32_0 = arith.constant 0 : i32
    %c0_i32_1 = arith.constant 0 : i32
    %c0_i32_2 = arith.constant 0 : i32
    return %c0_i32, %c0_i32_0, %arg0, %c0_i32_1 : i32, i32, i32, i32
  }
  func.func @transform_1(%arg0: i32) -> (i32, i32, i32, i32) {
    %c0_i32 = arith.constant 0 : i32
    %c6_i32 = arith.constant 6 : i32
    %c0_i32_0 = arith.constant 0 : i32
    %c0_i32_1 = arith.constant 0 : i32
    return %c0_i32, %c6_i32, %arg0, %c0_i32_0 : i32, i32, i32, i32
  }
  func.func @transform_2(%arg0: i32) -> (i32, i32, i32) {
    %c0_i32 = arith.constant 0 : i32
    %c0_i32_0 = arith.constant 0 : i32
    %c0_i32_1 = arith.constant 0 : i32
    return %c0_i32, %arg0, %c0_i32_0 : i32, i32, i32
  }
  func.func @transform_3(%arg0: i32) -> (i32, i32, i32) {
    %c0_i32 = arith.constant 0 : i32
    %c0_i32_0 = arith.constant 0 : i32
    %c0_i32_1 = arith.constant 0 : i32
    return %c0_i32, %arg0, %c0_i32_0 : i32, i32, i32
  }
  func.func @transform_4(%arg0: i32) -> (i32, i32) {
    %c0_i32 = arith.constant 0 : i32
    %c0_i32_0 = arith.constant 0 : i32
    %c0_i32_1 = arith.constant 0 : i32
    return %c0_i32, %c0_i32_0 : i32, i32
  }
  func.func @transform_5(%arg0: i32) -> (i32, i32, i32) {
    %c0_i32 = arith.constant 0 : i32
    %c0_i32_0 = arith.constant 0 : i32
    %c0_i32_1 = arith.constant 0 : i32
    return %c0_i32, %arg0, %c0_i32_0 : i32, i32, i32
  }
  func.func @transform_6(%arg0: i32) -> (i32, i32) {
    %c0_i32 = arith.constant 0 : i32
    %c0_i32_0 = arith.constant 0 : i32
    %c0_i32_1 = arith.constant 0 : i32
    return %c0_i32, %c0_i32_0 : i32, i32
  }
}

module attributes {stable_mosaic.version = 14 : i64} {
  func.func @_p2_body(%arg0: i32, %arg1: memref<1x3x512x128xf32, #tpu.memory_space<vmem>>, %arg2: memref<1x1x512x128xf32, #tpu.memory_space<vmem>>, %arg3: memref<1x512x128xi32, #tpu.memory_space<vmem>>, %arg4: memref<1x512x128xi32, #tpu.memory_space<vmem>>, %arg5: memref<1x64xf32, #tpu.memory_space<smem>>, %arg6: memref<4x512x128xi32, #tpu.memory_space<vmem>>, %arg7: memref<1x8xf32, #tpu.memory_space<smem>>, %arg8: memref<8xf32, #tpu.memory_space<smem>>) attributes {dimension_semantics = [#tpu.dimension_semantics<arbitrary>], iteration_bounds = array<i64: 8>, scalar_prefetch = 0 : i64, scratch_operands = 1 : i64, tpu.core_type = #tpu.core_type<tc>, window_params = [{transform_indices = @transform_0, window_bounds = array<i64: 1, 3, 512, 128>}, {transform_indices = @transform_1, window_bounds = array<i64: 1, 1, 512, 128>}, {transform_indices = @transform_2, window_bounds = array<i64: 1, 512, 128>}, {transform_indices = @transform_3, window_bounds = array<i64: 1, 512, 128>}, {transform_indices = @transform_4, window_bounds = array<i64: 1, 64>}, {transform_indices = @transform_5, window_bounds = array<i64: 4, 512, 128>}, {transform_indices = @transform_6, window_bounds = array<i64: 1, 8>}]} {
    %eq3A = arith.constant 0 : i32
    %eq3A_0 = arith.cmpi eq, %arg0, %eq3A : i32
    %convert_element_type3A = arith.extui %eq3A_0 : i1 to i32
    %cond3A = arith.constant 0 : i32
    %cond3A_1 = arith.cmpi ne, %convert_element_type3A, %cond3A : i32
    scf.if %cond3A_1 {
      %swap3A_648 = arith.constant 0.000000e+00 : f32
      %swap3A_649 = arith.constant 0 : index
      %swap3A_650 = memref.load %arg8[%swap3A_649] : memref<8xf32, #tpu.memory_space<smem>>
      memref.store %swap3A_648, %arg8[%swap3A_649] : memref<8xf32, #tpu.memory_space<smem>>
      %swap3A_651 = arith.constant 0.000000e+00 : f32
      %swap3A_652 = arith.constant 1 : index
      %swap3A_653 = memref.load %arg8[%swap3A_652] : memref<8xf32, #tpu.memory_space<smem>>
      memref.store %swap3A_651, %arg8[%swap3A_652] : memref<8xf32, #tpu.memory_space<smem>>
      %swap3A_654 = arith.constant 0.000000e+00 : f32
      %swap3A_655 = arith.constant 2 : index
      %swap3A_656 = memref.load %arg8[%swap3A_655] : memref<8xf32, #tpu.memory_space<smem>>
      memref.store %swap3A_654, %arg8[%swap3A_655] : memref<8xf32, #tpu.memory_space<smem>>
      %swap3A_657 = arith.constant 0.000000e+00 : f32
      %swap3A_658 = arith.constant 3 : index
      %swap3A_659 = memref.load %arg8[%swap3A_658] : memref<8xf32, #tpu.memory_space<smem>>
      memref.store %swap3A_657, %arg8[%swap3A_658] : memref<8xf32, #tpu.memory_space<smem>>
      %swap3A_660 = arith.constant 0.000000e+00 : f32
      %swap3A_661 = arith.constant 4 : index
      %swap3A_662 = memref.load %arg8[%swap3A_661] : memref<8xf32, #tpu.memory_space<smem>>
      memref.store %swap3A_660, %arg8[%swap3A_661] : memref<8xf32, #tpu.memory_space<smem>>
      %swap3A_663 = arith.constant 0.000000e+00 : f32
      %swap3A_664 = arith.constant 5 : index
      %swap3A_665 = memref.load %arg8[%swap3A_664] : memref<8xf32, #tpu.memory_space<smem>>
      memref.store %swap3A_663, %arg8[%swap3A_664] : memref<8xf32, #tpu.memory_space<smem>>
      %swap3A_666 = arith.constant 0.000000e+00 : f32
      %swap3A_667 = arith.constant 6 : index
      %swap3A_668 = memref.load %arg8[%swap3A_667] : memref<8xf32, #tpu.memory_space<smem>>
      memref.store %swap3A_666, %arg8[%swap3A_667] : memref<8xf32, #tpu.memory_space<smem>>
      %swap3A_669 = arith.constant 0.000000e+00 : f32
      %swap3A_670 = arith.constant 7 : index
      %swap3A_671 = memref.load %arg8[%swap3A_670] : memref<8xf32, #tpu.memory_space<smem>>
      memref.store %swap3A_669, %arg8[%swap3A_670] : memref<8xf32, #tpu.memory_space<smem>>
    } else {
    }
    %iota3A = tpu.iota {dimensions = array<i32: 0>} : vector<512x128xi32>
    %mul3A = arith.constant 512 : i32
    %mul3A_2 = arith.muli %arg0, %mul3A : i32
    %add3A = vector.broadcast %mul3A_2 : i32 to vector<512x128xi32>
    %add3A_3 = arith.addi %iota3A, %add3A : vector<512x128xi32>
    %iota3A_4 = tpu.iota {dimensions = array<i32: 1>} : vector<512x128xi32>
    %jit3A = arith.constant 128 : i32
    %div3A = vector.broadcast %jit3A : i32 to vector<512x128xi32>
    %div3A_5 = arith.divsi %add3A_3, %div3A : vector<512x128xi32>
    %sign3A = arith.constant 0 : i32
    %sign3A_6 = vector.broadcast %sign3A : i32 to vector<512x128xi32>
    %sign3A_7 = arith.cmpi sgt, %add3A_3, %sign3A_6 : vector<512x128xi32>
    %sign3A_8 = arith.extui %sign3A_7 : vector<512x128xi1> to vector<512x128xi32>
    %sign3A_9 = arith.constant 0 : i32
    %sign3A_10 = vector.broadcast %sign3A_9 : i32 to vector<512x128xi32>
    %sign3A_11 = arith.cmpi slt, %add3A_3, %sign3A_10 : vector<512x128xi32>
    %sign3A_12 = arith.extui %sign3A_11 : vector<512x128xi1> to vector<512x128xi32>
    %sign3A_13 = arith.subi %sign3A_8, %sign3A_12 : vector<512x128xi32>
    %sign3A_14 = arith.constant 0 : i32
    %sign3A_15 = arith.cmpi sgt, %jit3A, %sign3A_14 : i32
    %sign3A_16 = arith.extui %sign3A_15 : i1 to i32
    %sign3A_17 = arith.constant 0 : i32
    %sign3A_18 = arith.cmpi slt, %jit3A, %sign3A_17 : i32
    %sign3A_19 = arith.extui %sign3A_18 : i1 to i32
    %sign3A_20 = arith.subi %sign3A_16, %sign3A_19 : i32
    %ne3A = vector.broadcast %sign3A_20 : i32 to vector<512x128xi32>
    %ne3A_21 = arith.cmpi ne, %sign3A_13, %ne3A : vector<512x128xi32>
    %rem3A = vector.broadcast %jit3A : i32 to vector<512x128xi32>
    %rem3A_22 = arith.remsi %add3A_3, %rem3A : vector<512x128xi32>
    %ne3A_23 = arith.constant 0 : i32
    %ne3A_24 = vector.broadcast %ne3A_23 : i32 to vector<512x128xi32>
    %ne3A_25 = arith.cmpi ne, %rem3A_22, %ne3A_24 : vector<512x128xi32>
    %and3A = arith.andi %ne3A_21, %ne3A_25 : vector<512x128xi1>
    %sub3A = arith.constant 1 : i32
    %sub3A_26 = vector.broadcast %sub3A : i32 to vector<512x128xi32>
    %sub3A_27 = arith.subi %div3A_5, %sub3A_26 : vector<512x128xi32>
    %select_n3A = arith.select %and3A, %sub3A_27, %div3A_5 : vector<512x128xi1>, vector<512x128xi32>
    %mul3A_28 = arith.constant 128 : i32
    %mul3A_29 = vector.broadcast %mul3A_28 : i32 to vector<512x128xi32>
    %mul3A_30 = arith.muli %select_n3A, %mul3A_29 : vector<512x128xi32>
    %sub3A_31 = arith.subi %add3A_3, %mul3A_30 : vector<512x128xi32>
    %convert_element_type3A_32 = arith.sitofp %iota3A_4 : vector<512x128xi32> to vector<512x128xf32>
    %mul3A_33 = arith.constant 0.00787401571 : f32
    %mul3A_34 = vector.broadcast %mul3A_33 : f32 to vector<512x128xf32>
    %mul3A_35 = arith.mulf %convert_element_type3A_32, %mul3A_34 : vector<512x128xf32>
    %convert_element_type3A_36 = arith.sitofp %sub3A_31 : vector<512x128xi32> to vector<512x128xf32>
    %mul3A_37 = arith.constant 0.00787401571 : f32
    %mul3A_38 = vector.broadcast %mul3A_37 : f32 to vector<512x128xf32>
    %mul3A_39 = arith.mulf %convert_element_type3A_36, %mul3A_38 : vector<512x128xf32>
    %convert_element_type3A_40 = arith.sitofp %select_n3A : vector<512x128xi32> to vector<512x128xf32>
    %mul3A_41 = arith.constant 0.0322580636 : f32
    %mul3A_42 = vector.broadcast %mul3A_41 : f32 to vector<512x128xf32>
    %mul3A_43 = arith.mulf %convert_element_type3A_40, %mul3A_42 : vector<512x128xf32>
    %get3A = arith.constant 0 : index
    %get3A_44 = arith.constant 0 : index
    %get3A_45 = arith.constant 0 : index
    %get3A_46 = arith.constant 0 : index
    %get3A_47 = vector.load %arg1[%get3A, %get3A_44, %get3A_45, %get3A_46] : memref<1x3x512x128xf32, #tpu.memory_space<vmem>>, vector<1x1x512x128xf32>
    %get3A_48 = vector.shape_cast %get3A_47 : vector<1x1x512x128xf32> to vector<512x128xf32>
    %tanh3A = math.tanh %get3A_48 : vector<512x128xf32>
    %add3A_49 = arith.addf %tanh3A, %mul3A_35 : vector<512x128xf32>
    %get3A_50 = arith.constant 0 : index
    %get3A_51 = arith.constant 1 : index
    %get3A_52 = arith.constant 0 : index
    %get3A_53 = arith.constant 0 : index
    %get3A_54 = vector.load %arg1[%get3A_50, %get3A_51, %get3A_52, %get3A_53] : memref<1x3x512x128xf32, #tpu.memory_space<vmem>>, vector<1x1x512x128xf32>
    %get3A_55 = vector.shape_cast %get3A_54 : vector<1x1x512x128xf32> to vector<512x128xf32>
    %tanh3A_56 = math.tanh %get3A_55 : vector<512x128xf32>
    %add3A_57 = arith.addf %tanh3A_56, %mul3A_39 : vector<512x128xf32>
    %get3A_58 = arith.constant 0 : index
    %get3A_59 = arith.constant 2 : index
    %get3A_60 = arith.constant 0 : index
    %get3A_61 = arith.constant 0 : index
    %get3A_62 = vector.load %arg1[%get3A_58, %get3A_59, %get3A_60, %get3A_61] : memref<1x3x512x128xf32, #tpu.memory_space<vmem>>, vector<1x1x512x128xf32>
    %get3A_63 = vector.shape_cast %get3A_62 : vector<1x1x512x128xf32> to vector<512x128xf32>
    %tanh3A_64 = math.tanh %get3A_63 : vector<512x128xf32>
    %add3A_65 = arith.addf %tanh3A_64, %mul3A_43 : vector<512x128xf32>
    %get3A_66 = arith.constant 0 : index
    %get3A_67 = arith.constant 0 : index
    %get3A_68 = arith.constant 0 : index
    %get3A_69 = arith.constant 0 : index
    %get3A_70 = vector.load %arg2[%get3A_66, %get3A_67, %get3A_68, %get3A_69] : memref<1x1x512x128xf32, #tpu.memory_space<vmem>>, vector<1x1x512x128xf32>
    %get3A_71 = vector.shape_cast %get3A_70 : vector<1x1x512x128xf32> to vector<512x128xf32>
    %logistic3A = arith.negf %get3A_71 : vector<512x128xf32>
    %logistic3A_72 = math.exp %logistic3A : vector<512x128xf32>
    %logistic3A_73 = arith.constant 1.000000e+00 : f32
    %logistic3A_74 = vector.broadcast %logistic3A_73 : f32 to vector<512x128xf32>
    %logistic3A_75 = arith.addf %logistic3A_74, %logistic3A_72 : vector<512x128xf32>
    %logistic3A_76 = arith.divf %logistic3A_74, %logistic3A_75 : vector<512x128xf32>
    %get3A_77 = arith.constant 0 : index
    %get3A_78 = arith.constant 0 : index
    %get3A_79 = arith.constant 0 : index
    %get3A_80 = vector.load %arg3[%get3A_77, %get3A_78, %get3A_79] : memref<1x512x128xi32, #tpu.memory_space<vmem>>, vector<1x512x128xi32>
    %get3A_81 = vector.shape_cast %get3A_80 : vector<1x512x128xi32> to vector<512x128xi32>
    %get3A_82 = arith.constant 0 : index
    %get3A_83 = arith.constant 0 : index
    %get3A_84 = arith.constant 0 : index
    %get3A_85 = vector.load %arg4[%get3A_82, %get3A_83, %get3A_84] : memref<1x512x128xi32, #tpu.memory_space<vmem>>, vector<1x512x128xi32>
    %get3A_86 = vector.shape_cast %get3A_85 : vector<1x512x128xi32> to vector<512x128xi32>
    %ne3A_87 = arith.constant 0 : i32
    %ne3A_88 = vector.broadcast %ne3A_87 : i32 to vector<512x128xi32>
    %ne3A_89 = arith.cmpi ne, %get3A_86, %ne3A_88 : vector<512x128xi32>
    %convert_element_type3A_90 = arith.extui %ne3A_89 : vector<512x128xi1> to vector<512x128xi32>
    %convert_element_type3A_91 = arith.sitofp %convert_element_type3A_90 : vector<512x128xi32> to vector<512x128xf32>
    %get3A_92 = arith.constant 4 : index
    %get3A_93 = memref.load %arg8[%get3A_92] : memref<8xf32, #tpu.memory_space<smem>>
    %mul3A_94 = arith.mulf %logistic3A_76, %logistic3A_76 : vector<512x128xf32>
    %sub3A_95 = arith.constant 1.000000e+00 : f32
    %sub3A_96 = vector.broadcast %sub3A_95 : f32 to vector<512x128xf32>
    %sub3A_97 = arith.subf %sub3A_96, %convert_element_type3A_91 : vector<512x128xf32>
    %mul3A_98 = arith.mulf %mul3A_94, %sub3A_97 : vector<512x128xf32>
    %reduce_sum3A = vector.shape_cast %mul3A_98 : vector<512x128xf32> to vector<1x512x128xf32>
    %reduce_sum3A_99 = arith.constant dense<0.000000e+00> : vector<1xf32>
    %reduce_sum3A_100 = vector.multi_reduction <add>, %reduce_sum3A, %reduce_sum3A_99 [1, 2] : vector<1x512x128xf32> to vector<1xf32>
    %reduce_sum3A_101 = vector.shape_cast %reduce_sum3A_100 : vector<1xf32> to vector<1x1x1xf32>
    %reduce_sum3A_102 = vector.extract %reduce_sum3A_101[0, 0, 0] : f32 from vector<1x1x1xf32>
    %add3A_103 = arith.addf %get3A_93, %reduce_sum3A_102 : f32
    %swap3A = arith.constant 4 : index
    %swap3A_104 = memref.load %arg8[%swap3A] : memref<8xf32, #tpu.memory_space<smem>>
    memref.store %add3A_103, %arg8[%swap3A] : memref<8xf32, #tpu.memory_space<smem>>
    %get3A_105 = arith.constant 0 : index
    %get3A_106 = arith.constant 0 : index
    %get3A_107 = memref.load %arg5[%get3A_105, %get3A_106] : memref<1x64xf32, #tpu.memory_space<smem>>
    %get3A_108 = arith.constant 0 : index
    %get3A_109 = arith.constant 1 : index
    %get3A_110 = memref.load %arg5[%get3A_108, %get3A_109] : memref<1x64xf32, #tpu.memory_space<smem>>
    %max3A = arith.constant 1.000000e+00 : f32
    %max3A_111 = arith.maximumf %get3A_107, %max3A : f32
    %eq3A_112 = arith.constant 1.000000e+00 : f32
    %eq3A_113 = arith.cmpf oeq, %get3A_110, %eq3A_112 : f32
    %get3A_114 = arith.constant 0 : index
    %get3A_115 = arith.constant 2 : index
    %get3A_116 = memref.load %arg5[%get3A_114, %get3A_115] : memref<1x64xf32, #tpu.memory_space<smem>>
    %get3A_117 = arith.constant 0 : index
    %get3A_118 = arith.constant 5 : index
    %get3A_119 = memref.load %arg5[%get3A_117, %get3A_118] : memref<1x64xf32, #tpu.memory_space<smem>>
    %div3A_120 = arith.divf %get3A_119, %max3A_111 : f32
    %select_n3A_121 = arith.select %eq3A_113, %get3A_116, %div3A_120 : f32
    %get3A_122 = arith.constant 0 : index
    %get3A_123 = arith.constant 3 : index
    %get3A_124 = memref.load %arg5[%get3A_122, %get3A_123] : memref<1x64xf32, #tpu.memory_space<smem>>
    %get3A_125 = arith.constant 0 : index
    %get3A_126 = arith.constant 6 : index
    %get3A_127 = memref.load %arg5[%get3A_125, %get3A_126] : memref<1x64xf32, #tpu.memory_space<smem>>
    %div3A_128 = arith.divf %get3A_127, %max3A_111 : f32
    %select_n3A_129 = arith.select %eq3A_113, %get3A_124, %div3A_128 : f32
    %get3A_130 = arith.constant 0 : index
    %get3A_131 = arith.constant 4 : index
    %get3A_132 = memref.load %arg5[%get3A_130, %get3A_131] : memref<1x64xf32, #tpu.memory_space<smem>>
    %get3A_133 = arith.constant 0 : index
    %get3A_134 = arith.constant 7 : index
    %get3A_135 = memref.load %arg5[%get3A_133, %get3A_134] : memref<1x64xf32, #tpu.memory_space<smem>>
    %div3A_136 = arith.divf %get3A_135, %max3A_111 : f32
    %select_n3A_137 = arith.select %eq3A_113, %get3A_132, %div3A_136 : f32
    %get3A_138 = arith.constant 0 : index
    %get3A_139 = arith.constant 8 : index
    %get3A_140 = memref.load %arg5[%get3A_138, %get3A_139] : memref<1x64xf32, #tpu.memory_space<smem>>
    %mul3A_141 = arith.constant 1.000000e+01 : f32
    %mul3A_142 = arith.mulf %mul3A_141, %get3A_140 : f32
    %div3A_143 = arith.divf %mul3A_142, %max3A_111 : f32
    %exp3A = math.exp %div3A_143 : f32
    %min3A = arith.constant 3.40282347E+38 : f32
    %min3A_144 = arith.minimumf %exp3A, %min3A : f32
    %get3A_145 = arith.constant 0 : index
    %get3A_146 = arith.constant 9 : index
    %get3A_147 = memref.load %arg5[%get3A_145, %get3A_146] : memref<1x64xf32, #tpu.memory_space<smem>>
    %mul3A_148 = arith.constant 1.000000e+01 : f32
    %mul3A_149 = arith.mulf %mul3A_148, %get3A_147 : f32
    %div3A_150 = arith.divf %mul3A_149, %max3A_111 : f32
    %exp3A_151 = math.exp %div3A_150 : f32
    %min3A_152 = arith.constant 3.40282347E+38 : f32
    %min3A_153 = arith.minimumf %exp3A_151, %min3A_152 : f32
    %get3A_154 = arith.constant 0 : index
    %get3A_155 = arith.constant 10 : index
    %get3A_156 = memref.load %arg5[%get3A_154, %get3A_155] : memref<1x64xf32, #tpu.memory_space<smem>>
    %mul3A_157 = arith.constant 1.000000e+01 : f32
    %mul3A_158 = arith.mulf %mul3A_157, %get3A_156 : f32
    %div3A_159 = arith.divf %mul3A_158, %max3A_111 : f32
    %exp3A_160 = math.exp %div3A_159 : f32
    %min3A_161 = arith.constant 3.40282347E+38 : f32
    %min3A_162 = arith.minimumf %exp3A_160, %min3A_161 : f32
    %sub3A_163 = vector.broadcast %select_n3A_121 : f32 to vector<512x128xf32>
    %sub3A_164 = arith.subf %add3A_49, %sub3A_163 : vector<512x128xf32>
    %sub3A_165 = vector.broadcast %select_n3A_121 : f32 to vector<512x128xf32>
    %sub3A_166 = arith.subf %add3A_49, %sub3A_165 : vector<512x128xf32>
    %mul3A_167 = arith.mulf %sub3A_164, %sub3A_166 : vector<512x128xf32>
    %mul3A_168 = vector.broadcast %min3A_144 : f32 to vector<512x128xf32>
    %mul3A_169 = arith.mulf %mul3A_167, %mul3A_168 : vector<512x128xf32>
    %sub3A_170 = vector.broadcast %select_n3A_129 : f32 to vector<512x128xf32>
    %sub3A_171 = arith.subf %add3A_57, %sub3A_170 : vector<512x128xf32>
    %sub3A_172 = vector.broadcast %select_n3A_129 : f32 to vector<512x128xf32>
    %sub3A_173 = arith.subf %add3A_57, %sub3A_172 : vector<512x128xf32>
    %mul3A_174 = arith.mulf %sub3A_171, %sub3A_173 : vector<512x128xf32>
    %mul3A_175 = vector.broadcast %min3A_153 : f32 to vector<512x128xf32>
    %mul3A_176 = arith.mulf %mul3A_174, %mul3A_175 : vector<512x128xf32>
    %add3A_177 = arith.addf %mul3A_169, %mul3A_176 : vector<512x128xf32>
    %sub3A_178 = vector.broadcast %select_n3A_137 : f32 to vector<512x128xf32>
    %sub3A_179 = arith.subf %add3A_65, %sub3A_178 : vector<512x128xf32>
    %sub3A_180 = vector.broadcast %select_n3A_137 : f32 to vector<512x128xf32>
    %sub3A_181 = arith.subf %add3A_65, %sub3A_180 : vector<512x128xf32>
    %mul3A_182 = arith.mulf %sub3A_179, %sub3A_181 : vector<512x128xf32>
    %mul3A_183 = vector.broadcast %min3A_162 : f32 to vector<512x128xf32>
    %mul3A_184 = arith.mulf %mul3A_182, %mul3A_183 : vector<512x128xf32>
    %add3A_185 = arith.addf %add3A_177, %mul3A_184 : vector<512x128xf32>
    %neg3A = arith.constant 0.000000e+00 : f32
    %neg3A_186 = vector.broadcast %neg3A : f32 to vector<512x128xf32>
    %neg3A_187 = arith.subf %neg3A_186, %add3A_185 : vector<512x128xf32>
    %exp3A_188 = math.exp %neg3A_187 : vector<512x128xf32>
    %eq3A_189 = arith.constant 1 : i32
    %eq3A_190 = vector.broadcast %eq3A_189 : i32 to vector<512x128xi32>
    %eq3A_191 = arith.cmpi eq, %get3A_81, %eq3A_190 : vector<512x128xi32>
    %convert_element_type3A_192 = arith.extui %eq3A_191 : vector<512x128xi1> to vector<512x128xi32>
    %convert_element_type3A_193 = arith.sitofp %convert_element_type3A_192 : vector<512x128xi32> to vector<512x128xf32>
    %sub3A_194 = arith.subf %logistic3A_76, %exp3A_188 : vector<512x128xf32>
    %get3A_195 = arith.constant 0 : index
    %get3A_196 = memref.load %arg8[%get3A_195] : memref<8xf32, #tpu.memory_space<smem>>
    %mul3A_197 = arith.mulf %sub3A_194, %sub3A_194 : vector<512x128xf32>
    %mul3A_198 = arith.mulf %mul3A_197, %convert_element_type3A_193 : vector<512x128xf32>
    %reduce_sum3A_199 = vector.shape_cast %mul3A_198 : vector<512x128xf32> to vector<1x512x128xf32>
    %reduce_sum3A_200 = arith.constant dense<0.000000e+00> : vector<1xf32>
    %reduce_sum3A_201 = vector.multi_reduction <add>, %reduce_sum3A_199, %reduce_sum3A_200 [1, 2] : vector<1x512x128xf32> to vector<1xf32>
    %reduce_sum3A_202 = vector.shape_cast %reduce_sum3A_201 : vector<1xf32> to vector<1x1x1xf32>
    %reduce_sum3A_203 = vector.extract %reduce_sum3A_202[0, 0, 0] : f32 from vector<1x1x1xf32>
    %add3A_204 = arith.addf %get3A_196, %reduce_sum3A_203 : f32
    %swap3A_205 = arith.constant 0 : index
    %swap3A_206 = memref.load %arg8[%swap3A_205] : memref<8xf32, #tpu.memory_space<smem>>
    memref.store %add3A_204, %arg8[%swap3A_205] : memref<8xf32, #tpu.memory_space<smem>>
    %mul3A_207 = arith.constant 2.048000e+03 : f32
    %mul3A_208 = vector.broadcast %mul3A_207 : f32 to vector<512x128xf32>
    %mul3A_209 = arith.mulf %mul3A_208, %exp3A_188 : vector<512x128xf32>
    %sub3A_210 = arith.constant 2.048000e+03 : f32
    %sub3A_211 = vector.broadcast %sub3A_210 : f32 to vector<512x128xf32>
    %sub3A_212 = arith.subf %sub3A_211, %mul3A_209 : vector<512x128xf32>
    %mul3A_213 = arith.constant 2.048000e+03 : f32
    %mul3A_214 = vector.broadcast %mul3A_213 : f32 to vector<512x128xf32>
    %mul3A_215 = arith.mulf %mul3A_214, %exp3A_188 : vector<512x128xf32>
    %select_n3A_216 = arith.select %eq3A_191, %sub3A_212, %mul3A_215 : vector<512x128xi1>, vector<512x128xf32>
    %floor3A = math.floor %select_n3A_216 : vector<512x128xf32>
    %convert_element_type3A_217 = arith.fptosi %floor3A : vector<512x128xf32> to vector<512x128xi32>
    %jit3A_218 = arith.constant 0 : i32
    %jit3A_219 = arith.constant 2047 : i32
    %max3A_220 = vector.broadcast %jit3A_218 : i32 to vector<512x128xi32>
    %max3A_221 = arith.maxsi %max3A_220, %convert_element_type3A_217 : vector<512x128xi32>
    %min3A_222 = vector.broadcast %jit3A_219 : i32 to vector<512x128xi32>
    %min3A_223 = arith.minsi %min3A_222, %max3A_221 : vector<512x128xi32>
    %jit3A_224 = arith.constant 2048 : i32
    %jit3A_225 = arith.constant 0 : i32
    %broadcast_in_dim3A = vector.broadcast %jit3A_224 : i32 to vector<512x128xi32>
    %broadcast_in_dim3A_226 = vector.broadcast %jit3A_225 : i32 to vector<512x128xi32>
    %select_n3A_227 = arith.select %eq3A_191, %broadcast_in_dim3A, %broadcast_in_dim3A_226 : vector<512x128xi1>, vector<512x128xi32>
    %add3A_228 = arith.addi %min3A_223, %select_n3A_227 : vector<512x128xi32>
    %swap3A_229 = arith.constant 0 : index
    %swap3A_230 = arith.constant 0 : index
    %swap3A_231 = arith.constant 0 : index
    %swap3A_232 = vector.load %arg6[%swap3A_229, %swap3A_230, %swap3A_231] : memref<4x512x128xi32, #tpu.memory_space<vmem>>, vector<1x512x128xi32>
    %swap3A_233 = vector.shape_cast %swap3A_232 : vector<1x512x128xi32> to vector<512x128xi32>
    %swap3A_234 = vector.shape_cast %add3A_228 : vector<512x128xi32> to vector<1x512x128xi32>
    tpu.vector_store %arg6[%swap3A_229, %swap3A_230, %swap3A_231], %swap3A_234 {strides = array<i32>} : memref<4x512x128xi32, #tpu.memory_space<vmem>>, vector<1x512x128xi32>,
    %get3A_235 = arith.constant 0 : index
    %get3A_236 = arith.constant 14 : index
    %get3A_237 = memref.load %arg5[%get3A_235, %get3A_236] : memref<1x64xf32, #tpu.memory_space<smem>>
    %get3A_238 = arith.constant 0 : index
    %get3A_239 = arith.constant 15 : index
    %get3A_240 = memref.load %arg5[%get3A_238, %get3A_239] : memref<1x64xf32, #tpu.memory_space<smem>>
    %max3A_241 = arith.constant 1.000000e+00 : f32
    %max3A_242 = arith.maximumf %get3A_237, %max3A_241 : f32
    %eq3A_243 = arith.constant 1.000000e+00 : f32
    %eq3A_244 = arith.cmpf oeq, %get3A_240, %eq3A_243 : f32
    %get3A_245 = arith.constant 0 : index
    %get3A_246 = arith.constant 16 : index
    %get3A_247 = memref.load %arg5[%get3A_245, %get3A_246] : memref<1x64xf32, #tpu.memory_space<smem>>
    %get3A_248 = arith.constant 0 : index
    %get3A_249 = arith.constant 19 : index
    %get3A_250 = memref.load %arg5[%get3A_248, %get3A_249] : memref<1x64xf32, #tpu.memory_space<smem>>
    %div3A_251 = arith.divf %get3A_250, %max3A_242 : f32
    %select_n3A_252 = arith.select %eq3A_244, %get3A_247, %div3A_251 : f32
    %get3A_253 = arith.constant 0 : index
    %get3A_254 = arith.constant 17 : index
    %get3A_255 = memref.load %arg5[%get3A_253, %get3A_254] : memref<1x64xf32, #tpu.memory_space<smem>>
    %get3A_256 = arith.constant 0 : index
    %get3A_257 = arith.constant 20 : index
    %get3A_258 = memref.load %arg5[%get3A_256, %get3A_257] : memref<1x64xf32, #tpu.memory_space<smem>>
    %div3A_259 = arith.divf %get3A_258, %max3A_242 : f32
    %select_n3A_260 = arith.select %eq3A_244, %get3A_255, %div3A_259 : f32
    %get3A_261 = arith.constant 0 : index
    %get3A_262 = arith.constant 18 : index
    %get3A_263 = memref.load %arg5[%get3A_261, %get3A_262] : memref<1x64xf32, #tpu.memory_space<smem>>
    %get3A_264 = arith.constant 0 : index
    %get3A_265 = arith.constant 21 : index
    %get3A_266 = memref.load %arg5[%get3A_264, %get3A_265] : memref<1x64xf32, #tpu.memory_space<smem>>
    %div3A_267 = arith.divf %get3A_266, %max3A_242 : f32
    %select_n3A_268 = arith.select %eq3A_244, %get3A_263, %div3A_267 : f32
    %get3A_269 = arith.constant 0 : index
    %get3A_270 = arith.constant 22 : index
    %get3A_271 = memref.load %arg5[%get3A_269, %get3A_270] : memref<1x64xf32, #tpu.memory_space<smem>>
    %mul3A_272 = arith.constant 1.000000e+01 : f32
    %mul3A_273 = arith.mulf %mul3A_272, %get3A_271 : f32
    %div3A_274 = arith.divf %mul3A_273, %max3A_242 : f32
    %exp3A_275 = math.exp %div3A_274 : f32
    %min3A_276 = arith.constant 3.40282347E+38 : f32
    %min3A_277 = arith.minimumf %exp3A_275, %min3A_276 : f32
    %get3A_278 = arith.constant 0 : index
    %get3A_279 = arith.constant 23 : index
    %get3A_280 = memref.load %arg5[%get3A_278, %get3A_279] : memref<1x64xf32, #tpu.memory_space<smem>>
    %mul3A_281 = arith.constant 1.000000e+01 : f32
    %mul3A_282 = arith.mulf %mul3A_281, %get3A_280 : f32
    %div3A_283 = arith.divf %mul3A_282, %max3A_242 : f32
    %exp3A_284 = math.exp %div3A_283 : f32
    %min3A_285 = arith.constant 3.40282347E+38 : f32
    %min3A_286 = arith.minimumf %exp3A_284, %min3A_285 : f32
    %get3A_287 = arith.constant 0 : index
    %get3A_288 = arith.constant 24 : index
    %get3A_289 = memref.load %arg5[%get3A_287, %get3A_288] : memref<1x64xf32, #tpu.memory_space<smem>>
    %mul3A_290 = arith.constant 1.000000e+01 : f32
    %mul3A_291 = arith.mulf %mul3A_290, %get3A_289 : f32
    %div3A_292 = arith.divf %mul3A_291, %max3A_242 : f32
    %exp3A_293 = math.exp %div3A_292 : f32
    %min3A_294 = arith.constant 3.40282347E+38 : f32
    %min3A_295 = arith.minimumf %exp3A_293, %min3A_294 : f32
    %sub3A_296 = vector.broadcast %select_n3A_252 : f32 to vector<512x128xf32>
    %sub3A_297 = arith.subf %add3A_49, %sub3A_296 : vector<512x128xf32>
    %sub3A_298 = vector.broadcast %select_n3A_252 : f32 to vector<512x128xf32>
    %sub3A_299 = arith.subf %add3A_49, %sub3A_298 : vector<512x128xf32>
    %mul3A_300 = arith.mulf %sub3A_297, %sub3A_299 : vector<512x128xf32>
    %mul3A_301 = vector.broadcast %min3A_277 : f32 to vector<512x128xf32>
    %mul3A_302 = arith.mulf %mul3A_300, %mul3A_301 : vector<512x128xf32>
    %sub3A_303 = vector.broadcast %select_n3A_260 : f32 to vector<512x128xf32>
    %sub3A_304 = arith.subf %add3A_57, %sub3A_303 : vector<512x128xf32>
    %sub3A_305 = vector.broadcast %select_n3A_260 : f32 to vector<512x128xf32>
    %sub3A_306 = arith.subf %add3A_57, %sub3A_305 : vector<512x128xf32>
    %mul3A_307 = arith.mulf %sub3A_304, %sub3A_306 : vector<512x128xf32>
    %mul3A_308 = vector.broadcast %min3A_286 : f32 to vector<512x128xf32>
    %mul3A_309 = arith.mulf %mul3A_307, %mul3A_308 : vector<512x128xf32>
    %add3A_310 = arith.addf %mul3A_302, %mul3A_309 : vector<512x128xf32>
    %sub3A_311 = vector.broadcast %select_n3A_268 : f32 to vector<512x128xf32>
    %sub3A_312 = arith.subf %add3A_65, %sub3A_311 : vector<512x128xf32>
    %sub3A_313 = vector.broadcast %select_n3A_268 : f32 to vector<512x128xf32>
    %sub3A_314 = arith.subf %add3A_65, %sub3A_313 : vector<512x128xf32>
    %mul3A_315 = arith.mulf %sub3A_312, %sub3A_314 : vector<512x128xf32>
    %mul3A_316 = vector.broadcast %min3A_295 : f32 to vector<512x128xf32>
    %mul3A_317 = arith.mulf %mul3A_315, %mul3A_316 : vector<512x128xf32>
    %add3A_318 = arith.addf %add3A_310, %mul3A_317 : vector<512x128xf32>
    %neg3A_319 = arith.constant 0.000000e+00 : f32
    %neg3A_320 = vector.broadcast %neg3A_319 : f32 to vector<512x128xf32>
    %neg3A_321 = arith.subf %neg3A_320, %add3A_318 : vector<512x128xf32>
    %exp3A_322 = math.exp %neg3A_321 : vector<512x128xf32>
    %eq3A_323 = arith.constant 2 : i32
    %eq3A_324 = vector.broadcast %eq3A_323 : i32 to vector<512x128xi32>
    %eq3A_325 = arith.cmpi eq, %get3A_81, %eq3A_324 : vector<512x128xi32>
    %convert_element_type3A_326 = arith.extui %eq3A_325 : vector<512x128xi1> to vector<512x128xi32>
    %convert_element_type3A_327 = arith.sitofp %convert_element_type3A_326 : vector<512x128xi32> to vector<512x128xf32>
    %sub3A_328 = arith.subf %logistic3A_76, %exp3A_322 : vector<512x128xf32>
    %get3A_329 = arith.constant 1 : index
    %get3A_330 = memref.load %arg8[%get3A_329] : memref<8xf32, #tpu.memory_space<smem>>
    %mul3A_331 = arith.mulf %sub3A_328, %sub3A_328 : vector<512x128xf32>
    %mul3A_332 = arith.mulf %mul3A_331, %convert_element_type3A_327 : vector<512x128xf32>
    %reduce_sum3A_333 = vector.shape_cast %mul3A_332 : vector<512x128xf32> to vector<1x512x128xf32>
    %reduce_sum3A_334 = arith.constant dense<0.000000e+00> : vector<1xf32>
    %reduce_sum3A_335 = vector.multi_reduction <add>, %reduce_sum3A_333, %reduce_sum3A_334 [1, 2] : vector<1x512x128xf32> to vector<1xf32>
    %reduce_sum3A_336 = vector.shape_cast %reduce_sum3A_335 : vector<1xf32> to vector<1x1x1xf32>
    %reduce_sum3A_337 = vector.extract %reduce_sum3A_336[0, 0, 0] : f32 from vector<1x1x1xf32>
    %add3A_338 = arith.addf %get3A_330, %reduce_sum3A_337 : f32
    %swap3A_339 = arith.constant 1 : index
    %swap3A_340 = memref.load %arg8[%swap3A_339] : memref<8xf32, #tpu.memory_space<smem>>
    memref.store %add3A_338, %arg8[%swap3A_339] : memref<8xf32, #tpu.memory_space<smem>>
    %mul3A_341 = arith.constant 2.048000e+03 : f32
    %mul3A_342 = vector.broadcast %mul3A_341 : f32 to vector<512x128xf32>
    %mul3A_343 = arith.mulf %mul3A_342, %exp3A_322 : vector<512x128xf32>
    %sub3A_344 = arith.constant 2.048000e+03 : f32
    %sub3A_345 = vector.broadcast %sub3A_344 : f32 to vector<512x128xf32>
    %sub3A_346 = arith.subf %sub3A_345, %mul3A_343 : vector<512x128xf32>
    %mul3A_347 = arith.constant 2.048000e+03 : f32
    %mul3A_348 = vector.broadcast %mul3A_347 : f32 to vector<512x128xf32>
    %mul3A_349 = arith.mulf %mul3A_348, %exp3A_322 : vector<512x128xf32>
    %select_n3A_350 = arith.select %eq3A_325, %sub3A_346, %mul3A_349 : vector<512x128xi1>, vector<512x128xf32>
    %floor3A_351 = math.floor %select_n3A_350 : vector<512x128xf32>
    %convert_element_type3A_352 = arith.fptosi %floor3A_351 : vector<512x128xf32> to vector<512x128xi32>
    %jit3A_353 = arith.constant 0 : i32
    %jit3A_354 = arith.constant 2047 : i32
    %max3A_355 = vector.broadcast %jit3A_353 : i32 to vector<512x128xi32>
    %max3A_356 = arith.maxsi %max3A_355, %convert_element_type3A_352 : vector<512x128xi32>
    %min3A_357 = vector.broadcast %jit3A_354 : i32 to vector<512x128xi32>
    %min3A_358 = arith.minsi %min3A_357, %max3A_356 : vector<512x128xi32>
    %jit3A_359 = arith.constant 6144 : i32
    %jit3A_360 = arith.constant 4096 : i32
    %broadcast_in_dim3A_361 = vector.broadcast %jit3A_359 : i32 to vector<512x128xi32>
    %broadcast_in_dim3A_362 = vector.broadcast %jit3A_360 : i32 to vector<512x128xi32>
    %select_n3A_363 = arith.select %eq3A_325, %broadcast_in_dim3A_361, %broadcast_in_dim3A_362 : vector<512x128xi1>, vector<512x128xi32>
    %add3A_364 = arith.addi %min3A_358, %select_n3A_363 : vector<512x128xi32>
    %swap3A_365 = arith.constant 1 : index
    %swap3A_366 = arith.constant 0 : index
    %swap3A_367 = arith.constant 0 : index
    %swap3A_368 = vector.load %arg6[%swap3A_365, %swap3A_366, %swap3A_367] : memref<4x512x128xi32, #tpu.memory_space<vmem>>, vector<1x512x128xi32>
    %swap3A_369 = vector.shape_cast %swap3A_368 : vector<1x512x128xi32> to vector<512x128xi32>
    %swap3A_370 = vector.shape_cast %add3A_364 : vector<512x128xi32> to vector<1x512x128xi32>
    tpu.vector_store %arg6[%swap3A_365, %swap3A_366, %swap3A_367], %swap3A_370 {strides = array<i32>} : memref<4x512x128xi32, #tpu.memory_space<vmem>>, vector<1x512x128xi32>,
    %get3A_371 = arith.constant 0 : index
    %get3A_372 = arith.constant 28 : index
    %get3A_373 = memref.load %arg5[%get3A_371, %get3A_372] : memref<1x64xf32, #tpu.memory_space<smem>>
    %get3A_374 = arith.constant 0 : index
    %get3A_375 = arith.constant 29 : index
    %get3A_376 = memref.load %arg5[%get3A_374, %get3A_375] : memref<1x64xf32, #tpu.memory_space<smem>>
    %max3A_377 = arith.constant 1.000000e+00 : f32
    %max3A_378 = arith.maximumf %get3A_373, %max3A_377 : f32
    %eq3A_379 = arith.constant 1.000000e+00 : f32
    %eq3A_380 = arith.cmpf oeq, %get3A_376, %eq3A_379 : f32
    %get3A_381 = arith.constant 0 : index
    %get3A_382 = arith.constant 30 : index
    %get3A_383 = memref.load %arg5[%get3A_381, %get3A_382] : memref<1x64xf32, #tpu.memory_space<smem>>
    %get3A_384 = arith.constant 0 : index
    %get3A_385 = arith.constant 33 : index
    %get3A_386 = memref.load %arg5[%get3A_384, %get3A_385] : memref<1x64xf32, #tpu.memory_space<smem>>
    %div3A_387 = arith.divf %get3A_386, %max3A_378 : f32
    %select_n3A_388 = arith.select %eq3A_380, %get3A_383, %div3A_387 : f32
    %get3A_389 = arith.constant 0 : index
    %get3A_390 = arith.constant 31 : index
    %get3A_391 = memref.load %arg5[%get3A_389, %get3A_390] : memref<1x64xf32, #tpu.memory_space<smem>>
    %get3A_392 = arith.constant 0 : index
    %get3A_393 = arith.constant 34 : index
    %get3A_394 = memref.load %arg5[%get3A_392, %get3A_393] : memref<1x64xf32, #tpu.memory_space<smem>>
    %div3A_395 = arith.divf %get3A_394, %max3A_378 : f32
    %select_n3A_396 = arith.select %eq3A_380, %get3A_391, %div3A_395 : f32
    %get3A_397 = arith.constant 0 : index
    %get3A_398 = arith.constant 32 : index
    %get3A_399 = memref.load %arg5[%get3A_397, %get3A_398] : memref<1x64xf32, #tpu.memory_space<smem>>
    %get3A_400 = arith.constant 0 : index
    %get3A_401 = arith.constant 35 : index
    %get3A_402 = memref.load %arg5[%get3A_400, %get3A_401] : memref<1x64xf32, #tpu.memory_space<smem>>
    %div3A_403 = arith.divf %get3A_402, %max3A_378 : f32
    %select_n3A_404 = arith.select %eq3A_380, %get3A_399, %div3A_403 : f32
    %get3A_405 = arith.constant 0 : index
    %get3A_406 = arith.constant 36 : index
    %get3A_407 = memref.load %arg5[%get3A_405, %get3A_406] : memref<1x64xf32, #tpu.memory_space<smem>>
    %mul3A_408 = arith.constant 1.000000e+01 : f32
    %mul3A_409 = arith.mulf %mul3A_408, %get3A_407 : f32
    %div3A_410 = arith.divf %mul3A_409, %max3A_378 : f32
    %exp3A_411 = math.exp %div3A_410 : f32
    %min3A_412 = arith.constant 3.40282347E+38 : f32
    %min3A_413 = arith.minimumf %exp3A_411, %min3A_412 : f32
    %get3A_414 = arith.constant 0 : index
    %get3A_415 = arith.constant 37 : index
    %get3A_416 = memref.load %arg5[%get3A_414, %get3A_415] : memref<1x64xf32, #tpu.memory_space<smem>>
    %mul3A_417 = arith.constant 1.000000e+01 : f32
    %mul3A_418 = arith.mulf %mul3A_417, %get3A_416 : f32
    %div3A_419 = arith.divf %mul3A_418, %max3A_378 : f32
    %exp3A_420 = math.exp %div3A_419 : f32
    %min3A_421 = arith.constant 3.40282347E+38 : f32
    %min3A_422 = arith.minimumf %exp3A_420, %min3A_421 : f32
    %get3A_423 = arith.constant 0 : index
    %get3A_424 = arith.constant 38 : index
    %get3A_425 = memref.load %arg5[%get3A_423, %get3A_424] : memref<1x64xf32, #tpu.memory_space<smem>>
    %mul3A_426 = arith.constant 1.000000e+01 : f32
    %mul3A_427 = arith.mulf %mul3A_426, %get3A_425 : f32
    %div3A_428 = arith.divf %mul3A_427, %max3A_378 : f32
    %exp3A_429 = math.exp %div3A_428 : f32
    %min3A_430 = arith.constant 3.40282347E+38 : f32
    %min3A_431 = arith.minimumf %exp3A_429, %min3A_430 : f32
    %sub3A_432 = vector.broadcast %select_n3A_388 : f32 to vector<512x128xf32>
    %sub3A_433 = arith.subf %add3A_49, %sub3A_432 : vector<512x128xf32>
    %sub3A_434 = vector.broadcast %select_n3A_388 : f32 to vector<512x128xf32>
    %sub3A_435 = arith.subf %add3A_49, %sub3A_434 : vector<512x128xf32>
    %mul3A_436 = arith.mulf %sub3A_433, %sub3A_435 : vector<512x128xf32>
    %mul3A_437 = vector.broadcast %min3A_413 : f32 to vector<512x128xf32>
    %mul3A_438 = arith.mulf %mul3A_436, %mul3A_437 : vector<512x128xf32>
    %sub3A_439 = vector.broadcast %select_n3A_396 : f32 to vector<512x128xf32>
    %sub3A_440 = arith.subf %add3A_57, %sub3A_439 : vector<512x128xf32>
    %sub3A_441 = vector.broadcast %select_n3A_396 : f32 to vector<512x128xf32>
    %sub3A_442 = arith.subf %add3A_57, %sub3A_441 : vector<512x128xf32>
    %mul3A_443 = arith.mulf %sub3A_440, %sub3A_442 : vector<512x128xf32>
    %mul3A_444 = vector.broadcast %min3A_422 : f32 to vector<512x128xf32>
    %mul3A_445 = arith.mulf %mul3A_443, %mul3A_444 : vector<512x128xf32>
    %add3A_446 = arith.addf %mul3A_438, %mul3A_445 : vector<512x128xf32>
    %sub3A_447 = vector.broadcast %select_n3A_404 : f32 to vector<512x128xf32>
    %sub3A_448 = arith.subf %add3A_65, %sub3A_447 : vector<512x128xf32>
    %sub3A_449 = vector.broadcast %select_n3A_404 : f32 to vector<512x128xf32>
    %sub3A_450 = arith.subf %add3A_65, %sub3A_449 : vector<512x128xf32>
    %mul3A_451 = arith.mulf %sub3A_448, %sub3A_450 : vector<512x128xf32>
    %mul3A_452 = vector.broadcast %min3A_431 : f32 to vector<512x128xf32>
    %mul3A_453 = arith.mulf %mul3A_451, %mul3A_452 : vector<512x128xf32>
    %add3A_454 = arith.addf %add3A_446, %mul3A_453 : vector<512x128xf32>
    %neg3A_455 = arith.constant 0.000000e+00 : f32
    %neg3A_456 = vector.broadcast %neg3A_455 : f32 to vector<512x128xf32>
    %neg3A_457 = arith.subf %neg3A_456, %add3A_454 : vector<512x128xf32>
    %exp3A_458 = math.exp %neg3A_457 : vector<512x128xf32>
    %eq3A_459 = arith.constant 3 : i32
    %eq3A_460 = vector.broadcast %eq3A_459 : i32 to vector<512x128xi32>
    %eq3A_461 = arith.cmpi eq, %get3A_81, %eq3A_460 : vector<512x128xi32>
    %convert_element_type3A_462 = arith.extui %eq3A_461 : vector<512x128xi1> to vector<512x128xi32>
    %convert_element_type3A_463 = arith.sitofp %convert_element_type3A_462 : vector<512x128xi32> to vector<512x128xf32>
    %sub3A_464 = arith.subf %logistic3A_76, %exp3A_458 : vector<512x128xf32>
    %get3A_465 = arith.constant 2 : index
    %get3A_466 = memref.load %arg8[%get3A_465] : memref<8xf32, #tpu.memory_space<smem>>
    %mul3A_467 = arith.mulf %sub3A_464, %sub3A_464 : vector<512x128xf32>
    %mul3A_468 = arith.mulf %mul3A_467, %convert_element_type3A_463 : vector<512x128xf32>
    %reduce_sum3A_469 = vector.shape_cast %mul3A_468 : vector<512x128xf32> to vector<1x512x128xf32>
    %reduce_sum3A_470 = arith.constant dense<0.000000e+00> : vector<1xf32>
    %reduce_sum3A_471 = vector.multi_reduction <add>, %reduce_sum3A_469, %reduce_sum3A_470 [1, 2] : vector<1x512x128xf32> to vector<1xf32>
    %reduce_sum3A_472 = vector.shape_cast %reduce_sum3A_471 : vector<1xf32> to vector<1x1x1xf32>
    %reduce_sum3A_473 = vector.extract %reduce_sum3A_472[0, 0, 0] : f32 from vector<1x1x1xf32>
    %add3A_474 = arith.addf %get3A_466, %reduce_sum3A_473 : f32
    %swap3A_475 = arith.constant 2 : index
    %swap3A_476 = memref.load %arg8[%swap3A_475] : memref<8xf32, #tpu.memory_space<smem>>
    memref.store %add3A_474, %arg8[%swap3A_475] : memref<8xf32, #tpu.memory_space<smem>>
    %mul3A_477 = arith.constant 2.048000e+03 : f32
    %mul3A_478 = vector.broadcast %mul3A_477 : f32 to vector<512x128xf32>
    %mul3A_479 = arith.mulf %mul3A_478, %exp3A_458 : vector<512x128xf32>
    %sub3A_480 = arith.constant 2.048000e+03 : f32
    %sub3A_481 = vector.broadcast %sub3A_480 : f32 to vector<512x128xf32>
    %sub3A_482 = arith.subf %sub3A_481, %mul3A_479 : vector<512x128xf32>
    %mul3A_483 = arith.constant 2.048000e+03 : f32
    %mul3A_484 = vector.broadcast %mul3A_483 : f32 to vector<512x128xf32>
    %mul3A_485 = arith.mulf %mul3A_484, %exp3A_458 : vector<512x128xf32>
    %select_n3A_486 = arith.select %eq3A_461, %sub3A_482, %mul3A_485 : vector<512x128xi1>, vector<512x128xf32>
    %floor3A_487 = math.floor %select_n3A_486 : vector<512x128xf32>
    %convert_element_type3A_488 = arith.fptosi %floor3A_487 : vector<512x128xf32> to vector<512x128xi32>
    %jit3A_489 = arith.constant 0 : i32
    %jit3A_490 = arith.constant 2047 : i32
    %max3A_491 = vector.broadcast %jit3A_489 : i32 to vector<512x128xi32>
    %max3A_492 = arith.maxsi %max3A_491, %convert_element_type3A_488 : vector<512x128xi32>
    %min3A_493 = vector.broadcast %jit3A_490 : i32 to vector<512x128xi32>
    %min3A_494 = arith.minsi %min3A_493, %max3A_492 : vector<512x128xi32>
    %jit3A_495 = arith.constant 10240 : i32
    %jit3A_496 = arith.constant 8192 : i32
    %broadcast_in_dim3A_497 = vector.broadcast %jit3A_495 : i32 to vector<512x128xi32>
    %broadcast_in_dim3A_498 = vector.broadcast %jit3A_496 : i32 to vector<512x128xi32>
    %select_n3A_499 = arith.select %eq3A_461, %broadcast_in_dim3A_497, %broadcast_in_dim3A_498 : vector<512x128xi1>, vector<512x128xi32>
    %add3A_500 = arith.addi %min3A_494, %select_n3A_499 : vector<512x128xi32>
    %swap3A_501 = arith.constant 2 : index
    %swap3A_502 = arith.constant 0 : index
    %swap3A_503 = arith.constant 0 : index
    %swap3A_504 = vector.load %arg6[%swap3A_501, %swap3A_502, %swap3A_503] : memref<4x512x128xi32, #tpu.memory_space<vmem>>, vector<1x512x128xi32>
    %swap3A_505 = vector.shape_cast %swap3A_504 : vector<1x512x128xi32> to vector<512x128xi32>
    %swap3A_506 = vector.shape_cast %add3A_500 : vector<512x128xi32> to vector<1x512x128xi32>
    tpu.vector_store %arg6[%swap3A_501, %swap3A_502, %swap3A_503], %swap3A_506 {strides = array<i32>} : memref<4x512x128xi32, #tpu.memory_space<vmem>>, vector<1x512x128xi32>,
    %get3A_507 = arith.constant 0 : index
    %get3A_508 = arith.constant 42 : index
    %get3A_509 = memref.load %arg5[%get3A_507, %get3A_508] : memref<1x64xf32, #tpu.memory_space<smem>>
    %get3A_510 = arith.constant 0 : index
    %get3A_511 = arith.constant 43 : index
    %get3A_512 = memref.load %arg5[%get3A_510, %get3A_511] : memref<1x64xf32, #tpu.memory_space<smem>>
    %max3A_513 = arith.constant 1.000000e+00 : f32
    %max3A_514 = arith.maximumf %get3A_509, %max3A_513 : f32
    %eq3A_515 = arith.constant 1.000000e+00 : f32
    %eq3A_516 = arith.cmpf oeq, %get3A_512, %eq3A_515 : f32
    %get3A_517 = arith.constant 0 : index
    %get3A_518 = arith.constant 44 : index
    %get3A_519 = memref.load %arg5[%get3A_517, %get3A_518] : memref<1x64xf32, #tpu.memory_space<smem>>
    %get3A_520 = arith.constant 0 : index
    %get3A_521 = arith.constant 47 : index
    %get3A_522 = memref.load %arg5[%get3A_520, %get3A_521] : memref<1x64xf32, #tpu.memory_space<smem>>
    %div3A_523 = arith.divf %get3A_522, %max3A_514 : f32
    %select_n3A_524 = arith.select %eq3A_516, %get3A_519, %div3A_523 : f32
    %get3A_525 = arith.constant 0 : index
    %get3A_526 = arith.constant 45 : index
    %get3A_527 = memref.load %arg5[%get3A_525, %get3A_526] : memref<1x64xf32, #tpu.memory_space<smem>>
    %get3A_528 = arith.constant 0 : index
    %get3A_529 = arith.constant 48 : index
    %get3A_530 = memref.load %arg5[%get3A_528, %get3A_529] : memref<1x64xf32, #tpu.memory_space<smem>>
    %div3A_531 = arith.divf %get3A_530, %max3A_514 : f32
    %select_n3A_532 = arith.select %eq3A_516, %get3A_527, %div3A_531 : f32
    %get3A_533 = arith.constant 0 : index
    %get3A_534 = arith.constant 46 : index
    %get3A_535 = memref.load %arg5[%get3A_533, %get3A_534] : memref<1x64xf32, #tpu.memory_space<smem>>
    %get3A_536 = arith.constant 0 : index
    %get3A_537 = arith.constant 49 : index
    %get3A_538 = memref.load %arg5[%get3A_536, %get3A_537] : memref<1x64xf32, #tpu.memory_space<smem>>
    %div3A_539 = arith.divf %get3A_538, %max3A_514 : f32
    %select_n3A_540 = arith.select %eq3A_516, %get3A_535, %div3A_539 : f32
    %get3A_541 = arith.constant 0 : index
    %get3A_542 = arith.constant 50 : index
    %get3A_543 = memref.load %arg5[%get3A_541, %get3A_542] : memref<1x64xf32, #tpu.memory_space<smem>>
    %mul3A_544 = arith.constant 1.000000e+01 : f32
    %mul3A_545 = arith.mulf %mul3A_544, %get3A_543 : f32
    %div3A_546 = arith.divf %mul3A_545, %max3A_514 : f32
    %exp3A_547 = math.exp %div3A_546 : f32
    %min3A_548 = arith.constant 3.40282347E+38 : f32
    %min3A_549 = arith.minimumf %exp3A_547, %min3A_548 : f32
    %get3A_550 = arith.constant 0 : index
    %get3A_551 = arith.constant 51 : index
    %get3A_552 = memref.load %arg5[%get3A_550, %get3A_551] : memref<1x64xf32, #tpu.memory_space<smem>>
    %mul3A_553 = arith.constant 1.000000e+01 : f32
    %mul3A_554 = arith.mulf %mul3A_553, %get3A_552 : f32
    %div3A_555 = arith.divf %mul3A_554, %max3A_514 : f32
    %exp3A_556 = math.exp %div3A_555 : f32
    %min3A_557 = arith.constant 3.40282347E+38 : f32
    %min3A_558 = arith.minimumf %exp3A_556, %min3A_557 : f32
    %get3A_559 = arith.constant 0 : index
    %get3A_560 = arith.constant 52 : index
    %get3A_561 = memref.load %arg5[%get3A_559, %get3A_560] : memref<1x64xf32, #tpu.memory_space<smem>>
    %mul3A_562 = arith.constant 1.000000e+01 : f32
    %mul3A_563 = arith.mulf %mul3A_562, %get3A_561 : f32
    %div3A_564 = arith.divf %mul3A_563, %max3A_514 : f32
    %exp3A_565 = math.exp %div3A_564 : f32
    %min3A_566 = arith.constant 3.40282347E+38 : f32
    %min3A_567 = arith.minimumf %exp3A_565, %min3A_566 : f32
    %sub3A_568 = vector.broadcast %select_n3A_524 : f32 to vector<512x128xf32>
    %sub3A_569 = arith.subf %add3A_49, %sub3A_568 : vector<512x128xf32>
    %sub3A_570 = vector.broadcast %select_n3A_524 : f32 to vector<512x128xf32>
    %sub3A_571 = arith.subf %add3A_49, %sub3A_570 : vector<512x128xf32>
    %mul3A_572 = arith.mulf %sub3A_569, %sub3A_571 : vector<512x128xf32>
    %mul3A_573 = vector.broadcast %min3A_549 : f32 to vector<512x128xf32>
    %mul3A_574 = arith.mulf %mul3A_572, %mul3A_573 : vector<512x128xf32>
    %sub3A_575 = vector.broadcast %select_n3A_532 : f32 to vector<512x128xf32>
    %sub3A_576 = arith.subf %add3A_57, %sub3A_575 : vector<512x128xf32>
    %sub3A_577 = vector.broadcast %select_n3A_532 : f32 to vector<512x128xf32>
    %sub3A_578 = arith.subf %add3A_57, %sub3A_577 : vector<512x128xf32>
    %mul3A_579 = arith.mulf %sub3A_576, %sub3A_578 : vector<512x128xf32>
    %mul3A_580 = vector.broadcast %min3A_558 : f32 to vector<512x128xf32>
    %mul3A_581 = arith.mulf %mul3A_579, %mul3A_580 : vector<512x128xf32>
    %add3A_582 = arith.addf %mul3A_574, %mul3A_581 : vector<512x128xf32>
    %sub3A_583 = vector.broadcast %select_n3A_540 : f32 to vector<512x128xf32>
    %sub3A_584 = arith.subf %add3A_65, %sub3A_583 : vector<512x128xf32>
    %sub3A_585 = vector.broadcast %select_n3A_540 : f32 to vector<512x128xf32>
    %sub3A_586 = arith.subf %add3A_65, %sub3A_585 : vector<512x128xf32>
    %mul3A_587 = arith.mulf %sub3A_584, %sub3A_586 : vector<512x128xf32>
    %mul3A_588 = vector.broadcast %min3A_567 : f32 to vector<512x128xf32>
    %mul3A_589 = arith.mulf %mul3A_587, %mul3A_588 : vector<512x128xf32>
    %add3A_590 = arith.addf %add3A_582, %mul3A_589 : vector<512x128xf32>
    %neg3A_591 = arith.constant 0.000000e+00 : f32
    %neg3A_592 = vector.broadcast %neg3A_591 : f32 to vector<512x128xf32>
    %neg3A_593 = arith.subf %neg3A_592, %add3A_590 : vector<512x128xf32>
    %exp3A_594 = math.exp %neg3A_593 : vector<512x128xf32>
    %eq3A_595 = arith.constant 4 : i32
    %eq3A_596 = vector.broadcast %eq3A_595 : i32 to vector<512x128xi32>
    %eq3A_597 = arith.cmpi eq, %get3A_81, %eq3A_596 : vector<512x128xi32>
    %convert_element_type3A_598 = arith.extui %eq3A_597 : vector<512x128xi1> to vector<512x128xi32>
    %convert_element_type3A_599 = arith.sitofp %convert_element_type3A_598 : vector<512x128xi32> to vector<512x128xf32>
    %sub3A_600 = arith.subf %logistic3A_76, %exp3A_594 : vector<512x128xf32>
    %get3A_601 = arith.constant 3 : index
    %get3A_602 = memref.load %arg8[%get3A_601] : memref<8xf32, #tpu.memory_space<smem>>
    %mul3A_603 = arith.mulf %sub3A_600, %sub3A_600 : vector<512x128xf32>
    %mul3A_604 = arith.mulf %mul3A_603, %convert_element_type3A_599 : vector<512x128xf32>
    %reduce_sum3A_605 = vector.shape_cast %mul3A_604 : vector<512x128xf32> to vector<1x512x128xf32>
    %reduce_sum3A_606 = arith.constant dense<0.000000e+00> : vector<1xf32>
    %reduce_sum3A_607 = vector.multi_reduction <add>, %reduce_sum3A_605, %reduce_sum3A_606 [1, 2] : vector<1x512x128xf32> to vector<1xf32>
    %reduce_sum3A_608 = vector.shape_cast %reduce_sum3A_607 : vector<1xf32> to vector<1x1x1xf32>
    %reduce_sum3A_609 = vector.extract %reduce_sum3A_608[0, 0, 0] : f32 from vector<1x1x1xf32>
    %add3A_610 = arith.addf %get3A_602, %reduce_sum3A_609 : f32
    %swap3A_611 = arith.constant 3 : index
    %swap3A_612 = memref.load %arg8[%swap3A_611] : memref<8xf32, #tpu.memory_space<smem>>
    memref.store %add3A_610, %arg8[%swap3A_611] : memref<8xf32, #tpu.memory_space<smem>>
    %mul3A_613 = arith.constant 2.048000e+03 : f32
    %mul3A_614 = vector.broadcast %mul3A_613 : f32 to vector<512x128xf32>
    %mul3A_615 = arith.mulf %mul3A_614, %exp3A_594 : vector<512x128xf32>
    %sub3A_616 = arith.constant 2.048000e+03 : f32
    %sub3A_617 = vector.broadcast %sub3A_616 : f32 to vector<512x128xf32>
    %sub3A_618 = arith.subf %sub3A_617, %mul3A_615 : vector<512x128xf32>
    %mul3A_619 = arith.constant 2.048000e+03 : f32
    %mul3A_620 = vector.broadcast %mul3A_619 : f32 to vector<512x128xf32>
    %mul3A_621 = arith.mulf %mul3A_620, %exp3A_594 : vector<512x128xf32>
    %select_n3A_622 = arith.select %eq3A_597, %sub3A_618, %mul3A_621 : vector<512x128xi1>, vector<512x128xf32>
    %floor3A_623 = math.floor %select_n3A_622 : vector<512x128xf32>
    %convert_element_type3A_624 = arith.fptosi %floor3A_623 : vector<512x128xf32> to vector<512x128xi32>
    %jit3A_625 = arith.constant 0 : i32
    %jit3A_626 = arith.constant 2047 : i32
    %max3A_627 = vector.broadcast %jit3A_625 : i32 to vector<512x128xi32>
    %max3A_628 = arith.maxsi %max3A_627, %convert_element_type3A_624 : vector<512x128xi32>
    %min3A_629 = vector.broadcast %jit3A_626 : i32 to vector<512x128xi32>
    %min3A_630 = arith.minsi %min3A_629, %max3A_628 : vector<512x128xi32>
    %jit3A_631 = arith.constant 14336 : i32
    %jit3A_632 = arith.constant 12288 : i32
    %broadcast_in_dim3A_633 = vector.broadcast %jit3A_631 : i32 to vector<512x128xi32>
    %broadcast_in_dim3A_634 = vector.broadcast %jit3A_632 : i32 to vector<512x128xi32>
    %select_n3A_635 = arith.select %eq3A_597, %broadcast_in_dim3A_633, %broadcast_in_dim3A_634 : vector<512x128xi1>, vector<512x128xi32>
    %add3A_636 = arith.addi %min3A_630, %select_n3A_635 : vector<512x128xi32>
    %swap3A_637 = arith.constant 3 : index
    %swap3A_638 = arith.constant 0 : index
    %swap3A_639 = arith.constant 0 : index
    %swap3A_640 = vector.load %arg6[%swap3A_637, %swap3A_638, %swap3A_639] : memref<4x512x128xi32, #tpu.memory_space<vmem>>, vector<1x512x128xi32>
    %swap3A_641 = vector.shape_cast %swap3A_640 : vector<1x512x128xi32> to vector<512x128xi32>
    %swap3A_642 = vector.shape_cast %add3A_636 : vector<512x128xi32> to vector<1x512x128xi32>
    tpu.vector_store %arg6[%swap3A_637, %swap3A_638, %swap3A_639], %swap3A_642 {strides = array<i32>} : memref<4x512x128xi32, #tpu.memory_space<vmem>>, vector<1x512x128xi32>,
    %eq3A_643 = arith.constant 7 : i32
    %eq3A_644 = arith.cmpi eq, %arg0, %eq3A_643 : i32
    %convert_element_type3A_645 = arith.extui %eq3A_644 : i1 to i32
    %cond3A_646 = arith.constant 0 : i32
    %cond3A_647 = arith.cmpi ne, %convert_element_type3A_645, %cond3A_646 : i32
    scf.if %cond3A_647 {
      %get3A_648 = arith.constant 0 : index
      %get3A_649 = memref.load %arg8[%get3A_648] : memref<8xf32, #tpu.memory_space<smem>>
      %swap3A_650 = arith.constant 0 : index
      %swap3A_651 = arith.constant 0 : index
      %swap3A_652 = memref.load %arg7[%swap3A_650, %swap3A_651] : memref<1x8xf32, #tpu.memory_space<smem>>
      memref.store %get3A_649, %arg7[%swap3A_650, %swap3A_651] : memref<1x8xf32, #tpu.memory_space<smem>>
      %get3A_653 = arith.constant 1 : index
      %get3A_654 = memref.load %arg8[%get3A_653] : memref<8xf32, #tpu.memory_space<smem>>
      %swap3A_655 = arith.constant 0 : index
      %swap3A_656 = arith.constant 1 : index
      %swap3A_657 = memref.load %arg7[%swap3A_655, %swap3A_656] : memref<1x8xf32, #tpu.memory_space<smem>>
      memref.store %get3A_654, %arg7[%swap3A_655, %swap3A_656] : memref<1x8xf32, #tpu.memory_space<smem>>
      %get3A_658 = arith.constant 2 : index
      %get3A_659 = memref.load %arg8[%get3A_658] : memref<8xf32, #tpu.memory_space<smem>>
      %swap3A_660 = arith.constant 0 : index
      %swap3A_661 = arith.constant 2 : index
      %swap3A_662 = memref.load %arg7[%swap3A_660, %swap3A_661] : memref<1x8xf32, #tpu.memory_space<smem>>
      memref.store %get3A_659, %arg7[%swap3A_660, %swap3A_661] : memref<1x8xf32, #tpu.memory_space<smem>>
      %get3A_663 = arith.constant 3 : index
      %get3A_664 = memref.load %arg8[%get3A_663] : memref<8xf32, #tpu.memory_space<smem>>
      %swap3A_665 = arith.constant 0 : index
      %swap3A_666 = arith.constant 3 : index
      %swap3A_667 = memref.load %arg7[%swap3A_665, %swap3A_666] : memref<1x8xf32, #tpu.memory_space<smem>>
      memref.store %get3A_664, %arg7[%swap3A_665, %swap3A_666] : memref<1x8xf32, #tpu.memory_space<smem>>
      %get3A_668 = arith.constant 4 : index
      %get3A_669 = memref.load %arg8[%get3A_668] : memref<8xf32, #tpu.memory_space<smem>>
      %swap3A_670 = arith.constant 0 : index
      %swap3A_671 = arith.constant 4 : index
      %swap3A_672 = memref.load %arg7[%swap3A_670, %swap3A_671] : memref<1x8xf32, #tpu.memory_space<smem>>
      memref.store %get3A_669, %arg7[%swap3A_670, %swap3A_671] : memref<1x8xf32, #tpu.memory_space<smem>>
      %get3A_673 = arith.constant 5 : index
      %get3A_674 = memref.load %arg8[%get3A_673] : memref<8xf32, #tpu.memory_space<smem>>
      %swap3A_675 = arith.constant 0 : index
      %swap3A_676 = arith.constant 5 : index
      %swap3A_677 = memref.load %arg7[%swap3A_675, %swap3A_676] : memref<1x8xf32, #tpu.memory_space<smem>>
      memref.store %get3A_674, %arg7[%swap3A_675, %swap3A_676] : memref<1x8xf32, #tpu.memory_space<smem>>
      %get3A_678 = arith.constant 6 : index
      %get3A_679 = memref.load %arg8[%get3A_678] : memref<8xf32, #tpu.memory_space<smem>>
      %swap3A_680 = arith.constant 0 : index
      %swap3A_681 = arith.constant 6 : index
      %swap3A_682 = memref.load %arg7[%swap3A_680, %swap3A_681] : memref<1x8xf32, #tpu.memory_space<smem>>
      memref.store %get3A_679, %arg7[%swap3A_680, %swap3A_681] : memref<1x8xf32, #tpu.memory_space<smem>>
      %get3A_683 = arith.constant 7 : index
      %get3A_684 = memref.load %arg8[%get3A_683] : memref<8xf32, #tpu.memory_space<smem>>
      %swap3A_685 = arith.constant 0 : index
      %swap3A_686 = arith.constant 7 : index
      %swap3A_687 = memref.load %arg7[%swap3A_685, %swap3A_686] : memref<1x8xf32, #tpu.memory_space<smem>>
      memref.store %get3A_684, %arg7[%swap3A_685, %swap3A_686] : memref<1x8xf32, #tpu.memory_space<smem>>
    } else {
    }
    return
  }
  func.func @transform_0(%arg0: i32) -> (i32, i32, i32, i32) {
    %c1_i32 = arith.constant 1 : i32
    %c0_i32 = arith.constant 0 : i32
    %c0_i32_0 = arith.constant 0 : i32
    %c0_i32_1 = arith.constant 0 : i32
    return %c1_i32, %c0_i32, %arg0, %c0_i32_0 : i32, i32, i32, i32
  }
  func.func @transform_1(%arg0: i32) -> (i32, i32, i32, i32) {
    %c1_i32 = arith.constant 1 : i32
    %c6_i32 = arith.constant 6 : i32
    %c0_i32 = arith.constant 0 : i32
    %c0_i32_0 = arith.constant 0 : i32
    return %c1_i32, %c6_i32, %arg0, %c0_i32 : i32, i32, i32, i32
  }
  func.func @transform_2(%arg0: i32) -> (i32, i32, i32) {
    %c1_i32 = arith.constant 1 : i32
    %c0_i32 = arith.constant 0 : i32
    %c0_i32_0 = arith.constant 0 : i32
    return %c1_i32, %arg0, %c0_i32 : i32, i32, i32
  }
  func.func @transform_3(%arg0: i32) -> (i32, i32, i32) {
    %c1_i32 = arith.constant 1 : i32
    %c0_i32 = arith.constant 0 : i32
    %c0_i32_0 = arith.constant 0 : i32
    return %c1_i32, %arg0, %c0_i32 : i32, i32, i32
  }
  func.func @transform_4(%arg0: i32) -> (i32, i32) {
    %c0_i32 = arith.constant 0 : i32
    %c0_i32_0 = arith.constant 0 : i32
    %c0_i32_1 = arith.constant 0 : i32
    return %c0_i32, %c0_i32_0 : i32, i32
  }
  func.func @transform_5(%arg0: i32) -> (i32, i32, i32) {
    %c0_i32 = arith.constant 0 : i32
    %c0_i32_0 = arith.constant 0 : i32
    %c0_i32_1 = arith.constant 0 : i32
    return %c0_i32, %arg0, %c0_i32_0 : i32, i32, i32
  }
  func.func @transform_6(%arg0: i32) -> (i32, i32) {
    %c0_i32 = arith.constant 0 : i32
    %c0_i32_0 = arith.constant 0 : i32
    %c0_i32_1 = arith.constant 0 : i32
    return %c0_i32, %c0_i32_0 : i32, i32
  }
}

module attributes {stable_mosaic.version = 14 : i64} {
  func.func @_p1_body(%arg0: i32, %arg1: memref<1x3x512x128xf32, #tpu.memory_space<vmem>>, %arg2: memref<1x512x128xi32, #tpu.memory_space<vmem>>, %arg3: memref<1x512x128xi32, #tpu.memory_space<vmem>>, %arg4: memref<1x64xf32, #tpu.memory_space<smem>>, %arg5: memref<64xf32, #tpu.memory_space<smem>>) attributes {dimension_semantics = [#tpu.dimension_semantics<arbitrary>], iteration_bounds = array<i64: 8>, scalar_prefetch = 0 : i64, scratch_operands = 1 : i64, tpu.core_type = #tpu.core_type<tc>, window_params = [{transform_indices = @transform_0, window_bounds = array<i64: 1, 3, 512, 128>}, {transform_indices = @transform_1, window_bounds = array<i64: 1, 512, 128>}, {transform_indices = @transform_2, window_bounds = array<i64: 1, 512, 128>}, {transform_indices = @transform_3, window_bounds = array<i64: 1, 64>}]} {
    %eq3A = arith.constant 0 : i32
    %eq3A_0 = arith.cmpi eq, %arg0, %eq3A : i32
    %convert_element_type3A = arith.extui %eq3A_0 : i1 to i32
    %cond3A = arith.constant 0 : i32
    %cond3A_1 = arith.cmpi ne, %convert_element_type3A, %cond3A : i32
    scf.if %cond3A_1 {
      %swap3A_723 = arith.constant 0.000000e+00 : f32
      %swap3A_724 = arith.constant 0 : index
      %swap3A_725 = memref.load %arg5[%swap3A_724] : memref<64xf32, #tpu.memory_space<smem>>
      memref.store %swap3A_723, %arg5[%swap3A_724] : memref<64xf32, #tpu.memory_space<smem>>
      %swap3A_726 = arith.constant 0.000000e+00 : f32
      %swap3A_727 = arith.constant 1 : index
      %swap3A_728 = memref.load %arg5[%swap3A_727] : memref<64xf32, #tpu.memory_space<smem>>
      memref.store %swap3A_726, %arg5[%swap3A_727] : memref<64xf32, #tpu.memory_space<smem>>
      %swap3A_729 = arith.constant 0.000000e+00 : f32
      %swap3A_730 = arith.constant 2 : index
      %swap3A_731 = memref.load %arg5[%swap3A_730] : memref<64xf32, #tpu.memory_space<smem>>
      memref.store %swap3A_729, %arg5[%swap3A_730] : memref<64xf32, #tpu.memory_space<smem>>
      %swap3A_732 = arith.constant 0.000000e+00 : f32
      %swap3A_733 = arith.constant 3 : index
      %swap3A_734 = memref.load %arg5[%swap3A_733] : memref<64xf32, #tpu.memory_space<smem>>
      memref.store %swap3A_732, %arg5[%swap3A_733] : memref<64xf32, #tpu.memory_space<smem>>
      %swap3A_735 = arith.constant 0.000000e+00 : f32
      %swap3A_736 = arith.constant 4 : index
      %swap3A_737 = memref.load %arg5[%swap3A_736] : memref<64xf32, #tpu.memory_space<smem>>
      memref.store %swap3A_735, %arg5[%swap3A_736] : memref<64xf32, #tpu.memory_space<smem>>
      %swap3A_738 = arith.constant 0.000000e+00 : f32
      %swap3A_739 = arith.constant 5 : index
      %swap3A_740 = memref.load %arg5[%swap3A_739] : memref<64xf32, #tpu.memory_space<smem>>
      memref.store %swap3A_738, %arg5[%swap3A_739] : memref<64xf32, #tpu.memory_space<smem>>
      %swap3A_741 = arith.constant 0.000000e+00 : f32
      %swap3A_742 = arith.constant 6 : index
      %swap3A_743 = memref.load %arg5[%swap3A_742] : memref<64xf32, #tpu.memory_space<smem>>
      memref.store %swap3A_741, %arg5[%swap3A_742] : memref<64xf32, #tpu.memory_space<smem>>
      %swap3A_744 = arith.constant 0.000000e+00 : f32
      %swap3A_745 = arith.constant 7 : index
      %swap3A_746 = memref.load %arg5[%swap3A_745] : memref<64xf32, #tpu.memory_space<smem>>
      memref.store %swap3A_744, %arg5[%swap3A_745] : memref<64xf32, #tpu.memory_space<smem>>
      %swap3A_747 = arith.constant 0.000000e+00 : f32
      %swap3A_748 = arith.constant 8 : index
      %swap3A_749 = memref.load %arg5[%swap3A_748] : memref<64xf32, #tpu.memory_space<smem>>
      memref.store %swap3A_747, %arg5[%swap3A_748] : memref<64xf32, #tpu.memory_space<smem>>
      %swap3A_750 = arith.constant 0.000000e+00 : f32
      %swap3A_751 = arith.constant 9 : index
      %swap3A_752 = memref.load %arg5[%swap3A_751] : memref<64xf32, #tpu.memory_space<smem>>
      memref.store %swap3A_750, %arg5[%swap3A_751] : memref<64xf32, #tpu.memory_space<smem>>
      %swap3A_753 = arith.constant 0.000000e+00 : f32
      %swap3A_754 = arith.constant 10 : index
      %swap3A_755 = memref.load %arg5[%swap3A_754] : memref<64xf32, #tpu.memory_space<smem>>
      memref.store %swap3A_753, %arg5[%swap3A_754] : memref<64xf32, #tpu.memory_space<smem>>
      %swap3A_756 = arith.constant 0.000000e+00 : f32
      %swap3A_757 = arith.constant 11 : index
      %swap3A_758 = memref.load %arg5[%swap3A_757] : memref<64xf32, #tpu.memory_space<smem>>
      memref.store %swap3A_756, %arg5[%swap3A_757] : memref<64xf32, #tpu.memory_space<smem>>
      %swap3A_759 = arith.constant 0.000000e+00 : f32
      %swap3A_760 = arith.constant 12 : index
      %swap3A_761 = memref.load %arg5[%swap3A_760] : memref<64xf32, #tpu.memory_space<smem>>
      memref.store %swap3A_759, %arg5[%swap3A_760] : memref<64xf32, #tpu.memory_space<smem>>
      %swap3A_762 = arith.constant 0.000000e+00 : f32
      %swap3A_763 = arith.constant 13 : index
      %swap3A_764 = memref.load %arg5[%swap3A_763] : memref<64xf32, #tpu.memory_space<smem>>
      memref.store %swap3A_762, %arg5[%swap3A_763] : memref<64xf32, #tpu.memory_space<smem>>
      %swap3A_765 = arith.constant 0.000000e+00 : f32
      %swap3A_766 = arith.constant 14 : index
      %swap3A_767 = memref.load %arg5[%swap3A_766] : memref<64xf32, #tpu.memory_space<smem>>
      memref.store %swap3A_765, %arg5[%swap3A_766] : memref<64xf32, #tpu.memory_space<smem>>
      %swap3A_768 = arith.constant 0.000000e+00 : f32
      %swap3A_769 = arith.constant 15 : index
      %swap3A_770 = memref.load %arg5[%swap3A_769] : memref<64xf32, #tpu.memory_space<smem>>
      memref.store %swap3A_768, %arg5[%swap3A_769] : memref<64xf32, #tpu.memory_space<smem>>
      %swap3A_771 = arith.constant 0.000000e+00 : f32
      %swap3A_772 = arith.constant 16 : index
      %swap3A_773 = memref.load %arg5[%swap3A_772] : memref<64xf32, #tpu.memory_space<smem>>
      memref.store %swap3A_771, %arg5[%swap3A_772] : memref<64xf32, #tpu.memory_space<smem>>
      %swap3A_774 = arith.constant 0.000000e+00 : f32
      %swap3A_775 = arith.constant 17 : index
      %swap3A_776 = memref.load %arg5[%swap3A_775] : memref<64xf32, #tpu.memory_space<smem>>
      memref.store %swap3A_774, %arg5[%swap3A_775] : memref<64xf32, #tpu.memory_space<smem>>
      %swap3A_777 = arith.constant 0.000000e+00 : f32
      %swap3A_778 = arith.constant 18 : index
      %swap3A_779 = memref.load %arg5[%swap3A_778] : memref<64xf32, #tpu.memory_space<smem>>
      memref.store %swap3A_777, %arg5[%swap3A_778] : memref<64xf32, #tpu.memory_space<smem>>
      %swap3A_780 = arith.constant 0.000000e+00 : f32
      %swap3A_781 = arith.constant 19 : index
      %swap3A_782 = memref.load %arg5[%swap3A_781] : memref<64xf32, #tpu.memory_space<smem>>
      memref.store %swap3A_780, %arg5[%swap3A_781] : memref<64xf32, #tpu.memory_space<smem>>
      %swap3A_783 = arith.constant 0.000000e+00 : f32
      %swap3A_784 = arith.constant 20 : index
      %swap3A_785 = memref.load %arg5[%swap3A_784] : memref<64xf32, #tpu.memory_space<smem>>
      memref.store %swap3A_783, %arg5[%swap3A_784] : memref<64xf32, #tpu.memory_space<smem>>
      %swap3A_786 = arith.constant 0.000000e+00 : f32
      %swap3A_787 = arith.constant 21 : index
      %swap3A_788 = memref.load %arg5[%swap3A_787] : memref<64xf32, #tpu.memory_space<smem>>
      memref.store %swap3A_786, %arg5[%swap3A_787] : memref<64xf32, #tpu.memory_space<smem>>
      %swap3A_789 = arith.constant 0.000000e+00 : f32
      %swap3A_790 = arith.constant 22 : index
      %swap3A_791 = memref.load %arg5[%swap3A_790] : memref<64xf32, #tpu.memory_space<smem>>
      memref.store %swap3A_789, %arg5[%swap3A_790] : memref<64xf32, #tpu.memory_space<smem>>
      %swap3A_792 = arith.constant 0.000000e+00 : f32
      %swap3A_793 = arith.constant 23 : index
      %swap3A_794 = memref.load %arg5[%swap3A_793] : memref<64xf32, #tpu.memory_space<smem>>
      memref.store %swap3A_792, %arg5[%swap3A_793] : memref<64xf32, #tpu.memory_space<smem>>
      %swap3A_795 = arith.constant 0.000000e+00 : f32
      %swap3A_796 = arith.constant 24 : index
      %swap3A_797 = memref.load %arg5[%swap3A_796] : memref<64xf32, #tpu.memory_space<smem>>
      memref.store %swap3A_795, %arg5[%swap3A_796] : memref<64xf32, #tpu.memory_space<smem>>
      %swap3A_798 = arith.constant 0.000000e+00 : f32
      %swap3A_799 = arith.constant 25 : index
      %swap3A_800 = memref.load %arg5[%swap3A_799] : memref<64xf32, #tpu.memory_space<smem>>
      memref.store %swap3A_798, %arg5[%swap3A_799] : memref<64xf32, #tpu.memory_space<smem>>
      %swap3A_801 = arith.constant 0.000000e+00 : f32
      %swap3A_802 = arith.constant 26 : index
      %swap3A_803 = memref.load %arg5[%swap3A_802] : memref<64xf32, #tpu.memory_space<smem>>
      memref.store %swap3A_801, %arg5[%swap3A_802] : memref<64xf32, #tpu.memory_space<smem>>
      %swap3A_804 = arith.constant 0.000000e+00 : f32
      %swap3A_805 = arith.constant 27 : index
      %swap3A_806 = memref.load %arg5[%swap3A_805] : memref<64xf32, #tpu.memory_space<smem>>
      memref.store %swap3A_804, %arg5[%swap3A_805] : memref<64xf32, #tpu.memory_space<smem>>
      %swap3A_807 = arith.constant 0.000000e+00 : f32
      %swap3A_808 = arith.constant 28 : index
      %swap3A_809 = memref.load %arg5[%swap3A_808] : memref<64xf32, #tpu.memory_space<smem>>
      memref.store %swap3A_807, %arg5[%swap3A_808] : memref<64xf32, #tpu.memory_space<smem>>
      %swap3A_810 = arith.constant 0.000000e+00 : f32
      %swap3A_811 = arith.constant 29 : index
      %swap3A_812 = memref.load %arg5[%swap3A_811] : memref<64xf32, #tpu.memory_space<smem>>
      memref.store %swap3A_810, %arg5[%swap3A_811] : memref<64xf32, #tpu.memory_space<smem>>
      %swap3A_813 = arith.constant 0.000000e+00 : f32
      %swap3A_814 = arith.constant 30 : index
      %swap3A_815 = memref.load %arg5[%swap3A_814] : memref<64xf32, #tpu.memory_space<smem>>
      memref.store %swap3A_813, %arg5[%swap3A_814] : memref<64xf32, #tpu.memory_space<smem>>
      %swap3A_816 = arith.constant 0.000000e+00 : f32
      %swap3A_817 = arith.constant 31 : index
      %swap3A_818 = memref.load %arg5[%swap3A_817] : memref<64xf32, #tpu.memory_space<smem>>
      memref.store %swap3A_816, %arg5[%swap3A_817] : memref<64xf32, #tpu.memory_space<smem>>
      %swap3A_819 = arith.constant 0.000000e+00 : f32
      %swap3A_820 = arith.constant 32 : index
      %swap3A_821 = memref.load %arg5[%swap3A_820] : memref<64xf32, #tpu.memory_space<smem>>
      memref.store %swap3A_819, %arg5[%swap3A_820] : memref<64xf32, #tpu.memory_space<smem>>
      %swap3A_822 = arith.constant 0.000000e+00 : f32
      %swap3A_823 = arith.constant 33 : index
      %swap3A_824 = memref.load %arg5[%swap3A_823] : memref<64xf32, #tpu.memory_space<smem>>
      memref.store %swap3A_822, %arg5[%swap3A_823] : memref<64xf32, #tpu.memory_space<smem>>
      %swap3A_825 = arith.constant 0.000000e+00 : f32
      %swap3A_826 = arith.constant 34 : index
      %swap3A_827 = memref.load %arg5[%swap3A_826] : memref<64xf32, #tpu.memory_space<smem>>
      memref.store %swap3A_825, %arg5[%swap3A_826] : memref<64xf32, #tpu.memory_space<smem>>
      %swap3A_828 = arith.constant 0.000000e+00 : f32
      %swap3A_829 = arith.constant 35 : index
      %swap3A_830 = memref.load %arg5[%swap3A_829] : memref<64xf32, #tpu.memory_space<smem>>
      memref.store %swap3A_828, %arg5[%swap3A_829] : memref<64xf32, #tpu.memory_space<smem>>
      %swap3A_831 = arith.constant 0.000000e+00 : f32
      %swap3A_832 = arith.constant 36 : index
      %swap3A_833 = memref.load %arg5[%swap3A_832] : memref<64xf32, #tpu.memory_space<smem>>
      memref.store %swap3A_831, %arg5[%swap3A_832] : memref<64xf32, #tpu.memory_space<smem>>
      %swap3A_834 = arith.constant 0.000000e+00 : f32
      %swap3A_835 = arith.constant 37 : index
      %swap3A_836 = memref.load %arg5[%swap3A_835] : memref<64xf32, #tpu.memory_space<smem>>
      memref.store %swap3A_834, %arg5[%swap3A_835] : memref<64xf32, #tpu.memory_space<smem>>
      %swap3A_837 = arith.constant 0.000000e+00 : f32
      %swap3A_838 = arith.constant 38 : index
      %swap3A_839 = memref.load %arg5[%swap3A_838] : memref<64xf32, #tpu.memory_space<smem>>
      memref.store %swap3A_837, %arg5[%swap3A_838] : memref<64xf32, #tpu.memory_space<smem>>
      %swap3A_840 = arith.constant 0.000000e+00 : f32
      %swap3A_841 = arith.constant 39 : index
      %swap3A_842 = memref.load %arg5[%swap3A_841] : memref<64xf32, #tpu.memory_space<smem>>
      memref.store %swap3A_840, %arg5[%swap3A_841] : memref<64xf32, #tpu.memory_space<smem>>
      %swap3A_843 = arith.constant 0.000000e+00 : f32
      %swap3A_844 = arith.constant 40 : index
      %swap3A_845 = memref.load %arg5[%swap3A_844] : memref<64xf32, #tpu.memory_space<smem>>
      memref.store %swap3A_843, %arg5[%swap3A_844] : memref<64xf32, #tpu.memory_space<smem>>
      %swap3A_846 = arith.constant 0.000000e+00 : f32
      %swap3A_847 = arith.constant 41 : index
      %swap3A_848 = memref.load %arg5[%swap3A_847] : memref<64xf32, #tpu.memory_space<smem>>
      memref.store %swap3A_846, %arg5[%swap3A_847] : memref<64xf32, #tpu.memory_space<smem>>
      %swap3A_849 = arith.constant 0.000000e+00 : f32
      %swap3A_850 = arith.constant 42 : index
      %swap3A_851 = memref.load %arg5[%swap3A_850] : memref<64xf32, #tpu.memory_space<smem>>
      memref.store %swap3A_849, %arg5[%swap3A_850] : memref<64xf32, #tpu.memory_space<smem>>
      %swap3A_852 = arith.constant 0.000000e+00 : f32
      %swap3A_853 = arith.constant 43 : index
      %swap3A_854 = memref.load %arg5[%swap3A_853] : memref<64xf32, #tpu.memory_space<smem>>
      memref.store %swap3A_852, %arg5[%swap3A_853] : memref<64xf32, #tpu.memory_space<smem>>
      %swap3A_855 = arith.constant 0.000000e+00 : f32
      %swap3A_856 = arith.constant 44 : index
      %swap3A_857 = memref.load %arg5[%swap3A_856] : memref<64xf32, #tpu.memory_space<smem>>
      memref.store %swap3A_855, %arg5[%swap3A_856] : memref<64xf32, #tpu.memory_space<smem>>
      %swap3A_858 = arith.constant 0.000000e+00 : f32
      %swap3A_859 = arith.constant 45 : index
      %swap3A_860 = memref.load %arg5[%swap3A_859] : memref<64xf32, #tpu.memory_space<smem>>
      memref.store %swap3A_858, %arg5[%swap3A_859] : memref<64xf32, #tpu.memory_space<smem>>
      %swap3A_861 = arith.constant 0.000000e+00 : f32
      %swap3A_862 = arith.constant 46 : index
      %swap3A_863 = memref.load %arg5[%swap3A_862] : memref<64xf32, #tpu.memory_space<smem>>
      memref.store %swap3A_861, %arg5[%swap3A_862] : memref<64xf32, #tpu.memory_space<smem>>
      %swap3A_864 = arith.constant 0.000000e+00 : f32
      %swap3A_865 = arith.constant 47 : index
      %swap3A_866 = memref.load %arg5[%swap3A_865] : memref<64xf32, #tpu.memory_space<smem>>
      memref.store %swap3A_864, %arg5[%swap3A_865] : memref<64xf32, #tpu.memory_space<smem>>
      %swap3A_867 = arith.constant 0.000000e+00 : f32
      %swap3A_868 = arith.constant 48 : index
      %swap3A_869 = memref.load %arg5[%swap3A_868] : memref<64xf32, #tpu.memory_space<smem>>
      memref.store %swap3A_867, %arg5[%swap3A_868] : memref<64xf32, #tpu.memory_space<smem>>
      %swap3A_870 = arith.constant 0.000000e+00 : f32
      %swap3A_871 = arith.constant 49 : index
      %swap3A_872 = memref.load %arg5[%swap3A_871] : memref<64xf32, #tpu.memory_space<smem>>
      memref.store %swap3A_870, %arg5[%swap3A_871] : memref<64xf32, #tpu.memory_space<smem>>
      %swap3A_873 = arith.constant 0.000000e+00 : f32
      %swap3A_874 = arith.constant 50 : index
      %swap3A_875 = memref.load %arg5[%swap3A_874] : memref<64xf32, #tpu.memory_space<smem>>
      memref.store %swap3A_873, %arg5[%swap3A_874] : memref<64xf32, #tpu.memory_space<smem>>
      %swap3A_876 = arith.constant 0.000000e+00 : f32
      %swap3A_877 = arith.constant 51 : index
      %swap3A_878 = memref.load %arg5[%swap3A_877] : memref<64xf32, #tpu.memory_space<smem>>
      memref.store %swap3A_876, %arg5[%swap3A_877] : memref<64xf32, #tpu.memory_space<smem>>
      %swap3A_879 = arith.constant 0.000000e+00 : f32
      %swap3A_880 = arith.constant 52 : index
      %swap3A_881 = memref.load %arg5[%swap3A_880] : memref<64xf32, #tpu.memory_space<smem>>
      memref.store %swap3A_879, %arg5[%swap3A_880] : memref<64xf32, #tpu.memory_space<smem>>
      %swap3A_882 = arith.constant 0.000000e+00 : f32
      %swap3A_883 = arith.constant 53 : index
      %swap3A_884 = memref.load %arg5[%swap3A_883] : memref<64xf32, #tpu.memory_space<smem>>
      memref.store %swap3A_882, %arg5[%swap3A_883] : memref<64xf32, #tpu.memory_space<smem>>
      %swap3A_885 = arith.constant 0.000000e+00 : f32
      %swap3A_886 = arith.constant 54 : index
      %swap3A_887 = memref.load %arg5[%swap3A_886] : memref<64xf32, #tpu.memory_space<smem>>
      memref.store %swap3A_885, %arg5[%swap3A_886] : memref<64xf32, #tpu.memory_space<smem>>
      %swap3A_888 = arith.constant 0.000000e+00 : f32
      %swap3A_889 = arith.constant 55 : index
      %swap3A_890 = memref.load %arg5[%swap3A_889] : memref<64xf32, #tpu.memory_space<smem>>
      memref.store %swap3A_888, %arg5[%swap3A_889] : memref<64xf32, #tpu.memory_space<smem>>
      %swap3A_891 = arith.constant 0.000000e+00 : f32
      %swap3A_892 = arith.constant 56 : index
      %swap3A_893 = memref.load %arg5[%swap3A_892] : memref<64xf32, #tpu.memory_space<smem>>
      memref.store %swap3A_891, %arg5[%swap3A_892] : memref<64xf32, #tpu.memory_space<smem>>
      %swap3A_894 = arith.constant 0.000000e+00 : f32
      %swap3A_895 = arith.constant 57 : index
      %swap3A_896 = memref.load %arg5[%swap3A_895] : memref<64xf32, #tpu.memory_space<smem>>
      memref.store %swap3A_894, %arg5[%swap3A_895] : memref<64xf32, #tpu.memory_space<smem>>
      %swap3A_897 = arith.constant 0.000000e+00 : f32
      %swap3A_898 = arith.constant 58 : index
      %swap3A_899 = memref.load %arg5[%swap3A_898] : memref<64xf32, #tpu.memory_space<smem>>
      memref.store %swap3A_897, %arg5[%swap3A_898] : memref<64xf32, #tpu.memory_space<smem>>
      %swap3A_900 = arith.constant 0.000000e+00 : f32
      %swap3A_901 = arith.constant 59 : index
      %swap3A_902 = memref.load %arg5[%swap3A_901] : memref<64xf32, #tpu.memory_space<smem>>
      memref.store %swap3A_900, %arg5[%swap3A_901] : memref<64xf32, #tpu.memory_space<smem>>
      %swap3A_903 = arith.constant 0.000000e+00 : f32
      %swap3A_904 = arith.constant 60 : index
      %swap3A_905 = memref.load %arg5[%swap3A_904] : memref<64xf32, #tpu.memory_space<smem>>
      memref.store %swap3A_903, %arg5[%swap3A_904] : memref<64xf32, #tpu.memory_space<smem>>
      %swap3A_906 = arith.constant 0.000000e+00 : f32
      %swap3A_907 = arith.constant 61 : index
      %swap3A_908 = memref.load %arg5[%swap3A_907] : memref<64xf32, #tpu.memory_space<smem>>
      memref.store %swap3A_906, %arg5[%swap3A_907] : memref<64xf32, #tpu.memory_space<smem>>
      %swap3A_909 = arith.constant 0.000000e+00 : f32
      %swap3A_910 = arith.constant 62 : index
      %swap3A_911 = memref.load %arg5[%swap3A_910] : memref<64xf32, #tpu.memory_space<smem>>
      memref.store %swap3A_909, %arg5[%swap3A_910] : memref<64xf32, #tpu.memory_space<smem>>
      %swap3A_912 = arith.constant 0.000000e+00 : f32
      %swap3A_913 = arith.constant 63 : index
      %swap3A_914 = memref.load %arg5[%swap3A_913] : memref<64xf32, #tpu.memory_space<smem>>
      memref.store %swap3A_912, %arg5[%swap3A_913] : memref<64xf32, #tpu.memory_space<smem>>
    } else {
    }
    %iota3A = tpu.iota {dimensions = array<i32: 0>} : vector<512x128xi32>
    %mul3A = arith.constant 512 : i32
    %mul3A_2 = arith.muli %arg0, %mul3A : i32
    %add3A = vector.broadcast %mul3A_2 : i32 to vector<512x128xi32>
    %add3A_3 = arith.addi %iota3A, %add3A : vector<512x128xi32>
    %iota3A_4 = tpu.iota {dimensions = array<i32: 1>} : vector<512x128xi32>
    %jit3A = arith.constant 128 : i32
    %div3A = vector.broadcast %jit3A : i32 to vector<512x128xi32>
    %div3A_5 = arith.divsi %add3A_3, %div3A : vector<512x128xi32>
    %sign3A = arith.constant 0 : i32
    %sign3A_6 = vector.broadcast %sign3A : i32 to vector<512x128xi32>
    %sign3A_7 = arith.cmpi sgt, %add3A_3, %sign3A_6 : vector<512x128xi32>
    %sign3A_8 = arith.extui %sign3A_7 : vector<512x128xi1> to vector<512x128xi32>
    %sign3A_9 = arith.constant 0 : i32
    %sign3A_10 = vector.broadcast %sign3A_9 : i32 to vector<512x128xi32>
    %sign3A_11 = arith.cmpi slt, %add3A_3, %sign3A_10 : vector<512x128xi32>
    %sign3A_12 = arith.extui %sign3A_11 : vector<512x128xi1> to vector<512x128xi32>
    %sign3A_13 = arith.subi %sign3A_8, %sign3A_12 : vector<512x128xi32>
    %sign3A_14 = arith.constant 0 : i32
    %sign3A_15 = arith.cmpi sgt, %jit3A, %sign3A_14 : i32
    %sign3A_16 = arith.extui %sign3A_15 : i1 to i32
    %sign3A_17 = arith.constant 0 : i32
    %sign3A_18 = arith.cmpi slt, %jit3A, %sign3A_17 : i32
    %sign3A_19 = arith.extui %sign3A_18 : i1 to i32
    %sign3A_20 = arith.subi %sign3A_16, %sign3A_19 : i32
    %ne3A = vector.broadcast %sign3A_20 : i32 to vector<512x128xi32>
    %ne3A_21 = arith.cmpi ne, %sign3A_13, %ne3A : vector<512x128xi32>
    %rem3A = vector.broadcast %jit3A : i32 to vector<512x128xi32>
    %rem3A_22 = arith.remsi %add3A_3, %rem3A : vector<512x128xi32>
    %ne3A_23 = arith.constant 0 : i32
    %ne3A_24 = vector.broadcast %ne3A_23 : i32 to vector<512x128xi32>
    %ne3A_25 = arith.cmpi ne, %rem3A_22, %ne3A_24 : vector<512x128xi32>
    %and3A = arith.andi %ne3A_21, %ne3A_25 : vector<512x128xi1>
    %sub3A = arith.constant 1 : i32
    %sub3A_26 = vector.broadcast %sub3A : i32 to vector<512x128xi32>
    %sub3A_27 = arith.subi %div3A_5, %sub3A_26 : vector<512x128xi32>
    %select_n3A = arith.select %and3A, %sub3A_27, %div3A_5 : vector<512x128xi1>, vector<512x128xi32>
    %mul3A_28 = arith.constant 128 : i32
    %mul3A_29 = vector.broadcast %mul3A_28 : i32 to vector<512x128xi32>
    %mul3A_30 = arith.muli %select_n3A, %mul3A_29 : vector<512x128xi32>
    %sub3A_31 = arith.subi %add3A_3, %mul3A_30 : vector<512x128xi32>
    %convert_element_type3A_32 = arith.sitofp %iota3A_4 : vector<512x128xi32> to vector<512x128xf32>
    %mul3A_33 = arith.constant 0.00787401571 : f32
    %mul3A_34 = vector.broadcast %mul3A_33 : f32 to vector<512x128xf32>
    %mul3A_35 = arith.mulf %convert_element_type3A_32, %mul3A_34 : vector<512x128xf32>
    %convert_element_type3A_36 = arith.sitofp %sub3A_31 : vector<512x128xi32> to vector<512x128xf32>
    %mul3A_37 = arith.constant 0.00787401571 : f32
    %mul3A_38 = vector.broadcast %mul3A_37 : f32 to vector<512x128xf32>
    %mul3A_39 = arith.mulf %convert_element_type3A_36, %mul3A_38 : vector<512x128xf32>
    %convert_element_type3A_40 = arith.sitofp %select_n3A : vector<512x128xi32> to vector<512x128xf32>
    %mul3A_41 = arith.constant 0.0322580636 : f32
    %mul3A_42 = vector.broadcast %mul3A_41 : f32 to vector<512x128xf32>
    %mul3A_43 = arith.mulf %convert_element_type3A_40, %mul3A_42 : vector<512x128xf32>
    %get3A = arith.constant 0 : index
    %get3A_44 = arith.constant 0 : index
    %get3A_45 = arith.constant 0 : index
    %get3A_46 = vector.load %arg2[%get3A, %get3A_44, %get3A_45] : memref<1x512x128xi32, #tpu.memory_space<vmem>>, vector<1x512x128xi32>
    %get3A_47 = vector.shape_cast %get3A_46 : vector<1x512x128xi32> to vector<512x128xi32>
    %get3A_48 = arith.constant 0 : index
    %get3A_49 = arith.constant 0 : index
    %get3A_50 = arith.constant 0 : index
    %get3A_51 = vector.load %arg3[%get3A_48, %get3A_49, %get3A_50] : memref<1x512x128xi32, #tpu.memory_space<vmem>>, vector<1x512x128xi32>
    %get3A_52 = vector.shape_cast %get3A_51 : vector<1x512x128xi32> to vector<512x128xi32>
    %ne3A_53 = arith.constant 0 : i32
    %ne3A_54 = vector.broadcast %ne3A_53 : i32 to vector<512x128xi32>
    %ne3A_55 = arith.cmpi ne, %get3A_52, %ne3A_54 : vector<512x128xi32>
    %convert_element_type3A_56 = arith.extui %ne3A_55 : vector<512x128xi1> to vector<512x128xi32>
    %convert_element_type3A_57 = arith.sitofp %convert_element_type3A_56 : vector<512x128xi32> to vector<512x128xf32>
    %get3A_58 = arith.constant 0 : index
    %get3A_59 = arith.constant 0 : index
    %get3A_60 = arith.constant 0 : index
    %get3A_61 = arith.constant 0 : index
    %get3A_62 = vector.load %arg1[%get3A_58, %get3A_59, %get3A_60, %get3A_61] : memref<1x3x512x128xf32, #tpu.memory_space<vmem>>, vector<1x1x512x128xf32>
    %get3A_63 = vector.shape_cast %get3A_62 : vector<1x1x512x128xf32> to vector<512x128xf32>
    %get3A_64 = arith.constant 0 : index
    %get3A_65 = arith.constant 1 : index
    %get3A_66 = arith.constant 0 : index
    %get3A_67 = arith.constant 0 : index
    %get3A_68 = vector.load %arg1[%get3A_64, %get3A_65, %get3A_66, %get3A_67] : memref<1x3x512x128xf32, #tpu.memory_space<vmem>>, vector<1x1x512x128xf32>
    %get3A_69 = vector.shape_cast %get3A_68 : vector<1x1x512x128xf32> to vector<512x128xf32>
    %get3A_70 = arith.constant 0 : index
    %get3A_71 = arith.constant 2 : index
    %get3A_72 = arith.constant 0 : index
    %get3A_73 = arith.constant 0 : index
    %get3A_74 = vector.load %arg1[%get3A_70, %get3A_71, %get3A_72, %get3A_73] : memref<1x3x512x128xf32, #tpu.memory_space<vmem>>, vector<1x1x512x128xf32>
    %get3A_75 = vector.shape_cast %get3A_74 : vector<1x1x512x128xf32> to vector<512x128xf32>
    %eq3A_76 = arith.constant 1 : i32
    %eq3A_77 = vector.broadcast %eq3A_76 : i32 to vector<512x128xi32>
    %eq3A_78 = arith.cmpi eq, %get3A_47, %eq3A_77 : vector<512x128xi32>
    %convert_element_type3A_79 = arith.extui %eq3A_78 : vector<512x128xi1> to vector<512x128xi32>
    %convert_element_type3A_80 = arith.sitofp %convert_element_type3A_79 : vector<512x128xi32> to vector<512x128xf32>
    %mul3A_81 = arith.mulf %convert_element_type3A_80, %convert_element_type3A_57 : vector<512x128xf32>
    %get3A_82 = arith.constant 0 : index
    %get3A_83 = memref.load %arg5[%get3A_82] : memref<64xf32, #tpu.memory_space<smem>>
    %reduce_sum3A = vector.shape_cast %convert_element_type3A_80 : vector<512x128xf32> to vector<1x512x128xf32>
    %reduce_sum3A_84 = arith.constant dense<0.000000e+00> : vector<1xf32>
    %reduce_sum3A_85 = vector.multi_reduction <add>, %reduce_sum3A, %reduce_sum3A_84 [1, 2] : vector<1x512x128xf32> to vector<1xf32>
    %reduce_sum3A_86 = vector.shape_cast %reduce_sum3A_85 : vector<1xf32> to vector<1x1x1xf32>
    %reduce_sum3A_87 = vector.extract %reduce_sum3A_86[0, 0, 0] : f32 from vector<1x1x1xf32>
    %add3A_88 = arith.addf %get3A_83, %reduce_sum3A_87 : f32
    %swap3A = arith.constant 0 : index
    %swap3A_89 = memref.load %arg5[%swap3A] : memref<64xf32, #tpu.memory_space<smem>>
    memref.store %add3A_88, %arg5[%swap3A] : memref<64xf32, #tpu.memory_space<smem>>
    %get3A_90 = arith.constant 1 : index
    %get3A_91 = memref.load %arg5[%get3A_90] : memref<64xf32, #tpu.memory_space<smem>>
    %reduce_sum3A_92 = vector.shape_cast %mul3A_81 : vector<512x128xf32> to vector<1x512x128xf32>
    %reduce_sum3A_93 = arith.constant dense<0.000000e+00> : vector<1xf32>
    %reduce_sum3A_94 = vector.multi_reduction <add>, %reduce_sum3A_92, %reduce_sum3A_93 [1, 2] : vector<1x512x128xf32> to vector<1xf32>
    %reduce_sum3A_95 = vector.shape_cast %reduce_sum3A_94 : vector<1xf32> to vector<1x1x1xf32>
    %reduce_sum3A_96 = vector.extract %reduce_sum3A_95[0, 0, 0] : f32 from vector<1x1x1xf32>
    %add3A_97 = arith.addf %get3A_91, %reduce_sum3A_96 : f32
    %swap3A_98 = arith.constant 1 : index
    %swap3A_99 = memref.load %arg5[%swap3A_98] : memref<64xf32, #tpu.memory_space<smem>>
    memref.store %add3A_97, %arg5[%swap3A_98] : memref<64xf32, #tpu.memory_space<smem>>
    %get3A_100 = arith.constant 2 : index
    %get3A_101 = memref.load %arg5[%get3A_100] : memref<64xf32, #tpu.memory_space<smem>>
    %mul3A_102 = arith.mulf %mul3A_35, %mul3A_81 : vector<512x128xf32>
    %reduce_sum3A_103 = vector.shape_cast %mul3A_102 : vector<512x128xf32> to vector<1x512x128xf32>
    %reduce_sum3A_104 = arith.constant dense<0.000000e+00> : vector<1xf32>
    %reduce_sum3A_105 = vector.multi_reduction <add>, %reduce_sum3A_103, %reduce_sum3A_104 [1, 2] : vector<1x512x128xf32> to vector<1xf32>
    %reduce_sum3A_106 = vector.shape_cast %reduce_sum3A_105 : vector<1xf32> to vector<1x1x1xf32>
    %reduce_sum3A_107 = vector.extract %reduce_sum3A_106[0, 0, 0] : f32 from vector<1x1x1xf32>
    %add3A_108 = arith.addf %get3A_101, %reduce_sum3A_107 : f32
    %swap3A_109 = arith.constant 2 : index
    %swap3A_110 = memref.load %arg5[%swap3A_109] : memref<64xf32, #tpu.memory_space<smem>>
    memref.store %add3A_108, %arg5[%swap3A_109] : memref<64xf32, #tpu.memory_space<smem>>
    %get3A_111 = arith.constant 3 : index
    %get3A_112 = memref.load %arg5[%get3A_111] : memref<64xf32, #tpu.memory_space<smem>>
    %mul3A_113 = arith.mulf %mul3A_39, %mul3A_81 : vector<512x128xf32>
    %reduce_sum3A_114 = vector.shape_cast %mul3A_113 : vector<512x128xf32> to vector<1x512x128xf32>
    %reduce_sum3A_115 = arith.constant dense<0.000000e+00> : vector<1xf32>
    %reduce_sum3A_116 = vector.multi_reduction <add>, %reduce_sum3A_114, %reduce_sum3A_115 [1, 2] : vector<1x512x128xf32> to vector<1xf32>
    %reduce_sum3A_117 = vector.shape_cast %reduce_sum3A_116 : vector<1xf32> to vector<1x1x1xf32>
    %reduce_sum3A_118 = vector.extract %reduce_sum3A_117[0, 0, 0] : f32 from vector<1x1x1xf32>
    %add3A_119 = arith.addf %get3A_112, %reduce_sum3A_118 : f32
    %swap3A_120 = arith.constant 3 : index
    %swap3A_121 = memref.load %arg5[%swap3A_120] : memref<64xf32, #tpu.memory_space<smem>>
    memref.store %add3A_119, %arg5[%swap3A_120] : memref<64xf32, #tpu.memory_space<smem>>
    %get3A_122 = arith.constant 4 : index
    %get3A_123 = memref.load %arg5[%get3A_122] : memref<64xf32, #tpu.memory_space<smem>>
    %mul3A_124 = arith.mulf %mul3A_43, %mul3A_81 : vector<512x128xf32>
    %reduce_sum3A_125 = vector.shape_cast %mul3A_124 : vector<512x128xf32> to vector<1x512x128xf32>
    %reduce_sum3A_126 = arith.constant dense<0.000000e+00> : vector<1xf32>
    %reduce_sum3A_127 = vector.multi_reduction <add>, %reduce_sum3A_125, %reduce_sum3A_126 [1, 2] : vector<1x512x128xf32> to vector<1xf32>
    %reduce_sum3A_128 = vector.shape_cast %reduce_sum3A_127 : vector<1xf32> to vector<1x1x1xf32>
    %reduce_sum3A_129 = vector.extract %reduce_sum3A_128[0, 0, 0] : f32 from vector<1x1x1xf32>
    %add3A_130 = arith.addf %get3A_123, %reduce_sum3A_129 : f32
    %swap3A_131 = arith.constant 4 : index
    %swap3A_132 = memref.load %arg5[%swap3A_131] : memref<64xf32, #tpu.memory_space<smem>>
    memref.store %add3A_130, %arg5[%swap3A_131] : memref<64xf32, #tpu.memory_space<smem>>
    %get3A_133 = arith.constant 5 : index
    %get3A_134 = memref.load %arg5[%get3A_133] : memref<64xf32, #tpu.memory_space<smem>>
    %mul3A_135 = arith.mulf %mul3A_35, %convert_element_type3A_80 : vector<512x128xf32>
    %reduce_sum3A_136 = vector.shape_cast %mul3A_135 : vector<512x128xf32> to vector<1x512x128xf32>
    %reduce_sum3A_137 = arith.constant dense<0.000000e+00> : vector<1xf32>
    %reduce_sum3A_138 = vector.multi_reduction <add>, %reduce_sum3A_136, %reduce_sum3A_137 [1, 2] : vector<1x512x128xf32> to vector<1xf32>
    %reduce_sum3A_139 = vector.shape_cast %reduce_sum3A_138 : vector<1xf32> to vector<1x1x1xf32>
    %reduce_sum3A_140 = vector.extract %reduce_sum3A_139[0, 0, 0] : f32 from vector<1x1x1xf32>
    %add3A_141 = arith.addf %get3A_134, %reduce_sum3A_140 : f32
    %swap3A_142 = arith.constant 5 : index
    %swap3A_143 = memref.load %arg5[%swap3A_142] : memref<64xf32, #tpu.memory_space<smem>>
    memref.store %add3A_141, %arg5[%swap3A_142] : memref<64xf32, #tpu.memory_space<smem>>
    %get3A_144 = arith.constant 6 : index
    %get3A_145 = memref.load %arg5[%get3A_144] : memref<64xf32, #tpu.memory_space<smem>>
    %mul3A_146 = arith.mulf %mul3A_39, %convert_element_type3A_80 : vector<512x128xf32>
    %reduce_sum3A_147 = vector.shape_cast %mul3A_146 : vector<512x128xf32> to vector<1x512x128xf32>
    %reduce_sum3A_148 = arith.constant dense<0.000000e+00> : vector<1xf32>
    %reduce_sum3A_149 = vector.multi_reduction <add>, %reduce_sum3A_147, %reduce_sum3A_148 [1, 2] : vector<1x512x128xf32> to vector<1xf32>
    %reduce_sum3A_150 = vector.shape_cast %reduce_sum3A_149 : vector<1xf32> to vector<1x1x1xf32>
    %reduce_sum3A_151 = vector.extract %reduce_sum3A_150[0, 0, 0] : f32 from vector<1x1x1xf32>
    %add3A_152 = arith.addf %get3A_145, %reduce_sum3A_151 : f32
    %swap3A_153 = arith.constant 6 : index
    %swap3A_154 = memref.load %arg5[%swap3A_153] : memref<64xf32, #tpu.memory_space<smem>>
    memref.store %add3A_152, %arg5[%swap3A_153] : memref<64xf32, #tpu.memory_space<smem>>
    %get3A_155 = arith.constant 7 : index
    %get3A_156 = memref.load %arg5[%get3A_155] : memref<64xf32, #tpu.memory_space<smem>>
    %mul3A_157 = arith.mulf %mul3A_43, %convert_element_type3A_80 : vector<512x128xf32>
    %reduce_sum3A_158 = vector.shape_cast %mul3A_157 : vector<512x128xf32> to vector<1x512x128xf32>
    %reduce_sum3A_159 = arith.constant dense<0.000000e+00> : vector<1xf32>
    %reduce_sum3A_160 = vector.multi_reduction <add>, %reduce_sum3A_158, %reduce_sum3A_159 [1, 2] : vector<1x512x128xf32> to vector<1xf32>
    %reduce_sum3A_161 = vector.shape_cast %reduce_sum3A_160 : vector<1xf32> to vector<1x1x1xf32>
    %reduce_sum3A_162 = vector.extract %reduce_sum3A_161[0, 0, 0] : f32 from vector<1x1x1xf32>
    %add3A_163 = arith.addf %get3A_156, %reduce_sum3A_162 : f32
    %swap3A_164 = arith.constant 7 : index
    %swap3A_165 = memref.load %arg5[%swap3A_164] : memref<64xf32, #tpu.memory_space<smem>>
    memref.store %add3A_163, %arg5[%swap3A_164] : memref<64xf32, #tpu.memory_space<smem>>
    %get3A_166 = arith.constant 8 : index
    %get3A_167 = memref.load %arg5[%get3A_166] : memref<64xf32, #tpu.memory_space<smem>>
    %mul3A_168 = arith.mulf %get3A_63, %convert_element_type3A_80 : vector<512x128xf32>
    %reduce_sum3A_169 = vector.shape_cast %mul3A_168 : vector<512x128xf32> to vector<1x512x128xf32>
    %reduce_sum3A_170 = arith.constant dense<0.000000e+00> : vector<1xf32>
    %reduce_sum3A_171 = vector.multi_reduction <add>, %reduce_sum3A_169, %reduce_sum3A_170 [1, 2] : vector<1x512x128xf32> to vector<1xf32>
    %reduce_sum3A_172 = vector.shape_cast %reduce_sum3A_171 : vector<1xf32> to vector<1x1x1xf32>
    %reduce_sum3A_173 = vector.extract %reduce_sum3A_172[0, 0, 0] : f32 from vector<1x1x1xf32>
    %add3A_174 = arith.addf %get3A_167, %reduce_sum3A_173 : f32
    %swap3A_175 = arith.constant 8 : index
    %swap3A_176 = memref.load %arg5[%swap3A_175] : memref<64xf32, #tpu.memory_space<smem>>
    memref.store %add3A_174, %arg5[%swap3A_175] : memref<64xf32, #tpu.memory_space<smem>>
    %get3A_177 = arith.constant 9 : index
    %get3A_178 = memref.load %arg5[%get3A_177] : memref<64xf32, #tpu.memory_space<smem>>
    %mul3A_179 = arith.mulf %get3A_69, %convert_element_type3A_80 : vector<512x128xf32>
    %reduce_sum3A_180 = vector.shape_cast %mul3A_179 : vector<512x128xf32> to vector<1x512x128xf32>
    %reduce_sum3A_181 = arith.constant dense<0.000000e+00> : vector<1xf32>
    %reduce_sum3A_182 = vector.multi_reduction <add>, %reduce_sum3A_180, %reduce_sum3A_181 [1, 2] : vector<1x512x128xf32> to vector<1xf32>
    %reduce_sum3A_183 = vector.shape_cast %reduce_sum3A_182 : vector<1xf32> to vector<1x1x1xf32>
    %reduce_sum3A_184 = vector.extract %reduce_sum3A_183[0, 0, 0] : f32 from vector<1x1x1xf32>
    %add3A_185 = arith.addf %get3A_178, %reduce_sum3A_184 : f32
    %swap3A_186 = arith.constant 9 : index
    %swap3A_187 = memref.load %arg5[%swap3A_186] : memref<64xf32, #tpu.memory_space<smem>>
    memref.store %add3A_185, %arg5[%swap3A_186] : memref<64xf32, #tpu.memory_space<smem>>
    %get3A_188 = arith.constant 10 : index
    %get3A_189 = memref.load %arg5[%get3A_188] : memref<64xf32, #tpu.memory_space<smem>>
    %mul3A_190 = arith.mulf %get3A_75, %convert_element_type3A_80 : vector<512x128xf32>
    %reduce_sum3A_191 = vector.shape_cast %mul3A_190 : vector<512x128xf32> to vector<1x512x128xf32>
    %reduce_sum3A_192 = arith.constant dense<0.000000e+00> : vector<1xf32>
    %reduce_sum3A_193 = vector.multi_reduction <add>, %reduce_sum3A_191, %reduce_sum3A_192 [1, 2] : vector<1x512x128xf32> to vector<1xf32>
    %reduce_sum3A_194 = vector.shape_cast %reduce_sum3A_193 : vector<1xf32> to vector<1x1x1xf32>
    %reduce_sum3A_195 = vector.extract %reduce_sum3A_194[0, 0, 0] : f32 from vector<1x1x1xf32>
    %add3A_196 = arith.addf %get3A_189, %reduce_sum3A_195 : f32
    %swap3A_197 = arith.constant 10 : index
    %swap3A_198 = memref.load %arg5[%swap3A_197] : memref<64xf32, #tpu.memory_space<smem>>
    memref.store %add3A_196, %arg5[%swap3A_197] : memref<64xf32, #tpu.memory_space<smem>>
    %get3A_199 = arith.constant 11 : index
    %get3A_200 = memref.load %arg5[%get3A_199] : memref<64xf32, #tpu.memory_space<smem>>
    %mul3A_201 = arith.mulf %get3A_63, %get3A_63 : vector<512x128xf32>
    %mul3A_202 = arith.mulf %mul3A_201, %convert_element_type3A_80 : vector<512x128xf32>
    %reduce_sum3A_203 = vector.shape_cast %mul3A_202 : vector<512x128xf32> to vector<1x512x128xf32>
    %reduce_sum3A_204 = arith.constant dense<0.000000e+00> : vector<1xf32>
    %reduce_sum3A_205 = vector.multi_reduction <add>, %reduce_sum3A_203, %reduce_sum3A_204 [1, 2] : vector<1x512x128xf32> to vector<1xf32>
    %reduce_sum3A_206 = vector.shape_cast %reduce_sum3A_205 : vector<1xf32> to vector<1x1x1xf32>
    %reduce_sum3A_207 = vector.extract %reduce_sum3A_206[0, 0, 0] : f32 from vector<1x1x1xf32>
    %add3A_208 = arith.addf %get3A_200, %reduce_sum3A_207 : f32
    %swap3A_209 = arith.constant 11 : index
    %swap3A_210 = memref.load %arg5[%swap3A_209] : memref<64xf32, #tpu.memory_space<smem>>
    memref.store %add3A_208, %arg5[%swap3A_209] : memref<64xf32, #tpu.memory_space<smem>>
    %get3A_211 = arith.constant 12 : index
    %get3A_212 = memref.load %arg5[%get3A_211] : memref<64xf32, #tpu.memory_space<smem>>
    %mul3A_213 = arith.mulf %get3A_69, %get3A_69 : vector<512x128xf32>
    %mul3A_214 = arith.mulf %mul3A_213, %convert_element_type3A_80 : vector<512x128xf32>
    %reduce_sum3A_215 = vector.shape_cast %mul3A_214 : vector<512x128xf32> to vector<1x512x128xf32>
    %reduce_sum3A_216 = arith.constant dense<0.000000e+00> : vector<1xf32>
    %reduce_sum3A_217 = vector.multi_reduction <add>, %reduce_sum3A_215, %reduce_sum3A_216 [1, 2] : vector<1x512x128xf32> to vector<1xf32>
    %reduce_sum3A_218 = vector.shape_cast %reduce_sum3A_217 : vector<1xf32> to vector<1x1x1xf32>
    %reduce_sum3A_219 = vector.extract %reduce_sum3A_218[0, 0, 0] : f32 from vector<1x1x1xf32>
    %add3A_220 = arith.addf %get3A_212, %reduce_sum3A_219 : f32
    %swap3A_221 = arith.constant 12 : index
    %swap3A_222 = memref.load %arg5[%swap3A_221] : memref<64xf32, #tpu.memory_space<smem>>
    memref.store %add3A_220, %arg5[%swap3A_221] : memref<64xf32, #tpu.memory_space<smem>>
    %get3A_223 = arith.constant 13 : index
    %get3A_224 = memref.load %arg5[%get3A_223] : memref<64xf32, #tpu.memory_space<smem>>
    %mul3A_225 = arith.mulf %get3A_75, %get3A_75 : vector<512x128xf32>
    %mul3A_226 = arith.mulf %mul3A_225, %convert_element_type3A_80 : vector<512x128xf32>
    %reduce_sum3A_227 = vector.shape_cast %mul3A_226 : vector<512x128xf32> to vector<1x512x128xf32>
    %reduce_sum3A_228 = arith.constant dense<0.000000e+00> : vector<1xf32>
    %reduce_sum3A_229 = vector.multi_reduction <add>, %reduce_sum3A_227, %reduce_sum3A_228 [1, 2] : vector<1x512x128xf32> to vector<1xf32>
    %reduce_sum3A_230 = vector.shape_cast %reduce_sum3A_229 : vector<1xf32> to vector<1x1x1xf32>
    %reduce_sum3A_231 = vector.extract %reduce_sum3A_230[0, 0, 0] : f32 from vector<1x1x1xf32>
    %add3A_232 = arith.addf %get3A_224, %reduce_sum3A_231 : f32
    %swap3A_233 = arith.constant 13 : index
    %swap3A_234 = memref.load %arg5[%swap3A_233] : memref<64xf32, #tpu.memory_space<smem>>
    memref.store %add3A_232, %arg5[%swap3A_233] : memref<64xf32, #tpu.memory_space<smem>>
    %eq3A_235 = arith.constant 2 : i32
    %eq3A_236 = vector.broadcast %eq3A_235 : i32 to vector<512x128xi32>
    %eq3A_237 = arith.cmpi eq, %get3A_47, %eq3A_236 : vector<512x128xi32>
    %convert_element_type3A_238 = arith.extui %eq3A_237 : vector<512x128xi1> to vector<512x128xi32>
    %convert_element_type3A_239 = arith.sitofp %convert_element_type3A_238 : vector<512x128xi32> to vector<512x128xf32>
    %mul3A_240 = arith.mulf %convert_element_type3A_239, %convert_element_type3A_57 : vector<512x128xf32>
    %get3A_241 = arith.constant 14 : index
    %get3A_242 = memref.load %arg5[%get3A_241] : memref<64xf32, #tpu.memory_space<smem>>
    %reduce_sum3A_243 = vector.shape_cast %convert_element_type3A_239 : vector<512x128xf32> to vector<1x512x128xf32>
    %reduce_sum3A_244 = arith.constant dense<0.000000e+00> : vector<1xf32>
    %reduce_sum3A_245 = vector.multi_reduction <add>, %reduce_sum3A_243, %reduce_sum3A_244 [1, 2] : vector<1x512x128xf32> to vector<1xf32>
    %reduce_sum3A_246 = vector.shape_cast %reduce_sum3A_245 : vector<1xf32> to vector<1x1x1xf32>
    %reduce_sum3A_247 = vector.extract %reduce_sum3A_246[0, 0, 0] : f32 from vector<1x1x1xf32>
    %add3A_248 = arith.addf %get3A_242, %reduce_sum3A_247 : f32
    %swap3A_249 = arith.constant 14 : index
    %swap3A_250 = memref.load %arg5[%swap3A_249] : memref<64xf32, #tpu.memory_space<smem>>
    memref.store %add3A_248, %arg5[%swap3A_249] : memref<64xf32, #tpu.memory_space<smem>>
    %get3A_251 = arith.constant 15 : index
    %get3A_252 = memref.load %arg5[%get3A_251] : memref<64xf32, #tpu.memory_space<smem>>
    %reduce_sum3A_253 = vector.shape_cast %mul3A_240 : vector<512x128xf32> to vector<1x512x128xf32>
    %reduce_sum3A_254 = arith.constant dense<0.000000e+00> : vector<1xf32>
    %reduce_sum3A_255 = vector.multi_reduction <add>, %reduce_sum3A_253, %reduce_sum3A_254 [1, 2] : vector<1x512x128xf32> to vector<1xf32>
    %reduce_sum3A_256 = vector.shape_cast %reduce_sum3A_255 : vector<1xf32> to vector<1x1x1xf32>
    %reduce_sum3A_257 = vector.extract %reduce_sum3A_256[0, 0, 0] : f32 from vector<1x1x1xf32>
    %add3A_258 = arith.addf %get3A_252, %reduce_sum3A_257 : f32
    %swap3A_259 = arith.constant 15 : index
    %swap3A_260 = memref.load %arg5[%swap3A_259] : memref<64xf32, #tpu.memory_space<smem>>
    memref.store %add3A_258, %arg5[%swap3A_259] : memref<64xf32, #tpu.memory_space<smem>>
    %get3A_261 = arith.constant 16 : index
    %get3A_262 = memref.load %arg5[%get3A_261] : memref<64xf32, #tpu.memory_space<smem>>
    %mul3A_263 = arith.mulf %mul3A_35, %mul3A_240 : vector<512x128xf32>
    %reduce_sum3A_264 = vector.shape_cast %mul3A_263 : vector<512x128xf32> to vector<1x512x128xf32>
    %reduce_sum3A_265 = arith.constant dense<0.000000e+00> : vector<1xf32>
    %reduce_sum3A_266 = vector.multi_reduction <add>, %reduce_sum3A_264, %reduce_sum3A_265 [1, 2] : vector<1x512x128xf32> to vector<1xf32>
    %reduce_sum3A_267 = vector.shape_cast %reduce_sum3A_266 : vector<1xf32> to vector<1x1x1xf32>
    %reduce_sum3A_268 = vector.extract %reduce_sum3A_267[0, 0, 0] : f32 from vector<1x1x1xf32>
    %add3A_269 = arith.addf %get3A_262, %reduce_sum3A_268 : f32
    %swap3A_270 = arith.constant 16 : index
    %swap3A_271 = memref.load %arg5[%swap3A_270] : memref<64xf32, #tpu.memory_space<smem>>
    memref.store %add3A_269, %arg5[%swap3A_270] : memref<64xf32, #tpu.memory_space<smem>>
    %get3A_272 = arith.constant 17 : index
    %get3A_273 = memref.load %arg5[%get3A_272] : memref<64xf32, #tpu.memory_space<smem>>
    %mul3A_274 = arith.mulf %mul3A_39, %mul3A_240 : vector<512x128xf32>
    %reduce_sum3A_275 = vector.shape_cast %mul3A_274 : vector<512x128xf32> to vector<1x512x128xf32>
    %reduce_sum3A_276 = arith.constant dense<0.000000e+00> : vector<1xf32>
    %reduce_sum3A_277 = vector.multi_reduction <add>, %reduce_sum3A_275, %reduce_sum3A_276 [1, 2] : vector<1x512x128xf32> to vector<1xf32>
    %reduce_sum3A_278 = vector.shape_cast %reduce_sum3A_277 : vector<1xf32> to vector<1x1x1xf32>
    %reduce_sum3A_279 = vector.extract %reduce_sum3A_278[0, 0, 0] : f32 from vector<1x1x1xf32>
    %add3A_280 = arith.addf %get3A_273, %reduce_sum3A_279 : f32
    %swap3A_281 = arith.constant 17 : index
    %swap3A_282 = memref.load %arg5[%swap3A_281] : memref<64xf32, #tpu.memory_space<smem>>
    memref.store %add3A_280, %arg5[%swap3A_281] : memref<64xf32, #tpu.memory_space<smem>>
    %get3A_283 = arith.constant 18 : index
    %get3A_284 = memref.load %arg5[%get3A_283] : memref<64xf32, #tpu.memory_space<smem>>
    %mul3A_285 = arith.mulf %mul3A_43, %mul3A_240 : vector<512x128xf32>
    %reduce_sum3A_286 = vector.shape_cast %mul3A_285 : vector<512x128xf32> to vector<1x512x128xf32>
    %reduce_sum3A_287 = arith.constant dense<0.000000e+00> : vector<1xf32>
    %reduce_sum3A_288 = vector.multi_reduction <add>, %reduce_sum3A_286, %reduce_sum3A_287 [1, 2] : vector<1x512x128xf32> to vector<1xf32>
    %reduce_sum3A_289 = vector.shape_cast %reduce_sum3A_288 : vector<1xf32> to vector<1x1x1xf32>
    %reduce_sum3A_290 = vector.extract %reduce_sum3A_289[0, 0, 0] : f32 from vector<1x1x1xf32>
    %add3A_291 = arith.addf %get3A_284, %reduce_sum3A_290 : f32
    %swap3A_292 = arith.constant 18 : index
    %swap3A_293 = memref.load %arg5[%swap3A_292] : memref<64xf32, #tpu.memory_space<smem>>
    memref.store %add3A_291, %arg5[%swap3A_292] : memref<64xf32, #tpu.memory_space<smem>>
    %get3A_294 = arith.constant 19 : index
    %get3A_295 = memref.load %arg5[%get3A_294] : memref<64xf32, #tpu.memory_space<smem>>
    %mul3A_296 = arith.mulf %mul3A_35, %convert_element_type3A_239 : vector<512x128xf32>
    %reduce_sum3A_297 = vector.shape_cast %mul3A_296 : vector<512x128xf32> to vector<1x512x128xf32>
    %reduce_sum3A_298 = arith.constant dense<0.000000e+00> : vector<1xf32>
    %reduce_sum3A_299 = vector.multi_reduction <add>, %reduce_sum3A_297, %reduce_sum3A_298 [1, 2] : vector<1x512x128xf32> to vector<1xf32>
    %reduce_sum3A_300 = vector.shape_cast %reduce_sum3A_299 : vector<1xf32> to vector<1x1x1xf32>
    %reduce_sum3A_301 = vector.extract %reduce_sum3A_300[0, 0, 0] : f32 from vector<1x1x1xf32>
    %add3A_302 = arith.addf %get3A_295, %reduce_sum3A_301 : f32
    %swap3A_303 = arith.constant 19 : index
    %swap3A_304 = memref.load %arg5[%swap3A_303] : memref<64xf32, #tpu.memory_space<smem>>
    memref.store %add3A_302, %arg5[%swap3A_303] : memref<64xf32, #tpu.memory_space<smem>>
    %get3A_305 = arith.constant 20 : index
    %get3A_306 = memref.load %arg5[%get3A_305] : memref<64xf32, #tpu.memory_space<smem>>
    %mul3A_307 = arith.mulf %mul3A_39, %convert_element_type3A_239 : vector<512x128xf32>
    %reduce_sum3A_308 = vector.shape_cast %mul3A_307 : vector<512x128xf32> to vector<1x512x128xf32>
    %reduce_sum3A_309 = arith.constant dense<0.000000e+00> : vector<1xf32>
    %reduce_sum3A_310 = vector.multi_reduction <add>, %reduce_sum3A_308, %reduce_sum3A_309 [1, 2] : vector<1x512x128xf32> to vector<1xf32>
    %reduce_sum3A_311 = vector.shape_cast %reduce_sum3A_310 : vector<1xf32> to vector<1x1x1xf32>
    %reduce_sum3A_312 = vector.extract %reduce_sum3A_311[0, 0, 0] : f32 from vector<1x1x1xf32>
    %add3A_313 = arith.addf %get3A_306, %reduce_sum3A_312 : f32
    %swap3A_314 = arith.constant 20 : index
    %swap3A_315 = memref.load %arg5[%swap3A_314] : memref<64xf32, #tpu.memory_space<smem>>
    memref.store %add3A_313, %arg5[%swap3A_314] : memref<64xf32, #tpu.memory_space<smem>>
    %get3A_316 = arith.constant 21 : index
    %get3A_317 = memref.load %arg5[%get3A_316] : memref<64xf32, #tpu.memory_space<smem>>
    %mul3A_318 = arith.mulf %mul3A_43, %convert_element_type3A_239 : vector<512x128xf32>
    %reduce_sum3A_319 = vector.shape_cast %mul3A_318 : vector<512x128xf32> to vector<1x512x128xf32>
    %reduce_sum3A_320 = arith.constant dense<0.000000e+00> : vector<1xf32>
    %reduce_sum3A_321 = vector.multi_reduction <add>, %reduce_sum3A_319, %reduce_sum3A_320 [1, 2] : vector<1x512x128xf32> to vector<1xf32>
    %reduce_sum3A_322 = vector.shape_cast %reduce_sum3A_321 : vector<1xf32> to vector<1x1x1xf32>
    %reduce_sum3A_323 = vector.extract %reduce_sum3A_322[0, 0, 0] : f32 from vector<1x1x1xf32>
    %add3A_324 = arith.addf %get3A_317, %reduce_sum3A_323 : f32
    %swap3A_325 = arith.constant 21 : index
    %swap3A_326 = memref.load %arg5[%swap3A_325] : memref<64xf32, #tpu.memory_space<smem>>
    memref.store %add3A_324, %arg5[%swap3A_325] : memref<64xf32, #tpu.memory_space<smem>>
    %get3A_327 = arith.constant 22 : index
    %get3A_328 = memref.load %arg5[%get3A_327] : memref<64xf32, #tpu.memory_space<smem>>
    %mul3A_329 = arith.mulf %get3A_63, %convert_element_type3A_239 : vector<512x128xf32>
    %reduce_sum3A_330 = vector.shape_cast %mul3A_329 : vector<512x128xf32> to vector<1x512x128xf32>
    %reduce_sum3A_331 = arith.constant dense<0.000000e+00> : vector<1xf32>
    %reduce_sum3A_332 = vector.multi_reduction <add>, %reduce_sum3A_330, %reduce_sum3A_331 [1, 2] : vector<1x512x128xf32> to vector<1xf32>
    %reduce_sum3A_333 = vector.shape_cast %reduce_sum3A_332 : vector<1xf32> to vector<1x1x1xf32>
    %reduce_sum3A_334 = vector.extract %reduce_sum3A_333[0, 0, 0] : f32 from vector<1x1x1xf32>
    %add3A_335 = arith.addf %get3A_328, %reduce_sum3A_334 : f32
    %swap3A_336 = arith.constant 22 : index
    %swap3A_337 = memref.load %arg5[%swap3A_336] : memref<64xf32, #tpu.memory_space<smem>>
    memref.store %add3A_335, %arg5[%swap3A_336] : memref<64xf32, #tpu.memory_space<smem>>
    %get3A_338 = arith.constant 23 : index
    %get3A_339 = memref.load %arg5[%get3A_338] : memref<64xf32, #tpu.memory_space<smem>>
    %mul3A_340 = arith.mulf %get3A_69, %convert_element_type3A_239 : vector<512x128xf32>
    %reduce_sum3A_341 = vector.shape_cast %mul3A_340 : vector<512x128xf32> to vector<1x512x128xf32>
    %reduce_sum3A_342 = arith.constant dense<0.000000e+00> : vector<1xf32>
    %reduce_sum3A_343 = vector.multi_reduction <add>, %reduce_sum3A_341, %reduce_sum3A_342 [1, 2] : vector<1x512x128xf32> to vector<1xf32>
    %reduce_sum3A_344 = vector.shape_cast %reduce_sum3A_343 : vector<1xf32> to vector<1x1x1xf32>
    %reduce_sum3A_345 = vector.extract %reduce_sum3A_344[0, 0, 0] : f32 from vector<1x1x1xf32>
    %add3A_346 = arith.addf %get3A_339, %reduce_sum3A_345 : f32
    %swap3A_347 = arith.constant 23 : index
    %swap3A_348 = memref.load %arg5[%swap3A_347] : memref<64xf32, #tpu.memory_space<smem>>
    memref.store %add3A_346, %arg5[%swap3A_347] : memref<64xf32, #tpu.memory_space<smem>>
    %get3A_349 = arith.constant 24 : index
    %get3A_350 = memref.load %arg5[%get3A_349] : memref<64xf32, #tpu.memory_space<smem>>
    %mul3A_351 = arith.mulf %get3A_75, %convert_element_type3A_239 : vector<512x128xf32>
    %reduce_sum3A_352 = vector.shape_cast %mul3A_351 : vector<512x128xf32> to vector<1x512x128xf32>
    %reduce_sum3A_353 = arith.constant dense<0.000000e+00> : vector<1xf32>
    %reduce_sum3A_354 = vector.multi_reduction <add>, %reduce_sum3A_352, %reduce_sum3A_353 [1, 2] : vector<1x512x128xf32> to vector<1xf32>
    %reduce_sum3A_355 = vector.shape_cast %reduce_sum3A_354 : vector<1xf32> to vector<1x1x1xf32>
    %reduce_sum3A_356 = vector.extract %reduce_sum3A_355[0, 0, 0] : f32 from vector<1x1x1xf32>
    %add3A_357 = arith.addf %get3A_350, %reduce_sum3A_356 : f32
    %swap3A_358 = arith.constant 24 : index
    %swap3A_359 = memref.load %arg5[%swap3A_358] : memref<64xf32, #tpu.memory_space<smem>>
    memref.store %add3A_357, %arg5[%swap3A_358] : memref<64xf32, #tpu.memory_space<smem>>
    %get3A_360 = arith.constant 25 : index
    %get3A_361 = memref.load %arg5[%get3A_360] : memref<64xf32, #tpu.memory_space<smem>>
    %mul3A_362 = arith.mulf %get3A_63, %get3A_63 : vector<512x128xf32>
    %mul3A_363 = arith.mulf %mul3A_362, %convert_element_type3A_239 : vector<512x128xf32>
    %reduce_sum3A_364 = vector.shape_cast %mul3A_363 : vector<512x128xf32> to vector<1x512x128xf32>
    %reduce_sum3A_365 = arith.constant dense<0.000000e+00> : vector<1xf32>
    %reduce_sum3A_366 = vector.multi_reduction <add>, %reduce_sum3A_364, %reduce_sum3A_365 [1, 2] : vector<1x512x128xf32> to vector<1xf32>
    %reduce_sum3A_367 = vector.shape_cast %reduce_sum3A_366 : vector<1xf32> to vector<1x1x1xf32>
    %reduce_sum3A_368 = vector.extract %reduce_sum3A_367[0, 0, 0] : f32 from vector<1x1x1xf32>
    %add3A_369 = arith.addf %get3A_361, %reduce_sum3A_368 : f32
    %swap3A_370 = arith.constant 25 : index
    %swap3A_371 = memref.load %arg5[%swap3A_370] : memref<64xf32, #tpu.memory_space<smem>>
    memref.store %add3A_369, %arg5[%swap3A_370] : memref<64xf32, #tpu.memory_space<smem>>
    %get3A_372 = arith.constant 26 : index
    %get3A_373 = memref.load %arg5[%get3A_372] : memref<64xf32, #tpu.memory_space<smem>>
    %mul3A_374 = arith.mulf %get3A_69, %get3A_69 : vector<512x128xf32>
    %mul3A_375 = arith.mulf %mul3A_374, %convert_element_type3A_239 : vector<512x128xf32>
    %reduce_sum3A_376 = vector.shape_cast %mul3A_375 : vector<512x128xf32> to vector<1x512x128xf32>
    %reduce_sum3A_377 = arith.constant dense<0.000000e+00> : vector<1xf32>
    %reduce_sum3A_378 = vector.multi_reduction <add>, %reduce_sum3A_376, %reduce_sum3A_377 [1, 2] : vector<1x512x128xf32> to vector<1xf32>
    %reduce_sum3A_379 = vector.shape_cast %reduce_sum3A_378 : vector<1xf32> to vector<1x1x1xf32>
    %reduce_sum3A_380 = vector.extract %reduce_sum3A_379[0, 0, 0] : f32 from vector<1x1x1xf32>
    %add3A_381 = arith.addf %get3A_373, %reduce_sum3A_380 : f32
    %swap3A_382 = arith.constant 26 : index
    %swap3A_383 = memref.load %arg5[%swap3A_382] : memref<64xf32, #tpu.memory_space<smem>>
    memref.store %add3A_381, %arg5[%swap3A_382] : memref<64xf32, #tpu.memory_space<smem>>
    %get3A_384 = arith.constant 27 : index
    %get3A_385 = memref.load %arg5[%get3A_384] : memref<64xf32, #tpu.memory_space<smem>>
    %mul3A_386 = arith.mulf %get3A_75, %get3A_75 : vector<512x128xf32>
    %mul3A_387 = arith.mulf %mul3A_386, %convert_element_type3A_239 : vector<512x128xf32>
    %reduce_sum3A_388 = vector.shape_cast %mul3A_387 : vector<512x128xf32> to vector<1x512x128xf32>
    %reduce_sum3A_389 = arith.constant dense<0.000000e+00> : vector<1xf32>
    %reduce_sum3A_390 = vector.multi_reduction <add>, %reduce_sum3A_388, %reduce_sum3A_389 [1, 2] : vector<1x512x128xf32> to vector<1xf32>
    %reduce_sum3A_391 = vector.shape_cast %reduce_sum3A_390 : vector<1xf32> to vector<1x1x1xf32>
    %reduce_sum3A_392 = vector.extract %reduce_sum3A_391[0, 0, 0] : f32 from vector<1x1x1xf32>
    %add3A_393 = arith.addf %get3A_385, %reduce_sum3A_392 : f32
    %swap3A_394 = arith.constant 27 : index
    %swap3A_395 = memref.load %arg5[%swap3A_394] : memref<64xf32, #tpu.memory_space<smem>>
    memref.store %add3A_393, %arg5[%swap3A_394] : memref<64xf32, #tpu.memory_space<smem>>
    %eq3A_396 = arith.constant 3 : i32
    %eq3A_397 = vector.broadcast %eq3A_396 : i32 to vector<512x128xi32>
    %eq3A_398 = arith.cmpi eq, %get3A_47, %eq3A_397 : vector<512x128xi32>
    %convert_element_type3A_399 = arith.extui %eq3A_398 : vector<512x128xi1> to vector<512x128xi32>
    %convert_element_type3A_400 = arith.sitofp %convert_element_type3A_399 : vector<512x128xi32> to vector<512x128xf32>
    %mul3A_401 = arith.mulf %convert_element_type3A_400, %convert_element_type3A_57 : vector<512x128xf32>
    %get3A_402 = arith.constant 28 : index
    %get3A_403 = memref.load %arg5[%get3A_402] : memref<64xf32, #tpu.memory_space<smem>>
    %reduce_sum3A_404 = vector.shape_cast %convert_element_type3A_400 : vector<512x128xf32> to vector<1x512x128xf32>
    %reduce_sum3A_405 = arith.constant dense<0.000000e+00> : vector<1xf32>
    %reduce_sum3A_406 = vector.multi_reduction <add>, %reduce_sum3A_404, %reduce_sum3A_405 [1, 2] : vector<1x512x128xf32> to vector<1xf32>
    %reduce_sum3A_407 = vector.shape_cast %reduce_sum3A_406 : vector<1xf32> to vector<1x1x1xf32>
    %reduce_sum3A_408 = vector.extract %reduce_sum3A_407[0, 0, 0] : f32 from vector<1x1x1xf32>
    %add3A_409 = arith.addf %get3A_403, %reduce_sum3A_408 : f32
    %swap3A_410 = arith.constant 28 : index
    %swap3A_411 = memref.load %arg5[%swap3A_410] : memref<64xf32, #tpu.memory_space<smem>>
    memref.store %add3A_409, %arg5[%swap3A_410] : memref<64xf32, #tpu.memory_space<smem>>
    %get3A_412 = arith.constant 29 : index
    %get3A_413 = memref.load %arg5[%get3A_412] : memref<64xf32, #tpu.memory_space<smem>>
    %reduce_sum3A_414 = vector.shape_cast %mul3A_401 : vector<512x128xf32> to vector<1x512x128xf32>
    %reduce_sum3A_415 = arith.constant dense<0.000000e+00> : vector<1xf32>
    %reduce_sum3A_416 = vector.multi_reduction <add>, %reduce_sum3A_414, %reduce_sum3A_415 [1, 2] : vector<1x512x128xf32> to vector<1xf32>
    %reduce_sum3A_417 = vector.shape_cast %reduce_sum3A_416 : vector<1xf32> to vector<1x1x1xf32>
    %reduce_sum3A_418 = vector.extract %reduce_sum3A_417[0, 0, 0] : f32 from vector<1x1x1xf32>
    %add3A_419 = arith.addf %get3A_413, %reduce_sum3A_418 : f32
    %swap3A_420 = arith.constant 29 : index
    %swap3A_421 = memref.load %arg5[%swap3A_420] : memref<64xf32, #tpu.memory_space<smem>>
    memref.store %add3A_419, %arg5[%swap3A_420] : memref<64xf32, #tpu.memory_space<smem>>
    %get3A_422 = arith.constant 30 : index
    %get3A_423 = memref.load %arg5[%get3A_422] : memref<64xf32, #tpu.memory_space<smem>>
    %mul3A_424 = arith.mulf %mul3A_35, %mul3A_401 : vector<512x128xf32>
    %reduce_sum3A_425 = vector.shape_cast %mul3A_424 : vector<512x128xf32> to vector<1x512x128xf32>
    %reduce_sum3A_426 = arith.constant dense<0.000000e+00> : vector<1xf32>
    %reduce_sum3A_427 = vector.multi_reduction <add>, %reduce_sum3A_425, %reduce_sum3A_426 [1, 2] : vector<1x512x128xf32> to vector<1xf32>
    %reduce_sum3A_428 = vector.shape_cast %reduce_sum3A_427 : vector<1xf32> to vector<1x1x1xf32>
    %reduce_sum3A_429 = vector.extract %reduce_sum3A_428[0, 0, 0] : f32 from vector<1x1x1xf32>
    %add3A_430 = arith.addf %get3A_423, %reduce_sum3A_429 : f32
    %swap3A_431 = arith.constant 30 : index
    %swap3A_432 = memref.load %arg5[%swap3A_431] : memref<64xf32, #tpu.memory_space<smem>>
    memref.store %add3A_430, %arg5[%swap3A_431] : memref<64xf32, #tpu.memory_space<smem>>
    %get3A_433 = arith.constant 31 : index
    %get3A_434 = memref.load %arg5[%get3A_433] : memref<64xf32, #tpu.memory_space<smem>>
    %mul3A_435 = arith.mulf %mul3A_39, %mul3A_401 : vector<512x128xf32>
    %reduce_sum3A_436 = vector.shape_cast %mul3A_435 : vector<512x128xf32> to vector<1x512x128xf32>
    %reduce_sum3A_437 = arith.constant dense<0.000000e+00> : vector<1xf32>
    %reduce_sum3A_438 = vector.multi_reduction <add>, %reduce_sum3A_436, %reduce_sum3A_437 [1, 2] : vector<1x512x128xf32> to vector<1xf32>
    %reduce_sum3A_439 = vector.shape_cast %reduce_sum3A_438 : vector<1xf32> to vector<1x1x1xf32>
    %reduce_sum3A_440 = vector.extract %reduce_sum3A_439[0, 0, 0] : f32 from vector<1x1x1xf32>
    %add3A_441 = arith.addf %get3A_434, %reduce_sum3A_440 : f32
    %swap3A_442 = arith.constant 31 : index
    %swap3A_443 = memref.load %arg5[%swap3A_442] : memref<64xf32, #tpu.memory_space<smem>>
    memref.store %add3A_441, %arg5[%swap3A_442] : memref<64xf32, #tpu.memory_space<smem>>
    %get3A_444 = arith.constant 32 : index
    %get3A_445 = memref.load %arg5[%get3A_444] : memref<64xf32, #tpu.memory_space<smem>>
    %mul3A_446 = arith.mulf %mul3A_43, %mul3A_401 : vector<512x128xf32>
    %reduce_sum3A_447 = vector.shape_cast %mul3A_446 : vector<512x128xf32> to vector<1x512x128xf32>
    %reduce_sum3A_448 = arith.constant dense<0.000000e+00> : vector<1xf32>
    %reduce_sum3A_449 = vector.multi_reduction <add>, %reduce_sum3A_447, %reduce_sum3A_448 [1, 2] : vector<1x512x128xf32> to vector<1xf32>
    %reduce_sum3A_450 = vector.shape_cast %reduce_sum3A_449 : vector<1xf32> to vector<1x1x1xf32>
    %reduce_sum3A_451 = vector.extract %reduce_sum3A_450[0, 0, 0] : f32 from vector<1x1x1xf32>
    %add3A_452 = arith.addf %get3A_445, %reduce_sum3A_451 : f32
    %swap3A_453 = arith.constant 32 : index
    %swap3A_454 = memref.load %arg5[%swap3A_453] : memref<64xf32, #tpu.memory_space<smem>>
    memref.store %add3A_452, %arg5[%swap3A_453] : memref<64xf32, #tpu.memory_space<smem>>
    %get3A_455 = arith.constant 33 : index
    %get3A_456 = memref.load %arg5[%get3A_455] : memref<64xf32, #tpu.memory_space<smem>>
    %mul3A_457 = arith.mulf %mul3A_35, %convert_element_type3A_400 : vector<512x128xf32>
    %reduce_sum3A_458 = vector.shape_cast %mul3A_457 : vector<512x128xf32> to vector<1x512x128xf32>
    %reduce_sum3A_459 = arith.constant dense<0.000000e+00> : vector<1xf32>
    %reduce_sum3A_460 = vector.multi_reduction <add>, %reduce_sum3A_458, %reduce_sum3A_459 [1, 2] : vector<1x512x128xf32> to vector<1xf32>
    %reduce_sum3A_461 = vector.shape_cast %reduce_sum3A_460 : vector<1xf32> to vector<1x1x1xf32>
    %reduce_sum3A_462 = vector.extract %reduce_sum3A_461[0, 0, 0] : f32 from vector<1x1x1xf32>
    %add3A_463 = arith.addf %get3A_456, %reduce_sum3A_462 : f32
    %swap3A_464 = arith.constant 33 : index
    %swap3A_465 = memref.load %arg5[%swap3A_464] : memref<64xf32, #tpu.memory_space<smem>>
    memref.store %add3A_463, %arg5[%swap3A_464] : memref<64xf32, #tpu.memory_space<smem>>
    %get3A_466 = arith.constant 34 : index
    %get3A_467 = memref.load %arg5[%get3A_466] : memref<64xf32, #tpu.memory_space<smem>>
    %mul3A_468 = arith.mulf %mul3A_39, %convert_element_type3A_400 : vector<512x128xf32>
    %reduce_sum3A_469 = vector.shape_cast %mul3A_468 : vector<512x128xf32> to vector<1x512x128xf32>
    %reduce_sum3A_470 = arith.constant dense<0.000000e+00> : vector<1xf32>
    %reduce_sum3A_471 = vector.multi_reduction <add>, %reduce_sum3A_469, %reduce_sum3A_470 [1, 2] : vector<1x512x128xf32> to vector<1xf32>
    %reduce_sum3A_472 = vector.shape_cast %reduce_sum3A_471 : vector<1xf32> to vector<1x1x1xf32>
    %reduce_sum3A_473 = vector.extract %reduce_sum3A_472[0, 0, 0] : f32 from vector<1x1x1xf32>
    %add3A_474 = arith.addf %get3A_467, %reduce_sum3A_473 : f32
    %swap3A_475 = arith.constant 34 : index
    %swap3A_476 = memref.load %arg5[%swap3A_475] : memref<64xf32, #tpu.memory_space<smem>>
    memref.store %add3A_474, %arg5[%swap3A_475] : memref<64xf32, #tpu.memory_space<smem>>
    %get3A_477 = arith.constant 35 : index
    %get3A_478 = memref.load %arg5[%get3A_477] : memref<64xf32, #tpu.memory_space<smem>>
    %mul3A_479 = arith.mulf %mul3A_43, %convert_element_type3A_400 : vector<512x128xf32>
    %reduce_sum3A_480 = vector.shape_cast %mul3A_479 : vector<512x128xf32> to vector<1x512x128xf32>
    %reduce_sum3A_481 = arith.constant dense<0.000000e+00> : vector<1xf32>
    %reduce_sum3A_482 = vector.multi_reduction <add>, %reduce_sum3A_480, %reduce_sum3A_481 [1, 2] : vector<1x512x128xf32> to vector<1xf32>
    %reduce_sum3A_483 = vector.shape_cast %reduce_sum3A_482 : vector<1xf32> to vector<1x1x1xf32>
    %reduce_sum3A_484 = vector.extract %reduce_sum3A_483[0, 0, 0] : f32 from vector<1x1x1xf32>
    %add3A_485 = arith.addf %get3A_478, %reduce_sum3A_484 : f32
    %swap3A_486 = arith.constant 35 : index
    %swap3A_487 = memref.load %arg5[%swap3A_486] : memref<64xf32, #tpu.memory_space<smem>>
    memref.store %add3A_485, %arg5[%swap3A_486] : memref<64xf32, #tpu.memory_space<smem>>
    %get3A_488 = arith.constant 36 : index
    %get3A_489 = memref.load %arg5[%get3A_488] : memref<64xf32, #tpu.memory_space<smem>>
    %mul3A_490 = arith.mulf %get3A_63, %convert_element_type3A_400 : vector<512x128xf32>
    %reduce_sum3A_491 = vector.shape_cast %mul3A_490 : vector<512x128xf32> to vector<1x512x128xf32>
    %reduce_sum3A_492 = arith.constant dense<0.000000e+00> : vector<1xf32>
    %reduce_sum3A_493 = vector.multi_reduction <add>, %reduce_sum3A_491, %reduce_sum3A_492 [1, 2] : vector<1x512x128xf32> to vector<1xf32>
    %reduce_sum3A_494 = vector.shape_cast %reduce_sum3A_493 : vector<1xf32> to vector<1x1x1xf32>
    %reduce_sum3A_495 = vector.extract %reduce_sum3A_494[0, 0, 0] : f32 from vector<1x1x1xf32>
    %add3A_496 = arith.addf %get3A_489, %reduce_sum3A_495 : f32
    %swap3A_497 = arith.constant 36 : index
    %swap3A_498 = memref.load %arg5[%swap3A_497] : memref<64xf32, #tpu.memory_space<smem>>
    memref.store %add3A_496, %arg5[%swap3A_497] : memref<64xf32, #tpu.memory_space<smem>>
    %get3A_499 = arith.constant 37 : index
    %get3A_500 = memref.load %arg5[%get3A_499] : memref<64xf32, #tpu.memory_space<smem>>
    %mul3A_501 = arith.mulf %get3A_69, %convert_element_type3A_400 : vector<512x128xf32>
    %reduce_sum3A_502 = vector.shape_cast %mul3A_501 : vector<512x128xf32> to vector<1x512x128xf32>
    %reduce_sum3A_503 = arith.constant dense<0.000000e+00> : vector<1xf32>
    %reduce_sum3A_504 = vector.multi_reduction <add>, %reduce_sum3A_502, %reduce_sum3A_503 [1, 2] : vector<1x512x128xf32> to vector<1xf32>
    %reduce_sum3A_505 = vector.shape_cast %reduce_sum3A_504 : vector<1xf32> to vector<1x1x1xf32>
    %reduce_sum3A_506 = vector.extract %reduce_sum3A_505[0, 0, 0] : f32 from vector<1x1x1xf32>
    %add3A_507 = arith.addf %get3A_500, %reduce_sum3A_506 : f32
    %swap3A_508 = arith.constant 37 : index
    %swap3A_509 = memref.load %arg5[%swap3A_508] : memref<64xf32, #tpu.memory_space<smem>>
    memref.store %add3A_507, %arg5[%swap3A_508] : memref<64xf32, #tpu.memory_space<smem>>
    %get3A_510 = arith.constant 38 : index
    %get3A_511 = memref.load %arg5[%get3A_510] : memref<64xf32, #tpu.memory_space<smem>>
    %mul3A_512 = arith.mulf %get3A_75, %convert_element_type3A_400 : vector<512x128xf32>
    %reduce_sum3A_513 = vector.shape_cast %mul3A_512 : vector<512x128xf32> to vector<1x512x128xf32>
    %reduce_sum3A_514 = arith.constant dense<0.000000e+00> : vector<1xf32>
    %reduce_sum3A_515 = vector.multi_reduction <add>, %reduce_sum3A_513, %reduce_sum3A_514 [1, 2] : vector<1x512x128xf32> to vector<1xf32>
    %reduce_sum3A_516 = vector.shape_cast %reduce_sum3A_515 : vector<1xf32> to vector<1x1x1xf32>
    %reduce_sum3A_517 = vector.extract %reduce_sum3A_516[0, 0, 0] : f32 from vector<1x1x1xf32>
    %add3A_518 = arith.addf %get3A_511, %reduce_sum3A_517 : f32
    %swap3A_519 = arith.constant 38 : index
    %swap3A_520 = memref.load %arg5[%swap3A_519] : memref<64xf32, #tpu.memory_space<smem>>
    memref.store %add3A_518, %arg5[%swap3A_519] : memref<64xf32, #tpu.memory_space<smem>>
    %get3A_521 = arith.constant 39 : index
    %get3A_522 = memref.load %arg5[%get3A_521] : memref<64xf32, #tpu.memory_space<smem>>
    %mul3A_523 = arith.mulf %get3A_63, %get3A_63 : vector<512x128xf32>
    %mul3A_524 = arith.mulf %mul3A_523, %convert_element_type3A_400 : vector<512x128xf32>
    %reduce_sum3A_525 = vector.shape_cast %mul3A_524 : vector<512x128xf32> to vector<1x512x128xf32>
    %reduce_sum3A_526 = arith.constant dense<0.000000e+00> : vector<1xf32>
    %reduce_sum3A_527 = vector.multi_reduction <add>, %reduce_sum3A_525, %reduce_sum3A_526 [1, 2] : vector<1x512x128xf32> to vector<1xf32>
    %reduce_sum3A_528 = vector.shape_cast %reduce_sum3A_527 : vector<1xf32> to vector<1x1x1xf32>
    %reduce_sum3A_529 = vector.extract %reduce_sum3A_528[0, 0, 0] : f32 from vector<1x1x1xf32>
    %add3A_530 = arith.addf %get3A_522, %reduce_sum3A_529 : f32
    %swap3A_531 = arith.constant 39 : index
    %swap3A_532 = memref.load %arg5[%swap3A_531] : memref<64xf32, #tpu.memory_space<smem>>
    memref.store %add3A_530, %arg5[%swap3A_531] : memref<64xf32, #tpu.memory_space<smem>>
    %get3A_533 = arith.constant 40 : index
    %get3A_534 = memref.load %arg5[%get3A_533] : memref<64xf32, #tpu.memory_space<smem>>
    %mul3A_535 = arith.mulf %get3A_69, %get3A_69 : vector<512x128xf32>
    %mul3A_536 = arith.mulf %mul3A_535, %convert_element_type3A_400 : vector<512x128xf32>
    %reduce_sum3A_537 = vector.shape_cast %mul3A_536 : vector<512x128xf32> to vector<1x512x128xf32>
    %reduce_sum3A_538 = arith.constant dense<0.000000e+00> : vector<1xf32>
    %reduce_sum3A_539 = vector.multi_reduction <add>, %reduce_sum3A_537, %reduce_sum3A_538 [1, 2] : vector<1x512x128xf32> to vector<1xf32>
    %reduce_sum3A_540 = vector.shape_cast %reduce_sum3A_539 : vector<1xf32> to vector<1x1x1xf32>
    %reduce_sum3A_541 = vector.extract %reduce_sum3A_540[0, 0, 0] : f32 from vector<1x1x1xf32>
    %add3A_542 = arith.addf %get3A_534, %reduce_sum3A_541 : f32
    %swap3A_543 = arith.constant 40 : index
    %swap3A_544 = memref.load %arg5[%swap3A_543] : memref<64xf32, #tpu.memory_space<smem>>
    memref.store %add3A_542, %arg5[%swap3A_543] : memref<64xf32, #tpu.memory_space<smem>>
    %get3A_545 = arith.constant 41 : index
    %get3A_546 = memref.load %arg5[%get3A_545] : memref<64xf32, #tpu.memory_space<smem>>
    %mul3A_547 = arith.mulf %get3A_75, %get3A_75 : vector<512x128xf32>
    %mul3A_548 = arith.mulf %mul3A_547, %convert_element_type3A_400 : vector<512x128xf32>
    %reduce_sum3A_549 = vector.shape_cast %mul3A_548 : vector<512x128xf32> to vector<1x512x128xf32>
    %reduce_sum3A_550 = arith.constant dense<0.000000e+00> : vector<1xf32>
    %reduce_sum3A_551 = vector.multi_reduction <add>, %reduce_sum3A_549, %reduce_sum3A_550 [1, 2] : vector<1x512x128xf32> to vector<1xf32>
    %reduce_sum3A_552 = vector.shape_cast %reduce_sum3A_551 : vector<1xf32> to vector<1x1x1xf32>
    %reduce_sum3A_553 = vector.extract %reduce_sum3A_552[0, 0, 0] : f32 from vector<1x1x1xf32>
    %add3A_554 = arith.addf %get3A_546, %reduce_sum3A_553 : f32
    %swap3A_555 = arith.constant 41 : index
    %swap3A_556 = memref.load %arg5[%swap3A_555] : memref<64xf32, #tpu.memory_space<smem>>
    memref.store %add3A_554, %arg5[%swap3A_555] : memref<64xf32, #tpu.memory_space<smem>>
    %eq3A_557 = arith.constant 4 : i32
    %eq3A_558 = vector.broadcast %eq3A_557 : i32 to vector<512x128xi32>
    %eq3A_559 = arith.cmpi eq, %get3A_47, %eq3A_558 : vector<512x128xi32>
    %convert_element_type3A_560 = arith.extui %eq3A_559 : vector<512x128xi1> to vector<512x128xi32>
    %convert_element_type3A_561 = arith.sitofp %convert_element_type3A_560 : vector<512x128xi32> to vector<512x128xf32>
    %mul3A_562 = arith.mulf %convert_element_type3A_561, %convert_element_type3A_57 : vector<512x128xf32>
    %get3A_563 = arith.constant 42 : index
    %get3A_564 = memref.load %arg5[%get3A_563] : memref<64xf32, #tpu.memory_space<smem>>
    %reduce_sum3A_565 = vector.shape_cast %convert_element_type3A_561 : vector<512x128xf32> to vector<1x512x128xf32>
    %reduce_sum3A_566 = arith.constant dense<0.000000e+00> : vector<1xf32>
    %reduce_sum3A_567 = vector.multi_reduction <add>, %reduce_sum3A_565, %reduce_sum3A_566 [1, 2] : vector<1x512x128xf32> to vector<1xf32>
    %reduce_sum3A_568 = vector.shape_cast %reduce_sum3A_567 : vector<1xf32> to vector<1x1x1xf32>
    %reduce_sum3A_569 = vector.extract %reduce_sum3A_568[0, 0, 0] : f32 from vector<1x1x1xf32>
    %add3A_570 = arith.addf %get3A_564, %reduce_sum3A_569 : f32
    %swap3A_571 = arith.constant 42 : index
    %swap3A_572 = memref.load %arg5[%swap3A_571] : memref<64xf32, #tpu.memory_space<smem>>
    memref.store %add3A_570, %arg5[%swap3A_571] : memref<64xf32, #tpu.memory_space<smem>>
    %get3A_573 = arith.constant 43 : index
    %get3A_574 = memref.load %arg5[%get3A_573] : memref<64xf32, #tpu.memory_space<smem>>
    %reduce_sum3A_575 = vector.shape_cast %mul3A_562 : vector<512x128xf32> to vector<1x512x128xf32>
    %reduce_sum3A_576 = arith.constant dense<0.000000e+00> : vector<1xf32>
    %reduce_sum3A_577 = vector.multi_reduction <add>, %reduce_sum3A_575, %reduce_sum3A_576 [1, 2] : vector<1x512x128xf32> to vector<1xf32>
    %reduce_sum3A_578 = vector.shape_cast %reduce_sum3A_577 : vector<1xf32> to vector<1x1x1xf32>
    %reduce_sum3A_579 = vector.extract %reduce_sum3A_578[0, 0, 0] : f32 from vector<1x1x1xf32>
    %add3A_580 = arith.addf %get3A_574, %reduce_sum3A_579 : f32
    %swap3A_581 = arith.constant 43 : index
    %swap3A_582 = memref.load %arg5[%swap3A_581] : memref<64xf32, #tpu.memory_space<smem>>
    memref.store %add3A_580, %arg5[%swap3A_581] : memref<64xf32, #tpu.memory_space<smem>>
    %get3A_583 = arith.constant 44 : index
    %get3A_584 = memref.load %arg5[%get3A_583] : memref<64xf32, #tpu.memory_space<smem>>
    %mul3A_585 = arith.mulf %mul3A_35, %mul3A_562 : vector<512x128xf32>
    %reduce_sum3A_586 = vector.shape_cast %mul3A_585 : vector<512x128xf32> to vector<1x512x128xf32>
    %reduce_sum3A_587 = arith.constant dense<0.000000e+00> : vector<1xf32>
    %reduce_sum3A_588 = vector.multi_reduction <add>, %reduce_sum3A_586, %reduce_sum3A_587 [1, 2] : vector<1x512x128xf32> to vector<1xf32>
    %reduce_sum3A_589 = vector.shape_cast %reduce_sum3A_588 : vector<1xf32> to vector<1x1x1xf32>
    %reduce_sum3A_590 = vector.extract %reduce_sum3A_589[0, 0, 0] : f32 from vector<1x1x1xf32>
    %add3A_591 = arith.addf %get3A_584, %reduce_sum3A_590 : f32
    %swap3A_592 = arith.constant 44 : index
    %swap3A_593 = memref.load %arg5[%swap3A_592] : memref<64xf32, #tpu.memory_space<smem>>
    memref.store %add3A_591, %arg5[%swap3A_592] : memref<64xf32, #tpu.memory_space<smem>>
    %get3A_594 = arith.constant 45 : index
    %get3A_595 = memref.load %arg5[%get3A_594] : memref<64xf32, #tpu.memory_space<smem>>
    %mul3A_596 = arith.mulf %mul3A_39, %mul3A_562 : vector<512x128xf32>
    %reduce_sum3A_597 = vector.shape_cast %mul3A_596 : vector<512x128xf32> to vector<1x512x128xf32>
    %reduce_sum3A_598 = arith.constant dense<0.000000e+00> : vector<1xf32>
    %reduce_sum3A_599 = vector.multi_reduction <add>, %reduce_sum3A_597, %reduce_sum3A_598 [1, 2] : vector<1x512x128xf32> to vector<1xf32>
    %reduce_sum3A_600 = vector.shape_cast %reduce_sum3A_599 : vector<1xf32> to vector<1x1x1xf32>
    %reduce_sum3A_601 = vector.extract %reduce_sum3A_600[0, 0, 0] : f32 from vector<1x1x1xf32>
    %add3A_602 = arith.addf %get3A_595, %reduce_sum3A_601 : f32
    %swap3A_603 = arith.constant 45 : index
    %swap3A_604 = memref.load %arg5[%swap3A_603] : memref<64xf32, #tpu.memory_space<smem>>
    memref.store %add3A_602, %arg5[%swap3A_603] : memref<64xf32, #tpu.memory_space<smem>>
    %get3A_605 = arith.constant 46 : index
    %get3A_606 = memref.load %arg5[%get3A_605] : memref<64xf32, #tpu.memory_space<smem>>
    %mul3A_607 = arith.mulf %mul3A_43, %mul3A_562 : vector<512x128xf32>
    %reduce_sum3A_608 = vector.shape_cast %mul3A_607 : vector<512x128xf32> to vector<1x512x128xf32>
    %reduce_sum3A_609 = arith.constant dense<0.000000e+00> : vector<1xf32>
    %reduce_sum3A_610 = vector.multi_reduction <add>, %reduce_sum3A_608, %reduce_sum3A_609 [1, 2] : vector<1x512x128xf32> to vector<1xf32>
    %reduce_sum3A_611 = vector.shape_cast %reduce_sum3A_610 : vector<1xf32> to vector<1x1x1xf32>
    %reduce_sum3A_612 = vector.extract %reduce_sum3A_611[0, 0, 0] : f32 from vector<1x1x1xf32>
    %add3A_613 = arith.addf %get3A_606, %reduce_sum3A_612 : f32
    %swap3A_614 = arith.constant 46 : index
    %swap3A_615 = memref.load %arg5[%swap3A_614] : memref<64xf32, #tpu.memory_space<smem>>
    memref.store %add3A_613, %arg5[%swap3A_614] : memref<64xf32, #tpu.memory_space<smem>>
    %get3A_616 = arith.constant 47 : index
    %get3A_617 = memref.load %arg5[%get3A_616] : memref<64xf32, #tpu.memory_space<smem>>
    %mul3A_618 = arith.mulf %mul3A_35, %convert_element_type3A_561 : vector<512x128xf32>
    %reduce_sum3A_619 = vector.shape_cast %mul3A_618 : vector<512x128xf32> to vector<1x512x128xf32>
    %reduce_sum3A_620 = arith.constant dense<0.000000e+00> : vector<1xf32>
    %reduce_sum3A_621 = vector.multi_reduction <add>, %reduce_sum3A_619, %reduce_sum3A_620 [1, 2] : vector<1x512x128xf32> to vector<1xf32>
    %reduce_sum3A_622 = vector.shape_cast %reduce_sum3A_621 : vector<1xf32> to vector<1x1x1xf32>
    %reduce_sum3A_623 = vector.extract %reduce_sum3A_622[0, 0, 0] : f32 from vector<1x1x1xf32>
    %add3A_624 = arith.addf %get3A_617, %reduce_sum3A_623 : f32
    %swap3A_625 = arith.constant 47 : index
    %swap3A_626 = memref.load %arg5[%swap3A_625] : memref<64xf32, #tpu.memory_space<smem>>
    memref.store %add3A_624, %arg5[%swap3A_625] : memref<64xf32, #tpu.memory_space<smem>>
    %get3A_627 = arith.constant 48 : index
    %get3A_628 = memref.load %arg5[%get3A_627] : memref<64xf32, #tpu.memory_space<smem>>
    %mul3A_629 = arith.mulf %mul3A_39, %convert_element_type3A_561 : vector<512x128xf32>
    %reduce_sum3A_630 = vector.shape_cast %mul3A_629 : vector<512x128xf32> to vector<1x512x128xf32>
    %reduce_sum3A_631 = arith.constant dense<0.000000e+00> : vector<1xf32>
    %reduce_sum3A_632 = vector.multi_reduction <add>, %reduce_sum3A_630, %reduce_sum3A_631 [1, 2] : vector<1x512x128xf32> to vector<1xf32>
    %reduce_sum3A_633 = vector.shape_cast %reduce_sum3A_632 : vector<1xf32> to vector<1x1x1xf32>
    %reduce_sum3A_634 = vector.extract %reduce_sum3A_633[0, 0, 0] : f32 from vector<1x1x1xf32>
    %add3A_635 = arith.addf %get3A_628, %reduce_sum3A_634 : f32
    %swap3A_636 = arith.constant 48 : index
    %swap3A_637 = memref.load %arg5[%swap3A_636] : memref<64xf32, #tpu.memory_space<smem>>
    memref.store %add3A_635, %arg5[%swap3A_636] : memref<64xf32, #tpu.memory_space<smem>>
    %get3A_638 = arith.constant 49 : index
    %get3A_639 = memref.load %arg5[%get3A_638] : memref<64xf32, #tpu.memory_space<smem>>
    %mul3A_640 = arith.mulf %mul3A_43, %convert_element_type3A_561 : vector<512x128xf32>
    %reduce_sum3A_641 = vector.shape_cast %mul3A_640 : vector<512x128xf32> to vector<1x512x128xf32>
    %reduce_sum3A_642 = arith.constant dense<0.000000e+00> : vector<1xf32>
    %reduce_sum3A_643 = vector.multi_reduction <add>, %reduce_sum3A_641, %reduce_sum3A_642 [1, 2] : vector<1x512x128xf32> to vector<1xf32>
    %reduce_sum3A_644 = vector.shape_cast %reduce_sum3A_643 : vector<1xf32> to vector<1x1x1xf32>
    %reduce_sum3A_645 = vector.extract %reduce_sum3A_644[0, 0, 0] : f32 from vector<1x1x1xf32>
    %add3A_646 = arith.addf %get3A_639, %reduce_sum3A_645 : f32
    %swap3A_647 = arith.constant 49 : index
    %swap3A_648 = memref.load %arg5[%swap3A_647] : memref<64xf32, #tpu.memory_space<smem>>
    memref.store %add3A_646, %arg5[%swap3A_647] : memref<64xf32, #tpu.memory_space<smem>>
    %get3A_649 = arith.constant 50 : index
    %get3A_650 = memref.load %arg5[%get3A_649] : memref<64xf32, #tpu.memory_space<smem>>
    %mul3A_651 = arith.mulf %get3A_63, %convert_element_type3A_561 : vector<512x128xf32>
    %reduce_sum3A_652 = vector.shape_cast %mul3A_651 : vector<512x128xf32> to vector<1x512x128xf32>
    %reduce_sum3A_653 = arith.constant dense<0.000000e+00> : vector<1xf32>
    %reduce_sum3A_654 = vector.multi_reduction <add>, %reduce_sum3A_652, %reduce_sum3A_653 [1, 2] : vector<1x512x128xf32> to vector<1xf32>
    %reduce_sum3A_655 = vector.shape_cast %reduce_sum3A_654 : vector<1xf32> to vector<1x1x1xf32>
    %reduce_sum3A_656 = vector.extract %reduce_sum3A_655[0, 0, 0] : f32 from vector<1x1x1xf32>
    %add3A_657 = arith.addf %get3A_650, %reduce_sum3A_656 : f32
    %swap3A_658 = arith.constant 50 : index
    %swap3A_659 = memref.load %arg5[%swap3A_658] : memref<64xf32, #tpu.memory_space<smem>>
    memref.store %add3A_657, %arg5[%swap3A_658] : memref<64xf32, #tpu.memory_space<smem>>
    %get3A_660 = arith.constant 51 : index
    %get3A_661 = memref.load %arg5[%get3A_660] : memref<64xf32, #tpu.memory_space<smem>>
    %mul3A_662 = arith.mulf %get3A_69, %convert_element_type3A_561 : vector<512x128xf32>
    %reduce_sum3A_663 = vector.shape_cast %mul3A_662 : vector<512x128xf32> to vector<1x512x128xf32>
    %reduce_sum3A_664 = arith.constant dense<0.000000e+00> : vector<1xf32>
    %reduce_sum3A_665 = vector.multi_reduction <add>, %reduce_sum3A_663, %reduce_sum3A_664 [1, 2] : vector<1x512x128xf32> to vector<1xf32>
    %reduce_sum3A_666 = vector.shape_cast %reduce_sum3A_665 : vector<1xf32> to vector<1x1x1xf32>
    %reduce_sum3A_667 = vector.extract %reduce_sum3A_666[0, 0, 0] : f32 from vector<1x1x1xf32>
    %add3A_668 = arith.addf %get3A_661, %reduce_sum3A_667 : f32
    %swap3A_669 = arith.constant 51 : index
    %swap3A_670 = memref.load %arg5[%swap3A_669] : memref<64xf32, #tpu.memory_space<smem>>
    memref.store %add3A_668, %arg5[%swap3A_669] : memref<64xf32, #tpu.memory_space<smem>>
    %get3A_671 = arith.constant 52 : index
    %get3A_672 = memref.load %arg5[%get3A_671] : memref<64xf32, #tpu.memory_space<smem>>
    %mul3A_673 = arith.mulf %get3A_75, %convert_element_type3A_561 : vector<512x128xf32>
    %reduce_sum3A_674 = vector.shape_cast %mul3A_673 : vector<512x128xf32> to vector<1x512x128xf32>
    %reduce_sum3A_675 = arith.constant dense<0.000000e+00> : vector<1xf32>
    %reduce_sum3A_676 = vector.multi_reduction <add>, %reduce_sum3A_674, %reduce_sum3A_675 [1, 2] : vector<1x512x128xf32> to vector<1xf32>
    %reduce_sum3A_677 = vector.shape_cast %reduce_sum3A_676 : vector<1xf32> to vector<1x1x1xf32>
    %reduce_sum3A_678 = vector.extract %reduce_sum3A_677[0, 0, 0] : f32 from vector<1x1x1xf32>
    %add3A_679 = arith.addf %get3A_672, %reduce_sum3A_678 : f32
    %swap3A_680 = arith.constant 52 : index
    %swap3A_681 = memref.load %arg5[%swap3A_680] : memref<64xf32, #tpu.memory_space<smem>>
    memref.store %add3A_679, %arg5[%swap3A_680] : memref<64xf32, #tpu.memory_space<smem>>
    %get3A_682 = arith.constant 53 : index
    %get3A_683 = memref.load %arg5[%get3A_682] : memref<64xf32, #tpu.memory_space<smem>>
    %mul3A_684 = arith.mulf %get3A_63, %get3A_63 : vector<512x128xf32>
    %mul3A_685 = arith.mulf %mul3A_684, %convert_element_type3A_561 : vector<512x128xf32>
    %reduce_sum3A_686 = vector.shape_cast %mul3A_685 : vector<512x128xf32> to vector<1x512x128xf32>
    %reduce_sum3A_687 = arith.constant dense<0.000000e+00> : vector<1xf32>
    %reduce_sum3A_688 = vector.multi_reduction <add>, %reduce_sum3A_686, %reduce_sum3A_687 [1, 2] : vector<1x512x128xf32> to vector<1xf32>
    %reduce_sum3A_689 = vector.shape_cast %reduce_sum3A_688 : vector<1xf32> to vector<1x1x1xf32>
    %reduce_sum3A_690 = vector.extract %reduce_sum3A_689[0, 0, 0] : f32 from vector<1x1x1xf32>
    %add3A_691 = arith.addf %get3A_683, %reduce_sum3A_690 : f32
    %swap3A_692 = arith.constant 53 : index
    %swap3A_693 = memref.load %arg5[%swap3A_692] : memref<64xf32, #tpu.memory_space<smem>>
    memref.store %add3A_691, %arg5[%swap3A_692] : memref<64xf32, #tpu.memory_space<smem>>
    %get3A_694 = arith.constant 54 : index
    %get3A_695 = memref.load %arg5[%get3A_694] : memref<64xf32, #tpu.memory_space<smem>>
    %mul3A_696 = arith.mulf %get3A_69, %get3A_69 : vector<512x128xf32>
    %mul3A_697 = arith.mulf %mul3A_696, %convert_element_type3A_561 : vector<512x128xf32>
    %reduce_sum3A_698 = vector.shape_cast %mul3A_697 : vector<512x128xf32> to vector<1x512x128xf32>
    %reduce_sum3A_699 = arith.constant dense<0.000000e+00> : vector<1xf32>
    %reduce_sum3A_700 = vector.multi_reduction <add>, %reduce_sum3A_698, %reduce_sum3A_699 [1, 2] : vector<1x512x128xf32> to vector<1xf32>
    %reduce_sum3A_701 = vector.shape_cast %reduce_sum3A_700 : vector<1xf32> to vector<1x1x1xf32>
    %reduce_sum3A_702 = vector.extract %reduce_sum3A_701[0, 0, 0] : f32 from vector<1x1x1xf32>
    %add3A_703 = arith.addf %get3A_695, %reduce_sum3A_702 : f32
    %swap3A_704 = arith.constant 54 : index
    %swap3A_705 = memref.load %arg5[%swap3A_704] : memref<64xf32, #tpu.memory_space<smem>>
    memref.store %add3A_703, %arg5[%swap3A_704] : memref<64xf32, #tpu.memory_space<smem>>
    %get3A_706 = arith.constant 55 : index
    %get3A_707 = memref.load %arg5[%get3A_706] : memref<64xf32, #tpu.memory_space<smem>>
    %mul3A_708 = arith.mulf %get3A_75, %get3A_75 : vector<512x128xf32>
    %mul3A_709 = arith.mulf %mul3A_708, %convert_element_type3A_561 : vector<512x128xf32>
    %reduce_sum3A_710 = vector.shape_cast %mul3A_709 : vector<512x128xf32> to vector<1x512x128xf32>
    %reduce_sum3A_711 = arith.constant dense<0.000000e+00> : vector<1xf32>
    %reduce_sum3A_712 = vector.multi_reduction <add>, %reduce_sum3A_710, %reduce_sum3A_711 [1, 2] : vector<1x512x128xf32> to vector<1xf32>
    %reduce_sum3A_713 = vector.shape_cast %reduce_sum3A_712 : vector<1xf32> to vector<1x1x1xf32>
    %reduce_sum3A_714 = vector.extract %reduce_sum3A_713[0, 0, 0] : f32 from vector<1x1x1xf32>
    %add3A_715 = arith.addf %get3A_707, %reduce_sum3A_714 : f32
    %swap3A_716 = arith.constant 55 : index
    %swap3A_717 = memref.load %arg5[%swap3A_716] : memref<64xf32, #tpu.memory_space<smem>>
    memref.store %add3A_715, %arg5[%swap3A_716] : memref<64xf32, #tpu.memory_space<smem>>
    %eq3A_718 = arith.constant 7 : i32
    %eq3A_719 = arith.cmpi eq, %arg0, %eq3A_718 : i32
    %convert_element_type3A_720 = arith.extui %eq3A_719 : i1 to i32
    %cond3A_721 = arith.constant 0 : i32
    %cond3A_722 = arith.cmpi ne, %convert_element_type3A_720, %cond3A_721 : i32
    scf.if %cond3A_722 {
      %get3A_723 = arith.constant 0 : index
      %get3A_724 = memref.load %arg5[%get3A_723] : memref<64xf32, #tpu.memory_space<smem>>
      %swap3A_725 = arith.constant 0 : index
      %swap3A_726 = arith.constant 0 : index
      %swap3A_727 = memref.load %arg4[%swap3A_725, %swap3A_726] : memref<1x64xf32, #tpu.memory_space<smem>>
      memref.store %get3A_724, %arg4[%swap3A_725, %swap3A_726] : memref<1x64xf32, #tpu.memory_space<smem>>
      %get3A_728 = arith.constant 1 : index
      %get3A_729 = memref.load %arg5[%get3A_728] : memref<64xf32, #tpu.memory_space<smem>>
      %swap3A_730 = arith.constant 0 : index
      %swap3A_731 = arith.constant 1 : index
      %swap3A_732 = memref.load %arg4[%swap3A_730, %swap3A_731] : memref<1x64xf32, #tpu.memory_space<smem>>
      memref.store %get3A_729, %arg4[%swap3A_730, %swap3A_731] : memref<1x64xf32, #tpu.memory_space<smem>>
      %get3A_733 = arith.constant 2 : index
      %get3A_734 = memref.load %arg5[%get3A_733] : memref<64xf32, #tpu.memory_space<smem>>
      %swap3A_735 = arith.constant 0 : index
      %swap3A_736 = arith.constant 2 : index
      %swap3A_737 = memref.load %arg4[%swap3A_735, %swap3A_736] : memref<1x64xf32, #tpu.memory_space<smem>>
      memref.store %get3A_734, %arg4[%swap3A_735, %swap3A_736] : memref<1x64xf32, #tpu.memory_space<smem>>
      %get3A_738 = arith.constant 3 : index
      %get3A_739 = memref.load %arg5[%get3A_738] : memref<64xf32, #tpu.memory_space<smem>>
      %swap3A_740 = arith.constant 0 : index
      %swap3A_741 = arith.constant 3 : index
      %swap3A_742 = memref.load %arg4[%swap3A_740, %swap3A_741] : memref<1x64xf32, #tpu.memory_space<smem>>
      memref.store %get3A_739, %arg4[%swap3A_740, %swap3A_741] : memref<1x64xf32, #tpu.memory_space<smem>>
      %get3A_743 = arith.constant 4 : index
      %get3A_744 = memref.load %arg5[%get3A_743] : memref<64xf32, #tpu.memory_space<smem>>
      %swap3A_745 = arith.constant 0 : index
      %swap3A_746 = arith.constant 4 : index
      %swap3A_747 = memref.load %arg4[%swap3A_745, %swap3A_746] : memref<1x64xf32, #tpu.memory_space<smem>>
      memref.store %get3A_744, %arg4[%swap3A_745, %swap3A_746] : memref<1x64xf32, #tpu.memory_space<smem>>
      %get3A_748 = arith.constant 5 : index
      %get3A_749 = memref.load %arg5[%get3A_748] : memref<64xf32, #tpu.memory_space<smem>>
      %swap3A_750 = arith.constant 0 : index
      %swap3A_751 = arith.constant 5 : index
      %swap3A_752 = memref.load %arg4[%swap3A_750, %swap3A_751] : memref<1x64xf32, #tpu.memory_space<smem>>
      memref.store %get3A_749, %arg4[%swap3A_750, %swap3A_751] : memref<1x64xf32, #tpu.memory_space<smem>>
      %get3A_753 = arith.constant 6 : index
      %get3A_754 = memref.load %arg5[%get3A_753] : memref<64xf32, #tpu.memory_space<smem>>
      %swap3A_755 = arith.constant 0 : index
      %swap3A_756 = arith.constant 6 : index
      %swap3A_757 = memref.load %arg4[%swap3A_755, %swap3A_756] : memref<1x64xf32, #tpu.memory_space<smem>>
      memref.store %get3A_754, %arg4[%swap3A_755, %swap3A_756] : memref<1x64xf32, #tpu.memory_space<smem>>
      %get3A_758 = arith.constant 7 : index
      %get3A_759 = memref.load %arg5[%get3A_758] : memref<64xf32, #tpu.memory_space<smem>>
      %swap3A_760 = arith.constant 0 : index
      %swap3A_761 = arith.constant 7 : index
      %swap3A_762 = memref.load %arg4[%swap3A_760, %swap3A_761] : memref<1x64xf32, #tpu.memory_space<smem>>
      memref.store %get3A_759, %arg4[%swap3A_760, %swap3A_761] : memref<1x64xf32, #tpu.memory_space<smem>>
      %get3A_763 = arith.constant 8 : index
      %get3A_764 = memref.load %arg5[%get3A_763] : memref<64xf32, #tpu.memory_space<smem>>
      %swap3A_765 = arith.constant 0 : index
      %swap3A_766 = arith.constant 8 : index
      %swap3A_767 = memref.load %arg4[%swap3A_765, %swap3A_766] : memref<1x64xf32, #tpu.memory_space<smem>>
      memref.store %get3A_764, %arg4[%swap3A_765, %swap3A_766] : memref<1x64xf32, #tpu.memory_space<smem>>
      %get3A_768 = arith.constant 9 : index
      %get3A_769 = memref.load %arg5[%get3A_768] : memref<64xf32, #tpu.memory_space<smem>>
      %swap3A_770 = arith.constant 0 : index
      %swap3A_771 = arith.constant 9 : index
      %swap3A_772 = memref.load %arg4[%swap3A_770, %swap3A_771] : memref<1x64xf32, #tpu.memory_space<smem>>
      memref.store %get3A_769, %arg4[%swap3A_770, %swap3A_771] : memref<1x64xf32, #tpu.memory_space<smem>>
      %get3A_773 = arith.constant 10 : index
      %get3A_774 = memref.load %arg5[%get3A_773] : memref<64xf32, #tpu.memory_space<smem>>
      %swap3A_775 = arith.constant 0 : index
      %swap3A_776 = arith.constant 10 : index
      %swap3A_777 = memref.load %arg4[%swap3A_775, %swap3A_776] : memref<1x64xf32, #tpu.memory_space<smem>>
      memref.store %get3A_774, %arg4[%swap3A_775, %swap3A_776] : memref<1x64xf32, #tpu.memory_space<smem>>
      %get3A_778 = arith.constant 11 : index
      %get3A_779 = memref.load %arg5[%get3A_778] : memref<64xf32, #tpu.memory_space<smem>>
      %swap3A_780 = arith.constant 0 : index
      %swap3A_781 = arith.constant 11 : index
      %swap3A_782 = memref.load %arg4[%swap3A_780, %swap3A_781] : memref<1x64xf32, #tpu.memory_space<smem>>
      memref.store %get3A_779, %arg4[%swap3A_780, %swap3A_781] : memref<1x64xf32, #tpu.memory_space<smem>>
      %get3A_783 = arith.constant 12 : index
      %get3A_784 = memref.load %arg5[%get3A_783] : memref<64xf32, #tpu.memory_space<smem>>
      %swap3A_785 = arith.constant 0 : index
      %swap3A_786 = arith.constant 12 : index
      %swap3A_787 = memref.load %arg4[%swap3A_785, %swap3A_786] : memref<1x64xf32, #tpu.memory_space<smem>>
      memref.store %get3A_784, %arg4[%swap3A_785, %swap3A_786] : memref<1x64xf32, #tpu.memory_space<smem>>
      %get3A_788 = arith.constant 13 : index
      %get3A_789 = memref.load %arg5[%get3A_788] : memref<64xf32, #tpu.memory_space<smem>>
      %swap3A_790 = arith.constant 0 : index
      %swap3A_791 = arith.constant 13 : index
      %swap3A_792 = memref.load %arg4[%swap3A_790, %swap3A_791] : memref<1x64xf32, #tpu.memory_space<smem>>
      memref.store %get3A_789, %arg4[%swap3A_790, %swap3A_791] : memref<1x64xf32, #tpu.memory_space<smem>>
      %get3A_793 = arith.constant 14 : index
      %get3A_794 = memref.load %arg5[%get3A_793] : memref<64xf32, #tpu.memory_space<smem>>
      %swap3A_795 = arith.constant 0 : index
      %swap3A_796 = arith.constant 14 : index
      %swap3A_797 = memref.load %arg4[%swap3A_795, %swap3A_796] : memref<1x64xf32, #tpu.memory_space<smem>>
      memref.store %get3A_794, %arg4[%swap3A_795, %swap3A_796] : memref<1x64xf32, #tpu.memory_space<smem>>
      %get3A_798 = arith.constant 15 : index
      %get3A_799 = memref.load %arg5[%get3A_798] : memref<64xf32, #tpu.memory_space<smem>>
      %swap3A_800 = arith.constant 0 : index
      %swap3A_801 = arith.constant 15 : index
      %swap3A_802 = memref.load %arg4[%swap3A_800, %swap3A_801] : memref<1x64xf32, #tpu.memory_space<smem>>
      memref.store %get3A_799, %arg4[%swap3A_800, %swap3A_801] : memref<1x64xf32, #tpu.memory_space<smem>>
      %get3A_803 = arith.constant 16 : index
      %get3A_804 = memref.load %arg5[%get3A_803] : memref<64xf32, #tpu.memory_space<smem>>
      %swap3A_805 = arith.constant 0 : index
      %swap3A_806 = arith.constant 16 : index
      %swap3A_807 = memref.load %arg4[%swap3A_805, %swap3A_806] : memref<1x64xf32, #tpu.memory_space<smem>>
      memref.store %get3A_804, %arg4[%swap3A_805, %swap3A_806] : memref<1x64xf32, #tpu.memory_space<smem>>
      %get3A_808 = arith.constant 17 : index
      %get3A_809 = memref.load %arg5[%get3A_808] : memref<64xf32, #tpu.memory_space<smem>>
      %swap3A_810 = arith.constant 0 : index
      %swap3A_811 = arith.constant 17 : index
      %swap3A_812 = memref.load %arg4[%swap3A_810, %swap3A_811] : memref<1x64xf32, #tpu.memory_space<smem>>
      memref.store %get3A_809, %arg4[%swap3A_810, %swap3A_811] : memref<1x64xf32, #tpu.memory_space<smem>>
      %get3A_813 = arith.constant 18 : index
      %get3A_814 = memref.load %arg5[%get3A_813] : memref<64xf32, #tpu.memory_space<smem>>
      %swap3A_815 = arith.constant 0 : index
      %swap3A_816 = arith.constant 18 : index
      %swap3A_817 = memref.load %arg4[%swap3A_815, %swap3A_816] : memref<1x64xf32, #tpu.memory_space<smem>>
      memref.store %get3A_814, %arg4[%swap3A_815, %swap3A_816] : memref<1x64xf32, #tpu.memory_space<smem>>
      %get3A_818 = arith.constant 19 : index
      %get3A_819 = memref.load %arg5[%get3A_818] : memref<64xf32, #tpu.memory_space<smem>>
      %swap3A_820 = arith.constant 0 : index
      %swap3A_821 = arith.constant 19 : index
      %swap3A_822 = memref.load %arg4[%swap3A_820, %swap3A_821] : memref<1x64xf32, #tpu.memory_space<smem>>
      memref.store %get3A_819, %arg4[%swap3A_820, %swap3A_821] : memref<1x64xf32, #tpu.memory_space<smem>>
      %get3A_823 = arith.constant 20 : index
      %get3A_824 = memref.load %arg5[%get3A_823] : memref<64xf32, #tpu.memory_space<smem>>
      %swap3A_825 = arith.constant 0 : index
      %swap3A_826 = arith.constant 20 : index
      %swap3A_827 = memref.load %arg4[%swap3A_825, %swap3A_826] : memref<1x64xf32, #tpu.memory_space<smem>>
      memref.store %get3A_824, %arg4[%swap3A_825, %swap3A_826] : memref<1x64xf32, #tpu.memory_space<smem>>
      %get3A_828 = arith.constant 21 : index
      %get3A_829 = memref.load %arg5[%get3A_828] : memref<64xf32, #tpu.memory_space<smem>>
      %swap3A_830 = arith.constant 0 : index
      %swap3A_831 = arith.constant 21 : index
      %swap3A_832 = memref.load %arg4[%swap3A_830, %swap3A_831] : memref<1x64xf32, #tpu.memory_space<smem>>
      memref.store %get3A_829, %arg4[%swap3A_830, %swap3A_831] : memref<1x64xf32, #tpu.memory_space<smem>>
      %get3A_833 = arith.constant 22 : index
      %get3A_834 = memref.load %arg5[%get3A_833] : memref<64xf32, #tpu.memory_space<smem>>
      %swap3A_835 = arith.constant 0 : index
      %swap3A_836 = arith.constant 22 : index
      %swap3A_837 = memref.load %arg4[%swap3A_835, %swap3A_836] : memref<1x64xf32, #tpu.memory_space<smem>>
      memref.store %get3A_834, %arg4[%swap3A_835, %swap3A_836] : memref<1x64xf32, #tpu.memory_space<smem>>
      %get3A_838 = arith.constant 23 : index
      %get3A_839 = memref.load %arg5[%get3A_838] : memref<64xf32, #tpu.memory_space<smem>>
      %swap3A_840 = arith.constant 0 : index
      %swap3A_841 = arith.constant 23 : index
      %swap3A_842 = memref.load %arg4[%swap3A_840, %swap3A_841] : memref<1x64xf32, #tpu.memory_space<smem>>
      memref.store %get3A_839, %arg4[%swap3A_840, %swap3A_841] : memref<1x64xf32, #tpu.memory_space<smem>>
      %get3A_843 = arith.constant 24 : index
      %get3A_844 = memref.load %arg5[%get3A_843] : memref<64xf32, #tpu.memory_space<smem>>
      %swap3A_845 = arith.constant 0 : index
      %swap3A_846 = arith.constant 24 : index
      %swap3A_847 = memref.load %arg4[%swap3A_845, %swap3A_846] : memref<1x64xf32, #tpu.memory_space<smem>>
      memref.store %get3A_844, %arg4[%swap3A_845, %swap3A_846] : memref<1x64xf32, #tpu.memory_space<smem>>
      %get3A_848 = arith.constant 25 : index
      %get3A_849 = memref.load %arg5[%get3A_848] : memref<64xf32, #tpu.memory_space<smem>>
      %swap3A_850 = arith.constant 0 : index
      %swap3A_851 = arith.constant 25 : index
      %swap3A_852 = memref.load %arg4[%swap3A_850, %swap3A_851] : memref<1x64xf32, #tpu.memory_space<smem>>
      memref.store %get3A_849, %arg4[%swap3A_850, %swap3A_851] : memref<1x64xf32, #tpu.memory_space<smem>>
      %get3A_853 = arith.constant 26 : index
      %get3A_854 = memref.load %arg5[%get3A_853] : memref<64xf32, #tpu.memory_space<smem>>
      %swap3A_855 = arith.constant 0 : index
      %swap3A_856 = arith.constant 26 : index
      %swap3A_857 = memref.load %arg4[%swap3A_855, %swap3A_856] : memref<1x64xf32, #tpu.memory_space<smem>>
      memref.store %get3A_854, %arg4[%swap3A_855, %swap3A_856] : memref<1x64xf32, #tpu.memory_space<smem>>
      %get3A_858 = arith.constant 27 : index
      %get3A_859 = memref.load %arg5[%get3A_858] : memref<64xf32, #tpu.memory_space<smem>>
      %swap3A_860 = arith.constant 0 : index
      %swap3A_861 = arith.constant 27 : index
      %swap3A_862 = memref.load %arg4[%swap3A_860, %swap3A_861] : memref<1x64xf32, #tpu.memory_space<smem>>
      memref.store %get3A_859, %arg4[%swap3A_860, %swap3A_861] : memref<1x64xf32, #tpu.memory_space<smem>>
      %get3A_863 = arith.constant 28 : index
      %get3A_864 = memref.load %arg5[%get3A_863] : memref<64xf32, #tpu.memory_space<smem>>
      %swap3A_865 = arith.constant 0 : index
      %swap3A_866 = arith.constant 28 : index
      %swap3A_867 = memref.load %arg4[%swap3A_865, %swap3A_866] : memref<1x64xf32, #tpu.memory_space<smem>>
      memref.store %get3A_864, %arg4[%swap3A_865, %swap3A_866] : memref<1x64xf32, #tpu.memory_space<smem>>
      %get3A_868 = arith.constant 29 : index
      %get3A_869 = memref.load %arg5[%get3A_868] : memref<64xf32, #tpu.memory_space<smem>>
      %swap3A_870 = arith.constant 0 : index
      %swap3A_871 = arith.constant 29 : index
      %swap3A_872 = memref.load %arg4[%swap3A_870, %swap3A_871] : memref<1x64xf32, #tpu.memory_space<smem>>
      memref.store %get3A_869, %arg4[%swap3A_870, %swap3A_871] : memref<1x64xf32, #tpu.memory_space<smem>>
      %get3A_873 = arith.constant 30 : index
      %get3A_874 = memref.load %arg5[%get3A_873] : memref<64xf32, #tpu.memory_space<smem>>
      %swap3A_875 = arith.constant 0 : index
      %swap3A_876 = arith.constant 30 : index
      %swap3A_877 = memref.load %arg4[%swap3A_875, %swap3A_876] : memref<1x64xf32, #tpu.memory_space<smem>>
      memref.store %get3A_874, %arg4[%swap3A_875, %swap3A_876] : memref<1x64xf32, #tpu.memory_space<smem>>
      %get3A_878 = arith.constant 31 : index
      %get3A_879 = memref.load %arg5[%get3A_878] : memref<64xf32, #tpu.memory_space<smem>>
      %swap3A_880 = arith.constant 0 : index
      %swap3A_881 = arith.constant 31 : index
      %swap3A_882 = memref.load %arg4[%swap3A_880, %swap3A_881] : memref<1x64xf32, #tpu.memory_space<smem>>
      memref.store %get3A_879, %arg4[%swap3A_880, %swap3A_881] : memref<1x64xf32, #tpu.memory_space<smem>>
      %get3A_883 = arith.constant 32 : index
      %get3A_884 = memref.load %arg5[%get3A_883] : memref<64xf32, #tpu.memory_space<smem>>
      %swap3A_885 = arith.constant 0 : index
      %swap3A_886 = arith.constant 32 : index
      %swap3A_887 = memref.load %arg4[%swap3A_885, %swap3A_886] : memref<1x64xf32, #tpu.memory_space<smem>>
      memref.store %get3A_884, %arg4[%swap3A_885, %swap3A_886] : memref<1x64xf32, #tpu.memory_space<smem>>
      %get3A_888 = arith.constant 33 : index
      %get3A_889 = memref.load %arg5[%get3A_888] : memref<64xf32, #tpu.memory_space<smem>>
      %swap3A_890 = arith.constant 0 : index
      %swap3A_891 = arith.constant 33 : index
      %swap3A_892 = memref.load %arg4[%swap3A_890, %swap3A_891] : memref<1x64xf32, #tpu.memory_space<smem>>
      memref.store %get3A_889, %arg4[%swap3A_890, %swap3A_891] : memref<1x64xf32, #tpu.memory_space<smem>>
      %get3A_893 = arith.constant 34 : index
      %get3A_894 = memref.load %arg5[%get3A_893] : memref<64xf32, #tpu.memory_space<smem>>
      %swap3A_895 = arith.constant 0 : index
      %swap3A_896 = arith.constant 34 : index
      %swap3A_897 = memref.load %arg4[%swap3A_895, %swap3A_896] : memref<1x64xf32, #tpu.memory_space<smem>>
      memref.store %get3A_894, %arg4[%swap3A_895, %swap3A_896] : memref<1x64xf32, #tpu.memory_space<smem>>
      %get3A_898 = arith.constant 35 : index
      %get3A_899 = memref.load %arg5[%get3A_898] : memref<64xf32, #tpu.memory_space<smem>>
      %swap3A_900 = arith.constant 0 : index
      %swap3A_901 = arith.constant 35 : index
      %swap3A_902 = memref.load %arg4[%swap3A_900, %swap3A_901] : memref<1x64xf32, #tpu.memory_space<smem>>
      memref.store %get3A_899, %arg4[%swap3A_900, %swap3A_901] : memref<1x64xf32, #tpu.memory_space<smem>>
      %get3A_903 = arith.constant 36 : index
      %get3A_904 = memref.load %arg5[%get3A_903] : memref<64xf32, #tpu.memory_space<smem>>
      %swap3A_905 = arith.constant 0 : index
      %swap3A_906 = arith.constant 36 : index
      %swap3A_907 = memref.load %arg4[%swap3A_905, %swap3A_906] : memref<1x64xf32, #tpu.memory_space<smem>>
      memref.store %get3A_904, %arg4[%swap3A_905, %swap3A_906] : memref<1x64xf32, #tpu.memory_space<smem>>
      %get3A_908 = arith.constant 37 : index
      %get3A_909 = memref.load %arg5[%get3A_908] : memref<64xf32, #tpu.memory_space<smem>>
      %swap3A_910 = arith.constant 0 : index
      %swap3A_911 = arith.constant 37 : index
      %swap3A_912 = memref.load %arg4[%swap3A_910, %swap3A_911] : memref<1x64xf32, #tpu.memory_space<smem>>
      memref.store %get3A_909, %arg4[%swap3A_910, %swap3A_911] : memref<1x64xf32, #tpu.memory_space<smem>>
      %get3A_913 = arith.constant 38 : index
      %get3A_914 = memref.load %arg5[%get3A_913] : memref<64xf32, #tpu.memory_space<smem>>
      %swap3A_915 = arith.constant 0 : index
      %swap3A_916 = arith.constant 38 : index
      %swap3A_917 = memref.load %arg4[%swap3A_915, %swap3A_916] : memref<1x64xf32, #tpu.memory_space<smem>>
      memref.store %get3A_914, %arg4[%swap3A_915, %swap3A_916] : memref<1x64xf32, #tpu.memory_space<smem>>
      %get3A_918 = arith.constant 39 : index
      %get3A_919 = memref.load %arg5[%get3A_918] : memref<64xf32, #tpu.memory_space<smem>>
      %swap3A_920 = arith.constant 0 : index
      %swap3A_921 = arith.constant 39 : index
      %swap3A_922 = memref.load %arg4[%swap3A_920, %swap3A_921] : memref<1x64xf32, #tpu.memory_space<smem>>
      memref.store %get3A_919, %arg4[%swap3A_920, %swap3A_921] : memref<1x64xf32, #tpu.memory_space<smem>>
      %get3A_923 = arith.constant 40 : index
      %get3A_924 = memref.load %arg5[%get3A_923] : memref<64xf32, #tpu.memory_space<smem>>
      %swap3A_925 = arith.constant 0 : index
      %swap3A_926 = arith.constant 40 : index
      %swap3A_927 = memref.load %arg4[%swap3A_925, %swap3A_926] : memref<1x64xf32, #tpu.memory_space<smem>>
      memref.store %get3A_924, %arg4[%swap3A_925, %swap3A_926] : memref<1x64xf32, #tpu.memory_space<smem>>
      %get3A_928 = arith.constant 41 : index
      %get3A_929 = memref.load %arg5[%get3A_928] : memref<64xf32, #tpu.memory_space<smem>>
      %swap3A_930 = arith.constant 0 : index
      %swap3A_931 = arith.constant 41 : index
      %swap3A_932 = memref.load %arg4[%swap3A_930, %swap3A_931] : memref<1x64xf32, #tpu.memory_space<smem>>
      memref.store %get3A_929, %arg4[%swap3A_930, %swap3A_931] : memref<1x64xf32, #tpu.memory_space<smem>>
      %get3A_933 = arith.constant 42 : index
      %get3A_934 = memref.load %arg5[%get3A_933] : memref<64xf32, #tpu.memory_space<smem>>
      %swap3A_935 = arith.constant 0 : index
      %swap3A_936 = arith.constant 42 : index
      %swap3A_937 = memref.load %arg4[%swap3A_935, %swap3A_936] : memref<1x64xf32, #tpu.memory_space<smem>>
      memref.store %get3A_934, %arg4[%swap3A_935, %swap3A_936] : memref<1x64xf32, #tpu.memory_space<smem>>
      %get3A_938 = arith.constant 43 : index
      %get3A_939 = memref.load %arg5[%get3A_938] : memref<64xf32, #tpu.memory_space<smem>>
      %swap3A_940 = arith.constant 0 : index
      %swap3A_941 = arith.constant 43 : index
      %swap3A_942 = memref.load %arg4[%swap3A_940, %swap3A_941] : memref<1x64xf32, #tpu.memory_space<smem>>
      memref.store %get3A_939, %arg4[%swap3A_940, %swap3A_941] : memref<1x64xf32, #tpu.memory_space<smem>>
      %get3A_943 = arith.constant 44 : index
      %get3A_944 = memref.load %arg5[%get3A_943] : memref<64xf32, #tpu.memory_space<smem>>
      %swap3A_945 = arith.constant 0 : index
      %swap3A_946 = arith.constant 44 : index
      %swap3A_947 = memref.load %arg4[%swap3A_945, %swap3A_946] : memref<1x64xf32, #tpu.memory_space<smem>>
      memref.store %get3A_944, %arg4[%swap3A_945, %swap3A_946] : memref<1x64xf32, #tpu.memory_space<smem>>
      %get3A_948 = arith.constant 45 : index
      %get3A_949 = memref.load %arg5[%get3A_948] : memref<64xf32, #tpu.memory_space<smem>>
      %swap3A_950 = arith.constant 0 : index
      %swap3A_951 = arith.constant 45 : index
      %swap3A_952 = memref.load %arg4[%swap3A_950, %swap3A_951] : memref<1x64xf32, #tpu.memory_space<smem>>
      memref.store %get3A_949, %arg4[%swap3A_950, %swap3A_951] : memref<1x64xf32, #tpu.memory_space<smem>>
      %get3A_953 = arith.constant 46 : index
      %get3A_954 = memref.load %arg5[%get3A_953] : memref<64xf32, #tpu.memory_space<smem>>
      %swap3A_955 = arith.constant 0 : index
      %swap3A_956 = arith.constant 46 : index
      %swap3A_957 = memref.load %arg4[%swap3A_955, %swap3A_956] : memref<1x64xf32, #tpu.memory_space<smem>>
      memref.store %get3A_954, %arg4[%swap3A_955, %swap3A_956] : memref<1x64xf32, #tpu.memory_space<smem>>
      %get3A_958 = arith.constant 47 : index
      %get3A_959 = memref.load %arg5[%get3A_958] : memref<64xf32, #tpu.memory_space<smem>>
      %swap3A_960 = arith.constant 0 : index
      %swap3A_961 = arith.constant 47 : index
      %swap3A_962 = memref.load %arg4[%swap3A_960, %swap3A_961] : memref<1x64xf32, #tpu.memory_space<smem>>
      memref.store %get3A_959, %arg4[%swap3A_960, %swap3A_961] : memref<1x64xf32, #tpu.memory_space<smem>>
      %get3A_963 = arith.constant 48 : index
      %get3A_964 = memref.load %arg5[%get3A_963] : memref<64xf32, #tpu.memory_space<smem>>
      %swap3A_965 = arith.constant 0 : index
      %swap3A_966 = arith.constant 48 : index
      %swap3A_967 = memref.load %arg4[%swap3A_965, %swap3A_966] : memref<1x64xf32, #tpu.memory_space<smem>>
      memref.store %get3A_964, %arg4[%swap3A_965, %swap3A_966] : memref<1x64xf32, #tpu.memory_space<smem>>
      %get3A_968 = arith.constant 49 : index
      %get3A_969 = memref.load %arg5[%get3A_968] : memref<64xf32, #tpu.memory_space<smem>>
      %swap3A_970 = arith.constant 0 : index
      %swap3A_971 = arith.constant 49 : index
      %swap3A_972 = memref.load %arg4[%swap3A_970, %swap3A_971] : memref<1x64xf32, #tpu.memory_space<smem>>
      memref.store %get3A_969, %arg4[%swap3A_970, %swap3A_971] : memref<1x64xf32, #tpu.memory_space<smem>>
      %get3A_973 = arith.constant 50 : index
      %get3A_974 = memref.load %arg5[%get3A_973] : memref<64xf32, #tpu.memory_space<smem>>
      %swap3A_975 = arith.constant 0 : index
      %swap3A_976 = arith.constant 50 : index
      %swap3A_977 = memref.load %arg4[%swap3A_975, %swap3A_976] : memref<1x64xf32, #tpu.memory_space<smem>>
      memref.store %get3A_974, %arg4[%swap3A_975, %swap3A_976] : memref<1x64xf32, #tpu.memory_space<smem>>
      %get3A_978 = arith.constant 51 : index
      %get3A_979 = memref.load %arg5[%get3A_978] : memref<64xf32, #tpu.memory_space<smem>>
      %swap3A_980 = arith.constant 0 : index
      %swap3A_981 = arith.constant 51 : index
      %swap3A_982 = memref.load %arg4[%swap3A_980, %swap3A_981] : memref<1x64xf32, #tpu.memory_space<smem>>
      memref.store %get3A_979, %arg4[%swap3A_980, %swap3A_981] : memref<1x64xf32, #tpu.memory_space<smem>>
      %get3A_983 = arith.constant 52 : index
      %get3A_984 = memref.load %arg5[%get3A_983] : memref<64xf32, #tpu.memory_space<smem>>
      %swap3A_985 = arith.constant 0 : index
      %swap3A_986 = arith.constant 52 : index
      %swap3A_987 = memref.load %arg4[%swap3A_985, %swap3A_986] : memref<1x64xf32, #tpu.memory_space<smem>>
      memref.store %get3A_984, %arg4[%swap3A_985, %swap3A_986] : memref<1x64xf32, #tpu.memory_space<smem>>
      %get3A_988 = arith.constant 53 : index
      %get3A_989 = memref.load %arg5[%get3A_988] : memref<64xf32, #tpu.memory_space<smem>>
      %swap3A_990 = arith.constant 0 : index
      %swap3A_991 = arith.constant 53 : index
      %swap3A_992 = memref.load %arg4[%swap3A_990, %swap3A_991] : memref<1x64xf32, #tpu.memory_space<smem>>
      memref.store %get3A_989, %arg4[%swap3A_990, %swap3A_991] : memref<1x64xf32, #tpu.memory_space<smem>>
      %get3A_993 = arith.constant 54 : index
      %get3A_994 = memref.load %arg5[%get3A_993] : memref<64xf32, #tpu.memory_space<smem>>
      %swap3A_995 = arith.constant 0 : index
      %swap3A_996 = arith.constant 54 : index
      %swap3A_997 = memref.load %arg4[%swap3A_995, %swap3A_996] : memref<1x64xf32, #tpu.memory_space<smem>>
      memref.store %get3A_994, %arg4[%swap3A_995, %swap3A_996] : memref<1x64xf32, #tpu.memory_space<smem>>
      %get3A_998 = arith.constant 55 : index
      %get3A_999 = memref.load %arg5[%get3A_998] : memref<64xf32, #tpu.memory_space<smem>>
      %swap3A_1000 = arith.constant 0 : index
      %swap3A_1001 = arith.constant 55 : index
      %swap3A_1002 = memref.load %arg4[%swap3A_1000, %swap3A_1001] : memref<1x64xf32, #tpu.memory_space<smem>>
      memref.store %get3A_999, %arg4[%swap3A_1000, %swap3A_1001] : memref<1x64xf32, #tpu.memory_space<smem>>
      %get3A_1003 = arith.constant 56 : index
      %get3A_1004 = memref.load %arg5[%get3A_1003] : memref<64xf32, #tpu.memory_space<smem>>
      %swap3A_1005 = arith.constant 0 : index
      %swap3A_1006 = arith.constant 56 : index
      %swap3A_1007 = memref.load %arg4[%swap3A_1005, %swap3A_1006] : memref<1x64xf32, #tpu.memory_space<smem>>
      memref.store %get3A_1004, %arg4[%swap3A_1005, %swap3A_1006] : memref<1x64xf32, #tpu.memory_space<smem>>
      %get3A_1008 = arith.constant 57 : index
      %get3A_1009 = memref.load %arg5[%get3A_1008] : memref<64xf32, #tpu.memory_space<smem>>
      %swap3A_1010 = arith.constant 0 : index
      %swap3A_1011 = arith.constant 57 : index
      %swap3A_1012 = memref.load %arg4[%swap3A_1010, %swap3A_1011] : memref<1x64xf32, #tpu.memory_space<smem>>
      memref.store %get3A_1009, %arg4[%swap3A_1010, %swap3A_1011] : memref<1x64xf32, #tpu.memory_space<smem>>
      %get3A_1013 = arith.constant 58 : index
      %get3A_1014 = memref.load %arg5[%get3A_1013] : memref<64xf32, #tpu.memory_space<smem>>
      %swap3A_1015 = arith.constant 0 : index
      %swap3A_1016 = arith.constant 58 : index
      %swap3A_1017 = memref.load %arg4[%swap3A_1015, %swap3A_1016] : memref<1x64xf32, #tpu.memory_space<smem>>
      memref.store %get3A_1014, %arg4[%swap3A_1015, %swap3A_1016] : memref<1x64xf32, #tpu.memory_space<smem>>
      %get3A_1018 = arith.constant 59 : index
      %get3A_1019 = memref.load %arg5[%get3A_1018] : memref<64xf32, #tpu.memory_space<smem>>
      %swap3A_1020 = arith.constant 0 : index
      %swap3A_1021 = arith.constant 59 : index
      %swap3A_1022 = memref.load %arg4[%swap3A_1020, %swap3A_1021] : memref<1x64xf32, #tpu.memory_space<smem>>
      memref.store %get3A_1019, %arg4[%swap3A_1020, %swap3A_1021] : memref<1x64xf32, #tpu.memory_space<smem>>
      %get3A_1023 = arith.constant 60 : index
      %get3A_1024 = memref.load %arg5[%get3A_1023] : memref<64xf32, #tpu.memory_space<smem>>
      %swap3A_1025 = arith.constant 0 : index
      %swap3A_1026 = arith.constant 60 : index
      %swap3A_1027 = memref.load %arg4[%swap3A_1025, %swap3A_1026] : memref<1x64xf32, #tpu.memory_space<smem>>
      memref.store %get3A_1024, %arg4[%swap3A_1025, %swap3A_1026] : memref<1x64xf32, #tpu.memory_space<smem>>
      %get3A_1028 = arith.constant 61 : index
      %get3A_1029 = memref.load %arg5[%get3A_1028] : memref<64xf32, #tpu.memory_space<smem>>
      %swap3A_1030 = arith.constant 0 : index
      %swap3A_1031 = arith.constant 61 : index
      %swap3A_1032 = memref.load %arg4[%swap3A_1030, %swap3A_1031] : memref<1x64xf32, #tpu.memory_space<smem>>
      memref.store %get3A_1029, %arg4[%swap3A_1030, %swap3A_1031] : memref<1x64xf32, #tpu.memory_space<smem>>
      %get3A_1033 = arith.constant 62 : index
      %get3A_1034 = memref.load %arg5[%get3A_1033] : memref<64xf32, #tpu.memory_space<smem>>
      %swap3A_1035 = arith.constant 0 : index
      %swap3A_1036 = arith.constant 62 : index
      %swap3A_1037 = memref.load %arg4[%swap3A_1035, %swap3A_1036] : memref<1x64xf32, #tpu.memory_space<smem>>
      memref.store %get3A_1034, %arg4[%swap3A_1035, %swap3A_1036] : memref<1x64xf32, #tpu.memory_space<smem>>
      %get3A_1038 = arith.constant 63 : index
      %get3A_1039 = memref.load %arg5[%get3A_1038] : memref<64xf32, #tpu.memory_space<smem>>
      %swap3A_1040 = arith.constant 0 : index
      %swap3A_1041 = arith.constant 63 : index
      %swap3A_1042 = memref.load %arg4[%swap3A_1040, %swap3A_1041] : memref<1x64xf32, #tpu.memory_space<smem>>
      memref.store %get3A_1039, %arg4[%swap3A_1040, %swap3A_1041] : memref<1x64xf32, #tpu.memory_space<smem>>
    } else {
    }
    return
  }
  func.func @transform_0(%arg0: i32) -> (i32, i32, i32, i32) {
    %c1_i32 = arith.constant 1 : i32
    %c1_i32_0 = arith.constant 1 : i32
    %c0_i32 = arith.constant 0 : i32
    %c0_i32_1 = arith.constant 0 : i32
    return %c1_i32, %c1_i32_0, %arg0, %c0_i32 : i32, i32, i32, i32
  }
  func.func @transform_1(%arg0: i32) -> (i32, i32, i32) {
    %c1_i32 = arith.constant 1 : i32
    %c0_i32 = arith.constant 0 : i32
    %c0_i32_0 = arith.constant 0 : i32
    return %c1_i32, %arg0, %c0_i32 : i32, i32, i32
  }
  func.func @transform_2(%arg0: i32) -> (i32, i32, i32) {
    %c1_i32 = arith.constant 1 : i32
    %c0_i32 = arith.constant 0 : i32
    %c0_i32_0 = arith.constant 0 : i32
    return %c1_i32, %arg0, %c0_i32 : i32, i32, i32
  }
  func.func @transform_3(%arg0: i32) -> (i32, i32) {
    %c0_i32 = arith.constant 0 : i32
    %c0_i32_0 = arith.constant 0 : i32
    %c0_i32_1 = arith.constant 0 : i32
    return %c0_i32, %c0_i32_0 : i32, i32
  }
}

module attributes {stable_mosaic.version = 14 : i64} {
  func.func @_p1_body(%arg0: i32, %arg1: memref<1x3x512x128xf32, #tpu.memory_space<vmem>>, %arg2: memref<1x512x128xi32, #tpu.memory_space<vmem>>, %arg3: memref<1x512x128xi32, #tpu.memory_space<vmem>>, %arg4: memref<1x64xf32, #tpu.memory_space<smem>>, %arg5: memref<64xf32, #tpu.memory_space<smem>>) attributes {dimension_semantics = [#tpu.dimension_semantics<arbitrary>], iteration_bounds = array<i64: 8>, scalar_prefetch = 0 : i64, scratch_operands = 1 : i64, tpu.core_type = #tpu.core_type<tc>, window_params = [{transform_indices = @transform_0, window_bounds = array<i64: 1, 3, 512, 128>}, {transform_indices = @transform_1, window_bounds = array<i64: 1, 512, 128>}, {transform_indices = @transform_2, window_bounds = array<i64: 1, 512, 128>}, {transform_indices = @transform_3, window_bounds = array<i64: 1, 64>}]} {
    %eq3A = arith.constant 0 : i32
    %eq3A_0 = arith.cmpi eq, %arg0, %eq3A : i32
    %convert_element_type3A = arith.extui %eq3A_0 : i1 to i32
    %cond3A = arith.constant 0 : i32
    %cond3A_1 = arith.cmpi ne, %convert_element_type3A, %cond3A : i32
    scf.if %cond3A_1 {
      %swap3A_723 = arith.constant 0.000000e+00 : f32
      %swap3A_724 = arith.constant 0 : index
      %swap3A_725 = memref.load %arg5[%swap3A_724] : memref<64xf32, #tpu.memory_space<smem>>
      memref.store %swap3A_723, %arg5[%swap3A_724] : memref<64xf32, #tpu.memory_space<smem>>
      %swap3A_726 = arith.constant 0.000000e+00 : f32
      %swap3A_727 = arith.constant 1 : index
      %swap3A_728 = memref.load %arg5[%swap3A_727] : memref<64xf32, #tpu.memory_space<smem>>
      memref.store %swap3A_726, %arg5[%swap3A_727] : memref<64xf32, #tpu.memory_space<smem>>
      %swap3A_729 = arith.constant 0.000000e+00 : f32
      %swap3A_730 = arith.constant 2 : index
      %swap3A_731 = memref.load %arg5[%swap3A_730] : memref<64xf32, #tpu.memory_space<smem>>
      memref.store %swap3A_729, %arg5[%swap3A_730] : memref<64xf32, #tpu.memory_space<smem>>
      %swap3A_732 = arith.constant 0.000000e+00 : f32
      %swap3A_733 = arith.constant 3 : index
      %swap3A_734 = memref.load %arg5[%swap3A_733] : memref<64xf32, #tpu.memory_space<smem>>
      memref.store %swap3A_732, %arg5[%swap3A_733] : memref<64xf32, #tpu.memory_space<smem>>
      %swap3A_735 = arith.constant 0.000000e+00 : f32
      %swap3A_736 = arith.constant 4 : index
      %swap3A_737 = memref.load %arg5[%swap3A_736] : memref<64xf32, #tpu.memory_space<smem>>
      memref.store %swap3A_735, %arg5[%swap3A_736] : memref<64xf32, #tpu.memory_space<smem>>
      %swap3A_738 = arith.constant 0.000000e+00 : f32
      %swap3A_739 = arith.constant 5 : index
      %swap3A_740 = memref.load %arg5[%swap3A_739] : memref<64xf32, #tpu.memory_space<smem>>
      memref.store %swap3A_738, %arg5[%swap3A_739] : memref<64xf32, #tpu.memory_space<smem>>
      %swap3A_741 = arith.constant 0.000000e+00 : f32
      %swap3A_742 = arith.constant 6 : index
      %swap3A_743 = memref.load %arg5[%swap3A_742] : memref<64xf32, #tpu.memory_space<smem>>
      memref.store %swap3A_741, %arg5[%swap3A_742] : memref<64xf32, #tpu.memory_space<smem>>
      %swap3A_744 = arith.constant 0.000000e+00 : f32
      %swap3A_745 = arith.constant 7 : index
      %swap3A_746 = memref.load %arg5[%swap3A_745] : memref<64xf32, #tpu.memory_space<smem>>
      memref.store %swap3A_744, %arg5[%swap3A_745] : memref<64xf32, #tpu.memory_space<smem>>
      %swap3A_747 = arith.constant 0.000000e+00 : f32
      %swap3A_748 = arith.constant 8 : index
      %swap3A_749 = memref.load %arg5[%swap3A_748] : memref<64xf32, #tpu.memory_space<smem>>
      memref.store %swap3A_747, %arg5[%swap3A_748] : memref<64xf32, #tpu.memory_space<smem>>
      %swap3A_750 = arith.constant 0.000000e+00 : f32
      %swap3A_751 = arith.constant 9 : index
      %swap3A_752 = memref.load %arg5[%swap3A_751] : memref<64xf32, #tpu.memory_space<smem>>
      memref.store %swap3A_750, %arg5[%swap3A_751] : memref<64xf32, #tpu.memory_space<smem>>
      %swap3A_753 = arith.constant 0.000000e+00 : f32
      %swap3A_754 = arith.constant 10 : index
      %swap3A_755 = memref.load %arg5[%swap3A_754] : memref<64xf32, #tpu.memory_space<smem>>
      memref.store %swap3A_753, %arg5[%swap3A_754] : memref<64xf32, #tpu.memory_space<smem>>
      %swap3A_756 = arith.constant 0.000000e+00 : f32
      %swap3A_757 = arith.constant 11 : index
      %swap3A_758 = memref.load %arg5[%swap3A_757] : memref<64xf32, #tpu.memory_space<smem>>
      memref.store %swap3A_756, %arg5[%swap3A_757] : memref<64xf32, #tpu.memory_space<smem>>
      %swap3A_759 = arith.constant 0.000000e+00 : f32
      %swap3A_760 = arith.constant 12 : index
      %swap3A_761 = memref.load %arg5[%swap3A_760] : memref<64xf32, #tpu.memory_space<smem>>
      memref.store %swap3A_759, %arg5[%swap3A_760] : memref<64xf32, #tpu.memory_space<smem>>
      %swap3A_762 = arith.constant 0.000000e+00 : f32
      %swap3A_763 = arith.constant 13 : index
      %swap3A_764 = memref.load %arg5[%swap3A_763] : memref<64xf32, #tpu.memory_space<smem>>
      memref.store %swap3A_762, %arg5[%swap3A_763] : memref<64xf32, #tpu.memory_space<smem>>
      %swap3A_765 = arith.constant 0.000000e+00 : f32
      %swap3A_766 = arith.constant 14 : index
      %swap3A_767 = memref.load %arg5[%swap3A_766] : memref<64xf32, #tpu.memory_space<smem>>
      memref.store %swap3A_765, %arg5[%swap3A_766] : memref<64xf32, #tpu.memory_space<smem>>
      %swap3A_768 = arith.constant 0.000000e+00 : f32
      %swap3A_769 = arith.constant 15 : index
      %swap3A_770 = memref.load %arg5[%swap3A_769] : memref<64xf32, #tpu.memory_space<smem>>
      memref.store %swap3A_768, %arg5[%swap3A_769] : memref<64xf32, #tpu.memory_space<smem>>
      %swap3A_771 = arith.constant 0.000000e+00 : f32
      %swap3A_772 = arith.constant 16 : index
      %swap3A_773 = memref.load %arg5[%swap3A_772] : memref<64xf32, #tpu.memory_space<smem>>
      memref.store %swap3A_771, %arg5[%swap3A_772] : memref<64xf32, #tpu.memory_space<smem>>
      %swap3A_774 = arith.constant 0.000000e+00 : f32
      %swap3A_775 = arith.constant 17 : index
      %swap3A_776 = memref.load %arg5[%swap3A_775] : memref<64xf32, #tpu.memory_space<smem>>
      memref.store %swap3A_774, %arg5[%swap3A_775] : memref<64xf32, #tpu.memory_space<smem>>
      %swap3A_777 = arith.constant 0.000000e+00 : f32
      %swap3A_778 = arith.constant 18 : index
      %swap3A_779 = memref.load %arg5[%swap3A_778] : memref<64xf32, #tpu.memory_space<smem>>
      memref.store %swap3A_777, %arg5[%swap3A_778] : memref<64xf32, #tpu.memory_space<smem>>
      %swap3A_780 = arith.constant 0.000000e+00 : f32
      %swap3A_781 = arith.constant 19 : index
      %swap3A_782 = memref.load %arg5[%swap3A_781] : memref<64xf32, #tpu.memory_space<smem>>
      memref.store %swap3A_780, %arg5[%swap3A_781] : memref<64xf32, #tpu.memory_space<smem>>
      %swap3A_783 = arith.constant 0.000000e+00 : f32
      %swap3A_784 = arith.constant 20 : index
      %swap3A_785 = memref.load %arg5[%swap3A_784] : memref<64xf32, #tpu.memory_space<smem>>
      memref.store %swap3A_783, %arg5[%swap3A_784] : memref<64xf32, #tpu.memory_space<smem>>
      %swap3A_786 = arith.constant 0.000000e+00 : f32
      %swap3A_787 = arith.constant 21 : index
      %swap3A_788 = memref.load %arg5[%swap3A_787] : memref<64xf32, #tpu.memory_space<smem>>
      memref.store %swap3A_786, %arg5[%swap3A_787] : memref<64xf32, #tpu.memory_space<smem>>
      %swap3A_789 = arith.constant 0.000000e+00 : f32
      %swap3A_790 = arith.constant 22 : index
      %swap3A_791 = memref.load %arg5[%swap3A_790] : memref<64xf32, #tpu.memory_space<smem>>
      memref.store %swap3A_789, %arg5[%swap3A_790] : memref<64xf32, #tpu.memory_space<smem>>
      %swap3A_792 = arith.constant 0.000000e+00 : f32
      %swap3A_793 = arith.constant 23 : index
      %swap3A_794 = memref.load %arg5[%swap3A_793] : memref<64xf32, #tpu.memory_space<smem>>
      memref.store %swap3A_792, %arg5[%swap3A_793] : memref<64xf32, #tpu.memory_space<smem>>
      %swap3A_795 = arith.constant 0.000000e+00 : f32
      %swap3A_796 = arith.constant 24 : index
      %swap3A_797 = memref.load %arg5[%swap3A_796] : memref<64xf32, #tpu.memory_space<smem>>
      memref.store %swap3A_795, %arg5[%swap3A_796] : memref<64xf32, #tpu.memory_space<smem>>
      %swap3A_798 = arith.constant 0.000000e+00 : f32
      %swap3A_799 = arith.constant 25 : index
      %swap3A_800 = memref.load %arg5[%swap3A_799] : memref<64xf32, #tpu.memory_space<smem>>
      memref.store %swap3A_798, %arg5[%swap3A_799] : memref<64xf32, #tpu.memory_space<smem>>
      %swap3A_801 = arith.constant 0.000000e+00 : f32
      %swap3A_802 = arith.constant 26 : index
      %swap3A_803 = memref.load %arg5[%swap3A_802] : memref<64xf32, #tpu.memory_space<smem>>
      memref.store %swap3A_801, %arg5[%swap3A_802] : memref<64xf32, #tpu.memory_space<smem>>
      %swap3A_804 = arith.constant 0.000000e+00 : f32
      %swap3A_805 = arith.constant 27 : index
      %swap3A_806 = memref.load %arg5[%swap3A_805] : memref<64xf32, #tpu.memory_space<smem>>
      memref.store %swap3A_804, %arg5[%swap3A_805] : memref<64xf32, #tpu.memory_space<smem>>
      %swap3A_807 = arith.constant 0.000000e+00 : f32
      %swap3A_808 = arith.constant 28 : index
      %swap3A_809 = memref.load %arg5[%swap3A_808] : memref<64xf32, #tpu.memory_space<smem>>
      memref.store %swap3A_807, %arg5[%swap3A_808] : memref<64xf32, #tpu.memory_space<smem>>
      %swap3A_810 = arith.constant 0.000000e+00 : f32
      %swap3A_811 = arith.constant 29 : index
      %swap3A_812 = memref.load %arg5[%swap3A_811] : memref<64xf32, #tpu.memory_space<smem>>
      memref.store %swap3A_810, %arg5[%swap3A_811] : memref<64xf32, #tpu.memory_space<smem>>
      %swap3A_813 = arith.constant 0.000000e+00 : f32
      %swap3A_814 = arith.constant 30 : index
      %swap3A_815 = memref.load %arg5[%swap3A_814] : memref<64xf32, #tpu.memory_space<smem>>
      memref.store %swap3A_813, %arg5[%swap3A_814] : memref<64xf32, #tpu.memory_space<smem>>
      %swap3A_816 = arith.constant 0.000000e+00 : f32
      %swap3A_817 = arith.constant 31 : index
      %swap3A_818 = memref.load %arg5[%swap3A_817] : memref<64xf32, #tpu.memory_space<smem>>
      memref.store %swap3A_816, %arg5[%swap3A_817] : memref<64xf32, #tpu.memory_space<smem>>
      %swap3A_819 = arith.constant 0.000000e+00 : f32
      %swap3A_820 = arith.constant 32 : index
      %swap3A_821 = memref.load %arg5[%swap3A_820] : memref<64xf32, #tpu.memory_space<smem>>
      memref.store %swap3A_819, %arg5[%swap3A_820] : memref<64xf32, #tpu.memory_space<smem>>
      %swap3A_822 = arith.constant 0.000000e+00 : f32
      %swap3A_823 = arith.constant 33 : index
      %swap3A_824 = memref.load %arg5[%swap3A_823] : memref<64xf32, #tpu.memory_space<smem>>
      memref.store %swap3A_822, %arg5[%swap3A_823] : memref<64xf32, #tpu.memory_space<smem>>
      %swap3A_825 = arith.constant 0.000000e+00 : f32
      %swap3A_826 = arith.constant 34 : index
      %swap3A_827 = memref.load %arg5[%swap3A_826] : memref<64xf32, #tpu.memory_space<smem>>
      memref.store %swap3A_825, %arg5[%swap3A_826] : memref<64xf32, #tpu.memory_space<smem>>
      %swap3A_828 = arith.constant 0.000000e+00 : f32
      %swap3A_829 = arith.constant 35 : index
      %swap3A_830 = memref.load %arg5[%swap3A_829] : memref<64xf32, #tpu.memory_space<smem>>
      memref.store %swap3A_828, %arg5[%swap3A_829] : memref<64xf32, #tpu.memory_space<smem>>
      %swap3A_831 = arith.constant 0.000000e+00 : f32
      %swap3A_832 = arith.constant 36 : index
      %swap3A_833 = memref.load %arg5[%swap3A_832] : memref<64xf32, #tpu.memory_space<smem>>
      memref.store %swap3A_831, %arg5[%swap3A_832] : memref<64xf32, #tpu.memory_space<smem>>
      %swap3A_834 = arith.constant 0.000000e+00 : f32
      %swap3A_835 = arith.constant 37 : index
      %swap3A_836 = memref.load %arg5[%swap3A_835] : memref<64xf32, #tpu.memory_space<smem>>
      memref.store %swap3A_834, %arg5[%swap3A_835] : memref<64xf32, #tpu.memory_space<smem>>
      %swap3A_837 = arith.constant 0.000000e+00 : f32
      %swap3A_838 = arith.constant 38 : index
      %swap3A_839 = memref.load %arg5[%swap3A_838] : memref<64xf32, #tpu.memory_space<smem>>
      memref.store %swap3A_837, %arg5[%swap3A_838] : memref<64xf32, #tpu.memory_space<smem>>
      %swap3A_840 = arith.constant 0.000000e+00 : f32
      %swap3A_841 = arith.constant 39 : index
      %swap3A_842 = memref.load %arg5[%swap3A_841] : memref<64xf32, #tpu.memory_space<smem>>
      memref.store %swap3A_840, %arg5[%swap3A_841] : memref<64xf32, #tpu.memory_space<smem>>
      %swap3A_843 = arith.constant 0.000000e+00 : f32
      %swap3A_844 = arith.constant 40 : index
      %swap3A_845 = memref.load %arg5[%swap3A_844] : memref<64xf32, #tpu.memory_space<smem>>
      memref.store %swap3A_843, %arg5[%swap3A_844] : memref<64xf32, #tpu.memory_space<smem>>
      %swap3A_846 = arith.constant 0.000000e+00 : f32
      %swap3A_847 = arith.constant 41 : index
      %swap3A_848 = memref.load %arg5[%swap3A_847] : memref<64xf32, #tpu.memory_space<smem>>
      memref.store %swap3A_846, %arg5[%swap3A_847] : memref<64xf32, #tpu.memory_space<smem>>
      %swap3A_849 = arith.constant 0.000000e+00 : f32
      %swap3A_850 = arith.constant 42 : index
      %swap3A_851 = memref.load %arg5[%swap3A_850] : memref<64xf32, #tpu.memory_space<smem>>
      memref.store %swap3A_849, %arg5[%swap3A_850] : memref<64xf32, #tpu.memory_space<smem>>
      %swap3A_852 = arith.constant 0.000000e+00 : f32
      %swap3A_853 = arith.constant 43 : index
      %swap3A_854 = memref.load %arg5[%swap3A_853] : memref<64xf32, #tpu.memory_space<smem>>
      memref.store %swap3A_852, %arg5[%swap3A_853] : memref<64xf32, #tpu.memory_space<smem>>
      %swap3A_855 = arith.constant 0.000000e+00 : f32
      %swap3A_856 = arith.constant 44 : index
      %swap3A_857 = memref.load %arg5[%swap3A_856] : memref<64xf32, #tpu.memory_space<smem>>
      memref.store %swap3A_855, %arg5[%swap3A_856] : memref<64xf32, #tpu.memory_space<smem>>
      %swap3A_858 = arith.constant 0.000000e+00 : f32
      %swap3A_859 = arith.constant 45 : index
      %swap3A_860 = memref.load %arg5[%swap3A_859] : memref<64xf32, #tpu.memory_space<smem>>
      memref.store %swap3A_858, %arg5[%swap3A_859] : memref<64xf32, #tpu.memory_space<smem>>
      %swap3A_861 = arith.constant 0.000000e+00 : f32
      %swap3A_862 = arith.constant 46 : index
      %swap3A_863 = memref.load %arg5[%swap3A_862] : memref<64xf32, #tpu.memory_space<smem>>
      memref.store %swap3A_861, %arg5[%swap3A_862] : memref<64xf32, #tpu.memory_space<smem>>
      %swap3A_864 = arith.constant 0.000000e+00 : f32
      %swap3A_865 = arith.constant 47 : index
      %swap3A_866 = memref.load %arg5[%swap3A_865] : memref<64xf32, #tpu.memory_space<smem>>
      memref.store %swap3A_864, %arg5[%swap3A_865] : memref<64xf32, #tpu.memory_space<smem>>
      %swap3A_867 = arith.constant 0.000000e+00 : f32
      %swap3A_868 = arith.constant 48 : index
      %swap3A_869 = memref.load %arg5[%swap3A_868] : memref<64xf32, #tpu.memory_space<smem>>
      memref.store %swap3A_867, %arg5[%swap3A_868] : memref<64xf32, #tpu.memory_space<smem>>
      %swap3A_870 = arith.constant 0.000000e+00 : f32
      %swap3A_871 = arith.constant 49 : index
      %swap3A_872 = memref.load %arg5[%swap3A_871] : memref<64xf32, #tpu.memory_space<smem>>
      memref.store %swap3A_870, %arg5[%swap3A_871] : memref<64xf32, #tpu.memory_space<smem>>
      %swap3A_873 = arith.constant 0.000000e+00 : f32
      %swap3A_874 = arith.constant 50 : index
      %swap3A_875 = memref.load %arg5[%swap3A_874] : memref<64xf32, #tpu.memory_space<smem>>
      memref.store %swap3A_873, %arg5[%swap3A_874] : memref<64xf32, #tpu.memory_space<smem>>
      %swap3A_876 = arith.constant 0.000000e+00 : f32
      %swap3A_877 = arith.constant 51 : index
      %swap3A_878 = memref.load %arg5[%swap3A_877] : memref<64xf32, #tpu.memory_space<smem>>
      memref.store %swap3A_876, %arg5[%swap3A_877] : memref<64xf32, #tpu.memory_space<smem>>
      %swap3A_879 = arith.constant 0.000000e+00 : f32
      %swap3A_880 = arith.constant 52 : index
      %swap3A_881 = memref.load %arg5[%swap3A_880] : memref<64xf32, #tpu.memory_space<smem>>
      memref.store %swap3A_879, %arg5[%swap3A_880] : memref<64xf32, #tpu.memory_space<smem>>
      %swap3A_882 = arith.constant 0.000000e+00 : f32
      %swap3A_883 = arith.constant 53 : index
      %swap3A_884 = memref.load %arg5[%swap3A_883] : memref<64xf32, #tpu.memory_space<smem>>
      memref.store %swap3A_882, %arg5[%swap3A_883] : memref<64xf32, #tpu.memory_space<smem>>
      %swap3A_885 = arith.constant 0.000000e+00 : f32
      %swap3A_886 = arith.constant 54 : index
      %swap3A_887 = memref.load %arg5[%swap3A_886] : memref<64xf32, #tpu.memory_space<smem>>
      memref.store %swap3A_885, %arg5[%swap3A_886] : memref<64xf32, #tpu.memory_space<smem>>
      %swap3A_888 = arith.constant 0.000000e+00 : f32
      %swap3A_889 = arith.constant 55 : index
      %swap3A_890 = memref.load %arg5[%swap3A_889] : memref<64xf32, #tpu.memory_space<smem>>
      memref.store %swap3A_888, %arg5[%swap3A_889] : memref<64xf32, #tpu.memory_space<smem>>
      %swap3A_891 = arith.constant 0.000000e+00 : f32
      %swap3A_892 = arith.constant 56 : index
      %swap3A_893 = memref.load %arg5[%swap3A_892] : memref<64xf32, #tpu.memory_space<smem>>
      memref.store %swap3A_891, %arg5[%swap3A_892] : memref<64xf32, #tpu.memory_space<smem>>
      %swap3A_894 = arith.constant 0.000000e+00 : f32
      %swap3A_895 = arith.constant 57 : index
      %swap3A_896 = memref.load %arg5[%swap3A_895] : memref<64xf32, #tpu.memory_space<smem>>
      memref.store %swap3A_894, %arg5[%swap3A_895] : memref<64xf32, #tpu.memory_space<smem>>
      %swap3A_897 = arith.constant 0.000000e+00 : f32
      %swap3A_898 = arith.constant 58 : index
      %swap3A_899 = memref.load %arg5[%swap3A_898] : memref<64xf32, #tpu.memory_space<smem>>
      memref.store %swap3A_897, %arg5[%swap3A_898] : memref<64xf32, #tpu.memory_space<smem>>
      %swap3A_900 = arith.constant 0.000000e+00 : f32
      %swap3A_901 = arith.constant 59 : index
      %swap3A_902 = memref.load %arg5[%swap3A_901] : memref<64xf32, #tpu.memory_space<smem>>
      memref.store %swap3A_900, %arg5[%swap3A_901] : memref<64xf32, #tpu.memory_space<smem>>
      %swap3A_903 = arith.constant 0.000000e+00 : f32
      %swap3A_904 = arith.constant 60 : index
      %swap3A_905 = memref.load %arg5[%swap3A_904] : memref<64xf32, #tpu.memory_space<smem>>
      memref.store %swap3A_903, %arg5[%swap3A_904] : memref<64xf32, #tpu.memory_space<smem>>
      %swap3A_906 = arith.constant 0.000000e+00 : f32
      %swap3A_907 = arith.constant 61 : index
      %swap3A_908 = memref.load %arg5[%swap3A_907] : memref<64xf32, #tpu.memory_space<smem>>
      memref.store %swap3A_906, %arg5[%swap3A_907] : memref<64xf32, #tpu.memory_space<smem>>
      %swap3A_909 = arith.constant 0.000000e+00 : f32
      %swap3A_910 = arith.constant 62 : index
      %swap3A_911 = memref.load %arg5[%swap3A_910] : memref<64xf32, #tpu.memory_space<smem>>
      memref.store %swap3A_909, %arg5[%swap3A_910] : memref<64xf32, #tpu.memory_space<smem>>
      %swap3A_912 = arith.constant 0.000000e+00 : f32
      %swap3A_913 = arith.constant 63 : index
      %swap3A_914 = memref.load %arg5[%swap3A_913] : memref<64xf32, #tpu.memory_space<smem>>
      memref.store %swap3A_912, %arg5[%swap3A_913] : memref<64xf32, #tpu.memory_space<smem>>
    } else {
    }
    %iota3A = tpu.iota {dimensions = array<i32: 0>} : vector<512x128xi32>
    %mul3A = arith.constant 512 : i32
    %mul3A_2 = arith.muli %arg0, %mul3A : i32
    %add3A = vector.broadcast %mul3A_2 : i32 to vector<512x128xi32>
    %add3A_3 = arith.addi %iota3A, %add3A : vector<512x128xi32>
    %iota3A_4 = tpu.iota {dimensions = array<i32: 1>} : vector<512x128xi32>
    %jit3A = arith.constant 128 : i32
    %div3A = vector.broadcast %jit3A : i32 to vector<512x128xi32>
    %div3A_5 = arith.divsi %add3A_3, %div3A : vector<512x128xi32>
    %sign3A = arith.constant 0 : i32
    %sign3A_6 = vector.broadcast %sign3A : i32 to vector<512x128xi32>
    %sign3A_7 = arith.cmpi sgt, %add3A_3, %sign3A_6 : vector<512x128xi32>
    %sign3A_8 = arith.extui %sign3A_7 : vector<512x128xi1> to vector<512x128xi32>
    %sign3A_9 = arith.constant 0 : i32
    %sign3A_10 = vector.broadcast %sign3A_9 : i32 to vector<512x128xi32>
    %sign3A_11 = arith.cmpi slt, %add3A_3, %sign3A_10 : vector<512x128xi32>
    %sign3A_12 = arith.extui %sign3A_11 : vector<512x128xi1> to vector<512x128xi32>
    %sign3A_13 = arith.subi %sign3A_8, %sign3A_12 : vector<512x128xi32>
    %sign3A_14 = arith.constant 0 : i32
    %sign3A_15 = arith.cmpi sgt, %jit3A, %sign3A_14 : i32
    %sign3A_16 = arith.extui %sign3A_15 : i1 to i32
    %sign3A_17 = arith.constant 0 : i32
    %sign3A_18 = arith.cmpi slt, %jit3A, %sign3A_17 : i32
    %sign3A_19 = arith.extui %sign3A_18 : i1 to i32
    %sign3A_20 = arith.subi %sign3A_16, %sign3A_19 : i32
    %ne3A = vector.broadcast %sign3A_20 : i32 to vector<512x128xi32>
    %ne3A_21 = arith.cmpi ne, %sign3A_13, %ne3A : vector<512x128xi32>
    %rem3A = vector.broadcast %jit3A : i32 to vector<512x128xi32>
    %rem3A_22 = arith.remsi %add3A_3, %rem3A : vector<512x128xi32>
    %ne3A_23 = arith.constant 0 : i32
    %ne3A_24 = vector.broadcast %ne3A_23 : i32 to vector<512x128xi32>
    %ne3A_25 = arith.cmpi ne, %rem3A_22, %ne3A_24 : vector<512x128xi32>
    %and3A = arith.andi %ne3A_21, %ne3A_25 : vector<512x128xi1>
    %sub3A = arith.constant 1 : i32
    %sub3A_26 = vector.broadcast %sub3A : i32 to vector<512x128xi32>
    %sub3A_27 = arith.subi %div3A_5, %sub3A_26 : vector<512x128xi32>
    %select_n3A = arith.select %and3A, %sub3A_27, %div3A_5 : vector<512x128xi1>, vector<512x128xi32>
    %mul3A_28 = arith.constant 128 : i32
    %mul3A_29 = vector.broadcast %mul3A_28 : i32 to vector<512x128xi32>
    %mul3A_30 = arith.muli %select_n3A, %mul3A_29 : vector<512x128xi32>
    %sub3A_31 = arith.subi %add3A_3, %mul3A_30 : vector<512x128xi32>
    %convert_element_type3A_32 = arith.sitofp %iota3A_4 : vector<512x128xi32> to vector<512x128xf32>
    %mul3A_33 = arith.constant 0.00787401571 : f32
    %mul3A_34 = vector.broadcast %mul3A_33 : f32 to vector<512x128xf32>
    %mul3A_35 = arith.mulf %convert_element_type3A_32, %mul3A_34 : vector<512x128xf32>
    %convert_element_type3A_36 = arith.sitofp %sub3A_31 : vector<512x128xi32> to vector<512x128xf32>
    %mul3A_37 = arith.constant 0.00787401571 : f32
    %mul3A_38 = vector.broadcast %mul3A_37 : f32 to vector<512x128xf32>
    %mul3A_39 = arith.mulf %convert_element_type3A_36, %mul3A_38 : vector<512x128xf32>
    %convert_element_type3A_40 = arith.sitofp %select_n3A : vector<512x128xi32> to vector<512x128xf32>
    %mul3A_41 = arith.constant 0.0322580636 : f32
    %mul3A_42 = vector.broadcast %mul3A_41 : f32 to vector<512x128xf32>
    %mul3A_43 = arith.mulf %convert_element_type3A_40, %mul3A_42 : vector<512x128xf32>
    %get3A = arith.constant 0 : index
    %get3A_44 = arith.constant 0 : index
    %get3A_45 = arith.constant 0 : index
    %get3A_46 = vector.load %arg2[%get3A, %get3A_44, %get3A_45] : memref<1x512x128xi32, #tpu.memory_space<vmem>>, vector<1x512x128xi32>
    %get3A_47 = vector.shape_cast %get3A_46 : vector<1x512x128xi32> to vector<512x128xi32>
    %get3A_48 = arith.constant 0 : index
    %get3A_49 = arith.constant 0 : index
    %get3A_50 = arith.constant 0 : index
    %get3A_51 = vector.load %arg3[%get3A_48, %get3A_49, %get3A_50] : memref<1x512x128xi32, #tpu.memory_space<vmem>>, vector<1x512x128xi32>
    %get3A_52 = vector.shape_cast %get3A_51 : vector<1x512x128xi32> to vector<512x128xi32>
    %ne3A_53 = arith.constant 0 : i32
    %ne3A_54 = vector.broadcast %ne3A_53 : i32 to vector<512x128xi32>
    %ne3A_55 = arith.cmpi ne, %get3A_52, %ne3A_54 : vector<512x128xi32>
    %convert_element_type3A_56 = arith.extui %ne3A_55 : vector<512x128xi1> to vector<512x128xi32>
    %convert_element_type3A_57 = arith.sitofp %convert_element_type3A_56 : vector<512x128xi32> to vector<512x128xf32>
    %get3A_58 = arith.constant 0 : index
    %get3A_59 = arith.constant 0 : index
    %get3A_60 = arith.constant 0 : index
    %get3A_61 = arith.constant 0 : index
    %get3A_62 = vector.load %arg1[%get3A_58, %get3A_59, %get3A_60, %get3A_61] : memref<1x3x512x128xf32, #tpu.memory_space<vmem>>, vector<1x1x512x128xf32>
    %get3A_63 = vector.shape_cast %get3A_62 : vector<1x1x512x128xf32> to vector<512x128xf32>
    %get3A_64 = arith.constant 0 : index
    %get3A_65 = arith.constant 1 : index
    %get3A_66 = arith.constant 0 : index
    %get3A_67 = arith.constant 0 : index
    %get3A_68 = vector.load %arg1[%get3A_64, %get3A_65, %get3A_66, %get3A_67] : memref<1x3x512x128xf32, #tpu.memory_space<vmem>>, vector<1x1x512x128xf32>
    %get3A_69 = vector.shape_cast %get3A_68 : vector<1x1x512x128xf32> to vector<512x128xf32>
    %get3A_70 = arith.constant 0 : index
    %get3A_71 = arith.constant 2 : index
    %get3A_72 = arith.constant 0 : index
    %get3A_73 = arith.constant 0 : index
    %get3A_74 = vector.load %arg1[%get3A_70, %get3A_71, %get3A_72, %get3A_73] : memref<1x3x512x128xf32, #tpu.memory_space<vmem>>, vector<1x1x512x128xf32>
    %get3A_75 = vector.shape_cast %get3A_74 : vector<1x1x512x128xf32> to vector<512x128xf32>
    %eq3A_76 = arith.constant 1 : i32
    %eq3A_77 = vector.broadcast %eq3A_76 : i32 to vector<512x128xi32>
    %eq3A_78 = arith.cmpi eq, %get3A_47, %eq3A_77 : vector<512x128xi32>
    %convert_element_type3A_79 = arith.extui %eq3A_78 : vector<512x128xi1> to vector<512x128xi32>
    %convert_element_type3A_80 = arith.sitofp %convert_element_type3A_79 : vector<512x128xi32> to vector<512x128xf32>
    %mul3A_81 = arith.mulf %convert_element_type3A_80, %convert_element_type3A_57 : vector<512x128xf32>
    %get3A_82 = arith.constant 0 : index
    %get3A_83 = memref.load %arg5[%get3A_82] : memref<64xf32, #tpu.memory_space<smem>>
    %reduce_sum3A = vector.shape_cast %convert_element_type3A_80 : vector<512x128xf32> to vector<1x512x128xf32>
    %reduce_sum3A_84 = arith.constant dense<0.000000e+00> : vector<1xf32>
    %reduce_sum3A_85 = vector.multi_reduction <add>, %reduce_sum3A, %reduce_sum3A_84 [1, 2] : vector<1x512x128xf32> to vector<1xf32>
    %reduce_sum3A_86 = vector.shape_cast %reduce_sum3A_85 : vector<1xf32> to vector<1x1x1xf32>
    %reduce_sum3A_87 = vector.extract %reduce_sum3A_86[0, 0, 0] : f32 from vector<1x1x1xf32>
    %add3A_88 = arith.addf %get3A_83, %reduce_sum3A_87 : f32
    %swap3A = arith.constant 0 : index
    %swap3A_89 = memref.load %arg5[%swap3A] : memref<64xf32, #tpu.memory_space<smem>>
    memref.store %add3A_88, %arg5[%swap3A] : memref<64xf32, #tpu.memory_space<smem>>
    %get3A_90 = arith.constant 1 : index
    %get3A_91 = memref.load %arg5[%get3A_90] : memref<64xf32, #tpu.memory_space<smem>>
    %reduce_sum3A_92 = vector.shape_cast %mul3A_81 : vector<512x128xf32> to vector<1x512x128xf32>
    %reduce_sum3A_93 = arith.constant dense<0.000000e+00> : vector<1xf32>
    %reduce_sum3A_94 = vector.multi_reduction <add>, %reduce_sum3A_92, %reduce_sum3A_93 [1, 2] : vector<1x512x128xf32> to vector<1xf32>
    %reduce_sum3A_95 = vector.shape_cast %reduce_sum3A_94 : vector<1xf32> to vector<1x1x1xf32>
    %reduce_sum3A_96 = vector.extract %reduce_sum3A_95[0, 0, 0] : f32 from vector<1x1x1xf32>
    %add3A_97 = arith.addf %get3A_91, %reduce_sum3A_96 : f32
    %swap3A_98 = arith.constant 1 : index
    %swap3A_99 = memref.load %arg5[%swap3A_98] : memref<64xf32, #tpu.memory_space<smem>>
    memref.store %add3A_97, %arg5[%swap3A_98] : memref<64xf32, #tpu.memory_space<smem>>
    %get3A_100 = arith.constant 2 : index
    %get3A_101 = memref.load %arg5[%get3A_100] : memref<64xf32, #tpu.memory_space<smem>>
    %mul3A_102 = arith.mulf %mul3A_35, %mul3A_81 : vector<512x128xf32>
    %reduce_sum3A_103 = vector.shape_cast %mul3A_102 : vector<512x128xf32> to vector<1x512x128xf32>
    %reduce_sum3A_104 = arith.constant dense<0.000000e+00> : vector<1xf32>
    %reduce_sum3A_105 = vector.multi_reduction <add>, %reduce_sum3A_103, %reduce_sum3A_104 [1, 2] : vector<1x512x128xf32> to vector<1xf32>
    %reduce_sum3A_106 = vector.shape_cast %reduce_sum3A_105 : vector<1xf32> to vector<1x1x1xf32>
    %reduce_sum3A_107 = vector.extract %reduce_sum3A_106[0, 0, 0] : f32 from vector<1x1x1xf32>
    %add3A_108 = arith.addf %get3A_101, %reduce_sum3A_107 : f32
    %swap3A_109 = arith.constant 2 : index
    %swap3A_110 = memref.load %arg5[%swap3A_109] : memref<64xf32, #tpu.memory_space<smem>>
    memref.store %add3A_108, %arg5[%swap3A_109] : memref<64xf32, #tpu.memory_space<smem>>
    %get3A_111 = arith.constant 3 : index
    %get3A_112 = memref.load %arg5[%get3A_111] : memref<64xf32, #tpu.memory_space<smem>>
    %mul3A_113 = arith.mulf %mul3A_39, %mul3A_81 : vector<512x128xf32>
    %reduce_sum3A_114 = vector.shape_cast %mul3A_113 : vector<512x128xf32> to vector<1x512x128xf32>
    %reduce_sum3A_115 = arith.constant dense<0.000000e+00> : vector<1xf32>
    %reduce_sum3A_116 = vector.multi_reduction <add>, %reduce_sum3A_114, %reduce_sum3A_115 [1, 2] : vector<1x512x128xf32> to vector<1xf32>
    %reduce_sum3A_117 = vector.shape_cast %reduce_sum3A_116 : vector<1xf32> to vector<1x1x1xf32>
    %reduce_sum3A_118 = vector.extract %reduce_sum3A_117[0, 0, 0] : f32 from vector<1x1x1xf32>
    %add3A_119 = arith.addf %get3A_112, %reduce_sum3A_118 : f32
    %swap3A_120 = arith.constant 3 : index
    %swap3A_121 = memref.load %arg5[%swap3A_120] : memref<64xf32, #tpu.memory_space<smem>>
    memref.store %add3A_119, %arg5[%swap3A_120] : memref<64xf32, #tpu.memory_space<smem>>
    %get3A_122 = arith.constant 4 : index
    %get3A_123 = memref.load %arg5[%get3A_122] : memref<64xf32, #tpu.memory_space<smem>>
    %mul3A_124 = arith.mulf %mul3A_43, %mul3A_81 : vector<512x128xf32>
    %reduce_sum3A_125 = vector.shape_cast %mul3A_124 : vector<512x128xf32> to vector<1x512x128xf32>
    %reduce_sum3A_126 = arith.constant dense<0.000000e+00> : vector<1xf32>
    %reduce_sum3A_127 = vector.multi_reduction <add>, %reduce_sum3A_125, %reduce_sum3A_126 [1, 2] : vector<1x512x128xf32> to vector<1xf32>
    %reduce_sum3A_128 = vector.shape_cast %reduce_sum3A_127 : vector<1xf32> to vector<1x1x1xf32>
    %reduce_sum3A_129 = vector.extract %reduce_sum3A_128[0, 0, 0] : f32 from vector<1x1x1xf32>
    %add3A_130 = arith.addf %get3A_123, %reduce_sum3A_129 : f32
    %swap3A_131 = arith.constant 4 : index
    %swap3A_132 = memref.load %arg5[%swap3A_131] : memref<64xf32, #tpu.memory_space<smem>>
    memref.store %add3A_130, %arg5[%swap3A_131] : memref<64xf32, #tpu.memory_space<smem>>
    %get3A_133 = arith.constant 5 : index
    %get3A_134 = memref.load %arg5[%get3A_133] : memref<64xf32, #tpu.memory_space<smem>>
    %mul3A_135 = arith.mulf %mul3A_35, %convert_element_type3A_80 : vector<512x128xf32>
    %reduce_sum3A_136 = vector.shape_cast %mul3A_135 : vector<512x128xf32> to vector<1x512x128xf32>
    %reduce_sum3A_137 = arith.constant dense<0.000000e+00> : vector<1xf32>
    %reduce_sum3A_138 = vector.multi_reduction <add>, %reduce_sum3A_136, %reduce_sum3A_137 [1, 2] : vector<1x512x128xf32> to vector<1xf32>
    %reduce_sum3A_139 = vector.shape_cast %reduce_sum3A_138 : vector<1xf32> to vector<1x1x1xf32>
    %reduce_sum3A_140 = vector.extract %reduce_sum3A_139[0, 0, 0] : f32 from vector<1x1x1xf32>
    %add3A_141 = arith.addf %get3A_134, %reduce_sum3A_140 : f32
    %swap3A_142 = arith.constant 5 : index
    %swap3A_143 = memref.load %arg5[%swap3A_142] : memref<64xf32, #tpu.memory_space<smem>>
    memref.store %add3A_141, %arg5[%swap3A_142] : memref<64xf32, #tpu.memory_space<smem>>
    %get3A_144 = arith.constant 6 : index
    %get3A_145 = memref.load %arg5[%get3A_144] : memref<64xf32, #tpu.memory_space<smem>>
    %mul3A_146 = arith.mulf %mul3A_39, %convert_element_type3A_80 : vector<512x128xf32>
    %reduce_sum3A_147 = vector.shape_cast %mul3A_146 : vector<512x128xf32> to vector<1x512x128xf32>
    %reduce_sum3A_148 = arith.constant dense<0.000000e+00> : vector<1xf32>
    %reduce_sum3A_149 = vector.multi_reduction <add>, %reduce_sum3A_147, %reduce_sum3A_148 [1, 2] : vector<1x512x128xf32> to vector<1xf32>
    %reduce_sum3A_150 = vector.shape_cast %reduce_sum3A_149 : vector<1xf32> to vector<1x1x1xf32>
    %reduce_sum3A_151 = vector.extract %reduce_sum3A_150[0, 0, 0] : f32 from vector<1x1x1xf32>
    %add3A_152 = arith.addf %get3A_145, %reduce_sum3A_151 : f32
    %swap3A_153 = arith.constant 6 : index
    %swap3A_154 = memref.load %arg5[%swap3A_153] : memref<64xf32, #tpu.memory_space<smem>>
    memref.store %add3A_152, %arg5[%swap3A_153] : memref<64xf32, #tpu.memory_space<smem>>
    %get3A_155 = arith.constant 7 : index
    %get3A_156 = memref.load %arg5[%get3A_155] : memref<64xf32, #tpu.memory_space<smem>>
    %mul3A_157 = arith.mulf %mul3A_43, %convert_element_type3A_80 : vector<512x128xf32>
    %reduce_sum3A_158 = vector.shape_cast %mul3A_157 : vector<512x128xf32> to vector<1x512x128xf32>
    %reduce_sum3A_159 = arith.constant dense<0.000000e+00> : vector<1xf32>
    %reduce_sum3A_160 = vector.multi_reduction <add>, %reduce_sum3A_158, %reduce_sum3A_159 [1, 2] : vector<1x512x128xf32> to vector<1xf32>
    %reduce_sum3A_161 = vector.shape_cast %reduce_sum3A_160 : vector<1xf32> to vector<1x1x1xf32>
    %reduce_sum3A_162 = vector.extract %reduce_sum3A_161[0, 0, 0] : f32 from vector<1x1x1xf32>
    %add3A_163 = arith.addf %get3A_156, %reduce_sum3A_162 : f32
    %swap3A_164 = arith.constant 7 : index
    %swap3A_165 = memref.load %arg5[%swap3A_164] : memref<64xf32, #tpu.memory_space<smem>>
    memref.store %add3A_163, %arg5[%swap3A_164] : memref<64xf32, #tpu.memory_space<smem>>
    %get3A_166 = arith.constant 8 : index
    %get3A_167 = memref.load %arg5[%get3A_166] : memref<64xf32, #tpu.memory_space<smem>>
    %mul3A_168 = arith.mulf %get3A_63, %convert_element_type3A_80 : vector<512x128xf32>
    %reduce_sum3A_169 = vector.shape_cast %mul3A_168 : vector<512x128xf32> to vector<1x512x128xf32>
    %reduce_sum3A_170 = arith.constant dense<0.000000e+00> : vector<1xf32>
    %reduce_sum3A_171 = vector.multi_reduction <add>, %reduce_sum3A_169, %reduce_sum3A_170 [1, 2] : vector<1x512x128xf32> to vector<1xf32>
    %reduce_sum3A_172 = vector.shape_cast %reduce_sum3A_171 : vector<1xf32> to vector<1x1x1xf32>
    %reduce_sum3A_173 = vector.extract %reduce_sum3A_172[0, 0, 0] : f32 from vector<1x1x1xf32>
    %add3A_174 = arith.addf %get3A_167, %reduce_sum3A_173 : f32
    %swap3A_175 = arith.constant 8 : index
    %swap3A_176 = memref.load %arg5[%swap3A_175] : memref<64xf32, #tpu.memory_space<smem>>
    memref.store %add3A_174, %arg5[%swap3A_175] : memref<64xf32, #tpu.memory_space<smem>>
    %get3A_177 = arith.constant 9 : index
    %get3A_178 = memref.load %arg5[%get3A_177] : memref<64xf32, #tpu.memory_space<smem>>
    %mul3A_179 = arith.mulf %get3A_69, %convert_element_type3A_80 : vector<512x128xf32>
    %reduce_sum3A_180 = vector.shape_cast %mul3A_179 : vector<512x128xf32> to vector<1x512x128xf32>
    %reduce_sum3A_181 = arith.constant dense<0.000000e+00> : vector<1xf32>
    %reduce_sum3A_182 = vector.multi_reduction <add>, %reduce_sum3A_180, %reduce_sum3A_181 [1, 2] : vector<1x512x128xf32> to vector<1xf32>
    %reduce_sum3A_183 = vector.shape_cast %reduce_sum3A_182 : vector<1xf32> to vector<1x1x1xf32>
    %reduce_sum3A_184 = vector.extract %reduce_sum3A_183[0, 0, 0] : f32 from vector<1x1x1xf32>
    %add3A_185 = arith.addf %get3A_178, %reduce_sum3A_184 : f32
    %swap3A_186 = arith.constant 9 : index
    %swap3A_187 = memref.load %arg5[%swap3A_186] : memref<64xf32, #tpu.memory_space<smem>>
    memref.store %add3A_185, %arg5[%swap3A_186] : memref<64xf32, #tpu.memory_space<smem>>
    %get3A_188 = arith.constant 10 : index
    %get3A_189 = memref.load %arg5[%get3A_188] : memref<64xf32, #tpu.memory_space<smem>>
    %mul3A_190 = arith.mulf %get3A_75, %convert_element_type3A_80 : vector<512x128xf32>
    %reduce_sum3A_191 = vector.shape_cast %mul3A_190 : vector<512x128xf32> to vector<1x512x128xf32>
    %reduce_sum3A_192 = arith.constant dense<0.000000e+00> : vector<1xf32>
    %reduce_sum3A_193 = vector.multi_reduction <add>, %reduce_sum3A_191, %reduce_sum3A_192 [1, 2] : vector<1x512x128xf32> to vector<1xf32>
    %reduce_sum3A_194 = vector.shape_cast %reduce_sum3A_193 : vector<1xf32> to vector<1x1x1xf32>
    %reduce_sum3A_195 = vector.extract %reduce_sum3A_194[0, 0, 0] : f32 from vector<1x1x1xf32>
    %add3A_196 = arith.addf %get3A_189, %reduce_sum3A_195 : f32
    %swap3A_197 = arith.constant 10 : index
    %swap3A_198 = memref.load %arg5[%swap3A_197] : memref<64xf32, #tpu.memory_space<smem>>
    memref.store %add3A_196, %arg5[%swap3A_197] : memref<64xf32, #tpu.memory_space<smem>>
    %get3A_199 = arith.constant 11 : index
    %get3A_200 = memref.load %arg5[%get3A_199] : memref<64xf32, #tpu.memory_space<smem>>
    %mul3A_201 = arith.mulf %get3A_63, %get3A_63 : vector<512x128xf32>
    %mul3A_202 = arith.mulf %mul3A_201, %convert_element_type3A_80 : vector<512x128xf32>
    %reduce_sum3A_203 = vector.shape_cast %mul3A_202 : vector<512x128xf32> to vector<1x512x128xf32>
    %reduce_sum3A_204 = arith.constant dense<0.000000e+00> : vector<1xf32>
    %reduce_sum3A_205 = vector.multi_reduction <add>, %reduce_sum3A_203, %reduce_sum3A_204 [1, 2] : vector<1x512x128xf32> to vector<1xf32>
    %reduce_sum3A_206 = vector.shape_cast %reduce_sum3A_205 : vector<1xf32> to vector<1x1x1xf32>
    %reduce_sum3A_207 = vector.extract %reduce_sum3A_206[0, 0, 0] : f32 from vector<1x1x1xf32>
    %add3A_208 = arith.addf %get3A_200, %reduce_sum3A_207 : f32
    %swap3A_209 = arith.constant 11 : index
    %swap3A_210 = memref.load %arg5[%swap3A_209] : memref<64xf32, #tpu.memory_space<smem>>
    memref.store %add3A_208, %arg5[%swap3A_209] : memref<64xf32, #tpu.memory_space<smem>>
    %get3A_211 = arith.constant 12 : index
    %get3A_212 = memref.load %arg5[%get3A_211] : memref<64xf32, #tpu.memory_space<smem>>
    %mul3A_213 = arith.mulf %get3A_69, %get3A_69 : vector<512x128xf32>
    %mul3A_214 = arith.mulf %mul3A_213, %convert_element_type3A_80 : vector<512x128xf32>
    %reduce_sum3A_215 = vector.shape_cast %mul3A_214 : vector<512x128xf32> to vector<1x512x128xf32>
    %reduce_sum3A_216 = arith.constant dense<0.000000e+00> : vector<1xf32>
    %reduce_sum3A_217 = vector.multi_reduction <add>, %reduce_sum3A_215, %reduce_sum3A_216 [1, 2] : vector<1x512x128xf32> to vector<1xf32>
    %reduce_sum3A_218 = vector.shape_cast %reduce_sum3A_217 : vector<1xf32> to vector<1x1x1xf32>
    %reduce_sum3A_219 = vector.extract %reduce_sum3A_218[0, 0, 0] : f32 from vector<1x1x1xf32>
    %add3A_220 = arith.addf %get3A_212, %reduce_sum3A_219 : f32
    %swap3A_221 = arith.constant 12 : index
    %swap3A_222 = memref.load %arg5[%swap3A_221] : memref<64xf32, #tpu.memory_space<smem>>
    memref.store %add3A_220, %arg5[%swap3A_221] : memref<64xf32, #tpu.memory_space<smem>>
    %get3A_223 = arith.constant 13 : index
    %get3A_224 = memref.load %arg5[%get3A_223] : memref<64xf32, #tpu.memory_space<smem>>
    %mul3A_225 = arith.mulf %get3A_75, %get3A_75 : vector<512x128xf32>
    %mul3A_226 = arith.mulf %mul3A_225, %convert_element_type3A_80 : vector<512x128xf32>
    %reduce_sum3A_227 = vector.shape_cast %mul3A_226 : vector<512x128xf32> to vector<1x512x128xf32>
    %reduce_sum3A_228 = arith.constant dense<0.000000e+00> : vector<1xf32>
    %reduce_sum3A_229 = vector.multi_reduction <add>, %reduce_sum3A_227, %reduce_sum3A_228 [1, 2] : vector<1x512x128xf32> to vector<1xf32>
    %reduce_sum3A_230 = vector.shape_cast %reduce_sum3A_229 : vector<1xf32> to vector<1x1x1xf32>
    %reduce_sum3A_231 = vector.extract %reduce_sum3A_230[0, 0, 0] : f32 from vector<1x1x1xf32>
    %add3A_232 = arith.addf %get3A_224, %reduce_sum3A_231 : f32
    %swap3A_233 = arith.constant 13 : index
    %swap3A_234 = memref.load %arg5[%swap3A_233] : memref<64xf32, #tpu.memory_space<smem>>
    memref.store %add3A_232, %arg5[%swap3A_233] : memref<64xf32, #tpu.memory_space<smem>>
    %eq3A_235 = arith.constant 2 : i32
    %eq3A_236 = vector.broadcast %eq3A_235 : i32 to vector<512x128xi32>
    %eq3A_237 = arith.cmpi eq, %get3A_47, %eq3A_236 : vector<512x128xi32>
    %convert_element_type3A_238 = arith.extui %eq3A_237 : vector<512x128xi1> to vector<512x128xi32>
    %convert_element_type3A_239 = arith.sitofp %convert_element_type3A_238 : vector<512x128xi32> to vector<512x128xf32>
    %mul3A_240 = arith.mulf %convert_element_type3A_239, %convert_element_type3A_57 : vector<512x128xf32>
    %get3A_241 = arith.constant 14 : index
    %get3A_242 = memref.load %arg5[%get3A_241] : memref<64xf32, #tpu.memory_space<smem>>
    %reduce_sum3A_243 = vector.shape_cast %convert_element_type3A_239 : vector<512x128xf32> to vector<1x512x128xf32>
    %reduce_sum3A_244 = arith.constant dense<0.000000e+00> : vector<1xf32>
    %reduce_sum3A_245 = vector.multi_reduction <add>, %reduce_sum3A_243, %reduce_sum3A_244 [1, 2] : vector<1x512x128xf32> to vector<1xf32>
    %reduce_sum3A_246 = vector.shape_cast %reduce_sum3A_245 : vector<1xf32> to vector<1x1x1xf32>
    %reduce_sum3A_247 = vector.extract %reduce_sum3A_246[0, 0, 0] : f32 from vector<1x1x1xf32>
    %add3A_248 = arith.addf %get3A_242, %reduce_sum3A_247 : f32
    %swap3A_249 = arith.constant 14 : index
    %swap3A_250 = memref.load %arg5[%swap3A_249] : memref<64xf32, #tpu.memory_space<smem>>
    memref.store %add3A_248, %arg5[%swap3A_249] : memref<64xf32, #tpu.memory_space<smem>>
    %get3A_251 = arith.constant 15 : index
    %get3A_252 = memref.load %arg5[%get3A_251] : memref<64xf32, #tpu.memory_space<smem>>
    %reduce_sum3A_253 = vector.shape_cast %mul3A_240 : vector<512x128xf32> to vector<1x512x128xf32>
    %reduce_sum3A_254 = arith.constant dense<0.000000e+00> : vector<1xf32>
    %reduce_sum3A_255 = vector.multi_reduction <add>, %reduce_sum3A_253, %reduce_sum3A_254 [1, 2] : vector<1x512x128xf32> to vector<1xf32>
    %reduce_sum3A_256 = vector.shape_cast %reduce_sum3A_255 : vector<1xf32> to vector<1x1x1xf32>
    %reduce_sum3A_257 = vector.extract %reduce_sum3A_256[0, 0, 0] : f32 from vector<1x1x1xf32>
    %add3A_258 = arith.addf %get3A_252, %reduce_sum3A_257 : f32
    %swap3A_259 = arith.constant 15 : index
    %swap3A_260 = memref.load %arg5[%swap3A_259] : memref<64xf32, #tpu.memory_space<smem>>
    memref.store %add3A_258, %arg5[%swap3A_259] : memref<64xf32, #tpu.memory_space<smem>>
    %get3A_261 = arith.constant 16 : index
    %get3A_262 = memref.load %arg5[%get3A_261] : memref<64xf32, #tpu.memory_space<smem>>
    %mul3A_263 = arith.mulf %mul3A_35, %mul3A_240 : vector<512x128xf32>
    %reduce_sum3A_264 = vector.shape_cast %mul3A_263 : vector<512x128xf32> to vector<1x512x128xf32>
    %reduce_sum3A_265 = arith.constant dense<0.000000e+00> : vector<1xf32>
    %reduce_sum3A_266 = vector.multi_reduction <add>, %reduce_sum3A_264, %reduce_sum3A_265 [1, 2] : vector<1x512x128xf32> to vector<1xf32>
    %reduce_sum3A_267 = vector.shape_cast %reduce_sum3A_266 : vector<1xf32> to vector<1x1x1xf32>
    %reduce_sum3A_268 = vector.extract %reduce_sum3A_267[0, 0, 0] : f32 from vector<1x1x1xf32>
    %add3A_269 = arith.addf %get3A_262, %reduce_sum3A_268 : f32
    %swap3A_270 = arith.constant 16 : index
    %swap3A_271 = memref.load %arg5[%swap3A_270] : memref<64xf32, #tpu.memory_space<smem>>
    memref.store %add3A_269, %arg5[%swap3A_270] : memref<64xf32, #tpu.memory_space<smem>>
    %get3A_272 = arith.constant 17 : index
    %get3A_273 = memref.load %arg5[%get3A_272] : memref<64xf32, #tpu.memory_space<smem>>
    %mul3A_274 = arith.mulf %mul3A_39, %mul3A_240 : vector<512x128xf32>
    %reduce_sum3A_275 = vector.shape_cast %mul3A_274 : vector<512x128xf32> to vector<1x512x128xf32>
    %reduce_sum3A_276 = arith.constant dense<0.000000e+00> : vector<1xf32>
    %reduce_sum3A_277 = vector.multi_reduction <add>, %reduce_sum3A_275, %reduce_sum3A_276 [1, 2] : vector<1x512x128xf32> to vector<1xf32>
    %reduce_sum3A_278 = vector.shape_cast %reduce_sum3A_277 : vector<1xf32> to vector<1x1x1xf32>
    %reduce_sum3A_279 = vector.extract %reduce_sum3A_278[0, 0, 0] : f32 from vector<1x1x1xf32>
    %add3A_280 = arith.addf %get3A_273, %reduce_sum3A_279 : f32
    %swap3A_281 = arith.constant 17 : index
    %swap3A_282 = memref.load %arg5[%swap3A_281] : memref<64xf32, #tpu.memory_space<smem>>
    memref.store %add3A_280, %arg5[%swap3A_281] : memref<64xf32, #tpu.memory_space<smem>>
    %get3A_283 = arith.constant 18 : index
    %get3A_284 = memref.load %arg5[%get3A_283] : memref<64xf32, #tpu.memory_space<smem>>
    %mul3A_285 = arith.mulf %mul3A_43, %mul3A_240 : vector<512x128xf32>
    %reduce_sum3A_286 = vector.shape_cast %mul3A_285 : vector<512x128xf32> to vector<1x512x128xf32>
    %reduce_sum3A_287 = arith.constant dense<0.000000e+00> : vector<1xf32>
    %reduce_sum3A_288 = vector.multi_reduction <add>, %reduce_sum3A_286, %reduce_sum3A_287 [1, 2] : vector<1x512x128xf32> to vector<1xf32>
    %reduce_sum3A_289 = vector.shape_cast %reduce_sum3A_288 : vector<1xf32> to vector<1x1x1xf32>
    %reduce_sum3A_290 = vector.extract %reduce_sum3A_289[0, 0, 0] : f32 from vector<1x1x1xf32>
    %add3A_291 = arith.addf %get3A_284, %reduce_sum3A_290 : f32
    %swap3A_292 = arith.constant 18 : index
    %swap3A_293 = memref.load %arg5[%swap3A_292] : memref<64xf32, #tpu.memory_space<smem>>
    memref.store %add3A_291, %arg5[%swap3A_292] : memref<64xf32, #tpu.memory_space<smem>>
    %get3A_294 = arith.constant 19 : index
    %get3A_295 = memref.load %arg5[%get3A_294] : memref<64xf32, #tpu.memory_space<smem>>
    %mul3A_296 = arith.mulf %mul3A_35, %convert_element_type3A_239 : vector<512x128xf32>
    %reduce_sum3A_297 = vector.shape_cast %mul3A_296 : vector<512x128xf32> to vector<1x512x128xf32>
    %reduce_sum3A_298 = arith.constant dense<0.000000e+00> : vector<1xf32>
    %reduce_sum3A_299 = vector.multi_reduction <add>, %reduce_sum3A_297, %reduce_sum3A_298 [1, 2] : vector<1x512x128xf32> to vector<1xf32>
    %reduce_sum3A_300 = vector.shape_cast %reduce_sum3A_299 : vector<1xf32> to vector<1x1x1xf32>
    %reduce_sum3A_301 = vector.extract %reduce_sum3A_300[0, 0, 0] : f32 from vector<1x1x1xf32>
    %add3A_302 = arith.addf %get3A_295, %reduce_sum3A_301 : f32
    %swap3A_303 = arith.constant 19 : index
    %swap3A_304 = memref.load %arg5[%swap3A_303] : memref<64xf32, #tpu.memory_space<smem>>
    memref.store %add3A_302, %arg5[%swap3A_303] : memref<64xf32, #tpu.memory_space<smem>>
    %get3A_305 = arith.constant 20 : index
    %get3A_306 = memref.load %arg5[%get3A_305] : memref<64xf32, #tpu.memory_space<smem>>
    %mul3A_307 = arith.mulf %mul3A_39, %convert_element_type3A_239 : vector<512x128xf32>
    %reduce_sum3A_308 = vector.shape_cast %mul3A_307 : vector<512x128xf32> to vector<1x512x128xf32>
    %reduce_sum3A_309 = arith.constant dense<0.000000e+00> : vector<1xf32>
    %reduce_sum3A_310 = vector.multi_reduction <add>, %reduce_sum3A_308, %reduce_sum3A_309 [1, 2] : vector<1x512x128xf32> to vector<1xf32>
    %reduce_sum3A_311 = vector.shape_cast %reduce_sum3A_310 : vector<1xf32> to vector<1x1x1xf32>
    %reduce_sum3A_312 = vector.extract %reduce_sum3A_311[0, 0, 0] : f32 from vector<1x1x1xf32>
    %add3A_313 = arith.addf %get3A_306, %reduce_sum3A_312 : f32
    %swap3A_314 = arith.constant 20 : index
    %swap3A_315 = memref.load %arg5[%swap3A_314] : memref<64xf32, #tpu.memory_space<smem>>
    memref.store %add3A_313, %arg5[%swap3A_314] : memref<64xf32, #tpu.memory_space<smem>>
    %get3A_316 = arith.constant 21 : index
    %get3A_317 = memref.load %arg5[%get3A_316] : memref<64xf32, #tpu.memory_space<smem>>
    %mul3A_318 = arith.mulf %mul3A_43, %convert_element_type3A_239 : vector<512x128xf32>
    %reduce_sum3A_319 = vector.shape_cast %mul3A_318 : vector<512x128xf32> to vector<1x512x128xf32>
    %reduce_sum3A_320 = arith.constant dense<0.000000e+00> : vector<1xf32>
    %reduce_sum3A_321 = vector.multi_reduction <add>, %reduce_sum3A_319, %reduce_sum3A_320 [1, 2] : vector<1x512x128xf32> to vector<1xf32>
    %reduce_sum3A_322 = vector.shape_cast %reduce_sum3A_321 : vector<1xf32> to vector<1x1x1xf32>
    %reduce_sum3A_323 = vector.extract %reduce_sum3A_322[0, 0, 0] : f32 from vector<1x1x1xf32>
    %add3A_324 = arith.addf %get3A_317, %reduce_sum3A_323 : f32
    %swap3A_325 = arith.constant 21 : index
    %swap3A_326 = memref.load %arg5[%swap3A_325] : memref<64xf32, #tpu.memory_space<smem>>
    memref.store %add3A_324, %arg5[%swap3A_325] : memref<64xf32, #tpu.memory_space<smem>>
    %get3A_327 = arith.constant 22 : index
    %get3A_328 = memref.load %arg5[%get3A_327] : memref<64xf32, #tpu.memory_space<smem>>
    %mul3A_329 = arith.mulf %get3A_63, %convert_element_type3A_239 : vector<512x128xf32>
    %reduce_sum3A_330 = vector.shape_cast %mul3A_329 : vector<512x128xf32> to vector<1x512x128xf32>
    %reduce_sum3A_331 = arith.constant dense<0.000000e+00> : vector<1xf32>
    %reduce_sum3A_332 = vector.multi_reduction <add>, %reduce_sum3A_330, %reduce_sum3A_331 [1, 2] : vector<1x512x128xf32> to vector<1xf32>
    %reduce_sum3A_333 = vector.shape_cast %reduce_sum3A_332 : vector<1xf32> to vector<1x1x1xf32>
    %reduce_sum3A_334 = vector.extract %reduce_sum3A_333[0, 0, 0] : f32 from vector<1x1x1xf32>
    %add3A_335 = arith.addf %get3A_328, %reduce_sum3A_334 : f32
    %swap3A_336 = arith.constant 22 : index
    %swap3A_337 = memref.load %arg5[%swap3A_336] : memref<64xf32, #tpu.memory_space<smem>>
    memref.store %add3A_335, %arg5[%swap3A_336] : memref<64xf32, #tpu.memory_space<smem>>
    %get3A_338 = arith.constant 23 : index
    %get3A_339 = memref.load %arg5[%get3A_338] : memref<64xf32, #tpu.memory_space<smem>>
    %mul3A_340 = arith.mulf %get3A_69, %convert_element_type3A_239 : vector<512x128xf32>
    %reduce_sum3A_341 = vector.shape_cast %mul3A_340 : vector<512x128xf32> to vector<1x512x128xf32>
    %reduce_sum3A_342 = arith.constant dense<0.000000e+00> : vector<1xf32>
    %reduce_sum3A_343 = vector.multi_reduction <add>, %reduce_sum3A_341, %reduce_sum3A_342 [1, 2] : vector<1x512x128xf32> to vector<1xf32>
    %reduce_sum3A_344 = vector.shape_cast %reduce_sum3A_343 : vector<1xf32> to vector<1x1x1xf32>
    %reduce_sum3A_345 = vector.extract %reduce_sum3A_344[0, 0, 0] : f32 from vector<1x1x1xf32>
    %add3A_346 = arith.addf %get3A_339, %reduce_sum3A_345 : f32
    %swap3A_347 = arith.constant 23 : index
    %swap3A_348 = memref.load %arg5[%swap3A_347] : memref<64xf32, #tpu.memory_space<smem>>
    memref.store %add3A_346, %arg5[%swap3A_347] : memref<64xf32, #tpu.memory_space<smem>>
    %get3A_349 = arith.constant 24 : index
    %get3A_350 = memref.load %arg5[%get3A_349] : memref<64xf32, #tpu.memory_space<smem>>
    %mul3A_351 = arith.mulf %get3A_75, %convert_element_type3A_239 : vector<512x128xf32>
    %reduce_sum3A_352 = vector.shape_cast %mul3A_351 : vector<512x128xf32> to vector<1x512x128xf32>
    %reduce_sum3A_353 = arith.constant dense<0.000000e+00> : vector<1xf32>
    %reduce_sum3A_354 = vector.multi_reduction <add>, %reduce_sum3A_352, %reduce_sum3A_353 [1, 2] : vector<1x512x128xf32> to vector<1xf32>
    %reduce_sum3A_355 = vector.shape_cast %reduce_sum3A_354 : vector<1xf32> to vector<1x1x1xf32>
    %reduce_sum3A_356 = vector.extract %reduce_sum3A_355[0, 0, 0] : f32 from vector<1x1x1xf32>
    %add3A_357 = arith.addf %get3A_350, %reduce_sum3A_356 : f32
    %swap3A_358 = arith.constant 24 : index
    %swap3A_359 = memref.load %arg5[%swap3A_358] : memref<64xf32, #tpu.memory_space<smem>>
    memref.store %add3A_357, %arg5[%swap3A_358] : memref<64xf32, #tpu.memory_space<smem>>
    %get3A_360 = arith.constant 25 : index
    %get3A_361 = memref.load %arg5[%get3A_360] : memref<64xf32, #tpu.memory_space<smem>>
    %mul3A_362 = arith.mulf %get3A_63, %get3A_63 : vector<512x128xf32>
    %mul3A_363 = arith.mulf %mul3A_362, %convert_element_type3A_239 : vector<512x128xf32>
    %reduce_sum3A_364 = vector.shape_cast %mul3A_363 : vector<512x128xf32> to vector<1x512x128xf32>
    %reduce_sum3A_365 = arith.constant dense<0.000000e+00> : vector<1xf32>
    %reduce_sum3A_366 = vector.multi_reduction <add>, %reduce_sum3A_364, %reduce_sum3A_365 [1, 2] : vector<1x512x128xf32> to vector<1xf32>
    %reduce_sum3A_367 = vector.shape_cast %reduce_sum3A_366 : vector<1xf32> to vector<1x1x1xf32>
    %reduce_sum3A_368 = vector.extract %reduce_sum3A_367[0, 0, 0] : f32 from vector<1x1x1xf32>
    %add3A_369 = arith.addf %get3A_361, %reduce_sum3A_368 : f32
    %swap3A_370 = arith.constant 25 : index
    %swap3A_371 = memref.load %arg5[%swap3A_370] : memref<64xf32, #tpu.memory_space<smem>>
    memref.store %add3A_369, %arg5[%swap3A_370] : memref<64xf32, #tpu.memory_space<smem>>
    %get3A_372 = arith.constant 26 : index
    %get3A_373 = memref.load %arg5[%get3A_372] : memref<64xf32, #tpu.memory_space<smem>>
    %mul3A_374 = arith.mulf %get3A_69, %get3A_69 : vector<512x128xf32>
    %mul3A_375 = arith.mulf %mul3A_374, %convert_element_type3A_239 : vector<512x128xf32>
    %reduce_sum3A_376 = vector.shape_cast %mul3A_375 : vector<512x128xf32> to vector<1x512x128xf32>
    %reduce_sum3A_377 = arith.constant dense<0.000000e+00> : vector<1xf32>
    %reduce_sum3A_378 = vector.multi_reduction <add>, %reduce_sum3A_376, %reduce_sum3A_377 [1, 2] : vector<1x512x128xf32> to vector<1xf32>
    %reduce_sum3A_379 = vector.shape_cast %reduce_sum3A_378 : vector<1xf32> to vector<1x1x1xf32>
    %reduce_sum3A_380 = vector.extract %reduce_sum3A_379[0, 0, 0] : f32 from vector<1x1x1xf32>
    %add3A_381 = arith.addf %get3A_373, %reduce_sum3A_380 : f32
    %swap3A_382 = arith.constant 26 : index
    %swap3A_383 = memref.load %arg5[%swap3A_382] : memref<64xf32, #tpu.memory_space<smem>>
    memref.store %add3A_381, %arg5[%swap3A_382] : memref<64xf32, #tpu.memory_space<smem>>
    %get3A_384 = arith.constant 27 : index
    %get3A_385 = memref.load %arg5[%get3A_384] : memref<64xf32, #tpu.memory_space<smem>>
    %mul3A_386 = arith.mulf %get3A_75, %get3A_75 : vector<512x128xf32>
    %mul3A_387 = arith.mulf %mul3A_386, %convert_element_type3A_239 : vector<512x128xf32>
    %reduce_sum3A_388 = vector.shape_cast %mul3A_387 : vector<512x128xf32> to vector<1x512x128xf32>
    %reduce_sum3A_389 = arith.constant dense<0.000000e+00> : vector<1xf32>
    %reduce_sum3A_390 = vector.multi_reduction <add>, %reduce_sum3A_388, %reduce_sum3A_389 [1, 2] : vector<1x512x128xf32> to vector<1xf32>
    %reduce_sum3A_391 = vector.shape_cast %reduce_sum3A_390 : vector<1xf32> to vector<1x1x1xf32>
    %reduce_sum3A_392 = vector.extract %reduce_sum3A_391[0, 0, 0] : f32 from vector<1x1x1xf32>
    %add3A_393 = arith.addf %get3A_385, %reduce_sum3A_392 : f32
    %swap3A_394 = arith.constant 27 : index
    %swap3A_395 = memref.load %arg5[%swap3A_394] : memref<64xf32, #tpu.memory_space<smem>>
    memref.store %add3A_393, %arg5[%swap3A_394] : memref<64xf32, #tpu.memory_space<smem>>
    %eq3A_396 = arith.constant 3 : i32
    %eq3A_397 = vector.broadcast %eq3A_396 : i32 to vector<512x128xi32>
    %eq3A_398 = arith.cmpi eq, %get3A_47, %eq3A_397 : vector<512x128xi32>
    %convert_element_type3A_399 = arith.extui %eq3A_398 : vector<512x128xi1> to vector<512x128xi32>
    %convert_element_type3A_400 = arith.sitofp %convert_element_type3A_399 : vector<512x128xi32> to vector<512x128xf32>
    %mul3A_401 = arith.mulf %convert_element_type3A_400, %convert_element_type3A_57 : vector<512x128xf32>
    %get3A_402 = arith.constant 28 : index
    %get3A_403 = memref.load %arg5[%get3A_402] : memref<64xf32, #tpu.memory_space<smem>>
    %reduce_sum3A_404 = vector.shape_cast %convert_element_type3A_400 : vector<512x128xf32> to vector<1x512x128xf32>
    %reduce_sum3A_405 = arith.constant dense<0.000000e+00> : vector<1xf32>
    %reduce_sum3A_406 = vector.multi_reduction <add>, %reduce_sum3A_404, %reduce_sum3A_405 [1, 2] : vector<1x512x128xf32> to vector<1xf32>
    %reduce_sum3A_407 = vector.shape_cast %reduce_sum3A_406 : vector<1xf32> to vector<1x1x1xf32>
    %reduce_sum3A_408 = vector.extract %reduce_sum3A_407[0, 0, 0] : f32 from vector<1x1x1xf32>
    %add3A_409 = arith.addf %get3A_403, %reduce_sum3A_408 : f32
    %swap3A_410 = arith.constant 28 : index
    %swap3A_411 = memref.load %arg5[%swap3A_410] : memref<64xf32, #tpu.memory_space<smem>>
    memref.store %add3A_409, %arg5[%swap3A_410] : memref<64xf32, #tpu.memory_space<smem>>
    %get3A_412 = arith.constant 29 : index
    %get3A_413 = memref.load %arg5[%get3A_412] : memref<64xf32, #tpu.memory_space<smem>>
    %reduce_sum3A_414 = vector.shape_cast %mul3A_401 : vector<512x128xf32> to vector<1x512x128xf32>
    %reduce_sum3A_415 = arith.constant dense<0.000000e+00> : vector<1xf32>
    %reduce_sum3A_416 = vector.multi_reduction <add>, %reduce_sum3A_414, %reduce_sum3A_415 [1, 2] : vector<1x512x128xf32> to vector<1xf32>
    %reduce_sum3A_417 = vector.shape_cast %reduce_sum3A_416 : vector<1xf32> to vector<1x1x1xf32>
    %reduce_sum3A_418 = vector.extract %reduce_sum3A_417[0, 0, 0] : f32 from vector<1x1x1xf32>
    %add3A_419 = arith.addf %get3A_413, %reduce_sum3A_418 : f32
    %swap3A_420 = arith.constant 29 : index
    %swap3A_421 = memref.load %arg5[%swap3A_420] : memref<64xf32, #tpu.memory_space<smem>>
    memref.store %add3A_419, %arg5[%swap3A_420] : memref<64xf32, #tpu.memory_space<smem>>
    %get3A_422 = arith.constant 30 : index
    %get3A_423 = memref.load %arg5[%get3A_422] : memref<64xf32, #tpu.memory_space<smem>>
    %mul3A_424 = arith.mulf %mul3A_35, %mul3A_401 : vector<512x128xf32>
    %reduce_sum3A_425 = vector.shape_cast %mul3A_424 : vector<512x128xf32> to vector<1x512x128xf32>
    %reduce_sum3A_426 = arith.constant dense<0.000000e+00> : vector<1xf32>
    %reduce_sum3A_427 = vector.multi_reduction <add>, %reduce_sum3A_425, %reduce_sum3A_426 [1, 2] : vector<1x512x128xf32> to vector<1xf32>
    %reduce_sum3A_428 = vector.shape_cast %reduce_sum3A_427 : vector<1xf32> to vector<1x1x1xf32>
    %reduce_sum3A_429 = vector.extract %reduce_sum3A_428[0, 0, 0] : f32 from vector<1x1x1xf32>
    %add3A_430 = arith.addf %get3A_423, %reduce_sum3A_429 : f32
    %swap3A_431 = arith.constant 30 : index
    %swap3A_432 = memref.load %arg5[%swap3A_431] : memref<64xf32, #tpu.memory_space<smem>>
    memref.store %add3A_430, %arg5[%swap3A_431] : memref<64xf32, #tpu.memory_space<smem>>
    %get3A_433 = arith.constant 31 : index
    %get3A_434 = memref.load %arg5[%get3A_433] : memref<64xf32, #tpu.memory_space<smem>>
    %mul3A_435 = arith.mulf %mul3A_39, %mul3A_401 : vector<512x128xf32>
    %reduce_sum3A_436 = vector.shape_cast %mul3A_435 : vector<512x128xf32> to vector<1x512x128xf32>
    %reduce_sum3A_437 = arith.constant dense<0.000000e+00> : vector<1xf32>
    %reduce_sum3A_438 = vector.multi_reduction <add>, %reduce_sum3A_436, %reduce_sum3A_437 [1, 2] : vector<1x512x128xf32> to vector<1xf32>
    %reduce_sum3A_439 = vector.shape_cast %reduce_sum3A_438 : vector<1xf32> to vector<1x1x1xf32>
    %reduce_sum3A_440 = vector.extract %reduce_sum3A_439[0, 0, 0] : f32 from vector<1x1x1xf32>
    %add3A_441 = arith.addf %get3A_434, %reduce_sum3A_440 : f32
    %swap3A_442 = arith.constant 31 : index
    %swap3A_443 = memref.load %arg5[%swap3A_442] : memref<64xf32, #tpu.memory_space<smem>>
    memref.store %add3A_441, %arg5[%swap3A_442] : memref<64xf32, #tpu.memory_space<smem>>
    %get3A_444 = arith.constant 32 : index
    %get3A_445 = memref.load %arg5[%get3A_444] : memref<64xf32, #tpu.memory_space<smem>>
    %mul3A_446 = arith.mulf %mul3A_43, %mul3A_401 : vector<512x128xf32>
    %reduce_sum3A_447 = vector.shape_cast %mul3A_446 : vector<512x128xf32> to vector<1x512x128xf32>
    %reduce_sum3A_448 = arith.constant dense<0.000000e+00> : vector<1xf32>
    %reduce_sum3A_449 = vector.multi_reduction <add>, %reduce_sum3A_447, %reduce_sum3A_448 [1, 2] : vector<1x512x128xf32> to vector<1xf32>
    %reduce_sum3A_450 = vector.shape_cast %reduce_sum3A_449 : vector<1xf32> to vector<1x1x1xf32>
    %reduce_sum3A_451 = vector.extract %reduce_sum3A_450[0, 0, 0] : f32 from vector<1x1x1xf32>
    %add3A_452 = arith.addf %get3A_445, %reduce_sum3A_451 : f32
    %swap3A_453 = arith.constant 32 : index
    %swap3A_454 = memref.load %arg5[%swap3A_453] : memref<64xf32, #tpu.memory_space<smem>>
    memref.store %add3A_452, %arg5[%swap3A_453] : memref<64xf32, #tpu.memory_space<smem>>
    %get3A_455 = arith.constant 33 : index
    %get3A_456 = memref.load %arg5[%get3A_455] : memref<64xf32, #tpu.memory_space<smem>>
    %mul3A_457 = arith.mulf %mul3A_35, %convert_element_type3A_400 : vector<512x128xf32>
    %reduce_sum3A_458 = vector.shape_cast %mul3A_457 : vector<512x128xf32> to vector<1x512x128xf32>
    %reduce_sum3A_459 = arith.constant dense<0.000000e+00> : vector<1xf32>
    %reduce_sum3A_460 = vector.multi_reduction <add>, %reduce_sum3A_458, %reduce_sum3A_459 [1, 2] : vector<1x512x128xf32> to vector<1xf32>
    %reduce_sum3A_461 = vector.shape_cast %reduce_sum3A_460 : vector<1xf32> to vector<1x1x1xf32>
    %reduce_sum3A_462 = vector.extract %reduce_sum3A_461[0, 0, 0] : f32 from vector<1x1x1xf32>
    %add3A_463 = arith.addf %get3A_456, %reduce_sum3A_462 : f32
    %swap3A_464 = arith.constant 33 : index
    %swap3A_465 = memref.load %arg5[%swap3A_464] : memref<64xf32, #tpu.memory_space<smem>>
    memref.store %add3A_463, %arg5[%swap3A_464] : memref<64xf32, #tpu.memory_space<smem>>
    %get3A_466 = arith.constant 34 : index
    %get3A_467 = memref.load %arg5[%get3A_466] : memref<64xf32, #tpu.memory_space<smem>>
    %mul3A_468 = arith.mulf %mul3A_39, %convert_element_type3A_400 : vector<512x128xf32>
    %reduce_sum3A_469 = vector.shape_cast %mul3A_468 : vector<512x128xf32> to vector<1x512x128xf32>
    %reduce_sum3A_470 = arith.constant dense<0.000000e+00> : vector<1xf32>
    %reduce_sum3A_471 = vector.multi_reduction <add>, %reduce_sum3A_469, %reduce_sum3A_470 [1, 2] : vector<1x512x128xf32> to vector<1xf32>
    %reduce_sum3A_472 = vector.shape_cast %reduce_sum3A_471 : vector<1xf32> to vector<1x1x1xf32>
    %reduce_sum3A_473 = vector.extract %reduce_sum3A_472[0, 0, 0] : f32 from vector<1x1x1xf32>
    %add3A_474 = arith.addf %get3A_467, %reduce_sum3A_473 : f32
    %swap3A_475 = arith.constant 34 : index
    %swap3A_476 = memref.load %arg5[%swap3A_475] : memref<64xf32, #tpu.memory_space<smem>>
    memref.store %add3A_474, %arg5[%swap3A_475] : memref<64xf32, #tpu.memory_space<smem>>
    %get3A_477 = arith.constant 35 : index
    %get3A_478 = memref.load %arg5[%get3A_477] : memref<64xf32, #tpu.memory_space<smem>>
    %mul3A_479 = arith.mulf %mul3A_43, %convert_element_type3A_400 : vector<512x128xf32>
    %reduce_sum3A_480 = vector.shape_cast %mul3A_479 : vector<512x128xf32> to vector<1x512x128xf32>
    %reduce_sum3A_481 = arith.constant dense<0.000000e+00> : vector<1xf32>
    %reduce_sum3A_482 = vector.multi_reduction <add>, %reduce_sum3A_480, %reduce_sum3A_481 [1, 2] : vector<1x512x128xf32> to vector<1xf32>
    %reduce_sum3A_483 = vector.shape_cast %reduce_sum3A_482 : vector<1xf32> to vector<1x1x1xf32>
    %reduce_sum3A_484 = vector.extract %reduce_sum3A_483[0, 0, 0] : f32 from vector<1x1x1xf32>
    %add3A_485 = arith.addf %get3A_478, %reduce_sum3A_484 : f32
    %swap3A_486 = arith.constant 35 : index
    %swap3A_487 = memref.load %arg5[%swap3A_486] : memref<64xf32, #tpu.memory_space<smem>>
    memref.store %add3A_485, %arg5[%swap3A_486] : memref<64xf32, #tpu.memory_space<smem>>
    %get3A_488 = arith.constant 36 : index
    %get3A_489 = memref.load %arg5[%get3A_488] : memref<64xf32, #tpu.memory_space<smem>>
    %mul3A_490 = arith.mulf %get3A_63, %convert_element_type3A_400 : vector<512x128xf32>
    %reduce_sum3A_491 = vector.shape_cast %mul3A_490 : vector<512x128xf32> to vector<1x512x128xf32>
    %reduce_sum3A_492 = arith.constant dense<0.000000e+00> : vector<1xf32>
    %reduce_sum3A_493 = vector.multi_reduction <add>, %reduce_sum3A_491, %reduce_sum3A_492 [1, 2] : vector<1x512x128xf32> to vector<1xf32>
    %reduce_sum3A_494 = vector.shape_cast %reduce_sum3A_493 : vector<1xf32> to vector<1x1x1xf32>
    %reduce_sum3A_495 = vector.extract %reduce_sum3A_494[0, 0, 0] : f32 from vector<1x1x1xf32>
    %add3A_496 = arith.addf %get3A_489, %reduce_sum3A_495 : f32
    %swap3A_497 = arith.constant 36 : index
    %swap3A_498 = memref.load %arg5[%swap3A_497] : memref<64xf32, #tpu.memory_space<smem>>
    memref.store %add3A_496, %arg5[%swap3A_497] : memref<64xf32, #tpu.memory_space<smem>>
    %get3A_499 = arith.constant 37 : index
    %get3A_500 = memref.load %arg5[%get3A_499] : memref<64xf32, #tpu.memory_space<smem>>
    %mul3A_501 = arith.mulf %get3A_69, %convert_element_type3A_400 : vector<512x128xf32>
    %reduce_sum3A_502 = vector.shape_cast %mul3A_501 : vector<512x128xf32> to vector<1x512x128xf32>
    %reduce_sum3A_503 = arith.constant dense<0.000000e+00> : vector<1xf32>
    %reduce_sum3A_504 = vector.multi_reduction <add>, %reduce_sum3A_502, %reduce_sum3A_503 [1, 2] : vector<1x512x128xf32> to vector<1xf32>
    %reduce_sum3A_505 = vector.shape_cast %reduce_sum3A_504 : vector<1xf32> to vector<1x1x1xf32>
    %reduce_sum3A_506 = vector.extract %reduce_sum3A_505[0, 0, 0] : f32 from vector<1x1x1xf32>
    %add3A_507 = arith.addf %get3A_500, %reduce_sum3A_506 : f32
    %swap3A_508 = arith.constant 37 : index
    %swap3A_509 = memref.load %arg5[%swap3A_508] : memref<64xf32, #tpu.memory_space<smem>>
    memref.store %add3A_507, %arg5[%swap3A_508] : memref<64xf32, #tpu.memory_space<smem>>
    %get3A_510 = arith.constant 38 : index
    %get3A_511 = memref.load %arg5[%get3A_510] : memref<64xf32, #tpu.memory_space<smem>>
    %mul3A_512 = arith.mulf %get3A_75, %convert_element_type3A_400 : vector<512x128xf32>
    %reduce_sum3A_513 = vector.shape_cast %mul3A_512 : vector<512x128xf32> to vector<1x512x128xf32>
    %reduce_sum3A_514 = arith.constant dense<0.000000e+00> : vector<1xf32>
    %reduce_sum3A_515 = vector.multi_reduction <add>, %reduce_sum3A_513, %reduce_sum3A_514 [1, 2] : vector<1x512x128xf32> to vector<1xf32>
    %reduce_sum3A_516 = vector.shape_cast %reduce_sum3A_515 : vector<1xf32> to vector<1x1x1xf32>
    %reduce_sum3A_517 = vector.extract %reduce_sum3A_516[0, 0, 0] : f32 from vector<1x1x1xf32>
    %add3A_518 = arith.addf %get3A_511, %reduce_sum3A_517 : f32
    %swap3A_519 = arith.constant 38 : index
    %swap3A_520 = memref.load %arg5[%swap3A_519] : memref<64xf32, #tpu.memory_space<smem>>
    memref.store %add3A_518, %arg5[%swap3A_519] : memref<64xf32, #tpu.memory_space<smem>>
    %get3A_521 = arith.constant 39 : index
    %get3A_522 = memref.load %arg5[%get3A_521] : memref<64xf32, #tpu.memory_space<smem>>
    %mul3A_523 = arith.mulf %get3A_63, %get3A_63 : vector<512x128xf32>
    %mul3A_524 = arith.mulf %mul3A_523, %convert_element_type3A_400 : vector<512x128xf32>
    %reduce_sum3A_525 = vector.shape_cast %mul3A_524 : vector<512x128xf32> to vector<1x512x128xf32>
    %reduce_sum3A_526 = arith.constant dense<0.000000e+00> : vector<1xf32>
    %reduce_sum3A_527 = vector.multi_reduction <add>, %reduce_sum3A_525, %reduce_sum3A_526 [1, 2] : vector<1x512x128xf32> to vector<1xf32>
    %reduce_sum3A_528 = vector.shape_cast %reduce_sum3A_527 : vector<1xf32> to vector<1x1x1xf32>
    %reduce_sum3A_529 = vector.extract %reduce_sum3A_528[0, 0, 0] : f32 from vector<1x1x1xf32>
    %add3A_530 = arith.addf %get3A_522, %reduce_sum3A_529 : f32
    %swap3A_531 = arith.constant 39 : index
    %swap3A_532 = memref.load %arg5[%swap3A_531] : memref<64xf32, #tpu.memory_space<smem>>
    memref.store %add3A_530, %arg5[%swap3A_531] : memref<64xf32, #tpu.memory_space<smem>>
    %get3A_533 = arith.constant 40 : index
    %get3A_534 = memref.load %arg5[%get3A_533] : memref<64xf32, #tpu.memory_space<smem>>
    %mul3A_535 = arith.mulf %get3A_69, %get3A_69 : vector<512x128xf32>
    %mul3A_536 = arith.mulf %mul3A_535, %convert_element_type3A_400 : vector<512x128xf32>
    %reduce_sum3A_537 = vector.shape_cast %mul3A_536 : vector<512x128xf32> to vector<1x512x128xf32>
    %reduce_sum3A_538 = arith.constant dense<0.000000e+00> : vector<1xf32>
    %reduce_sum3A_539 = vector.multi_reduction <add>, %reduce_sum3A_537, %reduce_sum3A_538 [1, 2] : vector<1x512x128xf32> to vector<1xf32>
    %reduce_sum3A_540 = vector.shape_cast %reduce_sum3A_539 : vector<1xf32> to vector<1x1x1xf32>
    %reduce_sum3A_541 = vector.extract %reduce_sum3A_540[0, 0, 0] : f32 from vector<1x1x1xf32>
    %add3A_542 = arith.addf %get3A_534, %reduce_sum3A_541 : f32
    %swap3A_543 = arith.constant 40 : index
    %swap3A_544 = memref.load %arg5[%swap3A_543] : memref<64xf32, #tpu.memory_space<smem>>
    memref.store %add3A_542, %arg5[%swap3A_543] : memref<64xf32, #tpu.memory_space<smem>>
    %get3A_545 = arith.constant 41 : index
    %get3A_546 = memref.load %arg5[%get3A_545] : memref<64xf32, #tpu.memory_space<smem>>
    %mul3A_547 = arith.mulf %get3A_75, %get3A_75 : vector<512x128xf32>
    %mul3A_548 = arith.mulf %mul3A_547, %convert_element_type3A_400 : vector<512x128xf32>
    %reduce_sum3A_549 = vector.shape_cast %mul3A_548 : vector<512x128xf32> to vector<1x512x128xf32>
    %reduce_sum3A_550 = arith.constant dense<0.000000e+00> : vector<1xf32>
    %reduce_sum3A_551 = vector.multi_reduction <add>, %reduce_sum3A_549, %reduce_sum3A_550 [1, 2] : vector<1x512x128xf32> to vector<1xf32>
    %reduce_sum3A_552 = vector.shape_cast %reduce_sum3A_551 : vector<1xf32> to vector<1x1x1xf32>
    %reduce_sum3A_553 = vector.extract %reduce_sum3A_552[0, 0, 0] : f32 from vector<1x1x1xf32>
    %add3A_554 = arith.addf %get3A_546, %reduce_sum3A_553 : f32
    %swap3A_555 = arith.constant 41 : index
    %swap3A_556 = memref.load %arg5[%swap3A_555] : memref<64xf32, #tpu.memory_space<smem>>
    memref.store %add3A_554, %arg5[%swap3A_555] : memref<64xf32, #tpu.memory_space<smem>>
    %eq3A_557 = arith.constant 4 : i32
    %eq3A_558 = vector.broadcast %eq3A_557 : i32 to vector<512x128xi32>
    %eq3A_559 = arith.cmpi eq, %get3A_47, %eq3A_558 : vector<512x128xi32>
    %convert_element_type3A_560 = arith.extui %eq3A_559 : vector<512x128xi1> to vector<512x128xi32>
    %convert_element_type3A_561 = arith.sitofp %convert_element_type3A_560 : vector<512x128xi32> to vector<512x128xf32>
    %mul3A_562 = arith.mulf %convert_element_type3A_561, %convert_element_type3A_57 : vector<512x128xf32>
    %get3A_563 = arith.constant 42 : index
    %get3A_564 = memref.load %arg5[%get3A_563] : memref<64xf32, #tpu.memory_space<smem>>
    %reduce_sum3A_565 = vector.shape_cast %convert_element_type3A_561 : vector<512x128xf32> to vector<1x512x128xf32>
    %reduce_sum3A_566 = arith.constant dense<0.000000e+00> : vector<1xf32>
    %reduce_sum3A_567 = vector.multi_reduction <add>, %reduce_sum3A_565, %reduce_sum3A_566 [1, 2] : vector<1x512x128xf32> to vector<1xf32>
    %reduce_sum3A_568 = vector.shape_cast %reduce_sum3A_567 : vector<1xf32> to vector<1x1x1xf32>
    %reduce_sum3A_569 = vector.extract %reduce_sum3A_568[0, 0, 0] : f32 from vector<1x1x1xf32>
    %add3A_570 = arith.addf %get3A_564, %reduce_sum3A_569 : f32
    %swap3A_571 = arith.constant 42 : index
    %swap3A_572 = memref.load %arg5[%swap3A_571] : memref<64xf32, #tpu.memory_space<smem>>
    memref.store %add3A_570, %arg5[%swap3A_571] : memref<64xf32, #tpu.memory_space<smem>>
    %get3A_573 = arith.constant 43 : index
    %get3A_574 = memref.load %arg5[%get3A_573] : memref<64xf32, #tpu.memory_space<smem>>
    %reduce_sum3A_575 = vector.shape_cast %mul3A_562 : vector<512x128xf32> to vector<1x512x128xf32>
    %reduce_sum3A_576 = arith.constant dense<0.000000e+00> : vector<1xf32>
    %reduce_sum3A_577 = vector.multi_reduction <add>, %reduce_sum3A_575, %reduce_sum3A_576 [1, 2] : vector<1x512x128xf32> to vector<1xf32>
    %reduce_sum3A_578 = vector.shape_cast %reduce_sum3A_577 : vector<1xf32> to vector<1x1x1xf32>
    %reduce_sum3A_579 = vector.extract %reduce_sum3A_578[0, 0, 0] : f32 from vector<1x1x1xf32>
    %add3A_580 = arith.addf %get3A_574, %reduce_sum3A_579 : f32
    %swap3A_581 = arith.constant 43 : index
    %swap3A_582 = memref.load %arg5[%swap3A_581] : memref<64xf32, #tpu.memory_space<smem>>
    memref.store %add3A_580, %arg5[%swap3A_581] : memref<64xf32, #tpu.memory_space<smem>>
    %get3A_583 = arith.constant 44 : index
    %get3A_584 = memref.load %arg5[%get3A_583] : memref<64xf32, #tpu.memory_space<smem>>
    %mul3A_585 = arith.mulf %mul3A_35, %mul3A_562 : vector<512x128xf32>
    %reduce_sum3A_586 = vector.shape_cast %mul3A_585 : vector<512x128xf32> to vector<1x512x128xf32>
    %reduce_sum3A_587 = arith.constant dense<0.000000e+00> : vector<1xf32>
    %reduce_sum3A_588 = vector.multi_reduction <add>, %reduce_sum3A_586, %reduce_sum3A_587 [1, 2] : vector<1x512x128xf32> to vector<1xf32>
    %reduce_sum3A_589 = vector.shape_cast %reduce_sum3A_588 : vector<1xf32> to vector<1x1x1xf32>
    %reduce_sum3A_590 = vector.extract %reduce_sum3A_589[0, 0, 0] : f32 from vector<1x1x1xf32>
    %add3A_591 = arith.addf %get3A_584, %reduce_sum3A_590 : f32
    %swap3A_592 = arith.constant 44 : index
    %swap3A_593 = memref.load %arg5[%swap3A_592] : memref<64xf32, #tpu.memory_space<smem>>
    memref.store %add3A_591, %arg5[%swap3A_592] : memref<64xf32, #tpu.memory_space<smem>>
    %get3A_594 = arith.constant 45 : index
    %get3A_595 = memref.load %arg5[%get3A_594] : memref<64xf32, #tpu.memory_space<smem>>
    %mul3A_596 = arith.mulf %mul3A_39, %mul3A_562 : vector<512x128xf32>
    %reduce_sum3A_597 = vector.shape_cast %mul3A_596 : vector<512x128xf32> to vector<1x512x128xf32>
    %reduce_sum3A_598 = arith.constant dense<0.000000e+00> : vector<1xf32>
    %reduce_sum3A_599 = vector.multi_reduction <add>, %reduce_sum3A_597, %reduce_sum3A_598 [1, 2] : vector<1x512x128xf32> to vector<1xf32>
    %reduce_sum3A_600 = vector.shape_cast %reduce_sum3A_599 : vector<1xf32> to vector<1x1x1xf32>
    %reduce_sum3A_601 = vector.extract %reduce_sum3A_600[0, 0, 0] : f32 from vector<1x1x1xf32>
    %add3A_602 = arith.addf %get3A_595, %reduce_sum3A_601 : f32
    %swap3A_603 = arith.constant 45 : index
    %swap3A_604 = memref.load %arg5[%swap3A_603] : memref<64xf32, #tpu.memory_space<smem>>
    memref.store %add3A_602, %arg5[%swap3A_603] : memref<64xf32, #tpu.memory_space<smem>>
    %get3A_605 = arith.constant 46 : index
    %get3A_606 = memref.load %arg5[%get3A_605] : memref<64xf32, #tpu.memory_space<smem>>
    %mul3A_607 = arith.mulf %mul3A_43, %mul3A_562 : vector<512x128xf32>
    %reduce_sum3A_608 = vector.shape_cast %mul3A_607 : vector<512x128xf32> to vector<1x512x128xf32>
    %reduce_sum3A_609 = arith.constant dense<0.000000e+00> : vector<1xf32>
    %reduce_sum3A_610 = vector.multi_reduction <add>, %reduce_sum3A_608, %reduce_sum3A_609 [1, 2] : vector<1x512x128xf32> to vector<1xf32>
    %reduce_sum3A_611 = vector.shape_cast %reduce_sum3A_610 : vector<1xf32> to vector<1x1x1xf32>
    %reduce_sum3A_612 = vector.extract %reduce_sum3A_611[0, 0, 0] : f32 from vector<1x1x1xf32>
    %add3A_613 = arith.addf %get3A_606, %reduce_sum3A_612 : f32
    %swap3A_614 = arith.constant 46 : index
    %swap3A_615 = memref.load %arg5[%swap3A_614] : memref<64xf32, #tpu.memory_space<smem>>
    memref.store %add3A_613, %arg5[%swap3A_614] : memref<64xf32, #tpu.memory_space<smem>>
    %get3A_616 = arith.constant 47 : index
    %get3A_617 = memref.load %arg5[%get3A_616] : memref<64xf32, #tpu.memory_space<smem>>
    %mul3A_618 = arith.mulf %mul3A_35, %convert_element_type3A_561 : vector<512x128xf32>
    %reduce_sum3A_619 = vector.shape_cast %mul3A_618 : vector<512x128xf32> to vector<1x512x128xf32>
    %reduce_sum3A_620 = arith.constant dense<0.000000e+00> : vector<1xf32>
    %reduce_sum3A_621 = vector.multi_reduction <add>, %reduce_sum3A_619, %reduce_sum3A_620 [1, 2] : vector<1x512x128xf32> to vector<1xf32>
    %reduce_sum3A_622 = vector.shape_cast %reduce_sum3A_621 : vector<1xf32> to vector<1x1x1xf32>
    %reduce_sum3A_623 = vector.extract %reduce_sum3A_622[0, 0, 0] : f32 from vector<1x1x1xf32>
    %add3A_624 = arith.addf %get3A_617, %reduce_sum3A_623 : f32
    %swap3A_625 = arith.constant 47 : index
    %swap3A_626 = memref.load %arg5[%swap3A_625] : memref<64xf32, #tpu.memory_space<smem>>
    memref.store %add3A_624, %arg5[%swap3A_625] : memref<64xf32, #tpu.memory_space<smem>>
    %get3A_627 = arith.constant 48 : index
    %get3A_628 = memref.load %arg5[%get3A_627] : memref<64xf32, #tpu.memory_space<smem>>
    %mul3A_629 = arith.mulf %mul3A_39, %convert_element_type3A_561 : vector<512x128xf32>
    %reduce_sum3A_630 = vector.shape_cast %mul3A_629 : vector<512x128xf32> to vector<1x512x128xf32>
    %reduce_sum3A_631 = arith.constant dense<0.000000e+00> : vector<1xf32>
    %reduce_sum3A_632 = vector.multi_reduction <add>, %reduce_sum3A_630, %reduce_sum3A_631 [1, 2] : vector<1x512x128xf32> to vector<1xf32>
    %reduce_sum3A_633 = vector.shape_cast %reduce_sum3A_632 : vector<1xf32> to vector<1x1x1xf32>
    %reduce_sum3A_634 = vector.extract %reduce_sum3A_633[0, 0, 0] : f32 from vector<1x1x1xf32>
    %add3A_635 = arith.addf %get3A_628, %reduce_sum3A_634 : f32
    %swap3A_636 = arith.constant 48 : index
    %swap3A_637 = memref.load %arg5[%swap3A_636] : memref<64xf32, #tpu.memory_space<smem>>
    memref.store %add3A_635, %arg5[%swap3A_636] : memref<64xf32, #tpu.memory_space<smem>>
    %get3A_638 = arith.constant 49 : index
    %get3A_639 = memref.load %arg5[%get3A_638] : memref<64xf32, #tpu.memory_space<smem>>
    %mul3A_640 = arith.mulf %mul3A_43, %convert_element_type3A_561 : vector<512x128xf32>
    %reduce_sum3A_641 = vector.shape_cast %mul3A_640 : vector<512x128xf32> to vector<1x512x128xf32>
    %reduce_sum3A_642 = arith.constant dense<0.000000e+00> : vector<1xf32>
    %reduce_sum3A_643 = vector.multi_reduction <add>, %reduce_sum3A_641, %reduce_sum3A_642 [1, 2] : vector<1x512x128xf32> to vector<1xf32>
    %reduce_sum3A_644 = vector.shape_cast %reduce_sum3A_643 : vector<1xf32> to vector<1x1x1xf32>
    %reduce_sum3A_645 = vector.extract %reduce_sum3A_644[0, 0, 0] : f32 from vector<1x1x1xf32>
    %add3A_646 = arith.addf %get3A_639, %reduce_sum3A_645 : f32
    %swap3A_647 = arith.constant 49 : index
    %swap3A_648 = memref.load %arg5[%swap3A_647] : memref<64xf32, #tpu.memory_space<smem>>
    memref.store %add3A_646, %arg5[%swap3A_647] : memref<64xf32, #tpu.memory_space<smem>>
    %get3A_649 = arith.constant 50 : index
    %get3A_650 = memref.load %arg5[%get3A_649] : memref<64xf32, #tpu.memory_space<smem>>
    %mul3A_651 = arith.mulf %get3A_63, %convert_element_type3A_561 : vector<512x128xf32>
    %reduce_sum3A_652 = vector.shape_cast %mul3A_651 : vector<512x128xf32> to vector<1x512x128xf32>
    %reduce_sum3A_653 = arith.constant dense<0.000000e+00> : vector<1xf32>
    %reduce_sum3A_654 = vector.multi_reduction <add>, %reduce_sum3A_652, %reduce_sum3A_653 [1, 2] : vector<1x512x128xf32> to vector<1xf32>
    %reduce_sum3A_655 = vector.shape_cast %reduce_sum3A_654 : vector<1xf32> to vector<1x1x1xf32>
    %reduce_sum3A_656 = vector.extract %reduce_sum3A_655[0, 0, 0] : f32 from vector<1x1x1xf32>
    %add3A_657 = arith.addf %get3A_650, %reduce_sum3A_656 : f32
    %swap3A_658 = arith.constant 50 : index
    %swap3A_659 = memref.load %arg5[%swap3A_658] : memref<64xf32, #tpu.memory_space<smem>>
    memref.store %add3A_657, %arg5[%swap3A_658] : memref<64xf32, #tpu.memory_space<smem>>
    %get3A_660 = arith.constant 51 : index
    %get3A_661 = memref.load %arg5[%get3A_660] : memref<64xf32, #tpu.memory_space<smem>>
    %mul3A_662 = arith.mulf %get3A_69, %convert_element_type3A_561 : vector<512x128xf32>
    %reduce_sum3A_663 = vector.shape_cast %mul3A_662 : vector<512x128xf32> to vector<1x512x128xf32>
    %reduce_sum3A_664 = arith.constant dense<0.000000e+00> : vector<1xf32>
    %reduce_sum3A_665 = vector.multi_reduction <add>, %reduce_sum3A_663, %reduce_sum3A_664 [1, 2] : vector<1x512x128xf32> to vector<1xf32>
    %reduce_sum3A_666 = vector.shape_cast %reduce_sum3A_665 : vector<1xf32> to vector<1x1x1xf32>
    %reduce_sum3A_667 = vector.extract %reduce_sum3A_666[0, 0, 0] : f32 from vector<1x1x1xf32>
    %add3A_668 = arith.addf %get3A_661, %reduce_sum3A_667 : f32
    %swap3A_669 = arith.constant 51 : index
    %swap3A_670 = memref.load %arg5[%swap3A_669] : memref<64xf32, #tpu.memory_space<smem>>
    memref.store %add3A_668, %arg5[%swap3A_669] : memref<64xf32, #tpu.memory_space<smem>>
    %get3A_671 = arith.constant 52 : index
    %get3A_672 = memref.load %arg5[%get3A_671] : memref<64xf32, #tpu.memory_space<smem>>
    %mul3A_673 = arith.mulf %get3A_75, %convert_element_type3A_561 : vector<512x128xf32>
    %reduce_sum3A_674 = vector.shape_cast %mul3A_673 : vector<512x128xf32> to vector<1x512x128xf32>
    %reduce_sum3A_675 = arith.constant dense<0.000000e+00> : vector<1xf32>
    %reduce_sum3A_676 = vector.multi_reduction <add>, %reduce_sum3A_674, %reduce_sum3A_675 [1, 2] : vector<1x512x128xf32> to vector<1xf32>
    %reduce_sum3A_677 = vector.shape_cast %reduce_sum3A_676 : vector<1xf32> to vector<1x1x1xf32>
    %reduce_sum3A_678 = vector.extract %reduce_sum3A_677[0, 0, 0] : f32 from vector<1x1x1xf32>
    %add3A_679 = arith.addf %get3A_672, %reduce_sum3A_678 : f32
    %swap3A_680 = arith.constant 52 : index
    %swap3A_681 = memref.load %arg5[%swap3A_680] : memref<64xf32, #tpu.memory_space<smem>>
    memref.store %add3A_679, %arg5[%swap3A_680] : memref<64xf32, #tpu.memory_space<smem>>
    %get3A_682 = arith.constant 53 : index
    %get3A_683 = memref.load %arg5[%get3A_682] : memref<64xf32, #tpu.memory_space<smem>>
    %mul3A_684 = arith.mulf %get3A_63, %get3A_63 : vector<512x128xf32>
    %mul3A_685 = arith.mulf %mul3A_684, %convert_element_type3A_561 : vector<512x128xf32>
    %reduce_sum3A_686 = vector.shape_cast %mul3A_685 : vector<512x128xf32> to vector<1x512x128xf32>
    %reduce_sum3A_687 = arith.constant dense<0.000000e+00> : vector<1xf32>
    %reduce_sum3A_688 = vector.multi_reduction <add>, %reduce_sum3A_686, %reduce_sum3A_687 [1, 2] : vector<1x512x128xf32> to vector<1xf32>
    %reduce_sum3A_689 = vector.shape_cast %reduce_sum3A_688 : vector<1xf32> to vector<1x1x1xf32>
    %reduce_sum3A_690 = vector.extract %reduce_sum3A_689[0, 0, 0] : f32 from vector<1x1x1xf32>
    %add3A_691 = arith.addf %get3A_683, %reduce_sum3A_690 : f32
    %swap3A_692 = arith.constant 53 : index
    %swap3A_693 = memref.load %arg5[%swap3A_692] : memref<64xf32, #tpu.memory_space<smem>>
    memref.store %add3A_691, %arg5[%swap3A_692] : memref<64xf32, #tpu.memory_space<smem>>
    %get3A_694 = arith.constant 54 : index
    %get3A_695 = memref.load %arg5[%get3A_694] : memref<64xf32, #tpu.memory_space<smem>>
    %mul3A_696 = arith.mulf %get3A_69, %get3A_69 : vector<512x128xf32>
    %mul3A_697 = arith.mulf %mul3A_696, %convert_element_type3A_561 : vector<512x128xf32>
    %reduce_sum3A_698 = vector.shape_cast %mul3A_697 : vector<512x128xf32> to vector<1x512x128xf32>
    %reduce_sum3A_699 = arith.constant dense<0.000000e+00> : vector<1xf32>
    %reduce_sum3A_700 = vector.multi_reduction <add>, %reduce_sum3A_698, %reduce_sum3A_699 [1, 2] : vector<1x512x128xf32> to vector<1xf32>
    %reduce_sum3A_701 = vector.shape_cast %reduce_sum3A_700 : vector<1xf32> to vector<1x1x1xf32>
    %reduce_sum3A_702 = vector.extract %reduce_sum3A_701[0, 0, 0] : f32 from vector<1x1x1xf32>
    %add3A_703 = arith.addf %get3A_695, %reduce_sum3A_702 : f32
    %swap3A_704 = arith.constant 54 : index
    %swap3A_705 = memref.load %arg5[%swap3A_704] : memref<64xf32, #tpu.memory_space<smem>>
    memref.store %add3A_703, %arg5[%swap3A_704] : memref<64xf32, #tpu.memory_space<smem>>
    %get3A_706 = arith.constant 55 : index
    %get3A_707 = memref.load %arg5[%get3A_706] : memref<64xf32, #tpu.memory_space<smem>>
    %mul3A_708 = arith.mulf %get3A_75, %get3A_75 : vector<512x128xf32>
    %mul3A_709 = arith.mulf %mul3A_708, %convert_element_type3A_561 : vector<512x128xf32>
    %reduce_sum3A_710 = vector.shape_cast %mul3A_709 : vector<512x128xf32> to vector<1x512x128xf32>
    %reduce_sum3A_711 = arith.constant dense<0.000000e+00> : vector<1xf32>
    %reduce_sum3A_712 = vector.multi_reduction <add>, %reduce_sum3A_710, %reduce_sum3A_711 [1, 2] : vector<1x512x128xf32> to vector<1xf32>
    %reduce_sum3A_713 = vector.shape_cast %reduce_sum3A_712 : vector<1xf32> to vector<1x1x1xf32>
    %reduce_sum3A_714 = vector.extract %reduce_sum3A_713[0, 0, 0] : f32 from vector<1x1x1xf32>
    %add3A_715 = arith.addf %get3A_707, %reduce_sum3A_714 : f32
    %swap3A_716 = arith.constant 55 : index
    %swap3A_717 = memref.load %arg5[%swap3A_716] : memref<64xf32, #tpu.memory_space<smem>>
    memref.store %add3A_715, %arg5[%swap3A_716] : memref<64xf32, #tpu.memory_space<smem>>
    %eq3A_718 = arith.constant 7 : i32
    %eq3A_719 = arith.cmpi eq, %arg0, %eq3A_718 : i32
    %convert_element_type3A_720 = arith.extui %eq3A_719 : i1 to i32
    %cond3A_721 = arith.constant 0 : i32
    %cond3A_722 = arith.cmpi ne, %convert_element_type3A_720, %cond3A_721 : i32
    scf.if %cond3A_722 {
      %get3A_723 = arith.constant 0 : index
      %get3A_724 = memref.load %arg5[%get3A_723] : memref<64xf32, #tpu.memory_space<smem>>
      %swap3A_725 = arith.constant 0 : index
      %swap3A_726 = arith.constant 0 : index
      %swap3A_727 = memref.load %arg4[%swap3A_725, %swap3A_726] : memref<1x64xf32, #tpu.memory_space<smem>>
      memref.store %get3A_724, %arg4[%swap3A_725, %swap3A_726] : memref<1x64xf32, #tpu.memory_space<smem>>
      %get3A_728 = arith.constant 1 : index
      %get3A_729 = memref.load %arg5[%get3A_728] : memref<64xf32, #tpu.memory_space<smem>>
      %swap3A_730 = arith.constant 0 : index
      %swap3A_731 = arith.constant 1 : index
      %swap3A_732 = memref.load %arg4[%swap3A_730, %swap3A_731] : memref<1x64xf32, #tpu.memory_space<smem>>
      memref.store %get3A_729, %arg4[%swap3A_730, %swap3A_731] : memref<1x64xf32, #tpu.memory_space<smem>>
      %get3A_733 = arith.constant 2 : index
      %get3A_734 = memref.load %arg5[%get3A_733] : memref<64xf32, #tpu.memory_space<smem>>
      %swap3A_735 = arith.constant 0 : index
      %swap3A_736 = arith.constant 2 : index
      %swap3A_737 = memref.load %arg4[%swap3A_735, %swap3A_736] : memref<1x64xf32, #tpu.memory_space<smem>>
      memref.store %get3A_734, %arg4[%swap3A_735, %swap3A_736] : memref<1x64xf32, #tpu.memory_space<smem>>
      %get3A_738 = arith.constant 3 : index
      %get3A_739 = memref.load %arg5[%get3A_738] : memref<64xf32, #tpu.memory_space<smem>>
      %swap3A_740 = arith.constant 0 : index
      %swap3A_741 = arith.constant 3 : index
      %swap3A_742 = memref.load %arg4[%swap3A_740, %swap3A_741] : memref<1x64xf32, #tpu.memory_space<smem>>
      memref.store %get3A_739, %arg4[%swap3A_740, %swap3A_741] : memref<1x64xf32, #tpu.memory_space<smem>>
      %get3A_743 = arith.constant 4 : index
      %get3A_744 = memref.load %arg5[%get3A_743] : memref<64xf32, #tpu.memory_space<smem>>
      %swap3A_745 = arith.constant 0 : index
      %swap3A_746 = arith.constant 4 : index
      %swap3A_747 = memref.load %arg4[%swap3A_745, %swap3A_746] : memref<1x64xf32, #tpu.memory_space<smem>>
      memref.store %get3A_744, %arg4[%swap3A_745, %swap3A_746] : memref<1x64xf32, #tpu.memory_space<smem>>
      %get3A_748 = arith.constant 5 : index
      %get3A_749 = memref.load %arg5[%get3A_748] : memref<64xf32, #tpu.memory_space<smem>>
      %swap3A_750 = arith.constant 0 : index
      %swap3A_751 = arith.constant 5 : index
      %swap3A_752 = memref.load %arg4[%swap3A_750, %swap3A_751] : memref<1x64xf32, #tpu.memory_space<smem>>
      memref.store %get3A_749, %arg4[%swap3A_750, %swap3A_751] : memref<1x64xf32, #tpu.memory_space<smem>>
      %get3A_753 = arith.constant 6 : index
      %get3A_754 = memref.load %arg5[%get3A_753] : memref<64xf32, #tpu.memory_space<smem>>
      %swap3A_755 = arith.constant 0 : index
      %swap3A_756 = arith.constant 6 : index
      %swap3A_757 = memref.load %arg4[%swap3A_755, %swap3A_756] : memref<1x64xf32, #tpu.memory_space<smem>>
      memref.store %get3A_754, %arg4[%swap3A_755, %swap3A_756] : memref<1x64xf32, #tpu.memory_space<smem>>
      %get3A_758 = arith.constant 7 : index
      %get3A_759 = memref.load %arg5[%get3A_758] : memref<64xf32, #tpu.memory_space<smem>>
      %swap3A_760 = arith.constant 0 : index
      %swap3A_761 = arith.constant 7 : index
      %swap3A_762 = memref.load %arg4[%swap3A_760, %swap3A_761] : memref<1x64xf32, #tpu.memory_space<smem>>
      memref.store %get3A_759, %arg4[%swap3A_760, %swap3A_761] : memref<1x64xf32, #tpu.memory_space<smem>>
      %get3A_763 = arith.constant 8 : index
      %get3A_764 = memref.load %arg5[%get3A_763] : memref<64xf32, #tpu.memory_space<smem>>
      %swap3A_765 = arith.constant 0 : index
      %swap3A_766 = arith.constant 8 : index
      %swap3A_767 = memref.load %arg4[%swap3A_765, %swap3A_766] : memref<1x64xf32, #tpu.memory_space<smem>>
      memref.store %get3A_764, %arg4[%swap3A_765, %swap3A_766] : memref<1x64xf32, #tpu.memory_space<smem>>
      %get3A_768 = arith.constant 9 : index
      %get3A_769 = memref.load %arg5[%get3A_768] : memref<64xf32, #tpu.memory_space<smem>>
      %swap3A_770 = arith.constant 0 : index
      %swap3A_771 = arith.constant 9 : index
      %swap3A_772 = memref.load %arg4[%swap3A_770, %swap3A_771] : memref<1x64xf32, #tpu.memory_space<smem>>
      memref.store %get3A_769, %arg4[%swap3A_770, %swap3A_771] : memref<1x64xf32, #tpu.memory_space<smem>>
      %get3A_773 = arith.constant 10 : index
      %get3A_774 = memref.load %arg5[%get3A_773] : memref<64xf32, #tpu.memory_space<smem>>
      %swap3A_775 = arith.constant 0 : index
      %swap3A_776 = arith.constant 10 : index
      %swap3A_777 = memref.load %arg4[%swap3A_775, %swap3A_776] : memref<1x64xf32, #tpu.memory_space<smem>>
      memref.store %get3A_774, %arg4[%swap3A_775, %swap3A_776] : memref<1x64xf32, #tpu.memory_space<smem>>
      %get3A_778 = arith.constant 11 : index
      %get3A_779 = memref.load %arg5[%get3A_778] : memref<64xf32, #tpu.memory_space<smem>>
      %swap3A_780 = arith.constant 0 : index
      %swap3A_781 = arith.constant 11 : index
      %swap3A_782 = memref.load %arg4[%swap3A_780, %swap3A_781] : memref<1x64xf32, #tpu.memory_space<smem>>
      memref.store %get3A_779, %arg4[%swap3A_780, %swap3A_781] : memref<1x64xf32, #tpu.memory_space<smem>>
      %get3A_783 = arith.constant 12 : index
      %get3A_784 = memref.load %arg5[%get3A_783] : memref<64xf32, #tpu.memory_space<smem>>
      %swap3A_785 = arith.constant 0 : index
      %swap3A_786 = arith.constant 12 : index
      %swap3A_787 = memref.load %arg4[%swap3A_785, %swap3A_786] : memref<1x64xf32, #tpu.memory_space<smem>>
      memref.store %get3A_784, %arg4[%swap3A_785, %swap3A_786] : memref<1x64xf32, #tpu.memory_space<smem>>
      %get3A_788 = arith.constant 13 : index
      %get3A_789 = memref.load %arg5[%get3A_788] : memref<64xf32, #tpu.memory_space<smem>>
      %swap3A_790 = arith.constant 0 : index
      %swap3A_791 = arith.constant 13 : index
      %swap3A_792 = memref.load %arg4[%swap3A_790, %swap3A_791] : memref<1x64xf32, #tpu.memory_space<smem>>
      memref.store %get3A_789, %arg4[%swap3A_790, %swap3A_791] : memref<1x64xf32, #tpu.memory_space<smem>>
      %get3A_793 = arith.constant 14 : index
      %get3A_794 = memref.load %arg5[%get3A_793] : memref<64xf32, #tpu.memory_space<smem>>
      %swap3A_795 = arith.constant 0 : index
      %swap3A_796 = arith.constant 14 : index
      %swap3A_797 = memref.load %arg4[%swap3A_795, %swap3A_796] : memref<1x64xf32, #tpu.memory_space<smem>>
      memref.store %get3A_794, %arg4[%swap3A_795, %swap3A_796] : memref<1x64xf32, #tpu.memory_space<smem>>
      %get3A_798 = arith.constant 15 : index
      %get3A_799 = memref.load %arg5[%get3A_798] : memref<64xf32, #tpu.memory_space<smem>>
      %swap3A_800 = arith.constant 0 : index
      %swap3A_801 = arith.constant 15 : index
      %swap3A_802 = memref.load %arg4[%swap3A_800, %swap3A_801] : memref<1x64xf32, #tpu.memory_space<smem>>
      memref.store %get3A_799, %arg4[%swap3A_800, %swap3A_801] : memref<1x64xf32, #tpu.memory_space<smem>>
      %get3A_803 = arith.constant 16 : index
      %get3A_804 = memref.load %arg5[%get3A_803] : memref<64xf32, #tpu.memory_space<smem>>
      %swap3A_805 = arith.constant 0 : index
      %swap3A_806 = arith.constant 16 : index
      %swap3A_807 = memref.load %arg4[%swap3A_805, %swap3A_806] : memref<1x64xf32, #tpu.memory_space<smem>>
      memref.store %get3A_804, %arg4[%swap3A_805, %swap3A_806] : memref<1x64xf32, #tpu.memory_space<smem>>
      %get3A_808 = arith.constant 17 : index
      %get3A_809 = memref.load %arg5[%get3A_808] : memref<64xf32, #tpu.memory_space<smem>>
      %swap3A_810 = arith.constant 0 : index
      %swap3A_811 = arith.constant 17 : index
      %swap3A_812 = memref.load %arg4[%swap3A_810, %swap3A_811] : memref<1x64xf32, #tpu.memory_space<smem>>
      memref.store %get3A_809, %arg4[%swap3A_810, %swap3A_811] : memref<1x64xf32, #tpu.memory_space<smem>>
      %get3A_813 = arith.constant 18 : index
      %get3A_814 = memref.load %arg5[%get3A_813] : memref<64xf32, #tpu.memory_space<smem>>
      %swap3A_815 = arith.constant 0 : index
      %swap3A_816 = arith.constant 18 : index
      %swap3A_817 = memref.load %arg4[%swap3A_815, %swap3A_816] : memref<1x64xf32, #tpu.memory_space<smem>>
      memref.store %get3A_814, %arg4[%swap3A_815, %swap3A_816] : memref<1x64xf32, #tpu.memory_space<smem>>
      %get3A_818 = arith.constant 19 : index
      %get3A_819 = memref.load %arg5[%get3A_818] : memref<64xf32, #tpu.memory_space<smem>>
      %swap3A_820 = arith.constant 0 : index
      %swap3A_821 = arith.constant 19 : index
      %swap3A_822 = memref.load %arg4[%swap3A_820, %swap3A_821] : memref<1x64xf32, #tpu.memory_space<smem>>
      memref.store %get3A_819, %arg4[%swap3A_820, %swap3A_821] : memref<1x64xf32, #tpu.memory_space<smem>>
      %get3A_823 = arith.constant 20 : index
      %get3A_824 = memref.load %arg5[%get3A_823] : memref<64xf32, #tpu.memory_space<smem>>
      %swap3A_825 = arith.constant 0 : index
      %swap3A_826 = arith.constant 20 : index
      %swap3A_827 = memref.load %arg4[%swap3A_825, %swap3A_826] : memref<1x64xf32, #tpu.memory_space<smem>>
      memref.store %get3A_824, %arg4[%swap3A_825, %swap3A_826] : memref<1x64xf32, #tpu.memory_space<smem>>
      %get3A_828 = arith.constant 21 : index
      %get3A_829 = memref.load %arg5[%get3A_828] : memref<64xf32, #tpu.memory_space<smem>>
      %swap3A_830 = arith.constant 0 : index
      %swap3A_831 = arith.constant 21 : index
      %swap3A_832 = memref.load %arg4[%swap3A_830, %swap3A_831] : memref<1x64xf32, #tpu.memory_space<smem>>
      memref.store %get3A_829, %arg4[%swap3A_830, %swap3A_831] : memref<1x64xf32, #tpu.memory_space<smem>>
      %get3A_833 = arith.constant 22 : index
      %get3A_834 = memref.load %arg5[%get3A_833] : memref<64xf32, #tpu.memory_space<smem>>
      %swap3A_835 = arith.constant 0 : index
      %swap3A_836 = arith.constant 22 : index
      %swap3A_837 = memref.load %arg4[%swap3A_835, %swap3A_836] : memref<1x64xf32, #tpu.memory_space<smem>>
      memref.store %get3A_834, %arg4[%swap3A_835, %swap3A_836] : memref<1x64xf32, #tpu.memory_space<smem>>
      %get3A_838 = arith.constant 23 : index
      %get3A_839 = memref.load %arg5[%get3A_838] : memref<64xf32, #tpu.memory_space<smem>>
      %swap3A_840 = arith.constant 0 : index
      %swap3A_841 = arith.constant 23 : index
      %swap3A_842 = memref.load %arg4[%swap3A_840, %swap3A_841] : memref<1x64xf32, #tpu.memory_space<smem>>
      memref.store %get3A_839, %arg4[%swap3A_840, %swap3A_841] : memref<1x64xf32, #tpu.memory_space<smem>>
      %get3A_843 = arith.constant 24 : index
      %get3A_844 = memref.load %arg5[%get3A_843] : memref<64xf32, #tpu.memory_space<smem>>
      %swap3A_845 = arith.constant 0 : index
      %swap3A_846 = arith.constant 24 : index
      %swap3A_847 = memref.load %arg4[%swap3A_845, %swap3A_846] : memref<1x64xf32, #tpu.memory_space<smem>>
      memref.store %get3A_844, %arg4[%swap3A_845, %swap3A_846] : memref<1x64xf32, #tpu.memory_space<smem>>
      %get3A_848 = arith.constant 25 : index
      %get3A_849 = memref.load %arg5[%get3A_848] : memref<64xf32, #tpu.memory_space<smem>>
      %swap3A_850 = arith.constant 0 : index
      %swap3A_851 = arith.constant 25 : index
      %swap3A_852 = memref.load %arg4[%swap3A_850, %swap3A_851] : memref<1x64xf32, #tpu.memory_space<smem>>
      memref.store %get3A_849, %arg4[%swap3A_850, %swap3A_851] : memref<1x64xf32, #tpu.memory_space<smem>>
      %get3A_853 = arith.constant 26 : index
      %get3A_854 = memref.load %arg5[%get3A_853] : memref<64xf32, #tpu.memory_space<smem>>
      %swap3A_855 = arith.constant 0 : index
      %swap3A_856 = arith.constant 26 : index
      %swap3A_857 = memref.load %arg4[%swap3A_855, %swap3A_856] : memref<1x64xf32, #tpu.memory_space<smem>>
      memref.store %get3A_854, %arg4[%swap3A_855, %swap3A_856] : memref<1x64xf32, #tpu.memory_space<smem>>
      %get3A_858 = arith.constant 27 : index
      %get3A_859 = memref.load %arg5[%get3A_858] : memref<64xf32, #tpu.memory_space<smem>>
      %swap3A_860 = arith.constant 0 : index
      %swap3A_861 = arith.constant 27 : index
      %swap3A_862 = memref.load %arg4[%swap3A_860, %swap3A_861] : memref<1x64xf32, #tpu.memory_space<smem>>
      memref.store %get3A_859, %arg4[%swap3A_860, %swap3A_861] : memref<1x64xf32, #tpu.memory_space<smem>>
      %get3A_863 = arith.constant 28 : index
      %get3A_864 = memref.load %arg5[%get3A_863] : memref<64xf32, #tpu.memory_space<smem>>
      %swap3A_865 = arith.constant 0 : index
      %swap3A_866 = arith.constant 28 : index
      %swap3A_867 = memref.load %arg4[%swap3A_865, %swap3A_866] : memref<1x64xf32, #tpu.memory_space<smem>>
      memref.store %get3A_864, %arg4[%swap3A_865, %swap3A_866] : memref<1x64xf32, #tpu.memory_space<smem>>
      %get3A_868 = arith.constant 29 : index
      %get3A_869 = memref.load %arg5[%get3A_868] : memref<64xf32, #tpu.memory_space<smem>>
      %swap3A_870 = arith.constant 0 : index
      %swap3A_871 = arith.constant 29 : index
      %swap3A_872 = memref.load %arg4[%swap3A_870, %swap3A_871] : memref<1x64xf32, #tpu.memory_space<smem>>
      memref.store %get3A_869, %arg4[%swap3A_870, %swap3A_871] : memref<1x64xf32, #tpu.memory_space<smem>>
      %get3A_873 = arith.constant 30 : index
      %get3A_874 = memref.load %arg5[%get3A_873] : memref<64xf32, #tpu.memory_space<smem>>
      %swap3A_875 = arith.constant 0 : index
      %swap3A_876 = arith.constant 30 : index
      %swap3A_877 = memref.load %arg4[%swap3A_875, %swap3A_876] : memref<1x64xf32, #tpu.memory_space<smem>>
      memref.store %get3A_874, %arg4[%swap3A_875, %swap3A_876] : memref<1x64xf32, #tpu.memory_space<smem>>
      %get3A_878 = arith.constant 31 : index
      %get3A_879 = memref.load %arg5[%get3A_878] : memref<64xf32, #tpu.memory_space<smem>>
      %swap3A_880 = arith.constant 0 : index
      %swap3A_881 = arith.constant 31 : index
      %swap3A_882 = memref.load %arg4[%swap3A_880, %swap3A_881] : memref<1x64xf32, #tpu.memory_space<smem>>
      memref.store %get3A_879, %arg4[%swap3A_880, %swap3A_881] : memref<1x64xf32, #tpu.memory_space<smem>>
      %get3A_883 = arith.constant 32 : index
      %get3A_884 = memref.load %arg5[%get3A_883] : memref<64xf32, #tpu.memory_space<smem>>
      %swap3A_885 = arith.constant 0 : index
      %swap3A_886 = arith.constant 32 : index
      %swap3A_887 = memref.load %arg4[%swap3A_885, %swap3A_886] : memref<1x64xf32, #tpu.memory_space<smem>>
      memref.store %get3A_884, %arg4[%swap3A_885, %swap3A_886] : memref<1x64xf32, #tpu.memory_space<smem>>
      %get3A_888 = arith.constant 33 : index
      %get3A_889 = memref.load %arg5[%get3A_888] : memref<64xf32, #tpu.memory_space<smem>>
      %swap3A_890 = arith.constant 0 : index
      %swap3A_891 = arith.constant 33 : index
      %swap3A_892 = memref.load %arg4[%swap3A_890, %swap3A_891] : memref<1x64xf32, #tpu.memory_space<smem>>
      memref.store %get3A_889, %arg4[%swap3A_890, %swap3A_891] : memref<1x64xf32, #tpu.memory_space<smem>>
      %get3A_893 = arith.constant 34 : index
      %get3A_894 = memref.load %arg5[%get3A_893] : memref<64xf32, #tpu.memory_space<smem>>
      %swap3A_895 = arith.constant 0 : index
      %swap3A_896 = arith.constant 34 : index
      %swap3A_897 = memref.load %arg4[%swap3A_895, %swap3A_896] : memref<1x64xf32, #tpu.memory_space<smem>>
      memref.store %get3A_894, %arg4[%swap3A_895, %swap3A_896] : memref<1x64xf32, #tpu.memory_space<smem>>
      %get3A_898 = arith.constant 35 : index
      %get3A_899 = memref.load %arg5[%get3A_898] : memref<64xf32, #tpu.memory_space<smem>>
      %swap3A_900 = arith.constant 0 : index
      %swap3A_901 = arith.constant 35 : index
      %swap3A_902 = memref.load %arg4[%swap3A_900, %swap3A_901] : memref<1x64xf32, #tpu.memory_space<smem>>
      memref.store %get3A_899, %arg4[%swap3A_900, %swap3A_901] : memref<1x64xf32, #tpu.memory_space<smem>>
      %get3A_903 = arith.constant 36 : index
      %get3A_904 = memref.load %arg5[%get3A_903] : memref<64xf32, #tpu.memory_space<smem>>
      %swap3A_905 = arith.constant 0 : index
      %swap3A_906 = arith.constant 36 : index
      %swap3A_907 = memref.load %arg4[%swap3A_905, %swap3A_906] : memref<1x64xf32, #tpu.memory_space<smem>>
      memref.store %get3A_904, %arg4[%swap3A_905, %swap3A_906] : memref<1x64xf32, #tpu.memory_space<smem>>
      %get3A_908 = arith.constant 37 : index
      %get3A_909 = memref.load %arg5[%get3A_908] : memref<64xf32, #tpu.memory_space<smem>>
      %swap3A_910 = arith.constant 0 : index
      %swap3A_911 = arith.constant 37 : index
      %swap3A_912 = memref.load %arg4[%swap3A_910, %swap3A_911] : memref<1x64xf32, #tpu.memory_space<smem>>
      memref.store %get3A_909, %arg4[%swap3A_910, %swap3A_911] : memref<1x64xf32, #tpu.memory_space<smem>>
      %get3A_913 = arith.constant 38 : index
      %get3A_914 = memref.load %arg5[%get3A_913] : memref<64xf32, #tpu.memory_space<smem>>
      %swap3A_915 = arith.constant 0 : index
      %swap3A_916 = arith.constant 38 : index
      %swap3A_917 = memref.load %arg4[%swap3A_915, %swap3A_916] : memref<1x64xf32, #tpu.memory_space<smem>>
      memref.store %get3A_914, %arg4[%swap3A_915, %swap3A_916] : memref<1x64xf32, #tpu.memory_space<smem>>
      %get3A_918 = arith.constant 39 : index
      %get3A_919 = memref.load %arg5[%get3A_918] : memref<64xf32, #tpu.memory_space<smem>>
      %swap3A_920 = arith.constant 0 : index
      %swap3A_921 = arith.constant 39 : index
      %swap3A_922 = memref.load %arg4[%swap3A_920, %swap3A_921] : memref<1x64xf32, #tpu.memory_space<smem>>
      memref.store %get3A_919, %arg4[%swap3A_920, %swap3A_921] : memref<1x64xf32, #tpu.memory_space<smem>>
      %get3A_923 = arith.constant 40 : index
      %get3A_924 = memref.load %arg5[%get3A_923] : memref<64xf32, #tpu.memory_space<smem>>
      %swap3A_925 = arith.constant 0 : index
      %swap3A_926 = arith.constant 40 : index
      %swap3A_927 = memref.load %arg4[%swap3A_925, %swap3A_926] : memref<1x64xf32, #tpu.memory_space<smem>>
      memref.store %get3A_924, %arg4[%swap3A_925, %swap3A_926] : memref<1x64xf32, #tpu.memory_space<smem>>
      %get3A_928 = arith.constant 41 : index
      %get3A_929 = memref.load %arg5[%get3A_928] : memref<64xf32, #tpu.memory_space<smem>>
      %swap3A_930 = arith.constant 0 : index
      %swap3A_931 = arith.constant 41 : index
      %swap3A_932 = memref.load %arg4[%swap3A_930, %swap3A_931] : memref<1x64xf32, #tpu.memory_space<smem>>
      memref.store %get3A_929, %arg4[%swap3A_930, %swap3A_931] : memref<1x64xf32, #tpu.memory_space<smem>>
      %get3A_933 = arith.constant 42 : index
      %get3A_934 = memref.load %arg5[%get3A_933] : memref<64xf32, #tpu.memory_space<smem>>
      %swap3A_935 = arith.constant 0 : index
      %swap3A_936 = arith.constant 42 : index
      %swap3A_937 = memref.load %arg4[%swap3A_935, %swap3A_936] : memref<1x64xf32, #tpu.memory_space<smem>>
      memref.store %get3A_934, %arg4[%swap3A_935, %swap3A_936] : memref<1x64xf32, #tpu.memory_space<smem>>
      %get3A_938 = arith.constant 43 : index
      %get3A_939 = memref.load %arg5[%get3A_938] : memref<64xf32, #tpu.memory_space<smem>>
      %swap3A_940 = arith.constant 0 : index
      %swap3A_941 = arith.constant 43 : index
      %swap3A_942 = memref.load %arg4[%swap3A_940, %swap3A_941] : memref<1x64xf32, #tpu.memory_space<smem>>
      memref.store %get3A_939, %arg4[%swap3A_940, %swap3A_941] : memref<1x64xf32, #tpu.memory_space<smem>>
      %get3A_943 = arith.constant 44 : index
      %get3A_944 = memref.load %arg5[%get3A_943] : memref<64xf32, #tpu.memory_space<smem>>
      %swap3A_945 = arith.constant 0 : index
      %swap3A_946 = arith.constant 44 : index
      %swap3A_947 = memref.load %arg4[%swap3A_945, %swap3A_946] : memref<1x64xf32, #tpu.memory_space<smem>>
      memref.store %get3A_944, %arg4[%swap3A_945, %swap3A_946] : memref<1x64xf32, #tpu.memory_space<smem>>
      %get3A_948 = arith.constant 45 : index
      %get3A_949 = memref.load %arg5[%get3A_948] : memref<64xf32, #tpu.memory_space<smem>>
      %swap3A_950 = arith.constant 0 : index
      %swap3A_951 = arith.constant 45 : index
      %swap3A_952 = memref.load %arg4[%swap3A_950, %swap3A_951] : memref<1x64xf32, #tpu.memory_space<smem>>
      memref.store %get3A_949, %arg4[%swap3A_950, %swap3A_951] : memref<1x64xf32, #tpu.memory_space<smem>>
      %get3A_953 = arith.constant 46 : index
      %get3A_954 = memref.load %arg5[%get3A_953] : memref<64xf32, #tpu.memory_space<smem>>
      %swap3A_955 = arith.constant 0 : index
      %swap3A_956 = arith.constant 46 : index
      %swap3A_957 = memref.load %arg4[%swap3A_955, %swap3A_956] : memref<1x64xf32, #tpu.memory_space<smem>>
      memref.store %get3A_954, %arg4[%swap3A_955, %swap3A_956] : memref<1x64xf32, #tpu.memory_space<smem>>
      %get3A_958 = arith.constant 47 : index
      %get3A_959 = memref.load %arg5[%get3A_958] : memref<64xf32, #tpu.memory_space<smem>>
      %swap3A_960 = arith.constant 0 : index
      %swap3A_961 = arith.constant 47 : index
      %swap3A_962 = memref.load %arg4[%swap3A_960, %swap3A_961] : memref<1x64xf32, #tpu.memory_space<smem>>
      memref.store %get3A_959, %arg4[%swap3A_960, %swap3A_961] : memref<1x64xf32, #tpu.memory_space<smem>>
      %get3A_963 = arith.constant 48 : index
      %get3A_964 = memref.load %arg5[%get3A_963] : memref<64xf32, #tpu.memory_space<smem>>
      %swap3A_965 = arith.constant 0 : index
      %swap3A_966 = arith.constant 48 : index
      %swap3A_967 = memref.load %arg4[%swap3A_965, %swap3A_966] : memref<1x64xf32, #tpu.memory_space<smem>>
      memref.store %get3A_964, %arg4[%swap3A_965, %swap3A_966] : memref<1x64xf32, #tpu.memory_space<smem>>
      %get3A_968 = arith.constant 49 : index
      %get3A_969 = memref.load %arg5[%get3A_968] : memref<64xf32, #tpu.memory_space<smem>>
      %swap3A_970 = arith.constant 0 : index
      %swap3A_971 = arith.constant 49 : index
      %swap3A_972 = memref.load %arg4[%swap3A_970, %swap3A_971] : memref<1x64xf32, #tpu.memory_space<smem>>
      memref.store %get3A_969, %arg4[%swap3A_970, %swap3A_971] : memref<1x64xf32, #tpu.memory_space<smem>>
      %get3A_973 = arith.constant 50 : index
      %get3A_974 = memref.load %arg5[%get3A_973] : memref<64xf32, #tpu.memory_space<smem>>
      %swap3A_975 = arith.constant 0 : index
      %swap3A_976 = arith.constant 50 : index
      %swap3A_977 = memref.load %arg4[%swap3A_975, %swap3A_976] : memref<1x64xf32, #tpu.memory_space<smem>>
      memref.store %get3A_974, %arg4[%swap3A_975, %swap3A_976] : memref<1x64xf32, #tpu.memory_space<smem>>
      %get3A_978 = arith.constant 51 : index
      %get3A_979 = memref.load %arg5[%get3A_978] : memref<64xf32, #tpu.memory_space<smem>>
      %swap3A_980 = arith.constant 0 : index
      %swap3A_981 = arith.constant 51 : index
      %swap3A_982 = memref.load %arg4[%swap3A_980, %swap3A_981] : memref<1x64xf32, #tpu.memory_space<smem>>
      memref.store %get3A_979, %arg4[%swap3A_980, %swap3A_981] : memref<1x64xf32, #tpu.memory_space<smem>>
      %get3A_983 = arith.constant 52 : index
      %get3A_984 = memref.load %arg5[%get3A_983] : memref<64xf32, #tpu.memory_space<smem>>
      %swap3A_985 = arith.constant 0 : index
      %swap3A_986 = arith.constant 52 : index
      %swap3A_987 = memref.load %arg4[%swap3A_985, %swap3A_986] : memref<1x64xf32, #tpu.memory_space<smem>>
      memref.store %get3A_984, %arg4[%swap3A_985, %swap3A_986] : memref<1x64xf32, #tpu.memory_space<smem>>
      %get3A_988 = arith.constant 53 : index
      %get3A_989 = memref.load %arg5[%get3A_988] : memref<64xf32, #tpu.memory_space<smem>>
      %swap3A_990 = arith.constant 0 : index
      %swap3A_991 = arith.constant 53 : index
      %swap3A_992 = memref.load %arg4[%swap3A_990, %swap3A_991] : memref<1x64xf32, #tpu.memory_space<smem>>
      memref.store %get3A_989, %arg4[%swap3A_990, %swap3A_991] : memref<1x64xf32, #tpu.memory_space<smem>>
      %get3A_993 = arith.constant 54 : index
      %get3A_994 = memref.load %arg5[%get3A_993] : memref<64xf32, #tpu.memory_space<smem>>
      %swap3A_995 = arith.constant 0 : index
      %swap3A_996 = arith.constant 54 : index
      %swap3A_997 = memref.load %arg4[%swap3A_995, %swap3A_996] : memref<1x64xf32, #tpu.memory_space<smem>>
      memref.store %get3A_994, %arg4[%swap3A_995, %swap3A_996] : memref<1x64xf32, #tpu.memory_space<smem>>
      %get3A_998 = arith.constant 55 : index
      %get3A_999 = memref.load %arg5[%get3A_998] : memref<64xf32, #tpu.memory_space<smem>>
      %swap3A_1000 = arith.constant 0 : index
      %swap3A_1001 = arith.constant 55 : index
      %swap3A_1002 = memref.load %arg4[%swap3A_1000, %swap3A_1001] : memref<1x64xf32, #tpu.memory_space<smem>>
      memref.store %get3A_999, %arg4[%swap3A_1000, %swap3A_1001] : memref<1x64xf32, #tpu.memory_space<smem>>
      %get3A_1003 = arith.constant 56 : index
      %get3A_1004 = memref.load %arg5[%get3A_1003] : memref<64xf32, #tpu.memory_space<smem>>
      %swap3A_1005 = arith.constant 0 : index
      %swap3A_1006 = arith.constant 56 : index
      %swap3A_1007 = memref.load %arg4[%swap3A_1005, %swap3A_1006] : memref<1x64xf32, #tpu.memory_space<smem>>
      memref.store %get3A_1004, %arg4[%swap3A_1005, %swap3A_1006] : memref<1x64xf32, #tpu.memory_space<smem>>
      %get3A_1008 = arith.constant 57 : index
      %get3A_1009 = memref.load %arg5[%get3A_1008] : memref<64xf32, #tpu.memory_space<smem>>
      %swap3A_1010 = arith.constant 0 : index
      %swap3A_1011 = arith.constant 57 : index
      %swap3A_1012 = memref.load %arg4[%swap3A_1010, %swap3A_1011] : memref<1x64xf32, #tpu.memory_space<smem>>
      memref.store %get3A_1009, %arg4[%swap3A_1010, %swap3A_1011] : memref<1x64xf32, #tpu.memory_space<smem>>
      %get3A_1013 = arith.constant 58 : index
      %get3A_1014 = memref.load %arg5[%get3A_1013] : memref<64xf32, #tpu.memory_space<smem>>
      %swap3A_1015 = arith.constant 0 : index
      %swap3A_1016 = arith.constant 58 : index
      %swap3A_1017 = memref.load %arg4[%swap3A_1015, %swap3A_1016] : memref<1x64xf32, #tpu.memory_space<smem>>
      memref.store %get3A_1014, %arg4[%swap3A_1015, %swap3A_1016] : memref<1x64xf32, #tpu.memory_space<smem>>
      %get3A_1018 = arith.constant 59 : index
      %get3A_1019 = memref.load %arg5[%get3A_1018] : memref<64xf32, #tpu.memory_space<smem>>
      %swap3A_1020 = arith.constant 0 : index
      %swap3A_1021 = arith.constant 59 : index
      %swap3A_1022 = memref.load %arg4[%swap3A_1020, %swap3A_1021] : memref<1x64xf32, #tpu.memory_space<smem>>
      memref.store %get3A_1019, %arg4[%swap3A_1020, %swap3A_1021] : memref<1x64xf32, #tpu.memory_space<smem>>
      %get3A_1023 = arith.constant 60 : index
      %get3A_1024 = memref.load %arg5[%get3A_1023] : memref<64xf32, #tpu.memory_space<smem>>
      %swap3A_1025 = arith.constant 0 : index
      %swap3A_1026 = arith.constant 60 : index
      %swap3A_1027 = memref.load %arg4[%swap3A_1025, %swap3A_1026] : memref<1x64xf32, #tpu.memory_space<smem>>
      memref.store %get3A_1024, %arg4[%swap3A_1025, %swap3A_1026] : memref<1x64xf32, #tpu.memory_space<smem>>
      %get3A_1028 = arith.constant 61 : index
      %get3A_1029 = memref.load %arg5[%get3A_1028] : memref<64xf32, #tpu.memory_space<smem>>
      %swap3A_1030 = arith.constant 0 : index
      %swap3A_1031 = arith.constant 61 : index
      %swap3A_1032 = memref.load %arg4[%swap3A_1030, %swap3A_1031] : memref<1x64xf32, #tpu.memory_space<smem>>
      memref.store %get3A_1029, %arg4[%swap3A_1030, %swap3A_1031] : memref<1x64xf32, #tpu.memory_space<smem>>
      %get3A_1033 = arith.constant 62 : index
      %get3A_1034 = memref.load %arg5[%get3A_1033] : memref<64xf32, #tpu.memory_space<smem>>
      %swap3A_1035 = arith.constant 0 : index
      %swap3A_1036 = arith.constant 62 : index
      %swap3A_1037 = memref.load %arg4[%swap3A_1035, %swap3A_1036] : memref<1x64xf32, #tpu.memory_space<smem>>
      memref.store %get3A_1034, %arg4[%swap3A_1035, %swap3A_1036] : memref<1x64xf32, #tpu.memory_space<smem>>
      %get3A_1038 = arith.constant 63 : index
      %get3A_1039 = memref.load %arg5[%get3A_1038] : memref<64xf32, #tpu.memory_space<smem>>
      %swap3A_1040 = arith.constant 0 : index
      %swap3A_1041 = arith.constant 63 : index
      %swap3A_1042 = memref.load %arg4[%swap3A_1040, %swap3A_1041] : memref<1x64xf32, #tpu.memory_space<smem>>
      memref.store %get3A_1039, %arg4[%swap3A_1040, %swap3A_1041] : memref<1x64xf32, #tpu.memory_space<smem>>
    } else {
    }
    return
  }
  func.func @transform_0(%arg0: i32) -> (i32, i32, i32, i32) {
    %c0_i32 = arith.constant 0 : i32
    %c1_i32 = arith.constant 1 : i32
    %c0_i32_0 = arith.constant 0 : i32
    %c0_i32_1 = arith.constant 0 : i32
    return %c0_i32, %c1_i32, %arg0, %c0_i32_0 : i32, i32, i32, i32
  }
  func.func @transform_1(%arg0: i32) -> (i32, i32, i32) {
    %c0_i32 = arith.constant 0 : i32
    %c0_i32_0 = arith.constant 0 : i32
    %c0_i32_1 = arith.constant 0 : i32
    return %c0_i32, %arg0, %c0_i32_0 : i32, i32, i32
  }
  func.func @transform_2(%arg0: i32) -> (i32, i32, i32) {
    %c0_i32 = arith.constant 0 : i32
    %c0_i32_0 = arith.constant 0 : i32
    %c0_i32_1 = arith.constant 0 : i32
    return %c0_i32, %arg0, %c0_i32_0 : i32, i32, i32
  }
  func.func @transform_3(%arg0: i32) -> (i32, i32) {
    %c0_i32 = arith.constant 0 : i32
    %c0_i32_0 = arith.constant 0 : i32
    %c0_i32_1 = arith.constant 0 : i32
    return %c0_i32, %c0_i32_0 : i32, i32
  }
}

module attributes {stable_mosaic.version = 14 : i64} {
  func.func @_fin_body(%arg0: i32, %arg1: memref<2x128x128xf32, #tpu.memory_space<vmem>>, %arg2: memref<2x128x128xf32, #tpu.memory_space<vmem>>, %arg3: memref<1x64xf32, #tpu.memory_space<smem>>, %arg4: memref<1x64xf32, #tpu.memory_space<smem>>, %arg5: memref<1x8xf32, #tpu.memory_space<smem>>, %arg6: memref<1x8xf32, #tpu.memory_space<smem>>, %arg7: memref<1xf32, #tpu.memory_space<smem>>) attributes {dimension_semantics = [#tpu.dimension_semantics<arbitrary>], iteration_bounds = array<i64: 1>, scalar_prefetch = 0 : i64, scratch_operands = 0 : i64, tpu.core_type = #tpu.core_type<tc>, window_params = [{pipeline_mode = #tpu.pipeline_mode<synchronous>, transform_indices = @transform_0, window_bounds = array<i64: 2, 128, 128>}, {pipeline_mode = #tpu.pipeline_mode<synchronous>, transform_indices = @transform_1, window_bounds = array<i64: 2, 128, 128>}, {transform_indices = @transform_2, window_bounds = array<i64: 1, 64>}, {transform_indices = @transform_3, window_bounds = array<i64: 1, 64>}, {transform_indices = @transform_4, window_bounds = array<i64: 1, 8>}, {transform_indices = @transform_5, window_bounds = array<i64: 1, 8>}, {transform_indices = @transform_6, window_bounds = array<i64: 1>}]} {
    %iota3A = tpu.iota {dimensions = array<i32: 0>} : vector<128x128xi32>
    %iota3A_0 = tpu.iota {dimensions = array<i32: 1>} : vector<128x128xi32>
    %ge3A = arith.cmpi sge, %iota3A, %iota3A_0 : vector<128x128xi32>
    %convert_element_type3A = arith.extui %ge3A : vector<128x128xi1> to vector<128x128xi32>
    %convert_element_type3A_1 = arith.sitofp %convert_element_type3A : vector<128x128xi32> to vector<128x128xf32>
    %iota3A_2 = tpu.iota {dimensions = array<i32: 0>} : vector<16x16xi32>
    %iota3A_3 = tpu.iota {dimensions = array<i32: 1>} : vector<16x16xi32>
    %gt3A = arith.cmpi sgt, %iota3A_3, %iota3A_2 : vector<16x16xi32>
    %convert_element_type3A_4 = arith.extui %gt3A : vector<16x16xi1> to vector<16x16xi32>
    %convert_element_type3A_5 = arith.sitofp %convert_element_type3A_4 : vector<16x16xi32> to vector<16x16xf32>
    %get3A = arith.constant 0 : index
    %get3A_6 = arith.constant 0 : index
    %get3A_7 = arith.constant 0 : index
    %get3A_8 = vector.load %arg1[%get3A, %get3A_6, %get3A_7] : memref<2x128x128xf32, #tpu.memory_space<vmem>>, vector<1x128x128xf32>
    %get3A_9 = vector.shape_cast %get3A_8 : vector<1x128x128xf32> to vector<128x128xf32>
    %get3A_10 = arith.constant 1 : index
    %get3A_11 = arith.constant 0 : index
    %get3A_12 = arith.constant 0 : index
    %get3A_13 = vector.load %arg1[%get3A_10, %get3A_11, %get3A_12] : memref<2x128x128xf32, #tpu.memory_space<vmem>>, vector<1x128x128xf32>
    %get3A_14 = vector.shape_cast %get3A_13 : vector<1x128x128xf32> to vector<128x128xf32>
    %add3A = arith.addf %get3A_9, %get3A_14 : vector<128x128xf32>
    %get3A_15 = arith.constant 0 : index
    %get3A_16 = arith.constant 4 : index
    %get3A_17 = memref.load %arg5[%get3A_15, %get3A_16] : memref<1x8xf32, #tpu.memory_space<smem>>
    %slice3A = vector.extract_strided_slice %add3A {offsets = [0, 0], sizes = [16, 128], strides = [1, 1]} : vector<128x128xf32> to vector<16x128xf32>
    %slice3A_18 = vector.extract_strided_slice %add3A {offsets = [16, 0], sizes = [16, 128], strides = [1, 1]} : vector<128x128xf32> to vector<16x128xf32>
    %add3A_19 = arith.addf %slice3A, %slice3A_18 : vector<16x128xf32>
    %dot_general3A = arith.constant dense<0.000000e+00> : vector<16x128xf32>
    %dot_general3A_20 = tpu.matmul %add3A_19, %convert_element_type3A_1, %dot_general3A {dimension_numbers = #tpu.dot_dimension_numbers<[1], [0], [0], [1], [0, 0, 1, 1], [], []>, transpose_lhs_hint = false} : vector<16x128xf32>, vector<128x128xf32>, vector<16x128xf32> -> vector<16x128xf32>
    %dot_general3A_21 = arith.constant dense<0.000000e+00> : vector<16x128xf32>
    %dot_general3A_22 = tpu.matmul %slice3A_18, %convert_element_type3A_1, %dot_general3A_21 {dimension_numbers = #tpu.dot_dimension_numbers<[1], [0], [0], [1], [0, 0, 1, 1], [], []>, transpose_lhs_hint = false} : vector<16x128xf32>, vector<128x128xf32>, vector<16x128xf32> -> vector<16x128xf32>
    %slice3A_23 = vector.extract_strided_slice %dot_general3A_20 {offsets = [0, 0], sizes = [16, 1], strides = [1, 1]} : vector<16x128xf32> to vector<16x1xf32>
    %dot_general3A_24 = arith.constant dense<0.000000e+00> : vector<16x1xf32>
    %dot_general3A_25 = tpu.matmul %convert_element_type3A_5, %slice3A_23, %dot_general3A_24 {dimension_numbers = #tpu.dot_dimension_numbers<[1], [0], [0], [1], [0, 0, 1, 1], [], []>, transpose_lhs_hint = false} : vector<16x16xf32>, vector<16x1xf32>, vector<16x1xf32> -> vector<16x1xf32>
    %slice3A_26 = vector.extract_strided_slice %dot_general3A_22 {offsets = [0, 0], sizes = [16, 1], strides = [1, 1]} : vector<16x128xf32> to vector<16x1xf32>
    %dot_general3A_27 = arith.constant dense<0.000000e+00> : vector<16x1xf32>
    %dot_general3A_28 = tpu.matmul %convert_element_type3A_5, %slice3A_26, %dot_general3A_27 {dimension_numbers = #tpu.dot_dimension_numbers<[1], [0], [0], [1], [0, 0, 1, 1], [], []>, transpose_lhs_hint = false} : vector<16x16xf32>, vector<16x1xf32>, vector<16x1xf32> -> vector<16x1xf32>
    %add3A_29 = vector.broadcast %dot_general3A_25 : vector<16x1xf32> to vector<16x128xf32>
    %add3A_30 = arith.addf %dot_general3A_20, %add3A_29 : vector<16x128xf32>
    %add3A_31 = vector.broadcast %dot_general3A_28 : vector<16x1xf32> to vector<16x128xf32>
    %add3A_32 = arith.addf %dot_general3A_22, %add3A_31 : vector<16x128xf32>
    %get3A_33 = arith.constant 0 : index
    %get3A_34 = arith.constant 0 : index
    %get3A_35 = memref.load %arg3[%get3A_33, %get3A_34] : memref<1x64xf32, #tpu.memory_space<smem>>
    %gt3A_36 = arith.constant 0.000000e+00 : f32
    %gt3A_37 = arith.cmpf ogt, %get3A_35, %gt3A_36 : f32
    %convert_element_type3A_38 = arith.extui %gt3A_37 : i1 to i32
    %convert_element_type3A_39 = arith.sitofp %convert_element_type3A_38 : i32 to f32
    %max3A = arith.constant 1.000000e+00 : f32
    %max3A_40 = arith.maximumf %get3A_35, %max3A : f32
    %sub3A = vector.broadcast %get3A_35 : f32 to vector<16x128xf32>
    %sub3A_41 = arith.subf %sub3A, %add3A_32 : vector<16x128xf32>
    %add3A_42 = vector.broadcast %get3A_35 : f32 to vector<16x128xf32>
    %add3A_43 = arith.addf %add3A_42, %add3A_30 : vector<16x128xf32>
    %sub3A_44 = arith.subf %add3A_43, %add3A_32 : vector<16x128xf32>
    %max3A_45 = arith.constant 1.000000e+00 : f32
    %max3A_46 = vector.broadcast %max3A_45 : f32 to vector<16x128xf32>
    %max3A_47 = arith.maximumf %sub3A_44, %max3A_46 : vector<16x128xf32>
    %div3A = arith.divf %sub3A_41, %max3A_47 : vector<16x128xf32>
    %max3A_48 = arith.constant 1.000000e+00 : f32
    %max3A_49 = arith.maximumf %get3A_35, %max3A_48 : f32
    %div3A_50 = arith.divf %get3A_35, %max3A_49 : f32
    %reduce_sum3A = vector.shape_cast %div3A : vector<16x128xf32> to vector<1x16x128xf32>
    %reduce_sum3A_51 = arith.constant dense<0.000000e+00> : vector<1xf32>
    %reduce_sum3A_52 = vector.multi_reduction <add>, %reduce_sum3A, %reduce_sum3A_51 [1, 2] : vector<1x16x128xf32> to vector<1xf32>
    %reduce_sum3A_53 = vector.shape_cast %reduce_sum3A_52 : vector<1xf32> to vector<1x1x1xf32>
    %reduce_sum3A_54 = vector.extract %reduce_sum3A_53[0, 0, 0] : f32 from vector<1x1x1xf32>
    %add3A_55 = arith.addf %reduce_sum3A_54, %div3A_50 : f32
    %mul3A = arith.constant 5.000000e-01 : f32
    %mul3A_56 = arith.mulf %mul3A, %div3A_50 : f32
    %sub3A_57 = arith.subf %add3A_55, %mul3A_56 : f32
    %mul3A_58 = arith.constant 9.765625E-4 : f32
    %mul3A_59 = arith.mulf %mul3A_58, %sub3A_57 : f32
    %sub3A_60 = arith.constant 2.000000e+00 : f32
    %sub3A_61 = arith.subf %sub3A_60, %mul3A_59 : f32
    %mul3A_62 = arith.mulf %convert_element_type3A_39, %sub3A_61 : f32
    %add3A_63 = arith.constant 0.000000e+00 : f32
    %add3A_64 = arith.addf %add3A_63, %mul3A_62 : f32
    %get3A_65 = arith.constant 0 : index
    %get3A_66 = arith.constant 8 : index
    %get3A_67 = memref.load %arg3[%get3A_65, %get3A_66] : memref<1x64xf32, #tpu.memory_space<smem>>
    %get3A_68 = arith.constant 0 : index
    %get3A_69 = arith.constant 11 : index
    %get3A_70 = memref.load %arg3[%get3A_68, %get3A_69] : memref<1x64xf32, #tpu.memory_space<smem>>
    %div3A_71 = arith.divf %get3A_67, %max3A_40 : f32
    %mul3A_72 = arith.constant 2.000000e+00 : f32
    %mul3A_73 = arith.mulf %mul3A_72, %div3A_71 : f32
    %mul3A_74 = arith.mulf %mul3A_73, %get3A_67 : f32
    %sub3A_75 = arith.subf %get3A_70, %mul3A_74 : f32
    %mul3A_76 = arith.mulf %div3A_71, %div3A_71 : f32
    %mul3A_77 = arith.mulf %mul3A_76, %get3A_35 : f32
    %add3A_78 = arith.addf %sub3A_75, %mul3A_77 : f32
    %add3A_79 = arith.constant 0.000000e+00 : f32
    %add3A_80 = arith.addf %add3A_79, %add3A_78 : f32
    %get3A_81 = arith.constant 0 : index
    %get3A_82 = arith.constant 9 : index
    %get3A_83 = memref.load %arg3[%get3A_81, %get3A_82] : memref<1x64xf32, #tpu.memory_space<smem>>
    %get3A_84 = arith.constant 0 : index
    %get3A_85 = arith.constant 12 : index
    %get3A_86 = memref.load %arg3[%get3A_84, %get3A_85] : memref<1x64xf32, #tpu.memory_space<smem>>
    %div3A_87 = arith.divf %get3A_83, %max3A_40 : f32
    %mul3A_88 = arith.constant 2.000000e+00 : f32
    %mul3A_89 = arith.mulf %mul3A_88, %div3A_87 : f32
    %mul3A_90 = arith.mulf %mul3A_89, %get3A_83 : f32
    %sub3A_91 = arith.subf %get3A_86, %mul3A_90 : f32
    %mul3A_92 = arith.mulf %div3A_87, %div3A_87 : f32
    %mul3A_93 = arith.mulf %mul3A_92, %get3A_35 : f32
    %add3A_94 = arith.addf %sub3A_91, %mul3A_93 : f32
    %add3A_95 = arith.addf %add3A_80, %add3A_94 : f32
    %get3A_96 = arith.constant 0 : index
    %get3A_97 = arith.constant 10 : index
    %get3A_98 = memref.load %arg3[%get3A_96, %get3A_97] : memref<1x64xf32, #tpu.memory_space<smem>>
    %get3A_99 = arith.constant 0 : index
    %get3A_100 = arith.constant 13 : index
    %get3A_101 = memref.load %arg3[%get3A_99, %get3A_100] : memref<1x64xf32, #tpu.memory_space<smem>>
    %div3A_102 = arith.divf %get3A_98, %max3A_40 : f32
    %mul3A_103 = arith.constant 2.000000e+00 : f32
    %mul3A_104 = arith.mulf %mul3A_103, %div3A_102 : f32
    %mul3A_105 = arith.mulf %mul3A_104, %get3A_98 : f32
    %sub3A_106 = arith.subf %get3A_101, %mul3A_105 : f32
    %mul3A_107 = arith.mulf %div3A_102, %div3A_102 : f32
    %mul3A_108 = arith.mulf %mul3A_107, %get3A_35 : f32
    %add3A_109 = arith.addf %sub3A_106, %mul3A_108 : f32
    %add3A_110 = arith.addf %add3A_95, %add3A_109 : f32
    %mul3A_111 = arith.mulf %convert_element_type3A_39, %add3A_110 : f32
    %mul3A_112 = arith.constant 3.000000e+00 : f32
    %mul3A_113 = arith.mulf %mul3A_112, %max3A_40 : f32
    %div3A_114 = arith.divf %mul3A_111, %mul3A_113 : f32
    %add3A_115 = arith.constant 0.000000e+00 : f32
    %add3A_116 = arith.addf %add3A_115, %div3A_114 : f32
    %mul3A_117 = arith.constant 1.000000e+01 : f32
    %mul3A_118 = arith.mulf %convert_element_type3A_39, %mul3A_117 : f32
    %get3A_119 = arith.constant 0 : index
    %get3A_120 = arith.constant 0 : index
    %get3A_121 = memref.load %arg5[%get3A_119, %get3A_120] : memref<1x8xf32, #tpu.memory_space<smem>>
    %mul3A_122 = arith.mulf %mul3A_118, %get3A_121 : f32
    %add3A_123 = arith.addf %get3A_17, %mul3A_122 : f32
    %add3A_124 = arith.constant 0.000000e+00 : f32
    %add3A_125 = arith.addf %add3A_124, %convert_element_type3A_39 : f32
    %slice3A_126 = vector.extract_strided_slice %add3A {offsets = [32, 0], sizes = [16, 128], strides = [1, 1]} : vector<128x128xf32> to vector<16x128xf32>
    %slice3A_127 = vector.extract_strided_slice %add3A {offsets = [48, 0], sizes = [16, 128], strides = [1, 1]} : vector<128x128xf32> to vector<16x128xf32>
    %add3A_128 = arith.addf %slice3A_126, %slice3A_127 : vector<16x128xf32>
    %dot_general3A_129 = arith.constant dense<0.000000e+00> : vector<16x128xf32>
    %dot_general3A_130 = tpu.matmul %add3A_128, %convert_element_type3A_1, %dot_general3A_129 {dimension_numbers = #tpu.dot_dimension_numbers<[1], [0], [0], [1], [0, 0, 1, 1], [], []>, transpose_lhs_hint = false} : vector<16x128xf32>, vector<128x128xf32>, vector<16x128xf32> -> vector<16x128xf32>
    %dot_general3A_131 = arith.constant dense<0.000000e+00> : vector<16x128xf32>
    %dot_general3A_132 = tpu.matmul %slice3A_127, %convert_element_type3A_1, %dot_general3A_131 {dimension_numbers = #tpu.dot_dimension_numbers<[1], [0], [0], [1], [0, 0, 1, 1], [], []>, transpose_lhs_hint = false} : vector<16x128xf32>, vector<128x128xf32>, vector<16x128xf32> -> vector<16x128xf32>
    %slice3A_133 = vector.extract_strided_slice %dot_general3A_130 {offsets = [0, 0], sizes = [16, 1], strides = [1, 1]} : vector<16x128xf32> to vector<16x1xf32>
    %dot_general3A_134 = arith.constant dense<0.000000e+00> : vector<16x1xf32>
    %dot_general3A_135 = tpu.matmul %convert_element_type3A_5, %slice3A_133, %dot_general3A_134 {dimension_numbers = #tpu.dot_dimension_numbers<[1], [0], [0], [1], [0, 0, 1, 1], [], []>, transpose_lhs_hint = false} : vector<16x16xf32>, vector<16x1xf32>, vector<16x1xf32> -> vector<16x1xf32>
    %slice3A_136 = vector.extract_strided_slice %dot_general3A_132 {offsets = [0, 0], sizes = [16, 1], strides = [1, 1]} : vector<16x128xf32> to vector<16x1xf32>
    %dot_general3A_137 = arith.constant dense<0.000000e+00> : vector<16x1xf32>
    %dot_general3A_138 = tpu.matmul %convert_element_type3A_5, %slice3A_136, %dot_general3A_137 {dimension_numbers = #tpu.dot_dimension_numbers<[1], [0], [0], [1], [0, 0, 1, 1], [], []>, transpose_lhs_hint = false} : vector<16x16xf32>, vector<16x1xf32>, vector<16x1xf32> -> vector<16x1xf32>
    %add3A_139 = vector.broadcast %dot_general3A_135 : vector<16x1xf32> to vector<16x128xf32>
    %add3A_140 = arith.addf %dot_general3A_130, %add3A_139 : vector<16x128xf32>
    %add3A_141 = vector.broadcast %dot_general3A_138 : vector<16x1xf32> to vector<16x128xf32>
    %add3A_142 = arith.addf %dot_general3A_132, %add3A_141 : vector<16x128xf32>
    %get3A_143 = arith.constant 0 : index
    %get3A_144 = arith.constant 14 : index
    %get3A_145 = memref.load %arg3[%get3A_143, %get3A_144] : memref<1x64xf32, #tpu.memory_space<smem>>
    %gt3A_146 = arith.constant 0.000000e+00 : f32
    %gt3A_147 = arith.cmpf ogt, %get3A_145, %gt3A_146 : f32
    %convert_element_type3A_148 = arith.extui %gt3A_147 : i1 to i32
    %convert_element_type3A_149 = arith.sitofp %convert_element_type3A_148 : i32 to f32
    %max3A_150 = arith.constant 1.000000e+00 : f32
    %max3A_151 = arith.maximumf %get3A_145, %max3A_150 : f32
    %sub3A_152 = vector.broadcast %get3A_145 : f32 to vector<16x128xf32>
    %sub3A_153 = arith.subf %sub3A_152, %add3A_142 : vector<16x128xf32>
    %add3A_154 = vector.broadcast %get3A_145 : f32 to vector<16x128xf32>
    %add3A_155 = arith.addf %add3A_154, %add3A_140 : vector<16x128xf32>
    %sub3A_156 = arith.subf %add3A_155, %add3A_142 : vector<16x128xf32>
    %max3A_157 = arith.constant 1.000000e+00 : f32
    %max3A_158 = vector.broadcast %max3A_157 : f32 to vector<16x128xf32>
    %max3A_159 = arith.maximumf %sub3A_156, %max3A_158 : vector<16x128xf32>
    %div3A_160 = arith.divf %sub3A_153, %max3A_159 : vector<16x128xf32>
    %max3A_161 = arith.constant 1.000000e+00 : f32
    %max3A_162 = arith.maximumf %get3A_145, %max3A_161 : f32
    %div3A_163 = arith.divf %get3A_145, %max3A_162 : f32
    %reduce_sum3A_164 = vector.shape_cast %div3A_160 : vector<16x128xf32> to vector<1x16x128xf32>
    %reduce_sum3A_165 = arith.constant dense<0.000000e+00> : vector<1xf32>
    %reduce_sum3A_166 = vector.multi_reduction <add>, %reduce_sum3A_164, %reduce_sum3A_165 [1, 2] : vector<1x16x128xf32> to vector<1xf32>
    %reduce_sum3A_167 = vector.shape_cast %reduce_sum3A_166 : vector<1xf32> to vector<1x1x1xf32>
    %reduce_sum3A_168 = vector.extract %reduce_sum3A_167[0, 0, 0] : f32 from vector<1x1x1xf32>
    %add3A_169 = arith.addf %reduce_sum3A_168, %div3A_163 : f32
    %mul3A_170 = arith.constant 5.000000e-01 : f32
    %mul3A_171 = arith.mulf %mul3A_170, %div3A_163 : f32
    %sub3A_172 = arith.subf %add3A_169, %mul3A_171 : f32
    %mul3A_173 = arith.constant 9.765625E-4 : f32
    %mul3A_174 = arith.mulf %mul3A_173, %sub3A_172 : f32
    %sub3A_175 = arith.constant 2.000000e+00 : f32
    %sub3A_176 = arith.subf %sub3A_175, %mul3A_174 : f32
    %mul3A_177 = arith.mulf %convert_element_type3A_149, %sub3A_176 : f32
    %add3A_178 = arith.addf %add3A_64, %mul3A_177 : f32
    %get3A_179 = arith.constant 0 : index
    %get3A_180 = arith.constant 22 : index
    %get3A_181 = memref.load %arg3[%get3A_179, %get3A_180] : memref<1x64xf32, #tpu.memory_space<smem>>
    %get3A_182 = arith.constant 0 : index
    %get3A_183 = arith.constant 25 : index
    %get3A_184 = memref.load %arg3[%get3A_182, %get3A_183] : memref<1x64xf32, #tpu.memory_space<smem>>
    %div3A_185 = arith.divf %get3A_181, %max3A_151 : f32
    %mul3A_186 = arith.constant 2.000000e+00 : f32
    %mul3A_187 = arith.mulf %mul3A_186, %div3A_185 : f32
    %mul3A_188 = arith.mulf %mul3A_187, %get3A_181 : f32
    %sub3A_189 = arith.subf %get3A_184, %mul3A_188 : f32
    %mul3A_190 = arith.mulf %div3A_185, %div3A_185 : f32
    %mul3A_191 = arith.mulf %mul3A_190, %get3A_145 : f32
    %add3A_192 = arith.addf %sub3A_189, %mul3A_191 : f32
    %add3A_193 = arith.constant 0.000000e+00 : f32
    %add3A_194 = arith.addf %add3A_193, %add3A_192 : f32
    %get3A_195 = arith.constant 0 : index
    %get3A_196 = arith.constant 23 : index
    %get3A_197 = memref.load %arg3[%get3A_195, %get3A_196] : memref<1x64xf32, #tpu.memory_space<smem>>
    %get3A_198 = arith.constant 0 : index
    %get3A_199 = arith.constant 26 : index
    %get3A_200 = memref.load %arg3[%get3A_198, %get3A_199] : memref<1x64xf32, #tpu.memory_space<smem>>
    %div3A_201 = arith.divf %get3A_197, %max3A_151 : f32
    %mul3A_202 = arith.constant 2.000000e+00 : f32
    %mul3A_203 = arith.mulf %mul3A_202, %div3A_201 : f32
    %mul3A_204 = arith.mulf %mul3A_203, %get3A_197 : f32
    %sub3A_205 = arith.subf %get3A_200, %mul3A_204 : f32
    %mul3A_206 = arith.mulf %div3A_201, %div3A_201 : f32
    %mul3A_207 = arith.mulf %mul3A_206, %get3A_145 : f32
    %add3A_208 = arith.addf %sub3A_205, %mul3A_207 : f32
    %add3A_209 = arith.addf %add3A_194, %add3A_208 : f32
    %get3A_210 = arith.constant 0 : index
    %get3A_211 = arith.constant 24 : index
    %get3A_212 = memref.load %arg3[%get3A_210, %get3A_211] : memref<1x64xf32, #tpu.memory_space<smem>>
    %get3A_213 = arith.constant 0 : index
    %get3A_214 = arith.constant 27 : index
    %get3A_215 = memref.load %arg3[%get3A_213, %get3A_214] : memref<1x64xf32, #tpu.memory_space<smem>>
    %div3A_216 = arith.divf %get3A_212, %max3A_151 : f32
    %mul3A_217 = arith.constant 2.000000e+00 : f32
    %mul3A_218 = arith.mulf %mul3A_217, %div3A_216 : f32
    %mul3A_219 = arith.mulf %mul3A_218, %get3A_212 : f32
    %sub3A_220 = arith.subf %get3A_215, %mul3A_219 : f32
    %mul3A_221 = arith.mulf %div3A_216, %div3A_216 : f32
    %mul3A_222 = arith.mulf %mul3A_221, %get3A_145 : f32
    %add3A_223 = arith.addf %sub3A_220, %mul3A_222 : f32
    %add3A_224 = arith.addf %add3A_209, %add3A_223 : f32
    %mul3A_225 = arith.mulf %convert_element_type3A_149, %add3A_224 : f32
    %mul3A_226 = arith.constant 3.000000e+00 : f32
    %mul3A_227 = arith.mulf %mul3A_226, %max3A_151 : f32
    %div3A_228 = arith.divf %mul3A_225, %mul3A_227 : f32
    %add3A_229 = arith.addf %add3A_116, %div3A_228 : f32
    %mul3A_230 = arith.constant 1.000000e+01 : f32
    %mul3A_231 = arith.mulf %convert_element_type3A_149, %mul3A_230 : f32
    %get3A_232 = arith.constant 0 : index
    %get3A_233 = arith.constant 1 : index
    %get3A_234 = memref.load %arg5[%get3A_232, %get3A_233] : memref<1x8xf32, #tpu.memory_space<smem>>
    %mul3A_235 = arith.mulf %mul3A_231, %get3A_234 : f32
    %add3A_236 = arith.addf %add3A_123, %mul3A_235 : f32
    %add3A_237 = arith.addf %add3A_125, %convert_element_type3A_149 : f32
    %slice3A_238 = vector.extract_strided_slice %add3A {offsets = [64, 0], sizes = [16, 128], strides = [1, 1]} : vector<128x128xf32> to vector<16x128xf32>
    %slice3A_239 = vector.extract_strided_slice %add3A {offsets = [80, 0], sizes = [16, 128], strides = [1, 1]} : vector<128x128xf32> to vector<16x128xf32>
    %add3A_240 = arith.addf %slice3A_238, %slice3A_239 : vector<16x128xf32>
    %dot_general3A_241 = arith.constant dense<0.000000e+00> : vector<16x128xf32>
    %dot_general3A_242 = tpu.matmul %add3A_240, %convert_element_type3A_1, %dot_general3A_241 {dimension_numbers = #tpu.dot_dimension_numbers<[1], [0], [0], [1], [0, 0, 1, 1], [], []>, transpose_lhs_hint = false} : vector<16x128xf32>, vector<128x128xf32>, vector<16x128xf32> -> vector<16x128xf32>
    %dot_general3A_243 = arith.constant dense<0.000000e+00> : vector<16x128xf32>
    %dot_general3A_244 = tpu.matmul %slice3A_239, %convert_element_type3A_1, %dot_general3A_243 {dimension_numbers = #tpu.dot_dimension_numbers<[1], [0], [0], [1], [0, 0, 1, 1], [], []>, transpose_lhs_hint = false} : vector<16x128xf32>, vector<128x128xf32>, vector<16x128xf32> -> vector<16x128xf32>
    %slice3A_245 = vector.extract_strided_slice %dot_general3A_242 {offsets = [0, 0], sizes = [16, 1], strides = [1, 1]} : vector<16x128xf32> to vector<16x1xf32>
    %dot_general3A_246 = arith.constant dense<0.000000e+00> : vector<16x1xf32>
    %dot_general3A_247 = tpu.matmul %convert_element_type3A_5, %slice3A_245, %dot_general3A_246 {dimension_numbers = #tpu.dot_dimension_numbers<[1], [0], [0], [1], [0, 0, 1, 1], [], []>, transpose_lhs_hint = false} : vector<16x16xf32>, vector<16x1xf32>, vector<16x1xf32> -> vector<16x1xf32>
    %slice3A_248 = vector.extract_strided_slice %dot_general3A_244 {offsets = [0, 0], sizes = [16, 1], strides = [1, 1]} : vector<16x128xf32> to vector<16x1xf32>
    %dot_general3A_249 = arith.constant dense<0.000000e+00> : vector<16x1xf32>
    %dot_general3A_250 = tpu.matmul %convert_element_type3A_5, %slice3A_248, %dot_general3A_249 {dimension_numbers = #tpu.dot_dimension_numbers<[1], [0], [0], [1], [0, 0, 1, 1], [], []>, transpose_lhs_hint = false} : vector<16x16xf32>, vector<16x1xf32>, vector<16x1xf32> -> vector<16x1xf32>
    %add3A_251 = vector.broadcast %dot_general3A_247 : vector<16x1xf32> to vector<16x128xf32>
    %add3A_252 = arith.addf %dot_general3A_242, %add3A_251 : vector<16x128xf32>
    %add3A_253 = vector.broadcast %dot_general3A_250 : vector<16x1xf32> to vector<16x128xf32>
    %add3A_254 = arith.addf %dot_general3A_244, %add3A_253 : vector<16x128xf32>
    %get3A_255 = arith.constant 0 : index
    %get3A_256 = arith.constant 28 : index
    %get3A_257 = memref.load %arg3[%get3A_255, %get3A_256] : memref<1x64xf32, #tpu.memory_space<smem>>
    %gt3A_258 = arith.constant 0.000000e+00 : f32
    %gt3A_259 = arith.cmpf ogt, %get3A_257, %gt3A_258 : f32
    %convert_element_type3A_260 = arith.extui %gt3A_259 : i1 to i32
    %convert_element_type3A_261 = arith.sitofp %convert_element_type3A_260 : i32 to f32
    %max3A_262 = arith.constant 1.000000e+00 : f32
    %max3A_263 = arith.maximumf %get3A_257, %max3A_262 : f32
    %sub3A_264 = vector.broadcast %get3A_257 : f32 to vector<16x128xf32>
    %sub3A_265 = arith.subf %sub3A_264, %add3A_254 : vector<16x128xf32>
    %add3A_266 = vector.broadcast %get3A_257 : f32 to vector<16x128xf32>
    %add3A_267 = arith.addf %add3A_266, %add3A_252 : vector<16x128xf32>
    %sub3A_268 = arith.subf %add3A_267, %add3A_254 : vector<16x128xf32>
    %max3A_269 = arith.constant 1.000000e+00 : f32
    %max3A_270 = vector.broadcast %max3A_269 : f32 to vector<16x128xf32>
    %max3A_271 = arith.maximumf %sub3A_268, %max3A_270 : vector<16x128xf32>
    %div3A_272 = arith.divf %sub3A_265, %max3A_271 : vector<16x128xf32>
    %max3A_273 = arith.constant 1.000000e+00 : f32
    %max3A_274 = arith.maximumf %get3A_257, %max3A_273 : f32
    %div3A_275 = arith.divf %get3A_257, %max3A_274 : f32
    %reduce_sum3A_276 = vector.shape_cast %div3A_272 : vector<16x128xf32> to vector<1x16x128xf32>
    %reduce_sum3A_277 = arith.constant dense<0.000000e+00> : vector<1xf32>
    %reduce_sum3A_278 = vector.multi_reduction <add>, %reduce_sum3A_276, %reduce_sum3A_277 [1, 2] : vector<1x16x128xf32> to vector<1xf32>
    %reduce_sum3A_279 = vector.shape_cast %reduce_sum3A_278 : vector<1xf32> to vector<1x1x1xf32>
    %reduce_sum3A_280 = vector.extract %reduce_sum3A_279[0, 0, 0] : f32 from vector<1x1x1xf32>
    %add3A_281 = arith.addf %reduce_sum3A_280, %div3A_275 : f32
    %mul3A_282 = arith.constant 5.000000e-01 : f32
    %mul3A_283 = arith.mulf %mul3A_282, %div3A_275 : f32
    %sub3A_284 = arith.subf %add3A_281, %mul3A_283 : f32
    %mul3A_285 = arith.constant 9.765625E-4 : f32
    %mul3A_286 = arith.mulf %mul3A_285, %sub3A_284 : f32
    %sub3A_287 = arith.constant 2.000000e+00 : f32
    %sub3A_288 = arith.subf %sub3A_287, %mul3A_286 : f32
    %mul3A_289 = arith.mulf %convert_element_type3A_261, %sub3A_288 : f32
    %add3A_290 = arith.addf %add3A_178, %mul3A_289 : f32
    %get3A_291 = arith.constant 0 : index
    %get3A_292 = arith.constant 36 : index
    %get3A_293 = memref.load %arg3[%get3A_291, %get3A_292] : memref<1x64xf32, #tpu.memory_space<smem>>
    %get3A_294 = arith.constant 0 : index
    %get3A_295 = arith.constant 39 : index
    %get3A_296 = memref.load %arg3[%get3A_294, %get3A_295] : memref<1x64xf32, #tpu.memory_space<smem>>
    %div3A_297 = arith.divf %get3A_293, %max3A_263 : f32
    %mul3A_298 = arith.constant 2.000000e+00 : f32
    %mul3A_299 = arith.mulf %mul3A_298, %div3A_297 : f32
    %mul3A_300 = arith.mulf %mul3A_299, %get3A_293 : f32
    %sub3A_301 = arith.subf %get3A_296, %mul3A_300 : f32
    %mul3A_302 = arith.mulf %div3A_297, %div3A_297 : f32
    %mul3A_303 = arith.mulf %mul3A_302, %get3A_257 : f32
    %add3A_304 = arith.addf %sub3A_301, %mul3A_303 : f32
    %add3A_305 = arith.constant 0.000000e+00 : f32
    %add3A_306 = arith.addf %add3A_305, %add3A_304 : f32
    %get3A_307 = arith.constant 0 : index
    %get3A_308 = arith.constant 37 : index
    %get3A_309 = memref.load %arg3[%get3A_307, %get3A_308] : memref<1x64xf32, #tpu.memory_space<smem>>
    %get3A_310 = arith.constant 0 : index
    %get3A_311 = arith.constant 40 : index
    %get3A_312 = memref.load %arg3[%get3A_310, %get3A_311] : memref<1x64xf32, #tpu.memory_space<smem>>
    %div3A_313 = arith.divf %get3A_309, %max3A_263 : f32
    %mul3A_314 = arith.constant 2.000000e+00 : f32
    %mul3A_315 = arith.mulf %mul3A_314, %div3A_313 : f32
    %mul3A_316 = arith.mulf %mul3A_315, %get3A_309 : f32
    %sub3A_317 = arith.subf %get3A_312, %mul3A_316 : f32
    %mul3A_318 = arith.mulf %div3A_313, %div3A_313 : f32
    %mul3A_319 = arith.mulf %mul3A_318, %get3A_257 : f32
    %add3A_320 = arith.addf %sub3A_317, %mul3A_319 : f32
    %add3A_321 = arith.addf %add3A_306, %add3A_320 : f32
    %get3A_322 = arith.constant 0 : index
    %get3A_323 = arith.constant 38 : index
    %get3A_324 = memref.load %arg3[%get3A_322, %get3A_323] : memref<1x64xf32, #tpu.memory_space<smem>>
    %get3A_325 = arith.constant 0 : index
    %get3A_326 = arith.constant 41 : index
    %get3A_327 = memref.load %arg3[%get3A_325, %get3A_326] : memref<1x64xf32, #tpu.memory_space<smem>>
    %div3A_328 = arith.divf %get3A_324, %max3A_263 : f32
    %mul3A_329 = arith.constant 2.000000e+00 : f32
    %mul3A_330 = arith.mulf %mul3A_329, %div3A_328 : f32
    %mul3A_331 = arith.mulf %mul3A_330, %get3A_324 : f32
    %sub3A_332 = arith.subf %get3A_327, %mul3A_331 : f32
    %mul3A_333 = arith.mulf %div3A_328, %div3A_328 : f32
    %mul3A_334 = arith.mulf %mul3A_333, %get3A_257 : f32
    %add3A_335 = arith.addf %sub3A_332, %mul3A_334 : f32
    %add3A_336 = arith.addf %add3A_321, %add3A_335 : f32
    %mul3A_337 = arith.mulf %convert_element_type3A_261, %add3A_336 : f32
    %mul3A_338 = arith.constant 3.000000e+00 : f32
    %mul3A_339 = arith.mulf %mul3A_338, %max3A_263 : f32
    %div3A_340 = arith.divf %mul3A_337, %mul3A_339 : f32
    %add3A_341 = arith.addf %add3A_229, %div3A_340 : f32
    %mul3A_342 = arith.constant 1.000000e+01 : f32
    %mul3A_343 = arith.mulf %convert_element_type3A_261, %mul3A_342 : f32
    %get3A_344 = arith.constant 0 : index
    %get3A_345 = arith.constant 2 : index
    %get3A_346 = memref.load %arg5[%get3A_344, %get3A_345] : memref<1x8xf32, #tpu.memory_space<smem>>
    %mul3A_347 = arith.mulf %mul3A_343, %get3A_346 : f32
    %add3A_348 = arith.addf %add3A_236, %mul3A_347 : f32
    %add3A_349 = arith.addf %add3A_237, %convert_element_type3A_261 : f32
    %slice3A_350 = vector.extract_strided_slice %add3A {offsets = [96, 0], sizes = [16, 128], strides = [1, 1]} : vector<128x128xf32> to vector<16x128xf32>
    %slice3A_351 = vector.extract_strided_slice %add3A {offsets = [112, 0], sizes = [16, 128], strides = [1, 1]} : vector<128x128xf32> to vector<16x128xf32>
    %add3A_352 = arith.addf %slice3A_350, %slice3A_351 : vector<16x128xf32>
    %dot_general3A_353 = arith.constant dense<0.000000e+00> : vector<16x128xf32>
    %dot_general3A_354 = tpu.matmul %add3A_352, %convert_element_type3A_1, %dot_general3A_353 {dimension_numbers = #tpu.dot_dimension_numbers<[1], [0], [0], [1], [0, 0, 1, 1], [], []>, transpose_lhs_hint = false} : vector<16x128xf32>, vector<128x128xf32>, vector<16x128xf32> -> vector<16x128xf32>
    %dot_general3A_355 = arith.constant dense<0.000000e+00> : vector<16x128xf32>
    %dot_general3A_356 = tpu.matmul %slice3A_351, %convert_element_type3A_1, %dot_general3A_355 {dimension_numbers = #tpu.dot_dimension_numbers<[1], [0], [0], [1], [0, 0, 1, 1], [], []>, transpose_lhs_hint = false} : vector<16x128xf32>, vector<128x128xf32>, vector<16x128xf32> -> vector<16x128xf32>
    %slice3A_357 = vector.extract_strided_slice %dot_general3A_354 {offsets = [0, 0], sizes = [16, 1], strides = [1, 1]} : vector<16x128xf32> to vector<16x1xf32>
    %dot_general3A_358 = arith.constant dense<0.000000e+00> : vector<16x1xf32>
    %dot_general3A_359 = tpu.matmul %convert_element_type3A_5, %slice3A_357, %dot_general3A_358 {dimension_numbers = #tpu.dot_dimension_numbers<[1], [0], [0], [1], [0, 0, 1, 1], [], []>, transpose_lhs_hint = false} : vector<16x16xf32>, vector<16x1xf32>, vector<16x1xf32> -> vector<16x1xf32>
    %slice3A_360 = vector.extract_strided_slice %dot_general3A_356 {offsets = [0, 0], sizes = [16, 1], strides = [1, 1]} : vector<16x128xf32> to vector<16x1xf32>
    %dot_general3A_361 = arith.constant dense<0.000000e+00> : vector<16x1xf32>
    %dot_general3A_362 = tpu.matmul %convert_element_type3A_5, %slice3A_360, %dot_general3A_361 {dimension_numbers = #tpu.dot_dimension_numbers<[1], [0], [0], [1], [0, 0, 1, 1], [], []>, transpose_lhs_hint = false} : vector<16x16xf32>, vector<16x1xf32>, vector<16x1xf32> -> vector<16x1xf32>
    %add3A_363 = vector.broadcast %dot_general3A_359 : vector<16x1xf32> to vector<16x128xf32>
    %add3A_364 = arith.addf %dot_general3A_354, %add3A_363 : vector<16x128xf32>
    %add3A_365 = vector.broadcast %dot_general3A_362 : vector<16x1xf32> to vector<16x128xf32>
    %add3A_366 = arith.addf %dot_general3A_356, %add3A_365 : vector<16x128xf32>
    %get3A_367 = arith.constant 0 : index
    %get3A_368 = arith.constant 42 : index
    %get3A_369 = memref.load %arg3[%get3A_367, %get3A_368] : memref<1x64xf32, #tpu.memory_space<smem>>
    %gt3A_370 = arith.constant 0.000000e+00 : f32
    %gt3A_371 = arith.cmpf ogt, %get3A_369, %gt3A_370 : f32
    %convert_element_type3A_372 = arith.extui %gt3A_371 : i1 to i32
    %convert_element_type3A_373 = arith.sitofp %convert_element_type3A_372 : i32 to f32
    %max3A_374 = arith.constant 1.000000e+00 : f32
    %max3A_375 = arith.maximumf %get3A_369, %max3A_374 : f32
    %sub3A_376 = vector.broadcast %get3A_369 : f32 to vector<16x128xf32>
    %sub3A_377 = arith.subf %sub3A_376, %add3A_366 : vector<16x128xf32>
    %add3A_378 = vector.broadcast %get3A_369 : f32 to vector<16x128xf32>
    %add3A_379 = arith.addf %add3A_378, %add3A_364 : vector<16x128xf32>
    %sub3A_380 = arith.subf %add3A_379, %add3A_366 : vector<16x128xf32>
    %max3A_381 = arith.constant 1.000000e+00 : f32
    %max3A_382 = vector.broadcast %max3A_381 : f32 to vector<16x128xf32>
    %max3A_383 = arith.maximumf %sub3A_380, %max3A_382 : vector<16x128xf32>
    %div3A_384 = arith.divf %sub3A_377, %max3A_383 : vector<16x128xf32>
    %max3A_385 = arith.constant 1.000000e+00 : f32
    %max3A_386 = arith.maximumf %get3A_369, %max3A_385 : f32
    %div3A_387 = arith.divf %get3A_369, %max3A_386 : f32
    %reduce_sum3A_388 = vector.shape_cast %div3A_384 : vector<16x128xf32> to vector<1x16x128xf32>
    %reduce_sum3A_389 = arith.constant dense<0.000000e+00> : vector<1xf32>
    %reduce_sum3A_390 = vector.multi_reduction <add>, %reduce_sum3A_388, %reduce_sum3A_389 [1, 2] : vector<1x16x128xf32> to vector<1xf32>
    %reduce_sum3A_391 = vector.shape_cast %reduce_sum3A_390 : vector<1xf32> to vector<1x1x1xf32>
    %reduce_sum3A_392 = vector.extract %reduce_sum3A_391[0, 0, 0] : f32 from vector<1x1x1xf32>
    %add3A_393 = arith.addf %reduce_sum3A_392, %div3A_387 : f32
    %mul3A_394 = arith.constant 5.000000e-01 : f32
    %mul3A_395 = arith.mulf %mul3A_394, %div3A_387 : f32
    %sub3A_396 = arith.subf %add3A_393, %mul3A_395 : f32
    %mul3A_397 = arith.constant 9.765625E-4 : f32
    %mul3A_398 = arith.mulf %mul3A_397, %sub3A_396 : f32
    %sub3A_399 = arith.constant 2.000000e+00 : f32
    %sub3A_400 = arith.subf %sub3A_399, %mul3A_398 : f32
    %mul3A_401 = arith.mulf %convert_element_type3A_373, %sub3A_400 : f32
    %add3A_402 = arith.addf %add3A_290, %mul3A_401 : f32
    %get3A_403 = arith.constant 0 : index
    %get3A_404 = arith.constant 50 : index
    %get3A_405 = memref.load %arg3[%get3A_403, %get3A_404] : memref<1x64xf32, #tpu.memory_space<smem>>
    %get3A_406 = arith.constant 0 : index
    %get3A_407 = arith.constant 53 : index
    %get3A_408 = memref.load %arg3[%get3A_406, %get3A_407] : memref<1x64xf32, #tpu.memory_space<smem>>
    %div3A_409 = arith.divf %get3A_405, %max3A_375 : f32
    %mul3A_410 = arith.constant 2.000000e+00 : f32
    %mul3A_411 = arith.mulf %mul3A_410, %div3A_409 : f32
    %mul3A_412 = arith.mulf %mul3A_411, %get3A_405 : f32
    %sub3A_413 = arith.subf %get3A_408, %mul3A_412 : f32
    %mul3A_414 = arith.mulf %div3A_409, %div3A_409 : f32
    %mul3A_415 = arith.mulf %mul3A_414, %get3A_369 : f32
    %add3A_416 = arith.addf %sub3A_413, %mul3A_415 : f32
    %add3A_417 = arith.constant 0.000000e+00 : f32
    %add3A_418 = arith.addf %add3A_417, %add3A_416 : f32
    %get3A_419 = arith.constant 0 : index
    %get3A_420 = arith.constant 51 : index
    %get3A_421 = memref.load %arg3[%get3A_419, %get3A_420] : memref<1x64xf32, #tpu.memory_space<smem>>
    %get3A_422 = arith.constant 0 : index
    %get3A_423 = arith.constant 54 : index
    %get3A_424 = memref.load %arg3[%get3A_422, %get3A_423] : memref<1x64xf32, #tpu.memory_space<smem>>
    %div3A_425 = arith.divf %get3A_421, %max3A_375 : f32
    %mul3A_426 = arith.constant 2.000000e+00 : f32
    %mul3A_427 = arith.mulf %mul3A_426, %div3A_425 : f32
    %mul3A_428 = arith.mulf %mul3A_427, %get3A_421 : f32
    %sub3A_429 = arith.subf %get3A_424, %mul3A_428 : f32
    %mul3A_430 = arith.mulf %div3A_425, %div3A_425 : f32
    %mul3A_431 = arith.mulf %mul3A_430, %get3A_369 : f32
    %add3A_432 = arith.addf %sub3A_429, %mul3A_431 : f32
    %add3A_433 = arith.addf %add3A_418, %add3A_432 : f32
    %get3A_434 = arith.constant 0 : index
    %get3A_435 = arith.constant 52 : index
    %get3A_436 = memref.load %arg3[%get3A_434, %get3A_435] : memref<1x64xf32, #tpu.memory_space<smem>>
    %get3A_437 = arith.constant 0 : index
    %get3A_438 = arith.constant 55 : index
    %get3A_439 = memref.load %arg3[%get3A_437, %get3A_438] : memref<1x64xf32, #tpu.memory_space<smem>>
    %div3A_440 = arith.divf %get3A_436, %max3A_375 : f32
    %mul3A_441 = arith.constant 2.000000e+00 : f32
    %mul3A_442 = arith.mulf %mul3A_441, %div3A_440 : f32
    %mul3A_443 = arith.mulf %mul3A_442, %get3A_436 : f32
    %sub3A_444 = arith.subf %get3A_439, %mul3A_443 : f32
    %mul3A_445 = arith.mulf %div3A_440, %div3A_440 : f32
    %mul3A_446 = arith.mulf %mul3A_445, %get3A_369 : f32
    %add3A_447 = arith.addf %sub3A_444, %mul3A_446 : f32
    %add3A_448 = arith.addf %add3A_433, %add3A_447 : f32
    %mul3A_449 = arith.mulf %convert_element_type3A_373, %add3A_448 : f32
    %mul3A_450 = arith.constant 3.000000e+00 : f32
    %mul3A_451 = arith.mulf %mul3A_450, %max3A_375 : f32
    %div3A_452 = arith.divf %mul3A_449, %mul3A_451 : f32
    %add3A_453 = arith.addf %add3A_341, %div3A_452 : f32
    %mul3A_454 = arith.constant 1.000000e+01 : f32
    %mul3A_455 = arith.mulf %convert_element_type3A_373, %mul3A_454 : f32
    %get3A_456 = arith.constant 0 : index
    %get3A_457 = arith.constant 3 : index
    %get3A_458 = memref.load %arg5[%get3A_456, %get3A_457] : memref<1x8xf32, #tpu.memory_space<smem>>
    %mul3A_459 = arith.mulf %mul3A_455, %get3A_458 : f32
    %add3A_460 = arith.addf %add3A_348, %mul3A_459 : f32
    %add3A_461 = arith.addf %add3A_349, %convert_element_type3A_373 : f32
    %max3A_462 = arith.constant 1.000000e+00 : f32
    %max3A_463 = arith.maximumf %add3A_461, %max3A_462 : f32
    %div3A_464 = arith.divf %add3A_402, %max3A_463 : f32
    %add3A_465 = arith.constant 0.000000e+00 : f32
    %add3A_466 = arith.addf %add3A_465, %div3A_464 : f32
    %mul3A_467 = arith.constant 1.000000e+01 : f32
    %mul3A_468 = arith.mulf %mul3A_467, %add3A_453 : f32
    %div3A_469 = arith.divf %mul3A_468, %max3A_463 : f32
    %add3A_470 = arith.addf %add3A_466, %div3A_469 : f32
    %div3A_471 = arith.constant 5.242880e+05 : f32
    %div3A_472 = arith.divf %add3A_460, %div3A_471 : f32
    %add3A_473 = arith.addf %add3A_470, %div3A_472 : f32
    %get3A_474 = arith.constant 0 : index
    %get3A_475 = arith.constant 0 : index
    %get3A_476 = arith.constant 0 : index
    %get3A_477 = vector.load %arg2[%get3A_474, %get3A_475, %get3A_476] : memref<2x128x128xf32, #tpu.memory_space<vmem>>, vector<1x128x128xf32>
    %get3A_478 = vector.shape_cast %get3A_477 : vector<1x128x128xf32> to vector<128x128xf32>
    %get3A_479 = arith.constant 1 : index
    %get3A_480 = arith.constant 0 : index
    %get3A_481 = arith.constant 0 : index
    %get3A_482 = vector.load %arg2[%get3A_479, %get3A_480, %get3A_481] : memref<2x128x128xf32, #tpu.memory_space<vmem>>, vector<1x128x128xf32>
    %get3A_483 = vector.shape_cast %get3A_482 : vector<1x128x128xf32> to vector<128x128xf32>
    %add3A_484 = arith.addf %get3A_478, %get3A_483 : vector<128x128xf32>
    %get3A_485 = arith.constant 0 : index
    %get3A_486 = arith.constant 4 : index
    %get3A_487 = memref.load %arg6[%get3A_485, %get3A_486] : memref<1x8xf32, #tpu.memory_space<smem>>
    %slice3A_488 = vector.extract_strided_slice %add3A_484 {offsets = [0, 0], sizes = [16, 128], strides = [1, 1]} : vector<128x128xf32> to vector<16x128xf32>
    %slice3A_489 = vector.extract_strided_slice %add3A_484 {offsets = [16, 0], sizes = [16, 128], strides = [1, 1]} : vector<128x128xf32> to vector<16x128xf32>
    %add3A_490 = arith.addf %slice3A_488, %slice3A_489 : vector<16x128xf32>
    %dot_general3A_491 = arith.constant dense<0.000000e+00> : vector<16x128xf32>
    %dot_general3A_492 = tpu.matmul %add3A_490, %convert_element_type3A_1, %dot_general3A_491 {dimension_numbers = #tpu.dot_dimension_numbers<[1], [0], [0], [1], [0, 0, 1, 1], [], []>, transpose_lhs_hint = false} : vector<16x128xf32>, vector<128x128xf32>, vector<16x128xf32> -> vector<16x128xf32>
    %dot_general3A_493 = arith.constant dense<0.000000e+00> : vector<16x128xf32>
    %dot_general3A_494 = tpu.matmul %slice3A_489, %convert_element_type3A_1, %dot_general3A_493 {dimension_numbers = #tpu.dot_dimension_numbers<[1], [0], [0], [1], [0, 0, 1, 1], [], []>, transpose_lhs_hint = false} : vector<16x128xf32>, vector<128x128xf32>, vector<16x128xf32> -> vector<16x128xf32>
    %slice3A_495 = vector.extract_strided_slice %dot_general3A_492 {offsets = [0, 0], sizes = [16, 1], strides = [1, 1]} : vector<16x128xf32> to vector<16x1xf32>
    %dot_general3A_496 = arith.constant dense<0.000000e+00> : vector<16x1xf32>
    %dot_general3A_497 = tpu.matmul %convert_element_type3A_5, %slice3A_495, %dot_general3A_496 {dimension_numbers = #tpu.dot_dimension_numbers<[1], [0], [0], [1], [0, 0, 1, 1], [], []>, transpose_lhs_hint = false} : vector<16x16xf32>, vector<16x1xf32>, vector<16x1xf32> -> vector<16x1xf32>
    %slice3A_498 = vector.extract_strided_slice %dot_general3A_494 {offsets = [0, 0], sizes = [16, 1], strides = [1, 1]} : vector<16x128xf32> to vector<16x1xf32>
    %dot_general3A_499 = arith.constant dense<0.000000e+00> : vector<16x1xf32>
    %dot_general3A_500 = tpu.matmul %convert_element_type3A_5, %slice3A_498, %dot_general3A_499 {dimension_numbers = #tpu.dot_dimension_numbers<[1], [0], [0], [1], [0, 0, 1, 1], [], []>, transpose_lhs_hint = false} : vector<16x16xf32>, vector<16x1xf32>, vector<16x1xf32> -> vector<16x1xf32>
    %add3A_501 = vector.broadcast %dot_general3A_497 : vector<16x1xf32> to vector<16x128xf32>
    %add3A_502 = arith.addf %dot_general3A_492, %add3A_501 : vector<16x128xf32>
    %add3A_503 = vector.broadcast %dot_general3A_500 : vector<16x1xf32> to vector<16x128xf32>
    %add3A_504 = arith.addf %dot_general3A_494, %add3A_503 : vector<16x128xf32>
    %get3A_505 = arith.constant 0 : index
    %get3A_506 = arith.constant 0 : index
    %get3A_507 = memref.load %arg4[%get3A_505, %get3A_506] : memref<1x64xf32, #tpu.memory_space<smem>>
    %gt3A_508 = arith.constant 0.000000e+00 : f32
    %gt3A_509 = arith.cmpf ogt, %get3A_507, %gt3A_508 : f32
    %convert_element_type3A_510 = arith.extui %gt3A_509 : i1 to i32
    %convert_element_type3A_511 = arith.sitofp %convert_element_type3A_510 : i32 to f32
    %max3A_512 = arith.constant 1.000000e+00 : f32
    %max3A_513 = arith.maximumf %get3A_507, %max3A_512 : f32
    %sub3A_514 = vector.broadcast %get3A_507 : f32 to vector<16x128xf32>
    %sub3A_515 = arith.subf %sub3A_514, %add3A_504 : vector<16x128xf32>
    %add3A_516 = vector.broadcast %get3A_507 : f32 to vector<16x128xf32>
    %add3A_517 = arith.addf %add3A_516, %add3A_502 : vector<16x128xf32>
    %sub3A_518 = arith.subf %add3A_517, %add3A_504 : vector<16x128xf32>
    %max3A_519 = arith.constant 1.000000e+00 : f32
    %max3A_520 = vector.broadcast %max3A_519 : f32 to vector<16x128xf32>
    %max3A_521 = arith.maximumf %sub3A_518, %max3A_520 : vector<16x128xf32>
    %div3A_522 = arith.divf %sub3A_515, %max3A_521 : vector<16x128xf32>
    %max3A_523 = arith.constant 1.000000e+00 : f32
    %max3A_524 = arith.maximumf %get3A_507, %max3A_523 : f32
    %div3A_525 = arith.divf %get3A_507, %max3A_524 : f32
    %reduce_sum3A_526 = vector.shape_cast %div3A_522 : vector<16x128xf32> to vector<1x16x128xf32>
    %reduce_sum3A_527 = arith.constant dense<0.000000e+00> : vector<1xf32>
    %reduce_sum3A_528 = vector.multi_reduction <add>, %reduce_sum3A_526, %reduce_sum3A_527 [1, 2] : vector<1x16x128xf32> to vector<1xf32>
    %reduce_sum3A_529 = vector.shape_cast %reduce_sum3A_528 : vector<1xf32> to vector<1x1x1xf32>
    %reduce_sum3A_530 = vector.extract %reduce_sum3A_529[0, 0, 0] : f32 from vector<1x1x1xf32>
    %add3A_531 = arith.addf %reduce_sum3A_530, %div3A_525 : f32
    %mul3A_532 = arith.constant 5.000000e-01 : f32
    %mul3A_533 = arith.mulf %mul3A_532, %div3A_525 : f32
    %sub3A_534 = arith.subf %add3A_531, %mul3A_533 : f32
    %mul3A_535 = arith.constant 9.765625E-4 : f32
    %mul3A_536 = arith.mulf %mul3A_535, %sub3A_534 : f32
    %sub3A_537 = arith.constant 2.000000e+00 : f32
    %sub3A_538 = arith.subf %sub3A_537, %mul3A_536 : f32
    %mul3A_539 = arith.mulf %convert_element_type3A_511, %sub3A_538 : f32
    %add3A_540 = arith.constant 0.000000e+00 : f32
    %add3A_541 = arith.addf %add3A_540, %mul3A_539 : f32
    %get3A_542 = arith.constant 0 : index
    %get3A_543 = arith.constant 8 : index
    %get3A_544 = memref.load %arg4[%get3A_542, %get3A_543] : memref<1x64xf32, #tpu.memory_space<smem>>
    %get3A_545 = arith.constant 0 : index
    %get3A_546 = arith.constant 11 : index
    %get3A_547 = memref.load %arg4[%get3A_545, %get3A_546] : memref<1x64xf32, #tpu.memory_space<smem>>
    %div3A_548 = arith.divf %get3A_544, %max3A_513 : f32
    %mul3A_549 = arith.constant 2.000000e+00 : f32
    %mul3A_550 = arith.mulf %mul3A_549, %div3A_548 : f32
    %mul3A_551 = arith.mulf %mul3A_550, %get3A_544 : f32
    %sub3A_552 = arith.subf %get3A_547, %mul3A_551 : f32
    %mul3A_553 = arith.mulf %div3A_548, %div3A_548 : f32
    %mul3A_554 = arith.mulf %mul3A_553, %get3A_507 : f32
    %add3A_555 = arith.addf %sub3A_552, %mul3A_554 : f32
    %add3A_556 = arith.constant 0.000000e+00 : f32
    %add3A_557 = arith.addf %add3A_556, %add3A_555 : f32
    %get3A_558 = arith.constant 0 : index
    %get3A_559 = arith.constant 9 : index
    %get3A_560 = memref.load %arg4[%get3A_558, %get3A_559] : memref<1x64xf32, #tpu.memory_space<smem>>
    %get3A_561 = arith.constant 0 : index
    %get3A_562 = arith.constant 12 : index
    %get3A_563 = memref.load %arg4[%get3A_561, %get3A_562] : memref<1x64xf32, #tpu.memory_space<smem>>
    %div3A_564 = arith.divf %get3A_560, %max3A_513 : f32
    %mul3A_565 = arith.constant 2.000000e+00 : f32
    %mul3A_566 = arith.mulf %mul3A_565, %div3A_564 : f32
    %mul3A_567 = arith.mulf %mul3A_566, %get3A_560 : f32
    %sub3A_568 = arith.subf %get3A_563, %mul3A_567 : f32
    %mul3A_569 = arith.mulf %div3A_564, %div3A_564 : f32
    %mul3A_570 = arith.mulf %mul3A_569, %get3A_507 : f32
    %add3A_571 = arith.addf %sub3A_568, %mul3A_570 : f32
    %add3A_572 = arith.addf %add3A_557, %add3A_571 : f32
    %get3A_573 = arith.constant 0 : index
    %get3A_574 = arith.constant 10 : index
    %get3A_575 = memref.load %arg4[%get3A_573, %get3A_574] : memref<1x64xf32, #tpu.memory_space<smem>>
    %get3A_576 = arith.constant 0 : index
    %get3A_577 = arith.constant 13 : index
    %get3A_578 = memref.load %arg4[%get3A_576, %get3A_577] : memref<1x64xf32, #tpu.memory_space<smem>>
    %div3A_579 = arith.divf %get3A_575, %max3A_513 : f32
    %mul3A_580 = arith.constant 2.000000e+00 : f32
    %mul3A_581 = arith.mulf %mul3A_580, %div3A_579 : f32
    %mul3A_582 = arith.mulf %mul3A_581, %get3A_575 : f32
    %sub3A_583 = arith.subf %get3A_578, %mul3A_582 : f32
    %mul3A_584 = arith.mulf %div3A_579, %div3A_579 : f32
    %mul3A_585 = arith.mulf %mul3A_584, %get3A_507 : f32
    %add3A_586 = arith.addf %sub3A_583, %mul3A_585 : f32
    %add3A_587 = arith.addf %add3A_572, %add3A_586 : f32
    %mul3A_588 = arith.mulf %convert_element_type3A_511, %add3A_587 : f32
    %mul3A_589 = arith.constant 3.000000e+00 : f32
    %mul3A_590 = arith.mulf %mul3A_589, %max3A_513 : f32
    %div3A_591 = arith.divf %mul3A_588, %mul3A_590 : f32
    %add3A_592 = arith.constant 0.000000e+00 : f32
    %add3A_593 = arith.addf %add3A_592, %div3A_591 : f32
    %mul3A_594 = arith.constant 1.000000e+01 : f32
    %mul3A_595 = arith.mulf %convert_element_type3A_511, %mul3A_594 : f32
    %get3A_596 = arith.constant 0 : index
    %get3A_597 = arith.constant 0 : index
    %get3A_598 = memref.load %arg6[%get3A_596, %get3A_597] : memref<1x8xf32, #tpu.memory_space<smem>>
    %mul3A_599 = arith.mulf %mul3A_595, %get3A_598 : f32
    %add3A_600 = arith.addf %get3A_487, %mul3A_599 : f32
    %add3A_601 = arith.constant 0.000000e+00 : f32
    %add3A_602 = arith.addf %add3A_601, %convert_element_type3A_511 : f32
    %slice3A_603 = vector.extract_strided_slice %add3A_484 {offsets = [32, 0], sizes = [16, 128], strides = [1, 1]} : vector<128x128xf32> to vector<16x128xf32>
    %slice3A_604 = vector.extract_strided_slice %add3A_484 {offsets = [48, 0], sizes = [16, 128], strides = [1, 1]} : vector<128x128xf32> to vector<16x128xf32>
    %add3A_605 = arith.addf %slice3A_603, %slice3A_604 : vector<16x128xf32>
    %dot_general3A_606 = arith.constant dense<0.000000e+00> : vector<16x128xf32>
    %dot_general3A_607 = tpu.matmul %add3A_605, %convert_element_type3A_1, %dot_general3A_606 {dimension_numbers = #tpu.dot_dimension_numbers<[1], [0], [0], [1], [0, 0, 1, 1], [], []>, transpose_lhs_hint = false} : vector<16x128xf32>, vector<128x128xf32>, vector<16x128xf32> -> vector<16x128xf32>
    %dot_general3A_608 = arith.constant dense<0.000000e+00> : vector<16x128xf32>
    %dot_general3A_609 = tpu.matmul %slice3A_604, %convert_element_type3A_1, %dot_general3A_608 {dimension_numbers = #tpu.dot_dimension_numbers<[1], [0], [0], [1], [0, 0, 1, 1], [], []>, transpose_lhs_hint = false} : vector<16x128xf32>, vector<128x128xf32>, vector<16x128xf32> -> vector<16x128xf32>
    %slice3A_610 = vector.extract_strided_slice %dot_general3A_607 {offsets = [0, 0], sizes = [16, 1], strides = [1, 1]} : vector<16x128xf32> to vector<16x1xf32>
    %dot_general3A_611 = arith.constant dense<0.000000e+00> : vector<16x1xf32>
    %dot_general3A_612 = tpu.matmul %convert_element_type3A_5, %slice3A_610, %dot_general3A_611 {dimension_numbers = #tpu.dot_dimension_numbers<[1], [0], [0], [1], [0, 0, 1, 1], [], []>, transpose_lhs_hint = false} : vector<16x16xf32>, vector<16x1xf32>, vector<16x1xf32> -> vector<16x1xf32>
    %slice3A_613 = vector.extract_strided_slice %dot_general3A_609 {offsets = [0, 0], sizes = [16, 1], strides = [1, 1]} : vector<16x128xf32> to vector<16x1xf32>
    %dot_general3A_614 = arith.constant dense<0.000000e+00> : vector<16x1xf32>
    %dot_general3A_615 = tpu.matmul %convert_element_type3A_5, %slice3A_613, %dot_general3A_614 {dimension_numbers = #tpu.dot_dimension_numbers<[1], [0], [0], [1], [0, 0, 1, 1], [], []>, transpose_lhs_hint = false} : vector<16x16xf32>, vector<16x1xf32>, vector<16x1xf32> -> vector<16x1xf32>
    %add3A_616 = vector.broadcast %dot_general3A_612 : vector<16x1xf32> to vector<16x128xf32>
    %add3A_617 = arith.addf %dot_general3A_607, %add3A_616 : vector<16x128xf32>
    %add3A_618 = vector.broadcast %dot_general3A_615 : vector<16x1xf32> to vector<16x128xf32>
    %add3A_619 = arith.addf %dot_general3A_609, %add3A_618 : vector<16x128xf32>
    %get3A_620 = arith.constant 0 : index
    %get3A_621 = arith.constant 14 : index
    %get3A_622 = memref.load %arg4[%get3A_620, %get3A_621] : memref<1x64xf32, #tpu.memory_space<smem>>
    %gt3A_623 = arith.constant 0.000000e+00 : f32
    %gt3A_624 = arith.cmpf ogt, %get3A_622, %gt3A_623 : f32
    %convert_element_type3A_625 = arith.extui %gt3A_624 : i1 to i32
    %convert_element_type3A_626 = arith.sitofp %convert_element_type3A_625 : i32 to f32
    %max3A_627 = arith.constant 1.000000e+00 : f32
    %max3A_628 = arith.maximumf %get3A_622, %max3A_627 : f32
    %sub3A_629 = vector.broadcast %get3A_622 : f32 to vector<16x128xf32>
    %sub3A_630 = arith.subf %sub3A_629, %add3A_619 : vector<16x128xf32>
    %add3A_631 = vector.broadcast %get3A_622 : f32 to vector<16x128xf32>
    %add3A_632 = arith.addf %add3A_631, %add3A_617 : vector<16x128xf32>
    %sub3A_633 = arith.subf %add3A_632, %add3A_619 : vector<16x128xf32>
    %max3A_634 = arith.constant 1.000000e+00 : f32
    %max3A_635 = vector.broadcast %max3A_634 : f32 to vector<16x128xf32>
    %max3A_636 = arith.maximumf %sub3A_633, %max3A_635 : vector<16x128xf32>
    %div3A_637 = arith.divf %sub3A_630, %max3A_636 : vector<16x128xf32>
    %max3A_638 = arith.constant 1.000000e+00 : f32
    %max3A_639 = arith.maximumf %get3A_622, %max3A_638 : f32
    %div3A_640 = arith.divf %get3A_622, %max3A_639 : f32
    %reduce_sum3A_641 = vector.shape_cast %div3A_637 : vector<16x128xf32> to vector<1x16x128xf32>
    %reduce_sum3A_642 = arith.constant dense<0.000000e+00> : vector<1xf32>
    %reduce_sum3A_643 = vector.multi_reduction <add>, %reduce_sum3A_641, %reduce_sum3A_642 [1, 2] : vector<1x16x128xf32> to vector<1xf32>
    %reduce_sum3A_644 = vector.shape_cast %reduce_sum3A_643 : vector<1xf32> to vector<1x1x1xf32>
    %reduce_sum3A_645 = vector.extract %reduce_sum3A_644[0, 0, 0] : f32 from vector<1x1x1xf32>
    %add3A_646 = arith.addf %reduce_sum3A_645, %div3A_640 : f32
    %mul3A_647 = arith.constant 5.000000e-01 : f32
    %mul3A_648 = arith.mulf %mul3A_647, %div3A_640 : f32
    %sub3A_649 = arith.subf %add3A_646, %mul3A_648 : f32
    %mul3A_650 = arith.constant 9.765625E-4 : f32
    %mul3A_651 = arith.mulf %mul3A_650, %sub3A_649 : f32
    %sub3A_652 = arith.constant 2.000000e+00 : f32
    %sub3A_653 = arith.subf %sub3A_652, %mul3A_651 : f32
    %mul3A_654 = arith.mulf %convert_element_type3A_626, %sub3A_653 : f32
    %add3A_655 = arith.addf %add3A_541, %mul3A_654 : f32
    %get3A_656 = arith.constant 0 : index
    %get3A_657 = arith.constant 22 : index
    %get3A_658 = memref.load %arg4[%get3A_656, %get3A_657] : memref<1x64xf32, #tpu.memory_space<smem>>
    %get3A_659 = arith.constant 0 : index
    %get3A_660 = arith.constant 25 : index
    %get3A_661 = memref.load %arg4[%get3A_659, %get3A_660] : memref<1x64xf32, #tpu.memory_space<smem>>
    %div3A_662 = arith.divf %get3A_658, %max3A_628 : f32
    %mul3A_663 = arith.constant 2.000000e+00 : f32
    %mul3A_664 = arith.mulf %mul3A_663, %div3A_662 : f32
    %mul3A_665 = arith.mulf %mul3A_664, %get3A_658 : f32
    %sub3A_666 = arith.subf %get3A_661, %mul3A_665 : f32
    %mul3A_667 = arith.mulf %div3A_662, %div3A_662 : f32
    %mul3A_668 = arith.mulf %mul3A_667, %get3A_622 : f32
    %add3A_669 = arith.addf %sub3A_666, %mul3A_668 : f32
    %add3A_670 = arith.constant 0.000000e+00 : f32
    %add3A_671 = arith.addf %add3A_670, %add3A_669 : f32
    %get3A_672 = arith.constant 0 : index
    %get3A_673 = arith.constant 23 : index
    %get3A_674 = memref.load %arg4[%get3A_672, %get3A_673] : memref<1x64xf32, #tpu.memory_space<smem>>
    %get3A_675 = arith.constant 0 : index
    %get3A_676 = arith.constant 26 : index
    %get3A_677 = memref.load %arg4[%get3A_675, %get3A_676] : memref<1x64xf32, #tpu.memory_space<smem>>
    %div3A_678 = arith.divf %get3A_674, %max3A_628 : f32
    %mul3A_679 = arith.constant 2.000000e+00 : f32
    %mul3A_680 = arith.mulf %mul3A_679, %div3A_678 : f32
    %mul3A_681 = arith.mulf %mul3A_680, %get3A_674 : f32
    %sub3A_682 = arith.subf %get3A_677, %mul3A_681 : f32
    %mul3A_683 = arith.mulf %div3A_678, %div3A_678 : f32
    %mul3A_684 = arith.mulf %mul3A_683, %get3A_622 : f32
    %add3A_685 = arith.addf %sub3A_682, %mul3A_684 : f32
    %add3A_686 = arith.addf %add3A_671, %add3A_685 : f32
    %get3A_687 = arith.constant 0 : index
    %get3A_688 = arith.constant 24 : index
    %get3A_689 = memref.load %arg4[%get3A_687, %get3A_688] : memref<1x64xf32, #tpu.memory_space<smem>>
    %get3A_690 = arith.constant 0 : index
    %get3A_691 = arith.constant 27 : index
    %get3A_692 = memref.load %arg4[%get3A_690, %get3A_691] : memref<1x64xf32, #tpu.memory_space<smem>>
    %div3A_693 = arith.divf %get3A_689, %max3A_628 : f32
    %mul3A_694 = arith.constant 2.000000e+00 : f32
    %mul3A_695 = arith.mulf %mul3A_694, %div3A_693 : f32
    %mul3A_696 = arith.mulf %mul3A_695, %get3A_689 : f32
    %sub3A_697 = arith.subf %get3A_692, %mul3A_696 : f32
    %mul3A_698 = arith.mulf %div3A_693, %div3A_693 : f32
    %mul3A_699 = arith.mulf %mul3A_698, %get3A_622 : f32
    %add3A_700 = arith.addf %sub3A_697, %mul3A_699 : f32
    %add3A_701 = arith.addf %add3A_686, %add3A_700 : f32
    %mul3A_702 = arith.mulf %convert_element_type3A_626, %add3A_701 : f32
    %mul3A_703 = arith.constant 3.000000e+00 : f32
    %mul3A_704 = arith.mulf %mul3A_703, %max3A_628 : f32
    %div3A_705 = arith.divf %mul3A_702, %mul3A_704 : f32
    %add3A_706 = arith.addf %add3A_593, %div3A_705 : f32
    %mul3A_707 = arith.constant 1.000000e+01 : f32
    %mul3A_708 = arith.mulf %convert_element_type3A_626, %mul3A_707 : f32
    %get3A_709 = arith.constant 0 : index
    %get3A_710 = arith.constant 1 : index
    %get3A_711 = memref.load %arg6[%get3A_709, %get3A_710] : memref<1x8xf32, #tpu.memory_space<smem>>
    %mul3A_712 = arith.mulf %mul3A_708, %get3A_711 : f32
    %add3A_713 = arith.addf %add3A_600, %mul3A_712 : f32
    %add3A_714 = arith.addf %add3A_602, %convert_element_type3A_626 : f32
    %slice3A_715 = vector.extract_strided_slice %add3A_484 {offsets = [64, 0], sizes = [16, 128], strides = [1, 1]} : vector<128x128xf32> to vector<16x128xf32>
    %slice3A_716 = vector.extract_strided_slice %add3A_484 {offsets = [80, 0], sizes = [16, 128], strides = [1, 1]} : vector<128x128xf32> to vector<16x128xf32>
    %add3A_717 = arith.addf %slice3A_715, %slice3A_716 : vector<16x128xf32>
    %dot_general3A_718 = arith.constant dense<0.000000e+00> : vector<16x128xf32>
    %dot_general3A_719 = tpu.matmul %add3A_717, %convert_element_type3A_1, %dot_general3A_718 {dimension_numbers = #tpu.dot_dimension_numbers<[1], [0], [0], [1], [0, 0, 1, 1], [], []>, transpose_lhs_hint = false} : vector<16x128xf32>, vector<128x128xf32>, vector<16x128xf32> -> vector<16x128xf32>
    %dot_general3A_720 = arith.constant dense<0.000000e+00> : vector<16x128xf32>
    %dot_general3A_721 = tpu.matmul %slice3A_716, %convert_element_type3A_1, %dot_general3A_720 {dimension_numbers = #tpu.dot_dimension_numbers<[1], [0], [0], [1], [0, 0, 1, 1], [], []>, transpose_lhs_hint = false} : vector<16x128xf32>, vector<128x128xf32>, vector<16x128xf32> -> vector<16x128xf32>
    %slice3A_722 = vector.extract_strided_slice %dot_general3A_719 {offsets = [0, 0], sizes = [16, 1], strides = [1, 1]} : vector<16x128xf32> to vector<16x1xf32>
    %dot_general3A_723 = arith.constant dense<0.000000e+00> : vector<16x1xf32>
    %dot_general3A_724 = tpu.matmul %convert_element_type3A_5, %slice3A_722, %dot_general3A_723 {dimension_numbers = #tpu.dot_dimension_numbers<[1], [0], [0], [1], [0, 0, 1, 1], [], []>, transpose_lhs_hint = false} : vector<16x16xf32>, vector<16x1xf32>, vector<16x1xf32> -> vector<16x1xf32>
    %slice3A_725 = vector.extract_strided_slice %dot_general3A_721 {offsets = [0, 0], sizes = [16, 1], strides = [1, 1]} : vector<16x128xf32> to vector<16x1xf32>
    %dot_general3A_726 = arith.constant dense<0.000000e+00> : vector<16x1xf32>
    %dot_general3A_727 = tpu.matmul %convert_element_type3A_5, %slice3A_725, %dot_general3A_726 {dimension_numbers = #tpu.dot_dimension_numbers<[1], [0], [0], [1], [0, 0, 1, 1], [], []>, transpose_lhs_hint = false} : vector<16x16xf32>, vector<16x1xf32>, vector<16x1xf32> -> vector<16x1xf32>
    %add3A_728 = vector.broadcast %dot_general3A_724 : vector<16x1xf32> to vector<16x128xf32>
    %add3A_729 = arith.addf %dot_general3A_719, %add3A_728 : vector<16x128xf32>
    %add3A_730 = vector.broadcast %dot_general3A_727 : vector<16x1xf32> to vector<16x128xf32>
    %add3A_731 = arith.addf %dot_general3A_721, %add3A_730 : vector<16x128xf32>
    %get3A_732 = arith.constant 0 : index
    %get3A_733 = arith.constant 28 : index
    %get3A_734 = memref.load %arg4[%get3A_732, %get3A_733] : memref<1x64xf32, #tpu.memory_space<smem>>
    %gt3A_735 = arith.constant 0.000000e+00 : f32
    %gt3A_736 = arith.cmpf ogt, %get3A_734, %gt3A_735 : f32
    %convert_element_type3A_737 = arith.extui %gt3A_736 : i1 to i32
    %convert_element_type3A_738 = arith.sitofp %convert_element_type3A_737 : i32 to f32
    %max3A_739 = arith.constant 1.000000e+00 : f32
    %max3A_740 = arith.maximumf %get3A_734, %max3A_739 : f32
    %sub3A_741 = vector.broadcast %get3A_734 : f32 to vector<16x128xf32>
    %sub3A_742 = arith.subf %sub3A_741, %add3A_731 : vector<16x128xf32>
    %add3A_743 = vector.broadcast %get3A_734 : f32 to vector<16x128xf32>
    %add3A_744 = arith.addf %add3A_743, %add3A_729 : vector<16x128xf32>
    %sub3A_745 = arith.subf %add3A_744, %add3A_731 : vector<16x128xf32>
    %max3A_746 = arith.constant 1.000000e+00 : f32
    %max3A_747 = vector.broadcast %max3A_746 : f32 to vector<16x128xf32>
    %max3A_748 = arith.maximumf %sub3A_745, %max3A_747 : vector<16x128xf32>
    %div3A_749 = arith.divf %sub3A_742, %max3A_748 : vector<16x128xf32>
    %max3A_750 = arith.constant 1.000000e+00 : f32
    %max3A_751 = arith.maximumf %get3A_734, %max3A_750 : f32
    %div3A_752 = arith.divf %get3A_734, %max3A_751 : f32
    %reduce_sum3A_753 = vector.shape_cast %div3A_749 : vector<16x128xf32> to vector<1x16x128xf32>
    %reduce_sum3A_754 = arith.constant dense<0.000000e+00> : vector<1xf32>
    %reduce_sum3A_755 = vector.multi_reduction <add>, %reduce_sum3A_753, %reduce_sum3A_754 [1, 2] : vector<1x16x128xf32> to vector<1xf32>
    %reduce_sum3A_756 = vector.shape_cast %reduce_sum3A_755 : vector<1xf32> to vector<1x1x1xf32>
    %reduce_sum3A_757 = vector.extract %reduce_sum3A_756[0, 0, 0] : f32 from vector<1x1x1xf32>
    %add3A_758 = arith.addf %reduce_sum3A_757, %div3A_752 : f32
    %mul3A_759 = arith.constant 5.000000e-01 : f32
    %mul3A_760 = arith.mulf %mul3A_759, %div3A_752 : f32
    %sub3A_761 = arith.subf %add3A_758, %mul3A_760 : f32
    %mul3A_762 = arith.constant 9.765625E-4 : f32
    %mul3A_763 = arith.mulf %mul3A_762, %sub3A_761 : f32
    %sub3A_764 = arith.constant 2.000000e+00 : f32
    %sub3A_765 = arith.subf %sub3A_764, %mul3A_763 : f32
    %mul3A_766 = arith.mulf %convert_element_type3A_738, %sub3A_765 : f32
    %add3A_767 = arith.addf %add3A_655, %mul3A_766 : f32
    %get3A_768 = arith.constant 0 : index
    %get3A_769 = arith.constant 36 : index
    %get3A_770 = memref.load %arg4[%get3A_768, %get3A_769] : memref<1x64xf32, #tpu.memory_space<smem>>
    %get3A_771 = arith.constant 0 : index
    %get3A_772 = arith.constant 39 : index
    %get3A_773 = memref.load %arg4[%get3A_771, %get3A_772] : memref<1x64xf32, #tpu.memory_space<smem>>
    %div3A_774 = arith.divf %get3A_770, %max3A_740 : f32
    %mul3A_775 = arith.constant 2.000000e+00 : f32
    %mul3A_776 = arith.mulf %mul3A_775, %div3A_774 : f32
    %mul3A_777 = arith.mulf %mul3A_776, %get3A_770 : f32
    %sub3A_778 = arith.subf %get3A_773, %mul3A_777 : f32
    %mul3A_779 = arith.mulf %div3A_774, %div3A_774 : f32
    %mul3A_780 = arith.mulf %mul3A_779, %get3A_734 : f32
    %add3A_781 = arith.addf %sub3A_778, %mul3A_780 : f32
    %add3A_782 = arith.constant 0.000000e+00 : f32
    %add3A_783 = arith.addf %add3A_782, %add3A_781 : f32
    %get3A_784 = arith.constant 0 : index
    %get3A_785 = arith.constant 37 : index
    %get3A_786 = memref.load %arg4[%get3A_784, %get3A_785] : memref<1x64xf32, #tpu.memory_space<smem>>
    %get3A_787 = arith.constant 0 : index
    %get3A_788 = arith.constant 40 : index
    %get3A_789 = memref.load %arg4[%get3A_787, %get3A_788] : memref<1x64xf32, #tpu.memory_space<smem>>
    %div3A_790 = arith.divf %get3A_786, %max3A_740 : f32
    %mul3A_791 = arith.constant 2.000000e+00 : f32
    %mul3A_792 = arith.mulf %mul3A_791, %div3A_790 : f32
    %mul3A_793 = arith.mulf %mul3A_792, %get3A_786 : f32
    %sub3A_794 = arith.subf %get3A_789, %mul3A_793 : f32
    %mul3A_795 = arith.mulf %div3A_790, %div3A_790 : f32
    %mul3A_796 = arith.mulf %mul3A_795, %get3A_734 : f32
    %add3A_797 = arith.addf %sub3A_794, %mul3A_796 : f32
    %add3A_798 = arith.addf %add3A_783, %add3A_797 : f32
    %get3A_799 = arith.constant 0 : index
    %get3A_800 = arith.constant 38 : index
    %get3A_801 = memref.load %arg4[%get3A_799, %get3A_800] : memref<1x64xf32, #tpu.memory_space<smem>>
    %get3A_802 = arith.constant 0 : index
    %get3A_803 = arith.constant 41 : index
    %get3A_804 = memref.load %arg4[%get3A_802, %get3A_803] : memref<1x64xf32, #tpu.memory_space<smem>>
    %div3A_805 = arith.divf %get3A_801, %max3A_740 : f32
    %mul3A_806 = arith.constant 2.000000e+00 : f32
    %mul3A_807 = arith.mulf %mul3A_806, %div3A_805 : f32
    %mul3A_808 = arith.mulf %mul3A_807, %get3A_801 : f32
    %sub3A_809 = arith.subf %get3A_804, %mul3A_808 : f32
    %mul3A_810 = arith.mulf %div3A_805, %div3A_805 : f32
    %mul3A_811 = arith.mulf %mul3A_810, %get3A_734 : f32
    %add3A_812 = arith.addf %sub3A_809, %mul3A_811 : f32
    %add3A_813 = arith.addf %add3A_798, %add3A_812 : f32
    %mul3A_814 = arith.mulf %convert_element_type3A_738, %add3A_813 : f32
    %mul3A_815 = arith.constant 3.000000e+00 : f32
    %mul3A_816 = arith.mulf %mul3A_815, %max3A_740 : f32
    %div3A_817 = arith.divf %mul3A_814, %mul3A_816 : f32
    %add3A_818 = arith.addf %add3A_706, %div3A_817 : f32
    %mul3A_819 = arith.constant 1.000000e+01 : f32
    %mul3A_820 = arith.mulf %convert_element_type3A_738, %mul3A_819 : f32
    %get3A_821 = arith.constant 0 : index
    %get3A_822 = arith.constant 2 : index
    %get3A_823 = memref.load %arg6[%get3A_821, %get3A_822] : memref<1x8xf32, #tpu.memory_space<smem>>
    %mul3A_824 = arith.mulf %mul3A_820, %get3A_823 : f32
    %add3A_825 = arith.addf %add3A_713, %mul3A_824 : f32
    %add3A_826 = arith.addf %add3A_714, %convert_element_type3A_738 : f32
    %slice3A_827 = vector.extract_strided_slice %add3A_484 {offsets = [96, 0], sizes = [16, 128], strides = [1, 1]} : vector<128x128xf32> to vector<16x128xf32>
    %slice3A_828 = vector.extract_strided_slice %add3A_484 {offsets = [112, 0], sizes = [16, 128], strides = [1, 1]} : vector<128x128xf32> to vector<16x128xf32>
    %add3A_829 = arith.addf %slice3A_827, %slice3A_828 : vector<16x128xf32>
    %dot_general3A_830 = arith.constant dense<0.000000e+00> : vector<16x128xf32>
    %dot_general3A_831 = tpu.matmul %add3A_829, %convert_element_type3A_1, %dot_general3A_830 {dimension_numbers = #tpu.dot_dimension_numbers<[1], [0], [0], [1], [0, 0, 1, 1], [], []>, transpose_lhs_hint = false} : vector<16x128xf32>, vector<128x128xf32>, vector<16x128xf32> -> vector<16x128xf32>
    %dot_general3A_832 = arith.constant dense<0.000000e+00> : vector<16x128xf32>
    %dot_general3A_833 = tpu.matmul %slice3A_828, %convert_element_type3A_1, %dot_general3A_832 {dimension_numbers = #tpu.dot_dimension_numbers<[1], [0], [0], [1], [0, 0, 1, 1], [], []>, transpose_lhs_hint = false} : vector<16x128xf32>, vector<128x128xf32>, vector<16x128xf32> -> vector<16x128xf32>
    %slice3A_834 = vector.extract_strided_slice %dot_general3A_831 {offsets = [0, 0], sizes = [16, 1], strides = [1, 1]} : vector<16x128xf32> to vector<16x1xf32>
    %dot_general3A_835 = arith.constant dense<0.000000e+00> : vector<16x1xf32>
    %dot_general3A_836 = tpu.matmul %convert_element_type3A_5, %slice3A_834, %dot_general3A_835 {dimension_numbers = #tpu.dot_dimension_numbers<[1], [0], [0], [1], [0, 0, 1, 1], [], []>, transpose_lhs_hint = false} : vector<16x16xf32>, vector<16x1xf32>, vector<16x1xf32> -> vector<16x1xf32>
    %slice3A_837 = vector.extract_strided_slice %dot_general3A_833 {offsets = [0, 0], sizes = [16, 1], strides = [1, 1]} : vector<16x128xf32> to vector<16x1xf32>
    %dot_general3A_838 = arith.constant dense<0.000000e+00> : vector<16x1xf32>
    %dot_general3A_839 = tpu.matmul %convert_element_type3A_5, %slice3A_837, %dot_general3A_838 {dimension_numbers = #tpu.dot_dimension_numbers<[1], [0], [0], [1], [0, 0, 1, 1], [], []>, transpose_lhs_hint = false} : vector<16x16xf32>, vector<16x1xf32>, vector<16x1xf32> -> vector<16x1xf32>
    %add3A_840 = vector.broadcast %dot_general3A_836 : vector<16x1xf32> to vector<16x128xf32>
    %add3A_841 = arith.addf %dot_general3A_831, %add3A_840 : vector<16x128xf32>
    %add3A_842 = vector.broadcast %dot_general3A_839 : vector<16x1xf32> to vector<16x128xf32>
    %add3A_843 = arith.addf %dot_general3A_833, %add3A_842 : vector<16x128xf32>
    %get3A_844 = arith.constant 0 : index
    %get3A_845 = arith.constant 42 : index
    %get3A_846 = memref.load %arg4[%get3A_844, %get3A_845] : memref<1x64xf32, #tpu.memory_space<smem>>
    %gt3A_847 = arith.constant 0.000000e+00 : f32
    %gt3A_848 = arith.cmpf ogt, %get3A_846, %gt3A_847 : f32
    %convert_element_type3A_849 = arith.extui %gt3A_848 : i1 to i32
    %convert_element_type3A_850 = arith.sitofp %convert_element_type3A_849 : i32 to f32
    %max3A_851 = arith.constant 1.000000e+00 : f32
    %max3A_852 = arith.maximumf %get3A_846, %max3A_851 : f32
    %sub3A_853 = vector.broadcast %get3A_846 : f32 to vector<16x128xf32>
    %sub3A_854 = arith.subf %sub3A_853, %add3A_843 : vector<16x128xf32>
    %add3A_855 = vector.broadcast %get3A_846 : f32 to vector<16x128xf32>
    %add3A_856 = arith.addf %add3A_855, %add3A_841 : vector<16x128xf32>
    %sub3A_857 = arith.subf %add3A_856, %add3A_843 : vector<16x128xf32>
    %max3A_858 = arith.constant 1.000000e+00 : f32
    %max3A_859 = vector.broadcast %max3A_858 : f32 to vector<16x128xf32>
    %max3A_860 = arith.maximumf %sub3A_857, %max3A_859 : vector<16x128xf32>
    %div3A_861 = arith.divf %sub3A_854, %max3A_860 : vector<16x128xf32>
    %max3A_862 = arith.constant 1.000000e+00 : f32
    %max3A_863 = arith.maximumf %get3A_846, %max3A_862 : f32
    %div3A_864 = arith.divf %get3A_846, %max3A_863 : f32
    %reduce_sum3A_865 = vector.shape_cast %div3A_861 : vector<16x128xf32> to vector<1x16x128xf32>
    %reduce_sum3A_866 = arith.constant dense<0.000000e+00> : vector<1xf32>
    %reduce_sum3A_867 = vector.multi_reduction <add>, %reduce_sum3A_865, %reduce_sum3A_866 [1, 2] : vector<1x16x128xf32> to vector<1xf32>
    %reduce_sum3A_868 = vector.shape_cast %reduce_sum3A_867 : vector<1xf32> to vector<1x1x1xf32>
    %reduce_sum3A_869 = vector.extract %reduce_sum3A_868[0, 0, 0] : f32 from vector<1x1x1xf32>
    %add3A_870 = arith.addf %reduce_sum3A_869, %div3A_864 : f32
    %mul3A_871 = arith.constant 5.000000e-01 : f32
    %mul3A_872 = arith.mulf %mul3A_871, %div3A_864 : f32
    %sub3A_873 = arith.subf %add3A_870, %mul3A_872 : f32
    %mul3A_874 = arith.constant 9.765625E-4 : f32
    %mul3A_875 = arith.mulf %mul3A_874, %sub3A_873 : f32
    %sub3A_876 = arith.constant 2.000000e+00 : f32
    %sub3A_877 = arith.subf %sub3A_876, %mul3A_875 : f32
    %mul3A_878 = arith.mulf %convert_element_type3A_850, %sub3A_877 : f32
    %add3A_879 = arith.addf %add3A_767, %mul3A_878 : f32
    %get3A_880 = arith.constant 0 : index
    %get3A_881 = arith.constant 50 : index
    %get3A_882 = memref.load %arg4[%get3A_880, %get3A_881] : memref<1x64xf32, #tpu.memory_space<smem>>
    %get3A_883 = arith.constant 0 : index
    %get3A_884 = arith.constant 53 : index
    %get3A_885 = memref.load %arg4[%get3A_883, %get3A_884] : memref<1x64xf32, #tpu.memory_space<smem>>
    %div3A_886 = arith.divf %get3A_882, %max3A_852 : f32
    %mul3A_887 = arith.constant 2.000000e+00 : f32
    %mul3A_888 = arith.mulf %mul3A_887, %div3A_886 : f32
    %mul3A_889 = arith.mulf %mul3A_888, %get3A_882 : f32
    %sub3A_890 = arith.subf %get3A_885, %mul3A_889 : f32
    %mul3A_891 = arith.mulf %div3A_886, %div3A_886 : f32
    %mul3A_892 = arith.mulf %mul3A_891, %get3A_846 : f32
    %add3A_893 = arith.addf %sub3A_890, %mul3A_892 : f32
    %add3A_894 = arith.constant 0.000000e+00 : f32
    %add3A_895 = arith.addf %add3A_894, %add3A_893 : f32
    %get3A_896 = arith.constant 0 : index
    %get3A_897 = arith.constant 51 : index
    %get3A_898 = memref.load %arg4[%get3A_896, %get3A_897] : memref<1x64xf32, #tpu.memory_space<smem>>
    %get3A_899 = arith.constant 0 : index
    %get3A_900 = arith.constant 54 : index
    %get3A_901 = memref.load %arg4[%get3A_899, %get3A_900] : memref<1x64xf32, #tpu.memory_space<smem>>
    %div3A_902 = arith.divf %get3A_898, %max3A_852 : f32
    %mul3A_903 = arith.constant 2.000000e+00 : f32
    %mul3A_904 = arith.mulf %mul3A_903, %div3A_902 : f32
    %mul3A_905 = arith.mulf %mul3A_904, %get3A_898 : f32
    %sub3A_906 = arith.subf %get3A_901, %mul3A_905 : f32
    %mul3A_907 = arith.mulf %div3A_902, %div3A_902 : f32
    %mul3A_908 = arith.mulf %mul3A_907, %get3A_846 : f32
    %add3A_909 = arith.addf %sub3A_906, %mul3A_908 : f32
    %add3A_910 = arith.addf %add3A_895, %add3A_909 : f32
    %get3A_911 = arith.constant 0 : index
    %get3A_912 = arith.constant 52 : index
    %get3A_913 = memref.load %arg4[%get3A_911, %get3A_912] : memref<1x64xf32, #tpu.memory_space<smem>>
    %get3A_914 = arith.constant 0 : index
    %get3A_915 = arith.constant 55 : index
    %get3A_916 = memref.load %arg4[%get3A_914, %get3A_915] : memref<1x64xf32, #tpu.memory_space<smem>>
    %div3A_917 = arith.divf %get3A_913, %max3A_852 : f32
    %mul3A_918 = arith.constant 2.000000e+00 : f32
    %mul3A_919 = arith.mulf %mul3A_918, %div3A_917 : f32
    %mul3A_920 = arith.mulf %mul3A_919, %get3A_913 : f32
    %sub3A_921 = arith.subf %get3A_916, %mul3A_920 : f32
    %mul3A_922 = arith.mulf %div3A_917, %div3A_917 : f32
    %mul3A_923 = arith.mulf %mul3A_922, %get3A_846 : f32
    %add3A_924 = arith.addf %sub3A_921, %mul3A_923 : f32
    %add3A_925 = arith.addf %add3A_910, %add3A_924 : f32
    %mul3A_926 = arith.mulf %convert_element_type3A_850, %add3A_925 : f32
    %mul3A_927 = arith.constant 3.000000e+00 : f32
    %mul3A_928 = arith.mulf %mul3A_927, %max3A_852 : f32
    %div3A_929 = arith.divf %mul3A_926, %mul3A_928 : f32
    %add3A_930 = arith.addf %add3A_818, %div3A_929 : f32
    %mul3A_931 = arith.constant 1.000000e+01 : f32
    %mul3A_932 = arith.mulf %convert_element_type3A_850, %mul3A_931 : f32
    %get3A_933 = arith.constant 0 : index
    %get3A_934 = arith.constant 3 : index
    %get3A_935 = memref.load %arg6[%get3A_933, %get3A_934] : memref<1x8xf32, #tpu.memory_space<smem>>
    %mul3A_936 = arith.mulf %mul3A_932, %get3A_935 : f32
    %add3A_937 = arith.addf %add3A_825, %mul3A_936 : f32
    %add3A_938 = arith.addf %add3A_826, %convert_element_type3A_850 : f32
    %max3A_939 = arith.constant 1.000000e+00 : f32
    %max3A_940 = arith.maximumf %add3A_938, %max3A_939 : f32
    %div3A_941 = arith.divf %add3A_879, %max3A_940 : f32
    %add3A_942 = arith.addf %add3A_473, %div3A_941 : f32
    %mul3A_943 = arith.constant 1.000000e+01 : f32
    %mul3A_944 = arith.mulf %mul3A_943, %add3A_930 : f32
    %div3A_945 = arith.divf %mul3A_944, %max3A_940 : f32
    %add3A_946 = arith.addf %add3A_942, %div3A_945 : f32
    %div3A_947 = arith.constant 5.242880e+05 : f32
    %div3A_948 = arith.divf %add3A_937, %div3A_947 : f32
    %add3A_949 = arith.addf %add3A_946, %div3A_948 : f32
    %mul3A_950 = arith.constant 5.000000e-01 : f32
    %mul3A_951 = arith.mulf %add3A_949, %mul3A_950 : f32
    %swap3A = arith.constant 0 : index
    %swap3A_952 = memref.load %arg7[%swap3A] : memref<1xf32, #tpu.memory_space<smem>>
    memref.store %mul3A_951, %arg7[%swap3A] : memref<1xf32, #tpu.memory_space<smem>>
    return
  }
  func.func @transform_0(%arg0: i32) -> (i32, i32, i32) {
    %c0_i32 = arith.constant 0 : i32
    %c0_i32_0 = arith.constant 0 : i32
    %c0_i32_1 = arith.constant 0 : i32
    %c0_i32_2 = arith.constant 0 : i32
    return %c0_i32, %c0_i32_0, %c0_i32_1 : i32, i32, i32
  }
  func.func @transform_1(%arg0: i32) -> (i32, i32, i32) {
    %c0_i32 = arith.constant 0 : i32
    %c0_i32_0 = arith.constant 0 : i32
    %c0_i32_1 = arith.constant 0 : i32
    %c0_i32_2 = arith.constant 0 : i32
    return %c0_i32, %c0_i32_0, %c0_i32_1 : i32, i32, i32
  }
  func.func @transform_2(%arg0: i32) -> (i32, i32) {
    %c0_i32 = arith.constant 0 : i32
    %c0_i32_0 = arith.constant 0 : i32
    %c0_i32_1 = arith.constant 0 : i32
    return %c0_i32, %c0_i32_0 : i32, i32
  }
  func.func @transform_3(%arg0: i32) -> (i32, i32) {
    %c0_i32 = arith.constant 0 : i32
    %c0_i32_0 = arith.constant 0 : i32
    %c0_i32_1 = arith.constant 0 : i32
    return %c0_i32, %c0_i32_0 : i32, i32
  }
  func.func @transform_4(%arg0: i32) -> (i32, i32) {
    %c0_i32 = arith.constant 0 : i32
    %c0_i32_0 = arith.constant 0 : i32
    %c0_i32_1 = arith.constant 0 : i32
    return %c0_i32, %c0_i32_0 : i32, i32
  }
  func.func @transform_5(%arg0: i32) -> (i32, i32) {
    %c0_i32 = arith.constant 0 : i32
    %c0_i32_0 = arith.constant 0 : i32
    %c0_i32_1 = arith.constant 0 : i32
    return %c0_i32, %c0_i32_0 : i32, i32
  }
  func.func @transform_6(%arg0: i32) -> i32 {
    %c0_i32 = arith.constant 0 : i32
    %c0_i32_0 = arith.constant 0 : i32
    return %c0_i32 : i32
  }
}

</mosaic_0001>

<sc_bundles>
// kernel: kernel.12.cloned.1.call-start
scs
__scs_entry_jumppad:
0x0: {  	(pc) =	sbr.rel $0x88, $3  }
0x1: {  	(tag) =	ssettag $0x0;
	lr =	simm.s32 $0x1  }
0x2: {  	[smem:$0x3F9D] =	sst lr;
	_ =	strace $0xD0000000  }
0x3: {  	_ = 	snop  }
0x4: {  	_ = 	snop  }
0x5: {  	_ = 	snop  }
0x6: {  	_ = 	snop  }
0x7: {  	_ = 	snop  }
__scs_overlays_trampoline_lowered:
0x8: {  	[smem:$0x3FAC] =	sst s0  }
0x9: {  	[smem:$0x3FAD] =	sst s1  }
0xa: {  	[smem:$0x3FAE] =	sst s2  }
0xb: {  	[smem:$0x3FAF] =	sst s3  }
0xc: {  	[smem:$0x3FB0] =	sst s4  }
0xd: {  	[smem:$0x3FB1] =	sst s5  }
0xe: {  	[smem:$0x3FB2] =	sst s6  }
0xf: {  	[smem:$0x3FB3] =	sst s7  }
0x10: {  	[smem:$0x3FB4] =	sst s8  }
0x11: {  	[smem:$0x3FB5] =	sst s9;
	s0 =	simm.s32 @!p0 $0x0  }
0x12: {  	s1 =	sld [smem:$0x3F9B];
	s0 =	simm.s32 @p0 $0x1  }
0x13: {  	[smem:$0x3FB6] =	sst s0;
	s0 =	simm.s32 @!p1 $0x0  }
0x14: {  	s2 =	sld [smem:$0x3F9A];
	s0 =	simm.s32 @p1 $0x1  }
0x15: {  	[smem:$0x3FB7] =	sst s0;
	s0 =	simm.s32 @!p2 $0x0  }
0x16: {  	s3 =	sld [smem:$0x3FDB];
	s0 =	simm.s32 @p2 $0x1  }
0x17: {  	s4 =	simm.s32 $0x1BF5;
	[smem:$0x3FB9] =	sst s0  }
0x18: {  	s0 =	sld [smem:$0x3F9C];
	_ =	swait.ge [sflag:s4], $0x0  }
0x19: {  	s7 =	sld [smem:$0x3F9D]  }
0x1a: {  	s8 =	sadd.s32 $0xFFFFE003, lr  }
0x1b: {  	s9 =	sadd.s32 $0xFFFFFEF7, lr;
	s5 =	simm.s32 $0xFFFFFFFF;
	p2 =	slt.u32 s8, $0xFFFFF086  }
0x1c: {  	p1 =	slt.u32 s9, $0xF7A;
	s5 =	simm.s32 @!p2 $0x0  }
0x1d: {  	s5 =	simm.s32 @p1 $0x1;
	p0 =	seq.s32 s7, s2  }
0x1e: {  	s7 =	smul.u32 @!p0 $0xF7A, s2;
	p2 =	seq.s32 @!p0 s5, $0x0  }
0x1f: {  	s9 =	smul.u32 $0xF7A, s1;
	s8 =	simm.s32 @!p0 $0x1BF5;
	p2 =	por !p2, p0  }
0x20: {  	[sflag:s8] =	ssyncset.s32 @!p0 $0xFFFFF086;
	s6 =	sadd.s32 @!p0 s3, s7;
	s7 =	simm.s32 @!p0 $0x108  }
0x21: {  	s3 =	sadd.s32 s3, s9;
	s6 =	sadd.s32 @!p0 $0x88, s6;
	s7 =	simm.s32 @p2 $0x1082  }
0x22: {  	[simem:s7], [sflag:s8] =	dma.local @!p0 [hbm:s6], $0xF7A  }
0x23: {  	s9 =	sor.u32 $0xD0000000, s2;
	s6 =	simm.s32 $0x108;
	_ =	swait.ge @!p0 [sflag:s8], $0x0  }
0x24: {  	s3 =	sadd.s32 $0x88, s3;
	s6 =	simm.s32 @!p1 $0x1082;
	[sflag:s4] =	ssyncset.s32 $0xFFFFF086  }
0x25: {  	[simem:s6], [sflag:s4] =	dma.local [hbm:s3], $0xF7A  }
0x26: {  	[smem:$0x3F9D] =	sst s1;
	(tag) =	ssettag s2;
	_ =	strace s9  }
0x27: {  	s1 =	sld [smem:$0x3FAD]  }
0x28: {  	s2 =	sld [smem:$0x3FAE]  }
0x29: {  	s4 =	sld [smem:$0x3FB0]  }
0x2a: {  	p0 =	seq.s32 s5, $0x0;
	s5 =	sld [smem:$0x3FB1]  }
0x2b: {  	s6 =	sld [smem:$0x3FB2]  }
0x2c: {  	s7 =	sld [smem:$0x3FB3]  }
0x2d: {  	s3 =	simm.s32 $0x108;
	s8 =	sld [smem:$0x3FB4]  }
0x2e: {  	s3 =	simm.s32 @!p0 $0x1082;
	s9 =	sld [smem:$0x3FB5]  }
0x2f: {  	lr =	sadd.s32 s0, s3;
	s0 =	sld [smem:$0x3FAC]  }
0x30: {  	s3 =	sld [smem:$0x3FAF]  }
0x31: {  	[smem:$0x3FB8] =	sst s10  }
0x32: {  	s10 =	sld [smem:$0x3FB6];
	_ =	sdelay $0x3  }
0x33: {  	p0 =	seq.s32 s10, $0x1;
	s10 =	sld [smem:$0x3FB8];
	_ =	sdelay $0x3  }
0x34: {  	[smem:$0x3FB8] =	sst s10  }
0x35: {  	s10 =	sld [smem:$0x3FB7];
	_ =	sdelay $0x3  }
0x36: {  	p1 =	seq.s32 s10, $0x1;
	s10 =	sld [smem:$0x3FB8];
	_ =	sdelay $0x3  }
0x37: {  	[smem:$0x3FB8] =	sst s10  }
0x38: {  	s10 =	sld [smem:$0x3FB9]  }
0x39: {  	_ = 	snop;
	(pc) =	sbr.ind lr, $3  }
0x3a: {  	_ = 	snop  }
0x3b: {  	_ = 	snop  }
0x3c: {  	p2 =	seq.s32 s10, $0x1;
	s10 =	sld [smem:$0x3FB8]  }
0x3d: {  	_ =	shalt  }
0x3e: {  	_ =	shalt  }
0x3f: {  	_ =	shalt  }
0x40: {  	_ =	shalt  }
0x41: {  	_ =	shalt  }
0x42: {  	_ =	shalt  }
0x43: {  	_ =	shalt  }
0x44: {  	_ =	shalt  }
0x45: {  	_ =	shalt  }
0x46: {  	_ =	shalt  }
0x47: {  	_ =	shalt  }
0x48: {  	_ =	shalt  }
0x49: {  	_ =	shalt  }
0x4a: {  	_ =	shalt  }
0x4b: {  	_ =	shalt  }
0x4c: {  	_ =	shalt  }
0x4d: {  	_ =	shalt  }
0x4e: {  	_ =	shalt  }
0x4f: {  	_ =	shalt  }
0x50: {  	_ =	shalt  }
0x51: {  	_ =	shalt  }
0x52: {  	_ =	shalt  }
0x53: {  	_ =	shalt  }
0x54: {  	_ =	shalt  }
0x55: {  	_ =	shalt  }
0x56: {  	_ =	shalt  }
0x57: {  	_ =	shalt  }
0x58: {  	_ =	shalt  }
0x59: {  	_ =	shalt  }
0x5a: {  	_ =	shalt  }
0x5b: {  	_ =	shalt  }
0x5c: {  	_ =	shalt  }
0x5d: {  	_ =	shalt  }
0x5e: {  	_ =	shalt  }
0x5f: {  	_ =	shalt  }
0x60: {  	_ =	shalt  }
0x61: {  	_ =	shalt  }
0x62: {  	_ =	shalt  }
0x63: {  	_ =	shalt  }
0x64: {  	_ =	shalt  }
0x65: {  	_ =	shalt  }
0x66: {  	_ =	shalt  }
0x67: {  	_ =	shalt  }
0x68: {  	_ =	shalt  }
0x69: {  	_ =	shalt  }
0x6a: {  	_ =	shalt  }
0x6b: {  	_ =	shalt  }
0x6c: {  	_ =	shalt  }
0x6d: {  	_ =	shalt  }
0x6e: {  	_ =	shalt  }
0x6f: {  	_ =	shalt  }
0x70: {  	_ =	shalt  }
0x71: {  	_ =	shalt  }
0x72: {  	_ =	shalt  }
0x73: {  	_ =	shalt  }
0x74: {  	_ =	shalt  }
0x75: {  	_ =	shalt  }
0x76: {  	_ =	shalt  }
0x77: {  	_ =	shalt  }
0x78: {  	_ =	shalt  }
0x79: {  	_ =	shalt  }
0x7a: {  	_ =	shalt  }
0x7b: {  	_ =	shalt  }
0x7c: {  	_ =	shalt  }
0x7d: {  	_ =	shalt  }
0x7e: {  	_ =	shalt  }
0x7f: {  	_ =	shalt  }
0x80: {  	_ =	shalt  }
0x81: {  	_ =	shalt  }
0x82: {  	_ =	shalt  }
0x83: {  	_ =	shalt  }
0x84: {  	_ =	shalt  }
0x85: {  	_ =	shalt  }
0x86: {  	_ =	shalt  }
0x87: {  	_ =	shalt  }
.Lfunc_end0:
.L_simem_size_0:
called_computation.1_lowered:
.L_overlay_start_0:
0x88: {  	s2 =	sld [smem:$0x3FD9]  }
0x89: {  	s3 =	sld [smem:$0x3FFE];
	_ =	sdelay $0x1  }
0x8a: {  	s1 =	srdreg.scid  }
0x8b: {  	s0 =	sand.u32 $0x1, s1  }
0x8c: {  	s17 =	sshll.u32 s0, $0xA;
	s2 =	sadd.s32 s3, s2  }
0x8d: {  	s2 =	sadd.s32 s2, s17  }
0x8e: {  	[smem:$0x3FC4] =	sst s2  }
0x8f: {  	_ = 	snop  }
0x90: {  	(tm) =	ssettm $0x1  }
0x91: {  	s18 =	sld [smem:$0x3FFB];
	_ =	sdelay $0x3  }
0x92: {  	_ =	strace s18  }
0x93: {  	s2 =	sld [smem:$0x3FFC];
	_ =	sdelay $0x3  }
0x94: {  	_ =	strace s2  }
0x95: {  	s2 =	sld [smem:$0x3FFD];
	_ =	sdelay $0x3  }
0x96: {  	_ =	strace s2  }
0x97: {  	_ =	strace $0x8FFFFFFF  }
0x98: {  	s19 =	sld [smem:$0x3FDB];
	_ =	sdelay $0x1  }
0x99: {  	s20 =	simm.s32 $_scs_section_size  }
0x9a: {  	s4 =	simm.s32 $_size__tile_overlayer_lowered;
	s5 =	simm.s32 $_tile_overlayer_lowered  }
0x9b: {  	s6 =	simm.s32 $0x1BFF;
	s21 =	sshll.u32 s5, $0x1;
	s3 =	sadd.s32 s20, s19  }
0x9c: {  	s22 =	simm.s32 $0x0;
	s4 =	sshll.u32 s4, $0x1;
	s5 =	sadd.s32 s21, s3  }
0x9d: {  	[timem:s22], [sflag:s6] =	dma.local [hbm:s5], s4  }
0x9e: {  	_ =	swait.ge [sflag:s6], s4  }
0x9f: {  	s4 =	ssub.s32 $0x0, s4;
	[sflag:s6] =	ssyncset.done $0x0  }
0xa0: {  	[sflag:s6] =	ssyncadd.s32 s4;
	_ =	sdelay $0x1  }
0xa1: {  	s23 =	simm.s32 $0x1B8B  }
0xa2: {  	_ =	swait.ge [sflag:s23], $0x1  }
0xa3: {  	[sflag:s23] =	ssyncset.done $0x0  }
0xa4: {  	[sflag:s23] =	ssyncadd.s32 $0xFFFFFFFF  }
0xa5: {  	s4 =	sld [smem:$0x0]  }
0xa6: {  	s5 =	sand.u32 $0xFFFFFFFE, s1  }
0xa7: {  	p0 =	sne.s32 s1, s5  }
0xa8: {  	s5 =	sshll.u32 @p0 s5, $0xE  }
0xa9: {  	s5 =	sadd.s32 @p0 $0x11B8D, s5;
	s6 =	sshll.u32 @p0 s4, $0x11  }
0xaa: {  	s5 =	sor.u32 @p0 s6, s5  }
0xab: {  	[sflag:s5] =	ssyncadd.remote.s32 @p0 $0x1;
	_ =	sdelay $0x1  }
0xac: {  	s5 =	simm.s32 @p0 $0x1B8D  }
0xad: {  	_ =	swait.eq @p0 [sflag:s5], $0x1  }
0xae: {  	[sflag:s5] =	ssyncadd.s32 @p0 $0xFFFFFFFF  }
0xaf: {  	s6 =	sshll.u32 @!p0 s1, $0xE  }
0xb0: {  	s6 =	sor.u32 @!p0 $0x4000, s6;
	s5 =	simm.s32 @!p0 $0x1B8D  }
0xb1: {  	s4 =	sshll.u32 @!p0 s4, $0x11;
	s6 =	sadd.s32 @!p0 $0x11B8D, s6;
	_ =	swait.eq @!p0 [sflag:s5], $0x1  }
0xb2: {  	s4 =	sor.u32 @!p0 s4, s6;
	[sflag:s5] =	ssyncadd.s32 @!p0 $0xFFFFFFFF  }
0xb3: {  	s25 =	simm.s32 $0x1B8E;
	s24 =	sld [smem:$0x3FFE];
	[sflag:s4] =	ssyncadd.remote.s32 @!p0 $0x1  }
0xb4: {  	s26 =	simm.s32 $execute0_lowered;
	[smem:$0x3FD2] =	sst s25  }
0xb5: {  	s5 =	sshll.u32 s26, $0x1;
	_ =	strace $0x80000049;
	[dreg:$0x1] =	wrdreg $0xFFFFFFFF  }
0xb6: {  	s28 =	simm.s32 $_size_execute0_lowered;
	s3 =	sadd.s32 s3, s5;
	[dreg:$0x0] =	wrdreg $0x0  }
0xb7: {  	s5 =	sshll.u32 s28, $0x1;
	[dreg:$0x2] =	wrdreg s3  }
0xb8: {  	[dreg:$0x3] =	wrdreg s5  }
0xb9: {  	[dreg:$0x4] =	wrdreg $0xC0  }
0xba: {  	_ =	task [dreg:s22], $0x5FFFF  }
0xbb: {  	[dreg:$0x1] =	wrdreg $0xFFFFFFFF  }
0xbc: {  	[dreg:$0x0] =	wrdreg $0x60  }
0xbd: {  	[dreg:$0x2] =	wrdreg s24  }
0xbe: {  	[dreg:$0x3] =	wrdreg $0x0  }
0xbf: {  	[dreg:$0x4] =	wrdreg $0xA  }
0xc0: {  	_ =	task.clear_ibuf [dreg:s22], $0x5FFFF;
	_ =	strace $0x90000049  }
0xc1: {  	s29 =	simm.s32 $0xA;
	_ =	strace $0x8000004B  }
0xc2: {  	_ =	swait.ge [sflag:s29], $0x1  }
0xc3: {  	[sflag:s29] =	ssyncadd.s32 $0xFFFFFFFF  }
0xc4: {  	_ =	strace $0x9000004B  }
0xc5: {  	_ =	sfence  }
0xc6: {  	s30 =	sld [smem:$0x0];
	_ =	sdelay $0x2  }
0xc7: {  	s31 =	sshll.u32 s1, $0xD;
	s1 =	sshrl.u32 s1, $0x2  }
0xc8: {  	s4 =	sand.u32 $0x4000, s31;
	s1 =	sadd.s32 s1, s30  }
0xc9: {  	s0 =	sor.u32 s4, s0;
	s1 =	sshll.u32 s1, $0x11  }
0xca: {  	s0 =	sor.u32 s1, s0  }
0xcb: {  	s0 =	sadd.s32 $0x8F2B, s0  }
0xcc: {  	[sflag:s0] =	ssyncadd.remote.s32 $0x1  }
0xcd: {  	_ =	sfence.sel $0xFFFF  }
0xce: {  	[dreg:$0x0] =	wrdreg $0xFFFFFFFF;
	(pc) =	sbr.abs _section_cstart, $3  }
0xcf: {  	[dreg:$0x1] =	wrdreg $0xFFFFFFFF  }
0xd0: {  	_ =	task.clear_ibuf [dreg:s22], $0x2FFFF;
	_ =	strace $0x9FFFFFFF  }
0xd1: {  	(tm) =	ssettm $0x7FFFFFFF  }
tec
execute0_lowered:
.L_overlay_start_1:
0x0: {  	(tag) =	ssettag $0x1  }
0x1: {  	s19 =	rddreg [dreg:$0x0]  }
0x2: {  	s1 =	rddreg [dreg:$0x1]  }
0x3: {  	s0 =	rddreg [dreg:$0x2];
	s2 =	simm.s32 $0x0  }
0x4: {  	s6 =	simm.s32 $0xC400;
	[smem:$0x7FF] =	sst s2  }
0x5: {  	s5 =	simm.s32 $0x3;
	s4 =	sadd.s32 $0x41C00, s19;
	_ =	strace $0x8000004A  }
0x6: {  	[tilespmem:s6], [sflag:$0x3] =	stream.linear.gather [hbm4b:s4+s2], $0x400, $0x38;
	[tilespmem:$0xC800] =	vst v63  }
0x7: {  	s3 =	stileid.u32;
	_ =	swait.ge [sflag:s5], $0x400  }
0x8: {  	s7 =	sshll.u32 s3, $0xA;
	[sflag:s5] =	ssyncset.done $0x0  }
0x9: {  	s7 =	sadd.s32 s7, s1;
	[sflag:s5] =	ssyncadd.s32 $0xFFFFFC00  }
0xa: {  	[spmem:s7] =	stream.linear.scatter [tilespmem:s6], [sflag:$0x3], $0x400, $0x38;
	[tilespmem:$0xC800] =	vst v63  }
0xb: {  	_ =	swait.ge [sflag:s5], $0x400  }
0xc: {  	s8 =	srdreg.scid;
	s9 =	simm.s32 $0x8400;
	[sflag:s5] =	ssyncset.done $0x0  }
0xd: {  	s20 =	sand.u32 $0x1, s8;
	s8 =	sadd.s32 $0x41E00, s19;
	[sflag:s5] =	ssyncadd.s32 $0xFFFFFC00  }
0xe: {  	[tilespmem:s9], [sflag:$0x3] =	stream.linear.gather [hbm4b:s8+s2], $0x4000, $0x38;
	[tilespmem:$0xC800] =	vst v63  }
0xf: {  	s10 =	sshll.u32 s3, $0xE;
	s11 =	sshll.u32 s20, $0xD;
	_ =	swait.ge [sflag:s5], $0x4000  }
0x10: {  	s10 =	sor.u32 s11, s10;
	[sflag:s5] =	ssyncset.done $0x0  }
0x11: {  	s18 =	sadd.s32 s10, s19;
	[sflag:s5] =	ssyncadd.s32 $0xFFFFC000  }
0x12: {  	s11 =	simm.s32 $0x400;
	s10 =	sadd.s32 $0x43600, s18;
	[bflag:$0x0] =	sbarrier.arrive $0xFFFF  }
0x13: {  	[tilespmem:s11], [sflag:$0x1] =	stream.linear.gather [hbm4b:s10+s2], $0x4000, $0x38;
	[tilespmem:$0xC800] =	vst v63  }
0x14: {  	s13 =	simm.s32 $0x4400;
	s14 =	simm.s32 $0x1;
	s12 =	sadd.s32 $0x43E00, s18  }
0x15: {  	[tilespmem:s13], [sflag:$0x2] =	stream.linear.gather [hbm4b:s12+s2], $0x4000, $0x38;
	[tilespmem:$0xC800] =	vst v63  }
0x16: {  	_ =	swait.ge [sflag:s14], $0x4000  }
0x17: {  	[sflag:s14] =	ssyncset.done $0x0  }
0x18: {  	s15 =	simm.s32 $0x4000;
	[sflag:s14] =	ssyncadd.s32 $0xFFFFC000  }
0x19: {  	[spmem:s1] =	stream.indirect.scatter.add.f32 [tilespmem:s9], [sflag:$0x3], $0x1, s11, s15, $0xb8;
	[tilespmem:$0xC800] =	vst v63  }
0x1a: {  	_ =	swait.ge [sflag:s5], $0x4000  }
0x1b: {  	[sflag:s5] =	ssyncset.done $0x0  }
0x1c: {  	s17 =	simm.s32 $0x2;
	s16 =	sadd.s32 $0x44600, s18;
	[sflag:s5] =	ssyncadd.s32 $0xFFFFC000  }
0x1d: {  	[tilespmem:s11], [sflag:$0x1] =	stream.linear.gather [hbm4b:s16+s2], $0x4000, $0x38;
	[tilespmem:$0xC800] =	vst v63  }
0x1e: {  	_ =	swait.ge [sflag:s17], $0x4000  }
0x1f: {  	[sflag:s17] =	ssyncset.done $0x0  }
0x20: {  	[sflag:s17] =	ssyncadd.s32 $0xFFFFC000  }
0x21: {  	[spmem:s1] =	stream.indirect.scatter.add.f32 [tilespmem:s9], [sflag:$0x3], $0x1, s13, s15, $0xb8;
	[tilespmem:$0xC800] =	vst v63  }
0x22: {  	_ =	swait.ge [sflag:s5], $0x4000  }
0x23: {  	[sflag:s5] =	ssyncset.done $0x0  }
0x24: {  	s18 =	sadd.s32 $0x44E00, s18;
	[sflag:s5] =	ssyncadd.s32 $0xFFFFC000  }
0x25: {  	[tilespmem:s13], [sflag:$0x2] =	stream.linear.gather [hbm4b:s18+s2], $0x4000, $0x38;
	[tilespmem:$0xC800] =	vst v63  }
0x26: {  	_ =	swait.ge [sflag:s14], $0x4000  }
0x27: {  	[sflag:s14] =	ssyncset.done $0x0  }
0x28: {  	[sflag:s14] =	ssyncadd.s32 $0xFFFFC000  }
0x29: {  	[spmem:s1] =	stream.indirect.scatter.add.f32 [tilespmem:s9], [sflag:$0x3], $0x1, s11, s15, $0xb8;
	[tilespmem:$0xC800] =	vst v63  }
0x2a: {  	_ =	swait.ge [sflag:s5], $0x4000  }
0x2b: {  	[sflag:s5] =	ssyncset.done $0x0  }
0x2c: {  	[sflag:s5] =	ssyncadd.s32 $0xFFFFC000  }
0x2d: {  	_ =	swait.ge [sflag:s17], $0x4000  }
0x2e: {  	[sflag:s17] =	ssyncset.done $0x0  }
0x2f: {  	[sflag:s17] =	ssyncadd.s32 $0xFFFFC000  }
0x30: {  	[spmem:s1] =	stream.indirect.scatter.add.f32 [tilespmem:s9], [sflag:$0x3], $0x1, s13, s15, $0xb8;
	[tilespmem:$0xC800] =	vst v63  }
0x31: {  	s21 =	sshll.u32 s20, $0x4;
	s20 =	ssub.s32 $0x2, s20;
	_ =	swait.ge [sflag:s5], $0x4000  }
0x32: {  	s30 =	sshrl.u32 s20, $0x1;
	[sflag:s5] =	ssyncset.done $0x0  }
0x33: {  	s22 =	sshll.u32 s3, $0x8;
	s20 =	ssub.s32 s20, s30;
	[sflag:s5] =	ssyncadd.s32 $0xFFFFC000  }
0x34: {  	s19 =	sadd.s32 s21, s19;
	s31 =	smax.u32 s20, $0x1;
	[bflag:$0x0] =	sbarrier.arrive $0xFFFF  }
0x35: {  	[tilespmem:s6], [sflag:$0x3] =	stream.linear.gather [spmem:s7], $0x400, $0x38;
	[tilespmem:$0xC800] =	vst v63  }
0x36: {  	s21 =	simm.s32 $0x100;
	p0 =	sne.s32 s31, $0x1;
	_ =	swait.ge [sflag:s5], $0x400  }
.Ltmp0:
0x37: {  	s19 =	sadd.s32 s22, s19;
	[sflag:s5] =	ssyncset.done $0x0;
	(pc) =	sbr.rel @!p0 .LBB2_2-.Ltmp0, $4  }
0x38: {  	s20 =	simm.s32 $0x80;
	s19 =	sadd.s32 $0x83600, s19;
	[sflag:s5] =	ssyncadd.s32 $0xFFFFFC00  }
0x39: {  	[hbm4b:s19+s20] =	stream.strided.scatter [tilespmem:s6], [sflag:$0x3], $0x400, s21, s20, $0x38;
	[tilespmem:$0xC800] =	vst v63  }
0x3a: {  	_ =	swait.ge [sflag:s5], $0x400  }
0x3b: {  	s22 =	sadd.s32 $0xFFFFFFFF, s31;
	[sflag:s5] =	ssyncset.done $0x0  }
.LBB2_1:
0x3c: {  	p0 =	sne.s32 s22, $0x1;
	s22 =	sadd.s32 $0xFFFFFFFF, s22;
	[sflag:s5] =	ssyncadd.s32 $0xFFFFFC00  }
0x3d: {  	[tilespmem:s6], [sflag:$0x3] =	stream.linear.gather [hbm4b:s4+s2], $0x400, $0x38;
	[tilespmem:$0xC800] =	vst v63  }
0x3e: {  	_ =	swait.ge [sflag:s5], $0x400  }
0x3f: {  	[sflag:s5] =	ssyncset.done $0x0  }
0x40: {  	[sflag:s5] =	ssyncadd.s32 $0xFFFFFC00  }
0x41: {  	[spmem:s7] =	stream.linear.scatter [tilespmem:s6], [sflag:$0x3], $0x400, $0x38;
	[tilespmem:$0xC800] =	vst v63  }
0x42: {  	_ =	swait.ge [sflag:s5], $0x400  }
0x43: {  	[sflag:s5] =	ssyncset.done $0x0  }
0x44: {  	[sflag:s5] =	ssyncadd.s32 $0xFFFFFC00  }
0x45: {  	[tilespmem:s9], [sflag:$0x3] =	stream.linear.gather [hbm4b:s8+s2], $0x4000, $0x38;
	[tilespmem:$0xC800] =	vst v63  }
0x46: {  	_ =	swait.ge [sflag:s5], $0x4000  }
0x47: {  	[sflag:s5] =	ssyncset.done $0x0  }
0x48: {  	[sflag:s5] =	ssyncadd.s32 $0xFFFFC000  }
0x49: {  	[bflag:$0x0] =	sbarrier.arrive $0xFFFF  }
0x4a: {  	[tilespmem:s11], [sflag:$0x1] =	stream.linear.gather [hbm4b:s10+s2], $0x4000, $0x38;
	[tilespmem:$0xC800] =	vst v63  }
0x4b: {  	_ = 	snop  }
0x4c: {  	[tilespmem:s13], [sflag:$0x2] =	stream.linear.gather [hbm4b:s12+s2], $0x4000, $0x38;
	[tilespmem:$0xC800] =	vst v63  }
0x4d: {  	_ =	swait.ge [sflag:s14], $0x4000  }
0x4e: {  	[sflag:s14] =	ssyncset.done $0x0  }
0x4f: {  	[sflag:s14] =	ssyncadd.s32 $0xFFFFC000  }
0x50: {  	[spmem:s1] =	stream.indirect.scatter.add.f32 [tilespmem:s9], [sflag:$0x3], $0x1, s11, s15, $0xb8;
	[tilespmem:$0xC800] =	vst v63  }
0x51: {  	_ =	swait.ge [sflag:s5], $0x4000  }
0x52: {  	[sflag:s5] =	ssyncset.done $0x0  }
0x53: {  	[sflag:s5] =	ssyncadd.s32 $0xFFFFC000  }
0x54: {  	[tilespmem:s11], [sflag:$0x1] =	stream.linear.gather [hbm4b:s16+s2], $0x4000, $0x38;
	[tilespmem:$0xC800] =	vst v63  }
0x55: {  	_ =	swait.ge [sflag:s17], $0x4000  }
0x56: {  	[sflag:s17] =	ssyncset.done $0x0  }
0x57: {  	[sflag:s17] =	ssyncadd.s32 $0xFFFFC000  }
0x58: {  	[spmem:s1] =	stream.indirect.scatter.add.f32 [tilespmem:s9], [sflag:$0x3], $0x1, s13, s15, $0xb8;
	[tilespmem:$0xC800] =	vst v63  }
0x59: {  	_ =	swait.ge [sflag:s5], $0x4000  }
0x5a: {  	[sflag:s5] =	ssyncset.done $0x0  }
0x5b: {  	[sflag:s5] =	ssyncadd.s32 $0xFFFFC000  }
0x5c: {  	[tilespmem:s13], [sflag:$0x2] =	stream.linear.gather [hbm4b:s18+s2], $0x4000, $0x38;
	[tilespmem:$0xC800] =	vst v63  }
0x5d: {  	_ =	swait.ge [sflag:s14], $0x4000  }
0x5e: {  	[sflag:s14] =	ssyncset.done $0x0  }
0x5f: {  	[sflag:s14] =	ssyncadd.s32 $0xFFFFC000  }
0x60: {  	[spmem:s1] =	stream.indirect.scatter.add.f32 [tilespmem:s9], [sflag:$0x3], $0x1, s11, s15, $0xb8;
	[tilespmem:$0xC800] =	vst v63  }
0x61: {  	_ =	swait.ge [sflag:s5], $0x4000  }
0x62: {  	[sflag:s5] =	ssyncset.done $0x0  }
0x63: {  	[sflag:s5] =	ssyncadd.s32 $0xFFFFC000  }
0x64: {  	_ =	swait.ge [sflag:s17], $0x4000  }
0x65: {  	[sflag:s17] =	ssyncset.done $0x0  }
0x66: {  	[sflag:s17] =	ssyncadd.s32 $0xFFFFC000  }
0x67: {  	[spmem:s1] =	stream.indirect.scatter.add.f32 [tilespmem:s9], [sflag:$0x3], $0x1, s13, s15, $0xb8;
	[tilespmem:$0xC800] =	vst v63  }
0x68: {  	_ =	swait.ge [sflag:s5], $0x4000  }
0x69: {  	[sflag:s5] =	ssyncset.done $0x0  }
0x6a: {  	[sflag:s5] =	ssyncadd.s32 $0xFFFFC000  }
0x6b: {  	[bflag:$0x0] =	sbarrier.arrive $0xFFFF  }
0x6c: {  	[tilespmem:s6], [sflag:$0x3] =	stream.linear.gather [spmem:s7], $0x400, $0x38;
	[tilespmem:$0xC800] =	vst v63  }
0x6d: {  	_ =	swait.ge [sflag:s5], $0x400  }
.Ltmp1:
0x6e: {  	[sflag:s5] =	ssyncset.done $0x0;
	(pc) =	sbr.rel @p0 .LBB2_1-.Ltmp1, $4  }
0x6f: {  	[sflag:s5] =	ssyncadd.s32 $0xFFFFFC00  }
0x70: {  	[hbm4b:s19+s20] =	stream.strided.scatter [tilespmem:s6], [sflag:$0x3], $0x400, s21, s20, $0x38;
	[tilespmem:$0xC800] =	vst v63  }
0x71: {  	_ =	swait.ge [sflag:s5], $0x400  }
0x72: {  	[sflag:s5] =	ssyncset.done $0x0  }
.LBB2_2:
0x73: {  	[sflag:s5] =	ssyncadd.s32 $0xFFFFFC00  }
0x74: {  	_ =	sfence.sel $0x180000  }
0x75: {  	[bflag:$0x0] =	sbarrier.arrive $0xFFFF  }
0x76: {  	p0 =	sne.s32 s3, $0x0;
	_ =	strace $0x9000004A  }
0x77: {  	s0 =	sadd.s32 @!p0 $0x100000, s0;
	[bflag:$0x2] =	sbarrier.arrive $0xFFFF  }
0x78: {  	[sflag:s0] =	ssyncadd.tile.s32 @!p0 $0x1;
	_ =	shalt  }
.Lfunc_end2:
_tile_overlayer_lowered:
.L_overlay_start_2:
0x79: {  	(tag) =	ssettag $0x2  }
0x7a: {  	s0 =	rddreg [dreg:$0x0];
	s2 =	stileid.u32  }
0x7b: {  	s1 =	rddreg [dreg:$0x1];
	p0 =	sne.s32 s2, $0x0  }
0x7c: {  	s3 =	rddreg [dreg:$0x2];
	[bflag:$0x3] =	sbarrier.arrive $0xFFFF;
	s2 =	simm.s32 @!p0 $0x1C03  }
0x7d: {  	[timem:s3], [sflag:s2] =	dma.local @!p0 [hbm:s0], s1  }
0x7e: {  	s0 =	simm.s32 @!p0 $0x3  }
0x7f: {  	_ =	swait.ge @!p0 [sflag:s0], s1  }
0x80: {  	s1 =	ssub.s32 @!p0 $0x0, s1;
	[sflag:s0] =	ssyncset.done @!p0 $0x0  }
0x81: {  	[sflag:s0] =	ssyncadd.s32 @!p0 s1  }
0x82: {  	[bflag:$0x3] =	sbarrier.arrive $0xFFFF  }
0x83: {  	_ =	shalt  }

// kernel: kernel.9.cloned.1.call-start
scs
__scs_entry_jumppad:
0x0: {  	(pc) =	sbr.rel $0x88, $3  }
0x1: {  	(tag) =	ssettag $0x0;
	lr =	simm.s32 $0x1  }
0x2: {  	[smem:$0x3F9D] =	sst lr;
	_ =	strace $0xD0000000  }
0x3: {  	_ = 	snop  }
0x4: {  	_ = 	snop  }
0x5: {  	_ = 	snop  }
0x6: {  	_ = 	snop  }
0x7: {  	_ = 	snop  }
__scs_overlays_trampoline_lowered:
0x8: {  	[smem:$0x3FAC] =	sst s0  }
0x9: {  	[smem:$0x3FAD] =	sst s1  }
0xa: {  	[smem:$0x3FAE] =	sst s2  }
0xb: {  	[smem:$0x3FAF] =	sst s3  }
0xc: {  	[smem:$0x3FB0] =	sst s4  }
0xd: {  	[smem:$0x3FB1] =	sst s5  }
0xe: {  	[smem:$0x3FB2] =	sst s6  }
0xf: {  	[smem:$0x3FB3] =	sst s7  }
0x10: {  	[smem:$0x3FB4] =	sst s8  }
0x11: {  	[smem:$0x3FB5] =	sst s9;
	s0 =	simm.s32 @!p0 $0x0  }
0x12: {  	s1 =	sld [smem:$0x3F9B];
	s0 =	simm.s32 @p0 $0x1  }
0x13: {  	[smem:$0x3FB6] =	sst s0;
	s0 =	simm.s32 @!p1 $0x0  }
0x14: {  	s2 =	sld [smem:$0x3F9A];
	s0 =	simm.s32 @p1 $0x1  }
0x15: {  	[smem:$0x3FB7] =	sst s0;
	s0 =	simm.s32 @!p2 $0x0  }
0x16: {  	s3 =	sld [smem:$0x3FDB];
	s0 =	simm.s32 @p2 $0x1  }
0x17: {  	s4 =	simm.s32 $0x1BF5;
	[smem:$0x3FB9] =	sst s0  }
0x18: {  	s0 =	sld [smem:$0x3F9C];
	_ =	swait.ge [sflag:s4], $0x0  }
0x19: {  	s7 =	sld [smem:$0x3F9D]  }
0x1a: {  	s8 =	sadd.s32 $0xFFFFE003, lr  }
0x1b: {  	s9 =	sadd.s32 $0xFFFFFEF7, lr;
	s5 =	simm.s32 $0xFFFFFFFF;
	p2 =	slt.u32 s8, $0xFFFFF086  }
0x1c: {  	p1 =	slt.u32 s9, $0xF7A;
	s5 =	simm.s32 @!p2 $0x0  }
0x1d: {  	s5 =	simm.s32 @p1 $0x1;
	p0 =	seq.s32 s7, s2  }
0x1e: {  	s7 =	smul.u32 @!p0 $0xF7A, s2;
	p2 =	seq.s32 @!p0 s5, $0x0  }
0x1f: {  	s9 =	smul.u32 $0xF7A, s1;
	s8 =	simm.s32 @!p0 $0x1BF5;
	p2 =	por !p2, p0  }
0x20: {  	[sflag:s8] =	ssyncset.s32 @!p0 $0xFFFFF086;
	s6 =	sadd.s32 @!p0 s3, s7;
	s7 =	simm.s32 @!p0 $0x108  }
0x21: {  	s3 =	sadd.s32 s3, s9;
	s6 =	sadd.s32 @!p0 $0x88, s6;
	s7 =	simm.s32 @p2 $0x1082  }
0x22: {  	[simem:s7], [sflag:s8] =	dma.local @!p0 [hbm:s6], $0xF7A  }
0x23: {  	s9 =	sor.u32 $0xD0000000, s2;
	s6 =	simm.s32 $0x108;
	_ =	swait.ge @!p0 [sflag:s8], $0x0  }
0x24: {  	s3 =	sadd.s32 $0x88, s3;
	s6 =	simm.s32 @!p1 $0x1082;
	[sflag:s4] =	ssyncset.s32 $0xFFFFF086  }
0x25: {  	[simem:s6], [sflag:s4] =	dma.local [hbm:s3], $0xF7A  }
0x26: {  	[smem:$0x3F9D] =	sst s1;
	(tag) =	ssettag s2;
	_ =	strace s9  }
0x27: {  	s1 =	sld [smem:$0x3FAD]  }
0x28: {  	s2 =	sld [smem:$0x3FAE]  }
0x29: {  	s4 =	sld [smem:$0x3FB0]  }
0x2a: {  	p0 =	seq.s32 s5, $0x0;
	s5 =	sld [smem:$0x3FB1]  }
0x2b: {  	s6 =	sld [smem:$0x3FB2]  }
0x2c: {  	s7 =	sld [smem:$0x3FB3]  }
0x2d: {  	s3 =	simm.s32 $0x108;
	s8 =	sld [smem:$0x3FB4]  }
0x2e: {  	s3 =	simm.s32 @!p0 $0x1082;
	s9 =	sld [smem:$0x3FB5]  }
0x2f: {  	lr =	sadd.s32 s0, s3;
	s0 =	sld [smem:$0x3FAC]  }
0x30: {  	s3 =	sld [smem:$0x3FAF]  }
0x31: {  	[smem:$0x3FB8] =	sst s10  }
0x32: {  	s10 =	sld [smem:$0x3FB6];
	_ =	sdelay $0x3  }
0x33: {  	p0 =	seq.s32 s10, $0x1;
	s10 =	sld [smem:$0x3FB8];
	_ =	sdelay $0x3  }
0x34: {  	[smem:$0x3FB8] =	sst s10  }
0x35: {  	s10 =	sld [smem:$0x3FB7];
	_ =	sdelay $0x3  }
0x36: {  	p1 =	seq.s32 s10, $0x1;
	s10 =	sld [smem:$0x3FB8];
	_ =	sdelay $0x3  }
0x37: {  	[smem:$0x3FB8] =	sst s10  }
0x38: {  	s10 =	sld [smem:$0x3FB9]  }
0x39: {  	_ = 	snop;
	(pc) =	sbr.ind lr, $3  }
0x3a: {  	_ = 	snop  }
0x3b: {  	_ = 	snop  }
0x3c: {  	p2 =	seq.s32 s10, $0x1;
	s10 =	sld [smem:$0x3FB8]  }
0x3d: {  	_ =	shalt  }
0x3e: {  	_ =	shalt  }
0x3f: {  	_ =	shalt  }
0x40: {  	_ =	shalt  }
0x41: {  	_ =	shalt  }
0x42: {  	_ =	shalt  }
0x43: {  	_ =	shalt  }
0x44: {  	_ =	shalt  }
0x45: {  	_ =	shalt  }
0x46: {  	_ =	shalt  }
0x47: {  	_ =	shalt  }
0x48: {  	_ =	shalt  }
0x49: {  	_ =	shalt  }
0x4a: {  	_ =	shalt  }
0x4b: {  	_ =	shalt  }
0x4c: {  	_ =	shalt  }
0x4d: {  	_ =	shalt  }
0x4e: {  	_ =	shalt  }
0x4f: {  	_ =	shalt  }
0x50: {  	_ =	shalt  }
0x51: {  	_ =	shalt  }
0x52: {  	_ =	shalt  }
0x53: {  	_ =	shalt  }
0x54: {  	_ =	shalt  }
0x55: {  	_ =	shalt  }
0x56: {  	_ =	shalt  }
0x57: {  	_ =	shalt  }
0x58: {  	_ =	shalt  }
0x59: {  	_ =	shalt  }
0x5a: {  	_ =	shalt  }
0x5b: {  	_ =	shalt  }
0x5c: {  	_ =	shalt  }
0x5d: {  	_ =	shalt  }
0x5e: {  	_ =	shalt  }
0x5f: {  	_ =	shalt  }
0x60: {  	_ =	shalt  }
0x61: {  	_ =	shalt  }
0x62: {  	_ =	shalt  }
0x63: {  	_ =	shalt  }
0x64: {  	_ =	shalt  }
0x65: {  	_ =	shalt  }
0x66: {  	_ =	shalt  }
0x67: {  	_ =	shalt  }
0x68: {  	_ =	shalt  }
0x69: {  	_ =	shalt  }
0x6a: {  	_ =	shalt  }
0x6b: {  	_ =	shalt  }
0x6c: {  	_ =	shalt  }
0x6d: {  	_ =	shalt  }
0x6e: {  	_ =	shalt  }
0x6f: {  	_ =	shalt  }
0x70: {  	_ =	shalt  }
0x71: {  	_ =	shalt  }
0x72: {  	_ =	shalt  }
0x73: {  	_ =	shalt  }
0x74: {  	_ =	shalt  }
0x75: {  	_ =	shalt  }
0x76: {  	_ =	shalt  }
0x77: {  	_ =	shalt  }
0x78: {  	_ =	shalt  }
0x79: {  	_ =	shalt  }
0x7a: {  	_ =	shalt  }
0x7b: {  	_ =	shalt  }
0x7c: {  	_ =	shalt  }
0x7d: {  	_ =	shalt  }
0x7e: {  	_ =	shalt  }
0x7f: {  	_ =	shalt  }
0x80: {  	_ =	shalt  }
0x81: {  	_ =	shalt  }
0x82: {  	_ =	shalt  }
0x83: {  	_ =	shalt  }
0x84: {  	_ =	shalt  }
0x85: {  	_ =	shalt  }
0x86: {  	_ =	shalt  }
0x87: {  	_ =	shalt  }
.Lfunc_end0:
.L_simem_size_0:
called_computation_lowered:
.L_overlay_start_0:
0x88: {  	s2 =	sld [smem:$0x3FD9]  }
0x89: {  	s3 =	sld [smem:$0x3FFE];
	_ =	sdelay $0x1  }
0x8a: {  	s1 =	srdreg.scid  }
0x8b: {  	s0 =	sand.u32 $0x1, s1  }
0x8c: {  	s16 =	sshll.u32 s0, $0xA;
	s2 =	sadd.s32 s3, s2  }
0x8d: {  	s2 =	sadd.s32 s2, s16  }
0x8e: {  	[smem:$0x3FC4] =	sst s2  }
0x8f: {  	_ = 	snop  }
0x90: {  	(tm) =	ssettm $0x1  }
0x91: {  	s17 =	sld [smem:$0x3FFB];
	_ =	sdelay $0x3  }
0x92: {  	_ =	strace s17  }
0x93: {  	s2 =	sld [smem:$0x3FFC];
	_ =	sdelay $0x3  }
0x94: {  	_ =	strace s2  }
0x95: {  	s2 =	sld [smem:$0x3FFD];
	_ =	sdelay $0x3  }
0x96: {  	_ =	strace s2  }
0x97: {  	_ =	strace $0x8FFFFFFF  }
0x98: {  	s18 =	sld [smem:$0x3FDB];
	_ =	sdelay $0x1  }
0x99: {  	s19 =	simm.s32 $_scs_section_size  }
0x9a: {  	s4 =	simm.s32 $_size__tile_overlayer_lowered;
	s5 =	simm.s32 $_tile_overlayer_lowered  }
0x9b: {  	s22 =	simm.s32 $0x1BFF;
	s21 =	sshll.u32 s5, $0x1;
	s2 =	sadd.s32 s19, s18  }
0x9c: {  	s6 =	simm.s32 $0x0;
	s20 =	sshll.u32 s4, $0x1;
	s4 =	sadd.s32 s21, s2  }
0x9d: {  	[timem:s6], [sflag:s22] =	dma.local [hbm:s4], s20  }
0x9e: {  	_ =	swait.ge [sflag:s22], s20  }
0x9f: {  	s3 =	ssub.s32 $0x0, s20;
	[sflag:s22] =	ssyncset.done $0x0  }
0xa0: {  	[sflag:s22] =	ssyncadd.s32 s3;
	_ =	sdelay $0x1  }
0xa1: {  	s23 =	simm.s32 $0x1B8B  }
0xa2: {  	_ =	swait.ge [sflag:s23], $0x1  }
0xa3: {  	[sflag:s23] =	ssyncset.done $0x0  }
0xa4: {  	s25 =	simm.s32 $0x1B8E;
	s24 =	sld [smem:$0x3FFE];
	[sflag:s23] =	ssyncadd.s32 $0xFFFFFFFF  }
0xa5: {  	s26 =	simm.s32 $execute0_lowered;
	[smem:$0x3FD2] =	sst s25  }
0xa6: {  	s4 =	sshll.u32 s26, $0x1;
	_ =	strace $0x80000046;
	[dreg:$0x1] =	wrdreg $0xFFFFFFFF  }
0xa7: {  	s28 =	simm.s32 $_size_execute0_lowered;
	s2 =	sadd.s32 s2, s4;
	[dreg:$0x0] =	wrdreg $0x0  }
0xa8: {  	s4 =	sshll.u32 s28, $0x1;
	[dreg:$0x2] =	wrdreg s2  }
0xa9: {  	[dreg:$0x3] =	wrdreg s4  }
0xaa: {  	[dreg:$0x4] =	wrdreg $0xC0  }
0xab: {  	_ =	task [dreg:s6], $0x5FFFF  }
0xac: {  	[dreg:$0x1] =	wrdreg $0xFFFFFFFF  }
0xad: {  	[dreg:$0x0] =	wrdreg $0x60  }
0xae: {  	[dreg:$0x2] =	wrdreg s24  }
0xaf: {  	[dreg:$0x3] =	wrdreg $0x0  }
0xb0: {  	[dreg:$0x4] =	wrdreg $0x9  }
0xb1: {  	_ =	task.clear_ibuf [dreg:s6], $0x5FFFF;
	_ =	strace $0x90000046  }
0xb2: {  	s29 =	simm.s32 $0x9;
	_ =	strace $0x80000048  }
0xb3: {  	_ =	swait.ge [sflag:s29], $0x1  }
0xb4: {  	[sflag:s29] =	ssyncadd.s32 $0xFFFFFFFF  }
0xb5: {  	_ =	strace $0x90000048  }
0xb6: {  	_ =	sfence  }
0xb7: {  	s30 =	sld [smem:$0x0];
	_ =	sdelay $0x2  }
0xb8: {  	s31 =	sshll.u32 s1, $0xD;
	s1 =	sshrl.u32 s1, $0x2  }
0xb9: {  	s3 =	sand.u32 $0x4000, s31;
	s1 =	sadd.s32 s1, s30  }
0xba: {  	s0 =	sor.u32 s3, s0;
	s1 =	sshll.u32 s1, $0x11  }
0xbb: {  	s0 =	sor.u32 s1, s0  }
0xbc: {  	s0 =	sadd.s32 $0x8F2B, s0  }
0xbd: {  	[sflag:s0] =	ssyncadd.remote.s32 $0x1  }
0xbe: {  	_ =	sfence.sel $0xFFFF  }
0xbf: {  	[dreg:$0x0] =	wrdreg $0xFFFFFFFF;
	(pc) =	sbr.abs _section_cstart, $3  }
0xc0: {  	[dreg:$0x1] =	wrdreg $0xFFFFFFFF  }
0xc1: {  	_ =	task.clear_ibuf [dreg:s6], $0x2FFFF;
	_ =	strace $0x9FFFFFFF  }
0xc2: {  	(tm) =	ssettm $0x7FFFFFFF  }
0xc3: {  	_ =	shalt  }
tec
execute0_lowered:
.L_overlay_start_1:
0x0: {  	(tag) =	ssettag $0x1  }
0x1: {  	s19 =	rddreg [dreg:$0x0]  }
0x2: {  	s1 =	rddreg [dreg:$0x1]  }
0x3: {  	s0 =	rddreg [dreg:$0x2];
	s2 =	simm.s32 $0x0  }
0x4: {  	s6 =	simm.s32 $0xC400;
	[smem:$0x7FF] =	sst s2  }
0x5: {  	s5 =	simm.s32 $0x3;
	s4 =	sadd.s32 $0x41C00, s19;
	_ =	strace $0x80000047  }
0x6: {  	[tilespmem:s6], [sflag:$0x3] =	stream.linear.gather [hbm4b:s4+s2], $0x400, $0x38;
	[tilespmem:$0xC800] =	vst v63  }
0x7: {  	s3 =	stileid.u32;
	_ =	swait.ge [sflag:s5], $0x400  }
0x8: {  	s7 =	sshll.u32 s3, $0xA;
	[sflag:s5] =	ssyncset.done $0x0  }
0x9: {  	s7 =	sadd.s32 s7, s1;
	[sflag:s5] =	ssyncadd.s32 $0xFFFFFC00  }
0xa: {  	[spmem:s7] =	stream.linear.scatter [tilespmem:s6], [sflag:$0x3], $0x400, $0x38;
	[tilespmem:$0xC800] =	vst v63  }
0xb: {  	_ =	swait.ge [sflag:s5], $0x400  }
0xc: {  	s8 =	srdreg.scid;
	s9 =	simm.s32 $0x8400;
	[sflag:s5] =	ssyncset.done $0x0  }
0xd: {  	s20 =	sand.u32 $0x1, s8;
	s8 =	sadd.s32 $0x41E00, s19;
	[sflag:s5] =	ssyncadd.s32 $0xFFFFFC00  }
0xe: {  	[tilespmem:s9], [sflag:$0x3] =	stream.linear.gather [hbm4b:s8+s2], $0x4000, $0x38;
	[tilespmem:$0xC800] =	vst v63  }
0xf: {  	s10 =	sshll.u32 s3, $0xE;
	s11 =	sshll.u32 s20, $0xD;
	_ =	swait.ge [sflag:s5], $0x4000  }
0x10: {  	s10 =	sor.u32 s11, s10;
	[sflag:s5] =	ssyncset.done $0x0  }
0x11: {  	s18 =	sadd.s32 s10, s19;
	[sflag:s5] =	ssyncadd.s32 $0xFFFFC000  }
0x12: {  	s11 =	simm.s32 $0x400;
	s10 =	sadd.s32 $0x1C00, s18;
	[bflag:$0x0] =	sbarrier.arrive $0xFFFF  }
0x13: {  	[tilespmem:s11], [sflag:$0x1] =	stream.linear.gather [hbm4b:s10+s2], $0x4000, $0x38;
	[tilespmem:$0xC800] =	vst v63  }
0x14: {  	s13 =	simm.s32 $0x4400;
	s14 =	simm.s32 $0x1;
	s12 =	sadd.s32 $0x2400, s18  }
0x15: {  	[tilespmem:s13], [sflag:$0x2] =	stream.linear.gather [hbm4b:s12+s2], $0x4000, $0x38;
	[tilespmem:$0xC800] =	vst v63  }
0x16: {  	_ =	swait.ge [sflag:s14], $0x4000  }
0x17: {  	[sflag:s14] =	ssyncset.done $0x0  }
0x18: {  	s15 =	simm.s32 $0x4000;
	[sflag:s14] =	ssyncadd.s32 $0xFFFFC000  }
0x19: {  	[spmem:s1] =	stream.indirect.scatter.add.f32 [tilespmem:s9], [sflag:$0x3], $0x1, s11, s15, $0xb8;
	[tilespmem:$0xC800] =	vst v63  }
0x1a: {  	_ =	swait.ge [sflag:s5], $0x4000  }
0x1b: {  	[sflag:s5] =	ssyncset.done $0x0  }
0x1c: {  	s17 =	simm.s32 $0x2;
	s16 =	sadd.s32 $0x2C00, s18;
	[sflag:s5] =	ssyncadd.s32 $0xFFFFC000  }
0x1d: {  	[tilespmem:s11], [sflag:$0x1] =	stream.linear.gather [hbm4b:s16+s2], $0x4000, $0x38;
	[tilespmem:$0xC800] =	vst v63  }
0x1e: {  	_ =	swait.ge [sflag:s17], $0x4000  }
0x1f: {  	[sflag:s17] =	ssyncset.done $0x0  }
0x20: {  	[sflag:s17] =	ssyncadd.s32 $0xFFFFC000  }
0x21: {  	[spmem:s1] =	stream.indirect.scatter.add.f32 [tilespmem:s9], [sflag:$0x3], $0x1, s13, s15, $0xb8;
	[tilespmem:$0xC800] =	vst v63  }
0x22: {  	_ =	swait.ge [sflag:s5], $0x4000  }
0x23: {  	[sflag:s5] =	ssyncset.done $0x0  }
0x24: {  	s18 =	sadd.s32 $0x3400, s18;
	[sflag:s5] =	ssyncadd.s32 $0xFFFFC000  }
0x25: {  	[tilespmem:s13], [sflag:$0x2] =	stream.linear.gather [hbm4b:s18+s2], $0x4000, $0x38;
	[tilespmem:$0xC800] =	vst v63  }
0x26: {  	_ =	swait.ge [sflag:s14], $0x4000  }
0x27: {  	[sflag:s14] =	ssyncset.done $0x0  }
0x28: {  	[sflag:s14] =	ssyncadd.s32 $0xFFFFC000  }
0x29: {  	[spmem:s1] =	stream.indirect.scatter.add.f32 [tilespmem:s9], [sflag:$0x3], $0x1, s11, s15, $0xb8;
	[tilespmem:$0xC800] =	vst v63  }
0x2a: {  	_ =	swait.ge [sflag:s5], $0x4000  }
0x2b: {  	[sflag:s5] =	ssyncset.done $0x0  }
0x2c: {  	[sflag:s5] =	ssyncadd.s32 $0xFFFFC000  }
0x2d: {  	_ =	swait.ge [sflag:s17], $0x4000  }
0x2e: {  	[sflag:s17] =	ssyncset.done $0x0  }
0x2f: {  	[sflag:s17] =	ssyncadd.s32 $0xFFFFC000  }
0x30: {  	[spmem:s1] =	stream.indirect.scatter.add.f32 [tilespmem:s9], [sflag:$0x3], $0x1, s13, s15, $0xb8;
	[tilespmem:$0xC800] =	vst v63  }
0x31: {  	s21 =	sshll.u32 s20, $0x4;
	s20 =	ssub.s32 $0x2, s20;
	_ =	swait.ge [sflag:s5], $0x4000  }
0x32: {  	s30 =	sshrl.u32 s20, $0x1;
	[sflag:s5] =	ssyncset.done $0x0  }
0x33: {  	s22 =	sshll.u32 s3, $0x8;
	s20 =	ssub.s32 s20, s30;
	[sflag:s5] =	ssyncadd.s32 $0xFFFFC000  }
0x34: {  	s19 =	sadd.s32 s21, s19;
	s31 =	smax.u32 s20, $0x1;
	[bflag:$0x0] =	sbarrier.arrive $0xFFFF  }
0x35: {  	[tilespmem:s6], [sflag:$0x3] =	stream.linear.gather [spmem:s7], $0x400, $0x38;
	[tilespmem:$0xC800] =	vst v63  }
0x36: {  	s21 =	simm.s32 $0x100;
	p0 =	sne.s32 s31, $0x1;
	_ =	swait.ge [sflag:s5], $0x400  }
.Ltmp0:
0x37: {  	s19 =	sadd.s32 s22, s19;
	[sflag:s5] =	ssyncset.done $0x0;
	(pc) =	sbr.rel @!p0 .LBB2_2-.Ltmp0, $4  }
0x38: {  	s20 =	simm.s32 $0x80;
	s19 =	sadd.s32 $0x42600, s19;
	[sflag:s5] =	ssyncadd.s32 $0xFFFFFC00  }
0x39: {  	[hbm4b:s19+s20] =	stream.strided.scatter [tilespmem:s6], [sflag:$0x3], $0x400, s21, s20, $0x38;
	[tilespmem:$0xC800] =	vst v63  }
0x3a: {  	_ =	swait.ge [sflag:s5], $0x400  }
0x3b: {  	s22 =	sadd.s32 $0xFFFFFFFF, s31;
	[sflag:s5] =	ssyncset.done $0x0  }
.LBB2_1:
0x3c: {  	p0 =	sne.s32 s22, $0x1;
	s22 =	sadd.s32 $0xFFFFFFFF, s22;
	[sflag:s5] =	ssyncadd.s32 $0xFFFFFC00  }
0x3d: {  	[tilespmem:s6], [sflag:$0x3] =	stream.linear.gather [hbm4b:s4+s2], $0x400, $0x38;
	[tilespmem:$0xC800] =	vst v63  }
0x3e: {  	_ =	swait.ge [sflag:s5], $0x400  }
0x3f: {  	[sflag:s5] =	ssyncset.done $0x0  }
0x40: {  	[sflag:s5] =	ssyncadd.s32 $0xFFFFFC00  }
0x41: {  	[spmem:s7] =	stream.linear.scatter [tilespmem:s6], [sflag:$0x3], $0x400, $0x38;
	[tilespmem:$0xC800] =	vst v63  }
0x42: {  	_ =	swait.ge [sflag:s5], $0x400  }
0x43: {  	[sflag:s5] =	ssyncset.done $0x0  }
0x44: {  	[sflag:s5] =	ssyncadd.s32 $0xFFFFFC00  }
0x45: {  	[tilespmem:s9], [sflag:$0x3] =	stream.linear.gather [hbm4b:s8+s2], $0x4000, $0x38;
	[tilespmem:$0xC800] =	vst v63  }
0x46: {  	_ =	swait.ge [sflag:s5], $0x4000  }
0x47: {  	[sflag:s5] =	ssyncset.done $0x0  }
0x48: {  	[sflag:s5] =	ssyncadd.s32 $0xFFFFC000  }
0x49: {  	[bflag:$0x0] =	sbarrier.arrive $0xFFFF  }
0x4a: {  	[tilespmem:s11], [sflag:$0x1] =	stream.linear.gather [hbm4b:s10+s2], $0x4000, $0x38;
	[tilespmem:$0xC800] =	vst v63  }
0x4b: {  	_ = 	snop  }
0x4c: {  	[tilespmem:s13], [sflag:$0x2] =	stream.linear.gather [hbm4b:s12+s2], $0x4000, $0x38;
	[tilespmem:$0xC800] =	vst v63  }
0x4d: {  	_ =	swait.ge [sflag:s14], $0x4000  }
0x4e: {  	[sflag:s14] =	ssyncset.done $0x0  }
0x4f: {  	[sflag:s14] =	ssyncadd.s32 $0xFFFFC000  }
0x50: {  	[spmem:s1] =	stream.indirect.scatter.add.f32 [tilespmem:s9], [sflag:$0x3], $0x1, s11, s15, $0xb8;
	[tilespmem:$0xC800] =	vst v63  }
0x51: {  	_ =	swait.ge [sflag:s5], $0x4000  }
0x52: {  	[sflag:s5] =	ssyncset.done $0x0  }
0x53: {  	[sflag:s5] =	ssyncadd.s32 $0xFFFFC000  }
0x54: {  	[tilespmem:s11], [sflag:$0x1] =	stream.linear.gather [hbm4b:s16+s2], $0x4000, $0x38;
	[tilespmem:$0xC800] =	vst v63  }
0x55: {  	_ =	swait.ge [sflag:s17], $0x4000  }
0x56: {  	[sflag:s17] =	ssyncset.done $0x0  }
0x57: {  	[sflag:s17] =	ssyncadd.s32 $0xFFFFC000  }
0x58: {  	[spmem:s1] =	stream.indirect.scatter.add.f32 [tilespmem:s9], [sflag:$0x3], $0x1, s13, s15, $0xb8;
	[tilespmem:$0xC800] =	vst v63  }
0x59: {  	_ =	swait.ge [sflag:s5], $0x4000  }
0x5a: {  	[sflag:s5] =	ssyncset.done $0x0  }
0x5b: {  	[sflag:s5] =	ssyncadd.s32 $0xFFFFC000  }
0x5c: {  	[tilespmem:s13], [sflag:$0x2] =	stream.linear.gather [hbm4b:s18+s2], $0x4000, $0x38;
	[tilespmem:$0xC800] =	vst v63  }
0x5d: {  	_ =	swait.ge [sflag:s14], $0x4000  }
0x5e: {  	[sflag:s14] =	ssyncset.done $0x0  }
0x5f: {  	[sflag:s14] =	ssyncadd.s32 $0xFFFFC000  }
0x60: {  	[spmem:s1] =	stream.indirect.scatter.add.f32 [tilespmem:s9], [sflag:$0x3], $0x1, s11, s15, $0xb8;
	[tilespmem:$0xC800] =	vst v63  }
0x61: {  	_ =	swait.ge [sflag:s5], $0x4000  }
0x62: {  	[sflag:s5] =	ssyncset.done $0x0  }
0x63: {  	[sflag:s5] =	ssyncadd.s32 $0xFFFFC000  }
0x64: {  	_ =	swait.ge [sflag:s17], $0x4000  }
0x65: {  	[sflag:s17] =	ssyncset.done $0x0  }
0x66: {  	[sflag:s17] =	ssyncadd.s32 $0xFFFFC000  }
0x67: {  	[spmem:s1] =	stream.indirect.scatter.add.f32 [tilespmem:s9], [sflag:$0x3], $0x1, s13, s15, $0xb8;
	[tilespmem:$0xC800] =	vst v63  }
0x68: {  	_ =	swait.ge [sflag:s5], $0x4000  }
0x69: {  	[sflag:s5] =	ssyncset.done $0x0  }
0x6a: {  	[sflag:s5] =	ssyncadd.s32 $0xFFFFC000  }
0x6b: {  	[bflag:$0x0] =	sbarrier.arrive $0xFFFF  }
0x6c: {  	[tilespmem:s6], [sflag:$0x3] =	stream.linear.gather [spmem:s7], $0x400, $0x38;
	[tilespmem:$0xC800] =	vst v63  }
0x6d: {  	_ =	swait.ge [sflag:s5], $0x400  }
.Ltmp1:
0x6e: {  	[sflag:s5] =	ssyncset.done $0x0;
	(pc) =	sbr.rel @p0 .LBB2_1-.Ltmp1, $4  }
0x6f: {  	[sflag:s5] =	ssyncadd.s32 $0xFFFFFC00  }
0x70: {  	[hbm4b:s19+s20] =	stream.strided.scatter [tilespmem:s6], [sflag:$0x3], $0x400, s21, s20, $0x38;
	[tilespmem:$0xC800] =	vst v63  }
0x71: {  	_ =	swait.ge [sflag:s5], $0x400  }
0x72: {  	[sflag:s5] =	ssyncset.done $0x0  }
.LBB2_2:
0x73: {  	[sflag:s5] =	ssyncadd.s32 $0xFFFFFC00  }
0x74: {  	_ =	sfence.sel $0x180000  }
0x75: {  	[bflag:$0x0] =	sbarrier.arrive $0xFFFF  }
0x76: {  	p0 =	sne.s32 s3, $0x0;
	_ =	strace $0x90000047  }
0x77: {  	s0 =	sadd.s32 @!p0 $0x100000, s0;
	[bflag:$0x2] =	sbarrier.arrive $0xFFFF  }
0x78: {  	[sflag:s0] =	ssyncadd.tile.s32 @!p0 $0x1;
	_ =	shalt  }
.Lfunc_end2:
_tile_overlayer_lowered:
.L_overlay_start_2:
0x79: {  	(tag) =	ssettag $0x2  }
0x7a: {  	s0 =	rddreg [dreg:$0x0];
	s2 =	stileid.u32  }
0x7b: {  	s1 =	rddreg [dreg:$0x1];
	p0 =	sne.s32 s2, $0x0  }
0x7c: {  	s3 =	rddreg [dreg:$0x2];
	[bflag:$0x3] =	sbarrier.arrive $0xFFFF;
	s2 =	simm.s32 @!p0 $0x1C03  }
0x7d: {  	[timem:s3], [sflag:s2] =	dma.local @!p0 [hbm:s0], s1  }
0x7e: {  	s0 =	simm.s32 @!p0 $0x3  }
0x7f: {  	_ =	swait.ge @!p0 [sflag:s0], s1  }
0x80: {  	s1 =	ssub.s32 @!p0 $0x0, s1;
	[sflag:s0] =	ssyncset.done @!p0 $0x0  }
0x81: {  	[sflag:s0] =	ssyncadd.s32 @!p0 s1  }
0x82: {  	[bflag:$0x3] =	sbarrier.arrive $0xFFFF  }
0x83: {  	_ =	shalt  }

</sc_bundles>
